<compile_context>
chip_gen: v7x
topology: tpu7x:2x2x1
jax: 0.10.2.dev20260603
libtpu: 0.0.44.dev20260713+nightly
codegen_flags: <defaults>
</compile_context>

<pallas_src>
import jax
import jax.numpy as jnp
from jax import lax
from jax.experimental import pallas as pl
from jax.experimental.pallas import tpu as pltpu
from jax.experimental.pallas import tpu_sc as plsc

N = 128
L = 200
PATCH = 16
IMG = 384
EMB_DIM = 768
ROWS = 24
LANES = 16
VECS = EMB_DIM // LANES

NUM_CORES = 2
NUM_SUBCORES = 16
NUM_WORKERS = NUM_CORES * NUM_SUBCORES
SPW = N // NUM_WORKERS


def _tanh16(x):
  return 1.0 - 2.0 / (jnp.exp(2.0 * x) + 1.0)


def _sc_body(tok_hbm, table_hbm, out_hbm,
             tok_v, rows0, rows1, band_a0, band_a1, band_b,
             gs0, gs1, ws0, ws1, rsem):
  wid = lax.axis_index("s") * NUM_CORES + lax.axis_index("c")
  rows_bufs = (rows0, rows1)
  gsems = (gs0, gs1)
  band_bufs = (band_a0, band_a1)
  wsems = (ws0, ws1)

  tok_off = pl.multiple_of(wid * (SPW * L), 8)
  pltpu.sync_copy(tok_hbm.at[pl.ds(tok_off, SPW * L)], tok_v)

  def idx(i, start, count):
    return tok_v.at[pl.ds(pl.multiple_of(i * L + start, 8), count)]

  def gather(i, r, buf, sem):
    count = 32 if r == 7 else ROWS
    return pltpu.make_async_copy(
        table_hbm.at[idx(i, r * ROWS, count)], buf.at[pl.ds(0, count)], sem)

  def band_write(n, r, buf, sem):
    return pltpu.make_async_copy(
        buf, out_hbm.at[n, :, pl.ds(pl.multiple_of(r * PATCH, 16), PATCH), :],
        sem)

  def build_cols(rows, band, lo, hi, off=0):
    def do_col(c, _):
      cbase = pl.multiple_of(c * PATCH, 16)

      @plsc.parallel_loop(0, VECS, unroll=8)
      def _(j):
        ch = j // PATCH
        y = j - ch * PATCH
        band[ch, y, pl.ds(cbase, LANES)] = _tanh16(
            rows[c + off, pl.ds(pl.multiple_of(j * LANES, 16), LANES)])

      return 0
    lax.fori_loop(lo, hi, do_col, 0)

  def do_sample(i, _):
    n = wid * SPW + i

    for r in range(8):
      if r < 7:
        gather(i, r + 1, rows_bufs[(r + 1) % 2], gsems[(r + 1) % 2]).start()
      gather(i, r, rows_bufs[r % 2], gsems[r % 2]).wait()

      if r >= 2:
        band_write(n, r, band_bufs[r % 2], wsems[r % 2]).wait()
      else:
        @pl.when(i > 0)
        def _():
          band_write(n, r, band_bufs[r % 2], wsems[r % 2]).wait()

      build_cols(rows_bufs[r % 2], band_bufs[r % 2], 0, ROWS)
      band_write(n, r, band_bufs[r % 2], wsems[r % 2]).start()

    @pl.when(i + 1 < SPW)
    def _():
      gather(i + 1, 0, rows0, gs0).start()

    @pl.when(i > 0)
    def _():
      for _k in range(ROWS - 9):
        band_write(n, 9, band_b, rsem).wait()

    @plsc.parallel_loop(0, VECS, unroll=8)
    def _(j):
      ch = j // PATCH
      y = j - ch * PATCH
      band_b[ch, y, pl.ds(0, LANES)] = _tanh16(
          rows1[31, pl.ds(pl.multiple_of(j * LANES, 16), LANES)])

    def fan_col(c, _):
      cbase = pl.multiple_of(c * PATCH, 16)

      @plsc.parallel_loop(0, VECS, unroll=8)
      def _(j):
        ch = j // PATCH
        y = j - ch * PATCH
        band_b[ch, y, pl.ds(cbase, LANES)] = band_b[ch, y, pl.ds(0, LANES)]

      return 0
    lax.fori_loop(1, ROWS, fan_col, 0)

    def write_rep(r, _):
      band_write(n, r, band_b, rsem).start()
      return 0
    lax.fori_loop(9, ROWS, write_rep, 0)

    band_write(n, 8, band_a0, ws0).wait()
    build_cols(rows1, band_a0, 0, 7, off=ROWS)

    def fill_199(c, _):
      cbase = pl.multiple_of(c * PATCH, 16)

      @plsc.parallel_loop(0, VECS, unroll=8)
      def _(j):
        ch = j // PATCH
        y = j - ch * PATCH
        band_a0[ch, y, pl.ds(cbase, LANES)] = band_b[ch, y, pl.ds(0, LANES)]

      return 0
    lax.fori_loop(7, ROWS, fill_199, 0)
    band_write(n, 8, band_a0, ws0).start()
    return 0

  gather(0, 0, rows0, gs0).start()
  lax.fori_loop(0, SPW, do_sample, 0)

  last = wid * SPW + (SPW - 1)
  band_write(last, 8, band_a0, ws0).wait()
  band_write(last, 7, band_a1, ws1).wait()
  for _k in range(ROWS - 9):
    band_write(last, 9, band_b, rsem).wait()


@jax.jit
def kernel(sentence_batch, emb_table):
  mesh = plsc.VectorSubcoreMesh(core_axis_name="c", subcore_axis_name="s",
                                num_cores=NUM_CORES,
                                num_subcores=NUM_SUBCORES)
  run = pl.kernel(
      _sc_body,
      out_type=jax.ShapeDtypeStruct((N, 3, IMG, IMG), jnp.float32),
      mesh=mesh,
      scratch_types=[
          pltpu.VMEM((SPW * L,), jnp.int32),
          pltpu.VMEM((ROWS, EMB_DIM), jnp.float32),
          pltpu.VMEM((ROWS + 8, EMB_DIM), jnp.float32),
          pltpu.VMEM((3, PATCH, IMG), jnp.float32),
          pltpu.VMEM((3, PATCH, IMG), jnp.float32),
          pltpu.VMEM((3, PATCH, IMG), jnp.float32),
          pltpu.SemaphoreType.DMA,
          pltpu.SemaphoreType.DMA,
          pltpu.SemaphoreType.DMA,
          pltpu.SemaphoreType.DMA,
          pltpu.SemaphoreType.DMA,
      ],
  )
  return run(sentence_batch.astype(jnp.int32).reshape(N * L), emb_table)

# --- scband reference (transcript-rebuilt; emitter-appended) ---
"""Pipeline reference for scband-reprogramming-funtion-17592186044670 (READ-ONLY COPY).

The authoritative reference and input builder live on the scoring server;
editing this copy changes nothing except your own understanding.
"""

import jax, jax.numpy as jnp
import numpy as np

VOCAB = 100000
PATCH = 16
IMG = 384
EMB_DIM = PATCH * PATCH * 3  # 768
ROWS = IMG // PATCH          # 24
NUM_PATCHES = ROWS * ROWS    # 576


def setup_inputs(seed: int = 0) -> dict:
    key = jax.random.key(seed)
    k1, k2 = jax.random.split(key)
    sentence_batch = jax.random.randint(k1, (128, 200), 0, VOCAB, dtype=jnp.int64 if jax.config.jax_enable_x64 else jnp.int32)
    emb_table = jax.random.normal(k2, (VOCAB, EMB_DIM), dtype=jnp.float32) * 0.02
    return {"sentence_batch": sentence_batch, "emb_table": emb_table}


def reference(sentence_batch, emb_table):
    # token embedding lookup + tanh
    sentence_embedding = jnp.tanh(jnp.take(emb_table, sentence_batch, axis=0))  # [N, L, 768]
    N, L = sentence_batch.shape
    sentence_embedding = sentence_embedding.reshape(N, L, 3, PATCH, PATCH)
    # patch_idx -> source token index (replicate last token for patches beyond L),
    # faithful to the original per-patch loop semantics
    src = jnp.minimum(jnp.arange(NUM_PATCHES), L - 1)  # [P]
    patches = jnp.take(sentence_embedding, src, axis=1)  # [N, P, 3, p, p]
    # assemble into image grid: patch_idx = row * ROWS + col
    img = patches.reshape(N, ROWS, ROWS, 3, PATCH, PATCH)
    img = jnp.transpose(img, (0, 3, 1, 4, 2, 5)).reshape(N, 3, IMG, IMG)
    img = jnp.clip(img, -1.0, 1.0)
    return img

if __name__ == "__main__":
    import jax
    _d = setup_inputs()
    print(jax.jit(kernel)(*tuple(_d.values())))

</pallas_src>

<mosaic_0001>
#map = affine_map<(d0, d1) -> (0)>
#map1 = affine_map<(d0, d1) -> (0, 0)>
#map2 = affine_map<(d0, d1) -> (0, 0, 0, 0)>
module attributes {stable_mosaic.version = 14 : i64} {
  func.func @_sc_body(%arg0: i32, %arg1: i32, %arg2: memref<25600xi32, #tpu.memory_space<hbm>>, %arg3: memref<100000x768xf32, #tpu.memory_space<hbm>>, %arg4: memref<128x3x384x384xf32, #tpu.memory_space<hbm>>, %arg5: memref<800xi32, #tpu.memory_space<vmem>>, %arg6: memref<24x768xf32, #tpu.memory_space<vmem>>, %arg7: memref<32x768xf32, #tpu.memory_space<vmem>>, %arg8: memref<3x16x384xf32, #tpu.memory_space<vmem>>, %arg9: memref<3x16x384xf32, #tpu.memory_space<vmem>>, %arg10: memref<3x16x384xf32, #tpu.memory_space<vmem>>, %arg11: memref<!tpu.dma_semaphore, #tpu.memory_space<semaphore_mem>>, %arg12: memref<!tpu.dma_semaphore, #tpu.memory_space<semaphore_mem>>, %arg13: memref<!tpu.dma_semaphore, #tpu.memory_space<semaphore_mem>>, %arg14: memref<!tpu.dma_semaphore, #tpu.memory_space<semaphore_mem>>, %arg15: memref<!tpu.dma_semaphore, #tpu.memory_space<semaphore_mem>>) attributes {dimension_semantics = [#tpu.dimension_semantics<core_parallel>, #tpu.dimension_semantics<subcore_parallel>], iteration_bounds = array<i64: 2, 16>, scalar_prefetch = 0 : i64, scratch_operands = 11 : i64, tpu.core_type = #tpu.core_type<sc_vector_subcore>, window_params = [{transform_indices = #map}, {transform_indices = #map1}, {transform_indices = #map2}]} {
    %mul3A = arith.constant 2 : i32
    %mul3A_0 = arith.muli %arg1, %mul3A : i32
    %add3A = arith.addi %mul3A_0, %arg0 : i32
    %mul3A_1 = arith.constant 800 : i32
    %mul3A_2 = arith.muli %add3A, %mul3A_1 : i32
    %multiple_of3A = tpu.assume_multiple %mul3A_2, 8 : i32
    "tpu.region"() ({
      %run_scoped3A = tpu.sem_alloc : memref<!tpu.dma_semaphore, #tpu.memory_space<semaphore_mem>>
      %dma_start3A_190 = tpu.memref_slice %arg2[%multiple_of3A] : memref<25600xi32, #tpu.memory_space<hbm>> -> memref<800xi32, #tpu.memory_space<hbm>>
      %dma_start3A_191 = tpu.memref_slice %arg2[%multiple_of3A] : memref<25600xi32, #tpu.memory_space<hbm>> -> memref<800xi32, #tpu.memory_space<hbm>>
      tpu.enqueue_dma source(%dma_start3A_191 : memref<800xi32, #tpu.memory_space<hbm>>) target(%arg5 : memref<800xi32, #tpu.memory_space<vmem>>) target_semaphore(%run_scoped3A : memref<!tpu.dma_semaphore, #tpu.memory_space<semaphore_mem>>)
      %dma_wait3A_192 = tpu.memref_slice %arg2[%multiple_of3A] : memref<25600xi32, #tpu.memory_space<hbm>> -> memref<800xi32, #tpu.memory_space<hbm>>
      %dma_wait3A_193 = tpu.memref_slice %arg2[%multiple_of3A] : memref<25600xi32, #tpu.memory_space<hbm>> -> memref<800xi32, #tpu.memory_space<hbm>>
      tpu.wait_dma2 semaphore(%run_scoped3A : memref<!tpu.dma_semaphore, #tpu.memory_space<semaphore_mem>>) src(%dma_wait3A_193 : memref<800xi32, #tpu.memory_space<hbm>>) dst(%arg5 : memref<800xi32, #tpu.memory_space<vmem>>)
      tpu.yield
    }) : () -> ()
    %multiple_of3A_3 = arith.constant 0 : i32
    %multiple_of3A_4 = tpu.assume_multiple %multiple_of3A_3, 8 : i32
    %dma_start3A = arith.constant 0 : i32
    %dma_start3A_5 = arith.constant 0 : i32
    %dma_start3A_6 = tpu.memref_slice %arg6[%dma_start3A, %dma_start3A_5] : memref<24x768xf32, #tpu.memory_space<vmem>> -> memref<24x768xf32, #tpu.memory_space<vmem>>
    %dma_start3A_7 = tpu.memref_slice %arg5[%multiple_of3A_4] : memref<800xi32, #tpu.memory_space<vmem>> -> memref<24xi32, #tpu.memory_space<vmem>>
    %dma_start3A_8 = arith.constant 0 : i32
    %dma_start3A_9 = arith.constant 0 : i32
    %dma_start3A_10 = tpu.memref_slice %arg3[%dma_start3A_8, %dma_start3A_9] : memref<100000x768xf32, #tpu.memory_space<hbm>> -> memref<100000x768xf32, #tpu.memory_space<hbm>>
    tpu.enqueue_indirect_dma source(%dma_start3A_10 : memref<100000x768xf32, #tpu.memory_space<hbm>>) target(%dma_start3A_6 : memref<24x768xf32, #tpu.memory_space<vmem>>) offsets(%dma_start3A_7 : memref<24xi32, #tpu.memory_space<vmem>>) semaphore(%arg11 : memref<!tpu.dma_semaphore, #tpu.memory_space<semaphore_mem>>)
    %scan3A = arith.constant 0 : i32
    %scan3A_11 = arith.constant 0 : i32
    %scan3A_12 = arith.constant 4 : i32
    %scan3A_13 = arith.addi %scan3A_11, %scan3A_12 : i32
    %scan3A_14 = arith.constant 1 : i32
    %scan3A_15 = scf.for %scan3A_190 = %scan3A_11 to %scan3A_13 step %scan3A_14 iter_args(%scan3A_191 = %scan3A) -> (i32)  : i32 {
      %mul3A_192 = arith.constant 4 : i32
      %mul3A_193 = arith.muli %add3A, %mul3A_192 : i32
      %add3A_194 = arith.addi %mul3A_193, %scan3A_190 : i32
      %mul3A_195 = arith.constant 200 : i32
      %mul3A_196 = arith.muli %scan3A_190, %mul3A_195 : i32
      %add3A_197 = arith.constant 24 : i32
      %add3A_198 = arith.addi %mul3A_196, %add3A_197 : i32
      %multiple_of3A_199 = tpu.assume_multiple %add3A_198, 8 : i32
      %dma_start3A_200 = arith.constant 0 : i32
      %dma_start3A_201 = arith.constant 0 : i32
      %dma_start3A_202 = tpu.memref_slice %arg7[%dma_start3A_200, %dma_start3A_201] : memref<32x768xf32, #tpu.memory_space<vmem>> -> memref<24x768xf32, #tpu.memory_space<vmem>>
      %dma_start3A_203 = tpu.memref_slice %arg5[%multiple_of3A_199] : memref<800xi32, #tpu.memory_space<vmem>> -> memref<24xi32, #tpu.memory_space<vmem>>
      %dma_start3A_204 = arith.constant 0 : i32
      %dma_start3A_205 = arith.constant 0 : i32
      %dma_start3A_206 = tpu.memref_slice %arg3[%dma_start3A_204, %dma_start3A_205] : memref<100000x768xf32, #tpu.memory_space<hbm>> -> memref<100000x768xf32, #tpu.memory_space<hbm>>
      tpu.enqueue_indirect_dma source(%dma_start3A_206 : memref<100000x768xf32, #tpu.memory_space<hbm>>) target(%dma_start3A_202 : memref<24x768xf32, #tpu.memory_space<vmem>>) offsets(%dma_start3A_203 : memref<24xi32, #tpu.memory_space<vmem>>) semaphore(%arg12 : memref<!tpu.dma_semaphore, #tpu.memory_space<semaphore_mem>>)
      %mul3A_207 = arith.constant 200 : i32
      %mul3A_208 = arith.muli %scan3A_190, %mul3A_207 : i32
      %add3A_209 = arith.constant 0 : i32
      %add3A_210 = arith.addi %mul3A_208, %add3A_209 : i32
      %multiple_of3A_211 = tpu.assume_multiple %add3A_210, 8 : i32
      %dma_wait3A_212 = arith.constant 0 : i32
      %dma_wait3A_213 = arith.constant 0 : i32
      %dma_wait3A_214 = tpu.memref_slice %arg6[%dma_wait3A_212, %dma_wait3A_213] : memref<24x768xf32, #tpu.memory_space<vmem>> -> memref<24x768xf32, #tpu.memory_space<vmem>>
      %dma_wait3A_215 = tpu.memref_slice %arg5[%multiple_of3A_211] : memref<800xi32, #tpu.memory_space<vmem>> -> memref<24xi32, #tpu.memory_space<vmem>>
      %dma_wait3A_216 = arith.constant 0 : i32
      %dma_wait3A_217 = arith.constant 0 : i32
      %dma_wait3A_218 = tpu.memref_slice %arg3[%dma_wait3A_216, %dma_wait3A_217] : memref<100000x768xf32, #tpu.memory_space<hbm>> -> memref<100000x768xf32, #tpu.memory_space<hbm>>
      tpu.wait_indirect_dma semaphore(%arg11 : memref<!tpu.dma_semaphore, #tpu.memory_space<semaphore_mem>>) src(%dma_wait3A_218 : memref<100000x768xf32, #tpu.memory_space<hbm>>) dst(%dma_wait3A_214 : memref<24x768xf32, #tpu.memory_space<vmem>>)
      %gt3A = arith.constant 0 : i32
      %gt3A_219 = arith.cmpi sgt, %scan3A_190, %gt3A : i32
      %convert_element_type3A = arith.extui %gt3A_219 : i1 to i32
      %cond3A = arith.constant 0 : i32
      %cond3A_220 = arith.cmpi ne, %convert_element_type3A, %cond3A : i32
      scf.if %cond3A_220 {
        %multiple_of3A_640 = arith.constant 0 : i32
        %multiple_of3A_641 = tpu.assume_multiple %multiple_of3A_640, 16 : i32
        %dma_wait3A_642 = arith.constant 0 : i32
        %dma_wait3A_643 = arith.constant 0 : i32
        %dma_wait3A_644 = tpu.memref_slice %arg4[%add3A_194, %dma_wait3A_642, %multiple_of3A_641, %dma_wait3A_643] : memref<128x3x384x384xf32, #tpu.memory_space<hbm>> -> memref<1x3x16x384xf32, #tpu.memory_space<hbm>>
        %dma_wait3A_645 = tpu.memref_squeeze %dma_wait3A_644 : memref<1x3x16x384xf32, #tpu.memory_space<hbm>> -> memref<3x16x384xf32, #tpu.memory_space<hbm>>
        %dma_wait3A_646 = arith.constant 0 : i32
        %dma_wait3A_647 = arith.constant 0 : i32
        %dma_wait3A_648 = tpu.memref_slice %arg4[%add3A_194, %dma_wait3A_646, %multiple_of3A_641, %dma_wait3A_647] : memref<128x3x384x384xf32, #tpu.memory_space<hbm>> -> memref<1x3x16x384xf32, #tpu.memory_space<hbm>>
        %dma_wait3A_649 = tpu.memref_squeeze %dma_wait3A_648 : memref<1x3x16x384xf32, #tpu.memory_space<hbm>> -> memref<3x16x384xf32, #tpu.memory_space<hbm>>
        tpu.wait_dma2 semaphore(%arg13 : memref<!tpu.dma_semaphore, #tpu.memory_space<semaphore_mem>>) src(%arg8 : memref<3x16x384xf32, #tpu.memory_space<vmem>>) dst(%dma_wait3A_649 : memref<3x16x384xf32, #tpu.memory_space<hbm>>)
      } else {
      }
      %scan3A_221 = arith.constant 0 : i32
      %scan3A_222 = arith.constant 0 : i32
      %scan3A_223 = arith.constant 24 : i32
      %scan3A_224 = arith.addi %scan3A_222, %scan3A_223 : i32
      %scan3A_225 = arith.constant 1 : i32
      %scan3A_226 = scf.for %scan3A_640 = %scan3A_222 to %scan3A_224 step %scan3A_225 iter_args(%scan3A_641 = %scan3A_221) -> (i32)  : i32 {
        %mul3A_642 = arith.constant 16 : i32
        %mul3A_643 = arith.muli %scan3A_640, %mul3A_642 : i32
        %multiple_of3A_644 = tpu.assume_multiple %mul3A_643, 16 : i32
        %parallel_loop3A_645 = arith.constant 0 : i32
        %parallel_loop3A_646 = arith.constant 48 : i32
        %parallel_loop3A_647 = arith.constant 1 : i32
        scf.for %parallel_loop3A_649 = %parallel_loop3A_645 to %parallel_loop3A_646 step %parallel_loop3A_647  : i32 {
          %parallel_loop3A_650 = arith.constant 16 : i32
          %parallel_loop3A_651 = arith.divsi %parallel_loop3A_649, %parallel_loop3A_650 : i32
          %parallel_loop3A_652 = arith.constant 0 : i32
          %parallel_loop3A_653 = arith.cmpi sgt, %parallel_loop3A_649, %parallel_loop3A_652 : i32
          %parallel_loop3A_654 = arith.extui %parallel_loop3A_653 : i1 to i32
          %parallel_loop3A_655 = arith.constant 0 : i32
          %parallel_loop3A_656 = arith.cmpi slt, %parallel_loop3A_649, %parallel_loop3A_655 : i32
          %parallel_loop3A_657 = arith.extui %parallel_loop3A_656 : i1 to i32
          %parallel_loop3A_658 = arith.subi %parallel_loop3A_654, %parallel_loop3A_657 : i32
          %parallel_loop3A_659 = arith.constant 0 : i32
          %parallel_loop3A_660 = arith.cmpi sgt, %parallel_loop3A_650, %parallel_loop3A_659 : i32
          %parallel_loop3A_661 = arith.extui %parallel_loop3A_660 : i1 to i32
          %parallel_loop3A_662 = arith.constant 0 : i32
          %parallel_loop3A_663 = arith.cmpi slt, %parallel_loop3A_650, %parallel_loop3A_662 : i32
          %parallel_loop3A_664 = arith.extui %parallel_loop3A_663 : i1 to i32
          %parallel_loop3A_665 = arith.subi %parallel_loop3A_661, %parallel_loop3A_664 : i32
          %parallel_loop3A_666 = arith.cmpi ne, %parallel_loop3A_658, %parallel_loop3A_665 : i32
          %parallel_loop3A_667 = arith.remsi %parallel_loop3A_649, %parallel_loop3A_650 : i32
          %parallel_loop3A_668 = arith.constant 0 : i32
          %parallel_loop3A_669 = arith.cmpi ne, %parallel_loop3A_667, %parallel_loop3A_668 : i32
          %parallel_loop3A_670 = arith.andi %parallel_loop3A_666, %parallel_loop3A_669 : i1
          %parallel_loop3A_671 = arith.constant 1 : i32
          %parallel_loop3A_672 = arith.subi %parallel_loop3A_651, %parallel_loop3A_671 : i32
          %parallel_loop3A_673 = arith.select %parallel_loop3A_670, %parallel_loop3A_672, %parallel_loop3A_651 : i32
          %parallel_loop3A_674 = arith.constant 16 : i32
          %parallel_loop3A_675 = arith.muli %parallel_loop3A_673, %parallel_loop3A_674 : i32
          %parallel_loop3A_676 = arith.subi %parallel_loop3A_649, %parallel_loop3A_675 : i32
          %parallel_loop3A_677 = arith.constant 0 : i32
          %parallel_loop3A_678 = arith.addi %scan3A_640, %parallel_loop3A_677 : i32
          %parallel_loop3A_679 = arith.constant 16 : i32
          %parallel_loop3A_680 = arith.muli %parallel_loop3A_649, %parallel_loop3A_679 : i32
          %parallel_loop3A_681 = tpu.assume_multiple %parallel_loop3A_680, 16 : i32
          %parallel_loop3A_682 = arith.index_cast %parallel_loop3A_678 : i32 to index
          %parallel_loop3A_683 = arith.index_cast %parallel_loop3A_681 : i32 to index
          %parallel_loop3A_684 = tpu.vector_load %arg6[%parallel_loop3A_682, %parallel_loop3A_683] {strides = array<i32>} : memref<24x768xf32, #tpu.memory_space<vmem>>, vector<1x16xf32>,
          %parallel_loop3A_685 = vector.shape_cast %parallel_loop3A_684 : vector<1x16xf32> to vector<16xf32>
          %parallel_loop3A_686 = arith.constant 2.000000e+00 : f32
          %parallel_loop3A_687 = vector.broadcast %parallel_loop3A_686 : f32 to vector<16xf32>
          %parallel_loop3A_688 = arith.mulf %parallel_loop3A_687, %parallel_loop3A_685 : vector<16xf32>
          %parallel_loop3A_689 = math.exp %parallel_loop3A_688 : vector<16xf32>
          %parallel_loop3A_690 = arith.constant 1.000000e+00 : f32
          %parallel_loop3A_691 = vector.broadcast %parallel_loop3A_690 : f32 to vector<16xf32>
          %parallel_loop3A_692 = arith.addf %parallel_loop3A_689, %parallel_loop3A_691 : vector<16xf32>
          %parallel_loop3A_693 = arith.constant 2.000000e+00 : f32
          %parallel_loop3A_694 = vector.broadcast %parallel_loop3A_693 : f32 to vector<16xf32>
          %parallel_loop3A_695 = arith.divf %parallel_loop3A_694, %parallel_loop3A_692 : vector<16xf32>
          %parallel_loop3A_696 = arith.constant 1.000000e+00 : f32
          %parallel_loop3A_697 = vector.broadcast %parallel_loop3A_696 : f32 to vector<16xf32>
          %parallel_loop3A_698 = arith.subf %parallel_loop3A_697, %parallel_loop3A_695 : vector<16xf32>
          %parallel_loop3A_699 = arith.index_cast %parallel_loop3A_673 : i32 to index
          %parallel_loop3A_700 = arith.index_cast %parallel_loop3A_676 : i32 to index
          %parallel_loop3A_701 = arith.index_cast %multiple_of3A_644 : i32 to index
          %parallel_loop3A_702 = tpu.vector_load %arg8[%parallel_loop3A_699, %parallel_loop3A_700, %parallel_loop3A_701] {strides = array<i32>} : memref<3x16x384xf32, #tpu.memory_space<vmem>>, vector<1x1x16xf32>,
          %parallel_loop3A_703 = vector.shape_cast %parallel_loop3A_702 : vector<1x1x16xf32> to vector<16xf32>
          %parallel_loop3A_704 = vector.shape_cast %parallel_loop3A_698 : vector<16xf32> to vector<1x1x16xf32>
          tpu.vector_store %arg8[%parallel_loop3A_699, %parallel_loop3A_700, %parallel_loop3A_701], %parallel_loop3A_704 {strides = array<i32>} : memref<3x16x384xf32, #tpu.memory_space<vmem>>, vector<1x1x16xf32>,
        } {sc.loop_unroll_factor = 8 : i64, sc.parallel_access}
        %scan3A_648 = arith.constant 0 : i32
        scf.yield %scan3A_648 : i32
      }
      %scan3A_227 = arith.constant 24 : i32
      %multiple_of3A_228 = arith.constant 0 : i32
      %multiple_of3A_229 = tpu.assume_multiple %multiple_of3A_228, 16 : i32
      %dma_start3A_230 = arith.constant 0 : i32
      %dma_start3A_231 = arith.constant 0 : i32
      %dma_start3A_232 = tpu.memref_slice %arg4[%add3A_194, %dma_start3A_230, %multiple_of3A_229, %dma_start3A_231] : memref<128x3x384x384xf32, #tpu.memory_space<hbm>> -> memref<1x3x16x384xf32, #tpu.memory_space<hbm>>
      %dma_start3A_233 = tpu.memref_squeeze %dma_start3A_232 : memref<1x3x16x384xf32, #tpu.memory_space<hbm>> -> memref<3x16x384xf32, #tpu.memory_space<hbm>>
      %dma_start3A_234 = arith.constant 0 : i32
      %dma_start3A_235 = arith.constant 0 : i32
      %dma_start3A_236 = tpu.memref_slice %arg4[%add3A_194, %dma_start3A_234, %multiple_of3A_229, %dma_start3A_235] : memref<128x3x384x384xf32, #tpu.memory_space<hbm>> -> memref<1x3x16x384xf32, #tpu.memory_space<hbm>>
      %dma_start3A_237 = tpu.memref_squeeze %dma_start3A_236 : memref<1x3x16x384xf32, #tpu.memory_space<hbm>> -> memref<3x16x384xf32, #tpu.memory_space<hbm>>
      tpu.enqueue_dma source(%arg8 : memref<3x16x384xf32, #tpu.memory_space<vmem>>) target(%dma_start3A_237 : memref<3x16x384xf32, #tpu.memory_space<hbm>>) target_semaphore(%arg13 : memref<!tpu.dma_semaphore, #tpu.memory_space<semaphore_mem>>)
      %mul3A_238 = arith.constant 200 : i32
      %mul3A_239 = arith.muli %scan3A_190, %mul3A_238 : i32
      %add3A_240 = arith.constant 48 : i32
      %add3A_241 = arith.addi %mul3A_239, %add3A_240 : i32
      %multiple_of3A_242 = tpu.assume_multiple %add3A_241, 8 : i32
      %dma_start3A_243 = arith.constant 0 : i32
      %dma_start3A_244 = arith.constant 0 : i32
      %dma_start3A_245 = tpu.memref_slice %arg6[%dma_start3A_243, %dma_start3A_244] : memref<24x768xf32, #tpu.memory_space<vmem>> -> memref<24x768xf32, #tpu.memory_space<vmem>>
      %dma_start3A_246 = tpu.memref_slice %arg5[%multiple_of3A_242] : memref<800xi32, #tpu.memory_space<vmem>> -> memref<24xi32, #tpu.memory_space<vmem>>
      %dma_start3A_247 = arith.constant 0 : i32
      %dma_start3A_248 = arith.constant 0 : i32
      %dma_start3A_249 = tpu.memref_slice %arg3[%dma_start3A_247, %dma_start3A_248] : memref<100000x768xf32, #tpu.memory_space<hbm>> -> memref<100000x768xf32, #tpu.memory_space<hbm>>
      tpu.enqueue_indirect_dma source(%dma_start3A_249 : memref<100000x768xf32, #tpu.memory_space<hbm>>) target(%dma_start3A_245 : memref<24x768xf32, #tpu.memory_space<vmem>>) offsets(%dma_start3A_246 : memref<24xi32, #tpu.memory_space<vmem>>) semaphore(%arg11 : memref<!tpu.dma_semaphore, #tpu.memory_space<semaphore_mem>>)
      %mul3A_250 = arith.constant 200 : i32
      %mul3A_251 = arith.muli %scan3A_190, %mul3A_250 : i32
      %add3A_252 = arith.constant 24 : i32
      %add3A_253 = arith.addi %mul3A_251, %add3A_252 : i32
      %multiple_of3A_254 = tpu.assume_multiple %add3A_253, 8 : i32
      %dma_wait3A_255 = arith.constant 0 : i32
      %dma_wait3A_256 = arith.constant 0 : i32
      %dma_wait3A_257 = tpu.memref_slice %arg7[%dma_wait3A_255, %dma_wait3A_256] : memref<32x768xf32, #tpu.memory_space<vmem>> -> memref<24x768xf32, #tpu.memory_space<vmem>>
      %dma_wait3A_258 = tpu.memref_slice %arg5[%multiple_of3A_254] : memref<800xi32, #tpu.memory_space<vmem>> -> memref<24xi32, #tpu.memory_space<vmem>>
      %dma_wait3A_259 = arith.constant 0 : i32
      %dma_wait3A_260 = arith.constant 0 : i32
      %dma_wait3A_261 = tpu.memref_slice %arg3[%dma_wait3A_259, %dma_wait3A_260] : memref<100000x768xf32, #tpu.memory_space<hbm>> -> memref<100000x768xf32, #tpu.memory_space<hbm>>
      tpu.wait_indirect_dma semaphore(%arg12 : memref<!tpu.dma_semaphore, #tpu.memory_space<semaphore_mem>>) src(%dma_wait3A_261 : memref<100000x768xf32, #tpu.memory_space<hbm>>) dst(%dma_wait3A_257 : memref<24x768xf32, #tpu.memory_space<vmem>>)
      %gt3A_262 = arith.constant 0 : i32
      %gt3A_263 = arith.cmpi sgt, %scan3A_190, %gt3A_262 : i32
      %convert_element_type3A_264 = arith.extui %gt3A_263 : i1 to i32
      %cond3A_265 = arith.constant 0 : i32
      %cond3A_266 = arith.cmpi ne, %convert_element_type3A_264, %cond3A_265 : i32
      scf.if %cond3A_266 {
        %multiple_of3A_640 = arith.constant 16 : i32
        %multiple_of3A_641 = tpu.assume_multiple %multiple_of3A_640, 16 : i32
        %dma_wait3A_642 = arith.constant 0 : i32
        %dma_wait3A_643 = arith.constant 0 : i32
        %dma_wait3A_644 = tpu.memref_slice %arg4[%add3A_194, %dma_wait3A_642, %multiple_of3A_641, %dma_wait3A_643] : memref<128x3x384x384xf32, #tpu.memory_space<hbm>> -> memref<1x3x16x384xf32, #tpu.memory_space<hbm>>
        %dma_wait3A_645 = tpu.memref_squeeze %dma_wait3A_644 : memref<1x3x16x384xf32, #tpu.memory_space<hbm>> -> memref<3x16x384xf32, #tpu.memory_space<hbm>>
        %dma_wait3A_646 = arith.constant 0 : i32
        %dma_wait3A_647 = arith.constant 0 : i32
        %dma_wait3A_648 = tpu.memref_slice %arg4[%add3A_194, %dma_wait3A_646, %multiple_of3A_641, %dma_wait3A_647] : memref<128x3x384x384xf32, #tpu.memory_space<hbm>> -> memref<1x3x16x384xf32, #tpu.memory_space<hbm>>
        %dma_wait3A_649 = tpu.memref_squeeze %dma_wait3A_648 : memref<1x3x16x384xf32, #tpu.memory_space<hbm>> -> memref<3x16x384xf32, #tpu.memory_space<hbm>>
        tpu.wait_dma2 semaphore(%arg14 : memref<!tpu.dma_semaphore, #tpu.memory_space<semaphore_mem>>) src(%arg9 : memref<3x16x384xf32, #tpu.memory_space<vmem>>) dst(%dma_wait3A_649 : memref<3x16x384xf32, #tpu.memory_space<hbm>>)
      } else {
      }
      %scan3A_267 = arith.constant 0 : i32
      %scan3A_268 = arith.constant 0 : i32
      %scan3A_269 = arith.constant 24 : i32
      %scan3A_270 = arith.addi %scan3A_268, %scan3A_269 : i32
      %scan3A_271 = arith.constant 1 : i32
      %scan3A_272 = scf.for %scan3A_640 = %scan3A_268 to %scan3A_270 step %scan3A_271 iter_args(%scan3A_641 = %scan3A_267) -> (i32)  : i32 {
        %mul3A_642 = arith.constant 16 : i32
        %mul3A_643 = arith.muli %scan3A_640, %mul3A_642 : i32
        %multiple_of3A_644 = tpu.assume_multiple %mul3A_643, 16 : i32
        %parallel_loop3A_645 = arith.constant 0 : i32
        %parallel_loop3A_646 = arith.constant 48 : i32
        %parallel_loop3A_647 = arith.constant 1 : i32
        scf.for %parallel_loop3A_649 = %parallel_loop3A_645 to %parallel_loop3A_646 step %parallel_loop3A_647  : i32 {
          %parallel_loop3A_650 = arith.constant 16 : i32
          %parallel_loop3A_651 = arith.divsi %parallel_loop3A_649, %parallel_loop3A_650 : i32
          %parallel_loop3A_652 = arith.constant 0 : i32
          %parallel_loop3A_653 = arith.cmpi sgt, %parallel_loop3A_649, %parallel_loop3A_652 : i32
          %parallel_loop3A_654 = arith.extui %parallel_loop3A_653 : i1 to i32
          %parallel_loop3A_655 = arith.constant 0 : i32
          %parallel_loop3A_656 = arith.cmpi slt, %parallel_loop3A_649, %parallel_loop3A_655 : i32
          %parallel_loop3A_657 = arith.extui %parallel_loop3A_656 : i1 to i32
          %parallel_loop3A_658 = arith.subi %parallel_loop3A_654, %parallel_loop3A_657 : i32
          %parallel_loop3A_659 = arith.constant 0 : i32
          %parallel_loop3A_660 = arith.cmpi sgt, %parallel_loop3A_650, %parallel_loop3A_659 : i32
          %parallel_loop3A_661 = arith.extui %parallel_loop3A_660 : i1 to i32
          %parallel_loop3A_662 = arith.constant 0 : i32
          %parallel_loop3A_663 = arith.cmpi slt, %parallel_loop3A_650, %parallel_loop3A_662 : i32
          %parallel_loop3A_664 = arith.extui %parallel_loop3A_663 : i1 to i32
          %parallel_loop3A_665 = arith.subi %parallel_loop3A_661, %parallel_loop3A_664 : i32
          %parallel_loop3A_666 = arith.cmpi ne, %parallel_loop3A_658, %parallel_loop3A_665 : i32
          %parallel_loop3A_667 = arith.remsi %parallel_loop3A_649, %parallel_loop3A_650 : i32
          %parallel_loop3A_668 = arith.constant 0 : i32
          %parallel_loop3A_669 = arith.cmpi ne, %parallel_loop3A_667, %parallel_loop3A_668 : i32
          %parallel_loop3A_670 = arith.andi %parallel_loop3A_666, %parallel_loop3A_669 : i1
          %parallel_loop3A_671 = arith.constant 1 : i32
          %parallel_loop3A_672 = arith.subi %parallel_loop3A_651, %parallel_loop3A_671 : i32
          %parallel_loop3A_673 = arith.select %parallel_loop3A_670, %parallel_loop3A_672, %parallel_loop3A_651 : i32
          %parallel_loop3A_674 = arith.constant 16 : i32
          %parallel_loop3A_675 = arith.muli %parallel_loop3A_673, %parallel_loop3A_674 : i32
          %parallel_loop3A_676 = arith.subi %parallel_loop3A_649, %parallel_loop3A_675 : i32
          %parallel_loop3A_677 = arith.constant 0 : i32
          %parallel_loop3A_678 = arith.addi %scan3A_640, %parallel_loop3A_677 : i32
          %parallel_loop3A_679 = arith.constant 16 : i32
          %parallel_loop3A_680 = arith.muli %parallel_loop3A_649, %parallel_loop3A_679 : i32
          %parallel_loop3A_681 = tpu.assume_multiple %parallel_loop3A_680, 16 : i32
          %parallel_loop3A_682 = arith.index_cast %parallel_loop3A_678 : i32 to index
          %parallel_loop3A_683 = arith.index_cast %parallel_loop3A_681 : i32 to index
          %parallel_loop3A_684 = tpu.vector_load %arg7[%parallel_loop3A_682, %parallel_loop3A_683] {strides = array<i32>} : memref<32x768xf32, #tpu.memory_space<vmem>>, vector<1x16xf32>,
          %parallel_loop3A_685 = vector.shape_cast %parallel_loop3A_684 : vector<1x16xf32> to vector<16xf32>
          %parallel_loop3A_686 = arith.constant 2.000000e+00 : f32
          %parallel_loop3A_687 = vector.broadcast %parallel_loop3A_686 : f32 to vector<16xf32>
          %parallel_loop3A_688 = arith.mulf %parallel_loop3A_687, %parallel_loop3A_685 : vector<16xf32>
          %parallel_loop3A_689 = math.exp %parallel_loop3A_688 : vector<16xf32>
          %parallel_loop3A_690 = arith.constant 1.000000e+00 : f32
          %parallel_loop3A_691 = vector.broadcast %parallel_loop3A_690 : f32 to vector<16xf32>
          %parallel_loop3A_692 = arith.addf %parallel_loop3A_689, %parallel_loop3A_691 : vector<16xf32>
          %parallel_loop3A_693 = arith.constant 2.000000e+00 : f32
          %parallel_loop3A_694 = vector.broadcast %parallel_loop3A_693 : f32 to vector<16xf32>
          %parallel_loop3A_695 = arith.divf %parallel_loop3A_694, %parallel_loop3A_692 : vector<16xf32>
          %parallel_loop3A_696 = arith.constant 1.000000e+00 : f32
          %parallel_loop3A_697 = vector.broadcast %parallel_loop3A_696 : f32 to vector<16xf32>
          %parallel_loop3A_698 = arith.subf %parallel_loop3A_697, %parallel_loop3A_695 : vector<16xf32>
          %parallel_loop3A_699 = arith.index_cast %parallel_loop3A_673 : i32 to index
          %parallel_loop3A_700 = arith.index_cast %parallel_loop3A_676 : i32 to index
          %parallel_loop3A_701 = arith.index_cast %multiple_of3A_644 : i32 to index
          %parallel_loop3A_702 = tpu.vector_load %arg9[%parallel_loop3A_699, %parallel_loop3A_700, %parallel_loop3A_701] {strides = array<i32>} : memref<3x16x384xf32, #tpu.memory_space<vmem>>, vector<1x1x16xf32>,
          %parallel_loop3A_703 = vector.shape_cast %parallel_loop3A_702 : vector<1x1x16xf32> to vector<16xf32>
          %parallel_loop3A_704 = vector.shape_cast %parallel_loop3A_698 : vector<16xf32> to vector<1x1x16xf32>
          tpu.vector_store %arg9[%parallel_loop3A_699, %parallel_loop3A_700, %parallel_loop3A_701], %parallel_loop3A_704 {strides = array<i32>} : memref<3x16x384xf32, #tpu.memory_space<vmem>>, vector<1x1x16xf32>,
        } {sc.loop_unroll_factor = 8 : i64, sc.parallel_access}
        %scan3A_648 = arith.constant 0 : i32
        scf.yield %scan3A_648 : i32
      }
      %scan3A_273 = arith.constant 24 : i32
      %multiple_of3A_274 = arith.constant 16 : i32
      %multiple_of3A_275 = tpu.assume_multiple %multiple_of3A_274, 16 : i32
      %dma_start3A_276 = arith.constant 0 : i32
      %dma_start3A_277 = arith.constant 0 : i32
      %dma_start3A_278 = tpu.memref_slice %arg4[%add3A_194, %dma_start3A_276, %multiple_of3A_275, %dma_start3A_277] : memref<128x3x384x384xf32, #tpu.memory_space<hbm>> -> memref<1x3x16x384xf32, #tpu.memory_space<hbm>>
      %dma_start3A_279 = tpu.memref_squeeze %dma_start3A_278 : memref<1x3x16x384xf32, #tpu.memory_space<hbm>> -> memref<3x16x384xf32, #tpu.memory_space<hbm>>
      %dma_start3A_280 = arith.constant 0 : i32
      %dma_start3A_281 = arith.constant 0 : i32
      %dma_start3A_282 = tpu.memref_slice %arg4[%add3A_194, %dma_start3A_280, %multiple_of3A_275, %dma_start3A_281] : memref<128x3x384x384xf32, #tpu.memory_space<hbm>> -> memref<1x3x16x384xf32, #tpu.memory_space<hbm>>
      %dma_start3A_283 = tpu.memref_squeeze %dma_start3A_282 : memref<1x3x16x384xf32, #tpu.memory_space<hbm>> -> memref<3x16x384xf32, #tpu.memory_space<hbm>>
      tpu.enqueue_dma source(%arg9 : memref<3x16x384xf32, #tpu.memory_space<vmem>>) target(%dma_start3A_283 : memref<3x16x384xf32, #tpu.memory_space<hbm>>) target_semaphore(%arg14 : memref<!tpu.dma_semaphore, #tpu.memory_space<semaphore_mem>>)
      %mul3A_284 = arith.constant 200 : i32
      %mul3A_285 = arith.muli %scan3A_190, %mul3A_284 : i32
      %add3A_286 = arith.constant 72 : i32
      %add3A_287 = arith.addi %mul3A_285, %add3A_286 : i32
      %multiple_of3A_288 = tpu.assume_multiple %add3A_287, 8 : i32
      %dma_start3A_289 = arith.constant 0 : i32
      %dma_start3A_290 = arith.constant 0 : i32
      %dma_start3A_291 = tpu.memref_slice %arg7[%dma_start3A_289, %dma_start3A_290] : memref<32x768xf32, #tpu.memory_space<vmem>> -> memref<24x768xf32, #tpu.memory_space<vmem>>
      %dma_start3A_292 = tpu.memref_slice %arg5[%multiple_of3A_288] : memref<800xi32, #tpu.memory_space<vmem>> -> memref<24xi32, #tpu.memory_space<vmem>>
      %dma_start3A_293 = arith.constant 0 : i32
      %dma_start3A_294 = arith.constant 0 : i32
      %dma_start3A_295 = tpu.memref_slice %arg3[%dma_start3A_293, %dma_start3A_294] : memref<100000x768xf32, #tpu.memory_space<hbm>> -> memref<100000x768xf32, #tpu.memory_space<hbm>>
      tpu.enqueue_indirect_dma source(%dma_start3A_295 : memref<100000x768xf32, #tpu.memory_space<hbm>>) target(%dma_start3A_291 : memref<24x768xf32, #tpu.memory_space<vmem>>) offsets(%dma_start3A_292 : memref<24xi32, #tpu.memory_space<vmem>>) semaphore(%arg12 : memref<!tpu.dma_semaphore, #tpu.memory_space<semaphore_mem>>)
      %mul3A_296 = arith.constant 200 : i32
      %mul3A_297 = arith.muli %scan3A_190, %mul3A_296 : i32
      %add3A_298 = arith.constant 48 : i32
      %add3A_299 = arith.addi %mul3A_297, %add3A_298 : i32
      %multiple_of3A_300 = tpu.assume_multiple %add3A_299, 8 : i32
      %dma_wait3A_301 = arith.constant 0 : i32
      %dma_wait3A_302 = arith.constant 0 : i32
      %dma_wait3A_303 = tpu.memref_slice %arg6[%dma_wait3A_301, %dma_wait3A_302] : memref<24x768xf32, #tpu.memory_space<vmem>> -> memref<24x768xf32, #tpu.memory_space<vmem>>
      %dma_wait3A_304 = tpu.memref_slice %arg5[%multiple_of3A_300] : memref<800xi32, #tpu.memory_space<vmem>> -> memref<24xi32, #tpu.memory_space<vmem>>
      %dma_wait3A_305 = arith.constant 0 : i32
      %dma_wait3A_306 = arith.constant 0 : i32
      %dma_wait3A_307 = tpu.memref_slice %arg3[%dma_wait3A_305, %dma_wait3A_306] : memref<100000x768xf32, #tpu.memory_space<hbm>> -> memref<100000x768xf32, #tpu.memory_space<hbm>>
      tpu.wait_indirect_dma semaphore(%arg11 : memref<!tpu.dma_semaphore, #tpu.memory_space<semaphore_mem>>) src(%dma_wait3A_307 : memref<100000x768xf32, #tpu.memory_space<hbm>>) dst(%dma_wait3A_303 : memref<24x768xf32, #tpu.memory_space<vmem>>)
      %multiple_of3A_308 = arith.constant 32 : i32
      %multiple_of3A_309 = tpu.assume_multiple %multiple_of3A_308, 16 : i32
      %dma_wait3A_310 = arith.constant 0 : i32
      %dma_wait3A_311 = arith.constant 0 : i32
      %dma_wait3A_312 = tpu.memref_slice %arg4[%add3A_194, %dma_wait3A_310, %multiple_of3A_309, %dma_wait3A_311] : memref<128x3x384x384xf32, #tpu.memory_space<hbm>> -> memref<1x3x16x384xf32, #tpu.memory_space<hbm>>
      %dma_wait3A_313 = tpu.memref_squeeze %dma_wait3A_312 : memref<1x3x16x384xf32, #tpu.memory_space<hbm>> -> memref<3x16x384xf32, #tpu.memory_space<hbm>>
      %dma_wait3A_314 = arith.constant 0 : i32
      %dma_wait3A_315 = arith.constant 0 : i32
      %dma_wait3A_316 = tpu.memref_slice %arg4[%add3A_194, %dma_wait3A_314, %multiple_of3A_309, %dma_wait3A_315] : memref<128x3x384x384xf32, #tpu.memory_space<hbm>> -> memref<1x3x16x384xf32, #tpu.memory_space<hbm>>
      %dma_wait3A_317 = tpu.memref_squeeze %dma_wait3A_316 : memref<1x3x16x384xf32, #tpu.memory_space<hbm>> -> memref<3x16x384xf32, #tpu.memory_space<hbm>>
      tpu.wait_dma2 semaphore(%arg13 : memref<!tpu.dma_semaphore, #tpu.memory_space<semaphore_mem>>) src(%arg8 : memref<3x16x384xf32, #tpu.memory_space<vmem>>) dst(%dma_wait3A_317 : memref<3x16x384xf32, #tpu.memory_space<hbm>>)
      %scan3A_318 = arith.constant 0 : i32
      %scan3A_319 = arith.constant 0 : i32
      %scan3A_320 = arith.constant 24 : i32
      %scan3A_321 = arith.addi %scan3A_319, %scan3A_320 : i32
      %scan3A_322 = arith.constant 1 : i32
      %scan3A_323 = scf.for %scan3A_640 = %scan3A_319 to %scan3A_321 step %scan3A_322 iter_args(%scan3A_641 = %scan3A_318) -> (i32)  : i32 {
        %mul3A_642 = arith.constant 16 : i32
        %mul3A_643 = arith.muli %scan3A_640, %mul3A_642 : i32
        %multiple_of3A_644 = tpu.assume_multiple %mul3A_643, 16 : i32
        %parallel_loop3A_645 = arith.constant 0 : i32
        %parallel_loop3A_646 = arith.constant 48 : i32
        %parallel_loop3A_647 = arith.constant 1 : i32
        scf.for %parallel_loop3A_649 = %parallel_loop3A_645 to %parallel_loop3A_646 step %parallel_loop3A_647  : i32 {
          %parallel_loop3A_650 = arith.constant 16 : i32
          %parallel_loop3A_651 = arith.divsi %parallel_loop3A_649, %parallel_loop3A_650 : i32
          %parallel_loop3A_652 = arith.constant 0 : i32
          %parallel_loop3A_653 = arith.cmpi sgt, %parallel_loop3A_649, %parallel_loop3A_652 : i32
          %parallel_loop3A_654 = arith.extui %parallel_loop3A_653 : i1 to i32
          %parallel_loop3A_655 = arith.constant 0 : i32
          %parallel_loop3A_656 = arith.cmpi slt, %parallel_loop3A_649, %parallel_loop3A_655 : i32
          %parallel_loop3A_657 = arith.extui %parallel_loop3A_656 : i1 to i32
          %parallel_loop3A_658 = arith.subi %parallel_loop3A_654, %parallel_loop3A_657 : i32
          %parallel_loop3A_659 = arith.constant 0 : i32
          %parallel_loop3A_660 = arith.cmpi sgt, %parallel_loop3A_650, %parallel_loop3A_659 : i32
          %parallel_loop3A_661 = arith.extui %parallel_loop3A_660 : i1 to i32
          %parallel_loop3A_662 = arith.constant 0 : i32
          %parallel_loop3A_663 = arith.cmpi slt, %parallel_loop3A_650, %parallel_loop3A_662 : i32
          %parallel_loop3A_664 = arith.extui %parallel_loop3A_663 : i1 to i32
          %parallel_loop3A_665 = arith.subi %parallel_loop3A_661, %parallel_loop3A_664 : i32
          %parallel_loop3A_666 = arith.cmpi ne, %parallel_loop3A_658, %parallel_loop3A_665 : i32
          %parallel_loop3A_667 = arith.remsi %parallel_loop3A_649, %parallel_loop3A_650 : i32
          %parallel_loop3A_668 = arith.constant 0 : i32
          %parallel_loop3A_669 = arith.cmpi ne, %parallel_loop3A_667, %parallel_loop3A_668 : i32
          %parallel_loop3A_670 = arith.andi %parallel_loop3A_666, %parallel_loop3A_669 : i1
          %parallel_loop3A_671 = arith.constant 1 : i32
          %parallel_loop3A_672 = arith.subi %parallel_loop3A_651, %parallel_loop3A_671 : i32
          %parallel_loop3A_673 = arith.select %parallel_loop3A_670, %parallel_loop3A_672, %parallel_loop3A_651 : i32
          %parallel_loop3A_674 = arith.constant 16 : i32
          %parallel_loop3A_675 = arith.muli %parallel_loop3A_673, %parallel_loop3A_674 : i32
          %parallel_loop3A_676 = arith.subi %parallel_loop3A_649, %parallel_loop3A_675 : i32
          %parallel_loop3A_677 = arith.constant 0 : i32
          %parallel_loop3A_678 = arith.addi %scan3A_640, %parallel_loop3A_677 : i32
          %parallel_loop3A_679 = arith.constant 16 : i32
          %parallel_loop3A_680 = arith.muli %parallel_loop3A_649, %parallel_loop3A_679 : i32
          %parallel_loop3A_681 = tpu.assume_multiple %parallel_loop3A_680, 16 : i32
          %parallel_loop3A_682 = arith.index_cast %parallel_loop3A_678 : i32 to index
          %parallel_loop3A_683 = arith.index_cast %parallel_loop3A_681 : i32 to index
          %parallel_loop3A_684 = tpu.vector_load %arg6[%parallel_loop3A_682, %parallel_loop3A_683] {strides = array<i32>} : memref<24x768xf32, #tpu.memory_space<vmem>>, vector<1x16xf32>,
          %parallel_loop3A_685 = vector.shape_cast %parallel_loop3A_684 : vector<1x16xf32> to vector<16xf32>
          %parallel_loop3A_686 = arith.constant 2.000000e+00 : f32
          %parallel_loop3A_687 = vector.broadcast %parallel_loop3A_686 : f32 to vector<16xf32>
          %parallel_loop3A_688 = arith.mulf %parallel_loop3A_687, %parallel_loop3A_685 : vector<16xf32>
          %parallel_loop3A_689 = math.exp %parallel_loop3A_688 : vector<16xf32>
          %parallel_loop3A_690 = arith.constant 1.000000e+00 : f32
          %parallel_loop3A_691 = vector.broadcast %parallel_loop3A_690 : f32 to vector<16xf32>
          %parallel_loop3A_692 = arith.addf %parallel_loop3A_689, %parallel_loop3A_691 : vector<16xf32>
          %parallel_loop3A_693 = arith.constant 2.000000e+00 : f32
          %parallel_loop3A_694 = vector.broadcast %parallel_loop3A_693 : f32 to vector<16xf32>
          %parallel_loop3A_695 = arith.divf %parallel_loop3A_694, %parallel_loop3A_692 : vector<16xf32>
          %parallel_loop3A_696 = arith.constant 1.000000e+00 : f32
          %parallel_loop3A_697 = vector.broadcast %parallel_loop3A_696 : f32 to vector<16xf32>
          %parallel_loop3A_698 = arith.subf %parallel_loop3A_697, %parallel_loop3A_695 : vector<16xf32>
          %parallel_loop3A_699 = arith.index_cast %parallel_loop3A_673 : i32 to index
          %parallel_loop3A_700 = arith.index_cast %parallel_loop3A_676 : i32 to index
          %parallel_loop3A_701 = arith.index_cast %multiple_of3A_644 : i32 to index
          %parallel_loop3A_702 = tpu.vector_load %arg8[%parallel_loop3A_699, %parallel_loop3A_700, %parallel_loop3A_701] {strides = array<i32>} : memref<3x16x384xf32, #tpu.memory_space<vmem>>, vector<1x1x16xf32>,
          %parallel_loop3A_703 = vector.shape_cast %parallel_loop3A_702 : vector<1x1x16xf32> to vector<16xf32>
          %parallel_loop3A_704 = vector.shape_cast %parallel_loop3A_698 : vector<16xf32> to vector<1x1x16xf32>
          tpu.vector_store %arg8[%parallel_loop3A_699, %parallel_loop3A_700, %parallel_loop3A_701], %parallel_loop3A_704 {strides = array<i32>} : memref<3x16x384xf32, #tpu.memory_space<vmem>>, vector<1x1x16xf32>,
        } {sc.loop_unroll_factor = 8 : i64, sc.parallel_access}
        %scan3A_648 = arith.constant 0 : i32
        scf.yield %scan3A_648 : i32
      }
      %scan3A_324 = arith.constant 24 : i32
      %multiple_of3A_325 = arith.constant 32 : i32
      %multiple_of3A_326 = tpu.assume_multiple %multiple_of3A_325, 16 : i32
      %dma_start3A_327 = arith.constant 0 : i32
      %dma_start3A_328 = arith.constant 0 : i32
      %dma_start3A_329 = tpu.memref_slice %arg4[%add3A_194, %dma_start3A_327, %multiple_of3A_326, %dma_start3A_328] : memref<128x3x384x384xf32, #tpu.memory_space<hbm>> -> memref<1x3x16x384xf32, #tpu.memory_space<hbm>>
      %dma_start3A_330 = tpu.memref_squeeze %dma_start3A_329 : memref<1x3x16x384xf32, #tpu.memory_space<hbm>> -> memref<3x16x384xf32, #tpu.memory_space<hbm>>
      %dma_start3A_331 = arith.constant 0 : i32
      %dma_start3A_332 = arith.constant 0 : i32
      %dma_start3A_333 = tpu.memref_slice %arg4[%add3A_194, %dma_start3A_331, %multiple_of3A_326, %dma_start3A_332] : memref<128x3x384x384xf32, #tpu.memory_space<hbm>> -> memref<1x3x16x384xf32, #tpu.memory_space<hbm>>
      %dma_start3A_334 = tpu.memref_squeeze %dma_start3A_333 : memref<1x3x16x384xf32, #tpu.memory_space<hbm>> -> memref<3x16x384xf32, #tpu.memory_space<hbm>>
      tpu.enqueue_dma source(%arg8 : memref<3x16x384xf32, #tpu.memory_space<vmem>>) target(%dma_start3A_334 : memref<3x16x384xf32, #tpu.memory_space<hbm>>) target_semaphore(%arg13 : memref<!tpu.dma_semaphore, #tpu.memory_space<semaphore_mem>>)
      %mul3A_335 = arith.constant 200 : i32
      %mul3A_336 = arith.muli %scan3A_190, %mul3A_335 : i32
      %add3A_337 = arith.constant 96 : i32
      %add3A_338 = arith.addi %mul3A_336, %add3A_337 : i32
      %multiple_of3A_339 = tpu.assume_multiple %add3A_338, 8 : i32
      %dma_start3A_340 = arith.constant 0 : i32
      %dma_start3A_341 = arith.constant 0 : i32
      %dma_start3A_342 = tpu.memref_slice %arg6[%dma_start3A_340, %dma_start3A_341] : memref<24x768xf32, #tpu.memory_space<vmem>> -> memref<24x768xf32, #tpu.memory_space<vmem>>
      %dma_start3A_343 = tpu.memref_slice %arg5[%multiple_of3A_339] : memref<800xi32, #tpu.memory_space<vmem>> -> memref<24xi32, #tpu.memory_space<vmem>>
      %dma_start3A_344 = arith.constant 0 : i32
      %dma_start3A_345 = arith.constant 0 : i32
      %dma_start3A_346 = tpu.memref_slice %arg3[%dma_start3A_344, %dma_start3A_345] : memref<100000x768xf32, #tpu.memory_space<hbm>> -> memref<100000x768xf32, #tpu.memory_space<hbm>>
      tpu.enqueue_indirect_dma source(%dma_start3A_346 : memref<100000x768xf32, #tpu.memory_space<hbm>>) target(%dma_start3A_342 : memref<24x768xf32, #tpu.memory_space<vmem>>) offsets(%dma_start3A_343 : memref<24xi32, #tpu.memory_space<vmem>>) semaphore(%arg11 : memref<!tpu.dma_semaphore, #tpu.memory_space<semaphore_mem>>)
      %mul3A_347 = arith.constant 200 : i32
      %mul3A_348 = arith.muli %scan3A_190, %mul3A_347 : i32
      %add3A_349 = arith.constant 72 : i32
      %add3A_350 = arith.addi %mul3A_348, %add3A_349 : i32
      %multiple_of3A_351 = tpu.assume_multiple %add3A_350, 8 : i32
      %dma_wait3A_352 = arith.constant 0 : i32
      %dma_wait3A_353 = arith.constant 0 : i32
      %dma_wait3A_354 = tpu.memref_slice %arg7[%dma_wait3A_352, %dma_wait3A_353] : memref<32x768xf32, #tpu.memory_space<vmem>> -> memref<24x768xf32, #tpu.memory_space<vmem>>
      %dma_wait3A_355 = tpu.memref_slice %arg5[%multiple_of3A_351] : memref<800xi32, #tpu.memory_space<vmem>> -> memref<24xi32, #tpu.memory_space<vmem>>
      %dma_wait3A_356 = arith.constant 0 : i32
      %dma_wait3A_357 = arith.constant 0 : i32
      %dma_wait3A_358 = tpu.memref_slice %arg3[%dma_wait3A_356, %dma_wait3A_357] : memref<100000x768xf32, #tpu.memory_space<hbm>> -> memref<100000x768xf32, #tpu.memory_space<hbm>>
      tpu.wait_indirect_dma semaphore(%arg12 : memref<!tpu.dma_semaphore, #tpu.memory_space<semaphore_mem>>) src(%dma_wait3A_358 : memref<100000x768xf32, #tpu.memory_space<hbm>>) dst(%dma_wait3A_354 : memref<24x768xf32, #tpu.memory_space<vmem>>)
      %multiple_of3A_359 = arith.constant 48 : i32
      %multiple_of3A_360 = tpu.assume_multiple %multiple_of3A_359, 16 : i32
      %dma_wait3A_361 = arith.constant 0 : i32
      %dma_wait3A_362 = arith.constant 0 : i32
      %dma_wait3A_363 = tpu.memref_slice %arg4[%add3A_194, %dma_wait3A_361, %multiple_of3A_360, %dma_wait3A_362] : memref<128x3x384x384xf32, #tpu.memory_space<hbm>> -> memref<1x3x16x384xf32, #tpu.memory_space<hbm>>
      %dma_wait3A_364 = tpu.memref_squeeze %dma_wait3A_363 : memref<1x3x16x384xf32, #tpu.memory_space<hbm>> -> memref<3x16x384xf32, #tpu.memory_space<hbm>>
      %dma_wait3A_365 = arith.constant 0 : i32
      %dma_wait3A_366 = arith.constant 0 : i32
      %dma_wait3A_367 = tpu.memref_slice %arg4[%add3A_194, %dma_wait3A_365, %multiple_of3A_360, %dma_wait3A_366] : memref<128x3x384x384xf32, #tpu.memory_space<hbm>> -> memref<1x3x16x384xf32, #tpu.memory_space<hbm>>
      %dma_wait3A_368 = tpu.memref_squeeze %dma_wait3A_367 : memref<1x3x16x384xf32, #tpu.memory_space<hbm>> -> memref<3x16x384xf32, #tpu.memory_space<hbm>>
      tpu.wait_dma2 semaphore(%arg14 : memref<!tpu.dma_semaphore, #tpu.memory_space<semaphore_mem>>) src(%arg9 : memref<3x16x384xf32, #tpu.memory_space<vmem>>) dst(%dma_wait3A_368 : memref<3x16x384xf32, #tpu.memory_space<hbm>>)
      %scan3A_369 = arith.constant 0 : i32
      %scan3A_370 = arith.constant 0 : i32
      %scan3A_371 = arith.constant 24 : i32
      %scan3A_372 = arith.addi %scan3A_370, %scan3A_371 : i32
      %scan3A_373 = arith.constant 1 : i32
      %scan3A_374 = scf.for %scan3A_640 = %scan3A_370 to %scan3A_372 step %scan3A_373 iter_args(%scan3A_641 = %scan3A_369) -> (i32)  : i32 {
        %mul3A_642 = arith.constant 16 : i32
        %mul3A_643 = arith.muli %scan3A_640, %mul3A_642 : i32
        %multiple_of3A_644 = tpu.assume_multiple %mul3A_643, 16 : i32
        %parallel_loop3A_645 = arith.constant 0 : i32
        %parallel_loop3A_646 = arith.constant 48 : i32
        %parallel_loop3A_647 = arith.constant 1 : i32
        scf.for %parallel_loop3A_649 = %parallel_loop3A_645 to %parallel_loop3A_646 step %parallel_loop3A_647  : i32 {
          %parallel_loop3A_650 = arith.constant 16 : i32
          %parallel_loop3A_651 = arith.divsi %parallel_loop3A_649, %parallel_loop3A_650 : i32
          %parallel_loop3A_652 = arith.constant 0 : i32
          %parallel_loop3A_653 = arith.cmpi sgt, %parallel_loop3A_649, %parallel_loop3A_652 : i32
          %parallel_loop3A_654 = arith.extui %parallel_loop3A_653 : i1 to i32
          %parallel_loop3A_655 = arith.constant 0 : i32
          %parallel_loop3A_656 = arith.cmpi slt, %parallel_loop3A_649, %parallel_loop3A_655 : i32
          %parallel_loop3A_657 = arith.extui %parallel_loop3A_656 : i1 to i32
          %parallel_loop3A_658 = arith.subi %parallel_loop3A_654, %parallel_loop3A_657 : i32
          %parallel_loop3A_659 = arith.constant 0 : i32
          %parallel_loop3A_660 = arith.cmpi sgt, %parallel_loop3A_650, %parallel_loop3A_659 : i32
          %parallel_loop3A_661 = arith.extui %parallel_loop3A_660 : i1 to i32
          %parallel_loop3A_662 = arith.constant 0 : i32
          %parallel_loop3A_663 = arith.cmpi slt, %parallel_loop3A_650, %parallel_loop3A_662 : i32
          %parallel_loop3A_664 = arith.extui %parallel_loop3A_663 : i1 to i32
          %parallel_loop3A_665 = arith.subi %parallel_loop3A_661, %parallel_loop3A_664 : i32
          %parallel_loop3A_666 = arith.cmpi ne, %parallel_loop3A_658, %parallel_loop3A_665 : i32
          %parallel_loop3A_667 = arith.remsi %parallel_loop3A_649, %parallel_loop3A_650 : i32
          %parallel_loop3A_668 = arith.constant 0 : i32
          %parallel_loop3A_669 = arith.cmpi ne, %parallel_loop3A_667, %parallel_loop3A_668 : i32
          %parallel_loop3A_670 = arith.andi %parallel_loop3A_666, %parallel_loop3A_669 : i1
          %parallel_loop3A_671 = arith.constant 1 : i32
          %parallel_loop3A_672 = arith.subi %parallel_loop3A_651, %parallel_loop3A_671 : i32
          %parallel_loop3A_673 = arith.select %parallel_loop3A_670, %parallel_loop3A_672, %parallel_loop3A_651 : i32
          %parallel_loop3A_674 = arith.constant 16 : i32
          %parallel_loop3A_675 = arith.muli %parallel_loop3A_673, %parallel_loop3A_674 : i32
          %parallel_loop3A_676 = arith.subi %parallel_loop3A_649, %parallel_loop3A_675 : i32
          %parallel_loop3A_677 = arith.constant 0 : i32
          %parallel_loop3A_678 = arith.addi %scan3A_640, %parallel_loop3A_677 : i32
          %parallel_loop3A_679 = arith.constant 16 : i32
          %parallel_loop3A_680 = arith.muli %parallel_loop3A_649, %parallel_loop3A_679 : i32
          %parallel_loop3A_681 = tpu.assume_multiple %parallel_loop3A_680, 16 : i32
          %parallel_loop3A_682 = arith.index_cast %parallel_loop3A_678 : i32 to index
          %parallel_loop3A_683 = arith.index_cast %parallel_loop3A_681 : i32 to index
          %parallel_loop3A_684 = tpu.vector_load %arg7[%parallel_loop3A_682, %parallel_loop3A_683] {strides = array<i32>} : memref<32x768xf32, #tpu.memory_space<vmem>>, vector<1x16xf32>,
          %parallel_loop3A_685 = vector.shape_cast %parallel_loop3A_684 : vector<1x16xf32> to vector<16xf32>
          %parallel_loop3A_686 = arith.constant 2.000000e+00 : f32
          %parallel_loop3A_687 = vector.broadcast %parallel_loop3A_686 : f32 to vector<16xf32>
          %parallel_loop3A_688 = arith.mulf %parallel_loop3A_687, %parallel_loop3A_685 : vector<16xf32>
          %parallel_loop3A_689 = math.exp %parallel_loop3A_688 : vector<16xf32>
          %parallel_loop3A_690 = arith.constant 1.000000e+00 : f32
          %parallel_loop3A_691 = vector.broadcast %parallel_loop3A_690 : f32 to vector<16xf32>
          %parallel_loop3A_692 = arith.addf %parallel_loop3A_689, %parallel_loop3A_691 : vector<16xf32>
          %parallel_loop3A_693 = arith.constant 2.000000e+00 : f32
          %parallel_loop3A_694 = vector.broadcast %parallel_loop3A_693 : f32 to vector<16xf32>
          %parallel_loop3A_695 = arith.divf %parallel_loop3A_694, %parallel_loop3A_692 : vector<16xf32>
          %parallel_loop3A_696 = arith.constant 1.000000e+00 : f32
          %parallel_loop3A_697 = vector.broadcast %parallel_loop3A_696 : f32 to vector<16xf32>
          %parallel_loop3A_698 = arith.subf %parallel_loop3A_697, %parallel_loop3A_695 : vector<16xf32>
          %parallel_loop3A_699 = arith.index_cast %parallel_loop3A_673 : i32 to index
          %parallel_loop3A_700 = arith.index_cast %parallel_loop3A_676 : i32 to index
          %parallel_loop3A_701 = arith.index_cast %multiple_of3A_644 : i32 to index
          %parallel_loop3A_702 = tpu.vector_load %arg9[%parallel_loop3A_699, %parallel_loop3A_700, %parallel_loop3A_701] {strides = array<i32>} : memref<3x16x384xf32, #tpu.memory_space<vmem>>, vector<1x1x16xf32>,
          %parallel_loop3A_703 = vector.shape_cast %parallel_loop3A_702 : vector<1x1x16xf32> to vector<16xf32>
          %parallel_loop3A_704 = vector.shape_cast %parallel_loop3A_698 : vector<16xf32> to vector<1x1x16xf32>
          tpu.vector_store %arg9[%parallel_loop3A_699, %parallel_loop3A_700, %parallel_loop3A_701], %parallel_loop3A_704 {strides = array<i32>} : memref<3x16x384xf32, #tpu.memory_space<vmem>>, vector<1x1x16xf32>,
        } {sc.loop_unroll_factor = 8 : i64, sc.parallel_access}
        %scan3A_648 = arith.constant 0 : i32
        scf.yield %scan3A_648 : i32
      }
      %scan3A_375 = arith.constant 24 : i32
      %multiple_of3A_376 = arith.constant 48 : i32
      %multiple_of3A_377 = tpu.assume_multiple %multiple_of3A_376, 16 : i32
      %dma_start3A_378 = arith.constant 0 : i32
      %dma_start3A_379 = arith.constant 0 : i32
      %dma_start3A_380 = tpu.memref_slice %arg4[%add3A_194, %dma_start3A_378, %multiple_of3A_377, %dma_start3A_379] : memref<128x3x384x384xf32, #tpu.memory_space<hbm>> -> memref<1x3x16x384xf32, #tpu.memory_space<hbm>>
      %dma_start3A_381 = tpu.memref_squeeze %dma_start3A_380 : memref<1x3x16x384xf32, #tpu.memory_space<hbm>> -> memref<3x16x384xf32, #tpu.memory_space<hbm>>
      %dma_start3A_382 = arith.constant 0 : i32
      %dma_start3A_383 = arith.constant 0 : i32
      %dma_start3A_384 = tpu.memref_slice %arg4[%add3A_194, %dma_start3A_382, %multiple_of3A_377, %dma_start3A_383] : memref<128x3x384x384xf32, #tpu.memory_space<hbm>> -> memref<1x3x16x384xf32, #tpu.memory_space<hbm>>
      %dma_start3A_385 = tpu.memref_squeeze %dma_start3A_384 : memref<1x3x16x384xf32, #tpu.memory_space<hbm>> -> memref<3x16x384xf32, #tpu.memory_space<hbm>>
      tpu.enqueue_dma source(%arg9 : memref<3x16x384xf32, #tpu.memory_space<vmem>>) target(%dma_start3A_385 : memref<3x16x384xf32, #tpu.memory_space<hbm>>) target_semaphore(%arg14 : memref<!tpu.dma_semaphore, #tpu.memory_space<semaphore_mem>>)
      %mul3A_386 = arith.constant 200 : i32
      %mul3A_387 = arith.muli %scan3A_190, %mul3A_386 : i32
      %add3A_388 = arith.constant 120 : i32
      %add3A_389 = arith.addi %mul3A_387, %add3A_388 : i32
      %multiple_of3A_390 = tpu.assume_multiple %add3A_389, 8 : i32
      %dma_start3A_391 = arith.constant 0 : i32
      %dma_start3A_392 = arith.constant 0 : i32
      %dma_start3A_393 = tpu.memref_slice %arg7[%dma_start3A_391, %dma_start3A_392] : memref<32x768xf32, #tpu.memory_space<vmem>> -> memref<24x768xf32, #tpu.memory_space<vmem>>
      %dma_start3A_394 = tpu.memref_slice %arg5[%multiple_of3A_390] : memref<800xi32, #tpu.memory_space<vmem>> -> memref<24xi32, #tpu.memory_space<vmem>>
      %dma_start3A_395 = arith.constant 0 : i32
      %dma_start3A_396 = arith.constant 0 : i32
      %dma_start3A_397 = tpu.memref_slice %arg3[%dma_start3A_395, %dma_start3A_396] : memref<100000x768xf32, #tpu.memory_space<hbm>> -> memref<100000x768xf32, #tpu.memory_space<hbm>>
      tpu.enqueue_indirect_dma source(%dma_start3A_397 : memref<100000x768xf32, #tpu.memory_space<hbm>>) target(%dma_start3A_393 : memref<24x768xf32, #tpu.memory_space<vmem>>) offsets(%dma_start3A_394 : memref<24xi32, #tpu.memory_space<vmem>>) semaphore(%arg12 : memref<!tpu.dma_semaphore, #tpu.memory_space<semaphore_mem>>)
      %mul3A_398 = arith.constant 200 : i32
      %mul3A_399 = arith.muli %scan3A_190, %mul3A_398 : i32
      %add3A_400 = arith.constant 96 : i32
      %add3A_401 = arith.addi %mul3A_399, %add3A_400 : i32
      %multiple_of3A_402 = tpu.assume_multiple %add3A_401, 8 : i32
      %dma_wait3A_403 = arith.constant 0 : i32
      %dma_wait3A_404 = arith.constant 0 : i32
      %dma_wait3A_405 = tpu.memref_slice %arg6[%dma_wait3A_403, %dma_wait3A_404] : memref<24x768xf32, #tpu.memory_space<vmem>> -> memref<24x768xf32, #tpu.memory_space<vmem>>
      %dma_wait3A_406 = tpu.memref_slice %arg5[%multiple_of3A_402] : memref<800xi32, #tpu.memory_space<vmem>> -> memref<24xi32, #tpu.memory_space<vmem>>
      %dma_wait3A_407 = arith.constant 0 : i32
      %dma_wait3A_408 = arith.constant 0 : i32
      %dma_wait3A_409 = tpu.memref_slice %arg3[%dma_wait3A_407, %dma_wait3A_408] : memref<100000x768xf32, #tpu.memory_space<hbm>> -> memref<100000x768xf32, #tpu.memory_space<hbm>>
      tpu.wait_indirect_dma semaphore(%arg11 : memref<!tpu.dma_semaphore, #tpu.memory_space<semaphore_mem>>) src(%dma_wait3A_409 : memref<100000x768xf32, #tpu.memory_space<hbm>>) dst(%dma_wait3A_405 : memref<24x768xf32, #tpu.memory_space<vmem>>)
      %multiple_of3A_410 = arith.constant 64 : i32
      %multiple_of3A_411 = tpu.assume_multiple %multiple_of3A_410, 16 : i32
      %dma_wait3A_412 = arith.constant 0 : i32
      %dma_wait3A_413 = arith.constant 0 : i32
      %dma_wait3A_414 = tpu.memref_slice %arg4[%add3A_194, %dma_wait3A_412, %multiple_of3A_411, %dma_wait3A_413] : memref<128x3x384x384xf32, #tpu.memory_space<hbm>> -> memref<1x3x16x384xf32, #tpu.memory_space<hbm>>
      %dma_wait3A_415 = tpu.memref_squeeze %dma_wait3A_414 : memref<1x3x16x384xf32, #tpu.memory_space<hbm>> -> memref<3x16x384xf32, #tpu.memory_space<hbm>>
      %dma_wait3A_416 = arith.constant 0 : i32
      %dma_wait3A_417 = arith.constant 0 : i32
      %dma_wait3A_418 = tpu.memref_slice %arg4[%add3A_194, %dma_wait3A_416, %multiple_of3A_411, %dma_wait3A_417] : memref<128x3x384x384xf32, #tpu.memory_space<hbm>> -> memref<1x3x16x384xf32, #tpu.memory_space<hbm>>
      %dma_wait3A_419 = tpu.memref_squeeze %dma_wait3A_418 : memref<1x3x16x384xf32, #tpu.memory_space<hbm>> -> memref<3x16x384xf32, #tpu.memory_space<hbm>>
      tpu.wait_dma2 semaphore(%arg13 : memref<!tpu.dma_semaphore, #tpu.memory_space<semaphore_mem>>) src(%arg8 : memref<3x16x384xf32, #tpu.memory_space<vmem>>) dst(%dma_wait3A_419 : memref<3x16x384xf32, #tpu.memory_space<hbm>>)
      %scan3A_420 = arith.constant 0 : i32
      %scan3A_421 = arith.constant 0 : i32
      %scan3A_422 = arith.constant 24 : i32
      %scan3A_423 = arith.addi %scan3A_421, %scan3A_422 : i32
      %scan3A_424 = arith.constant 1 : i32
      %scan3A_425 = scf.for %scan3A_640 = %scan3A_421 to %scan3A_423 step %scan3A_424 iter_args(%scan3A_641 = %scan3A_420) -> (i32)  : i32 {
        %mul3A_642 = arith.constant 16 : i32
        %mul3A_643 = arith.muli %scan3A_640, %mul3A_642 : i32
        %multiple_of3A_644 = tpu.assume_multiple %mul3A_643, 16 : i32
        %parallel_loop3A_645 = arith.constant 0 : i32
        %parallel_loop3A_646 = arith.constant 48 : i32
        %parallel_loop3A_647 = arith.constant 1 : i32
        scf.for %parallel_loop3A_649 = %parallel_loop3A_645 to %parallel_loop3A_646 step %parallel_loop3A_647  : i32 {
          %parallel_loop3A_650 = arith.constant 16 : i32
          %parallel_loop3A_651 = arith.divsi %parallel_loop3A_649, %parallel_loop3A_650 : i32
          %parallel_loop3A_652 = arith.constant 0 : i32
          %parallel_loop3A_653 = arith.cmpi sgt, %parallel_loop3A_649, %parallel_loop3A_652 : i32
          %parallel_loop3A_654 = arith.extui %parallel_loop3A_653 : i1 to i32
          %parallel_loop3A_655 = arith.constant 0 : i32
          %parallel_loop3A_656 = arith.cmpi slt, %parallel_loop3A_649, %parallel_loop3A_655 : i32
          %parallel_loop3A_657 = arith.extui %parallel_loop3A_656 : i1 to i32
          %parallel_loop3A_658 = arith.subi %parallel_loop3A_654, %parallel_loop3A_657 : i32
          %parallel_loop3A_659 = arith.constant 0 : i32
          %parallel_loop3A_660 = arith.cmpi sgt, %parallel_loop3A_650, %parallel_loop3A_659 : i32
          %parallel_loop3A_661 = arith.extui %parallel_loop3A_660 : i1 to i32
          %parallel_loop3A_662 = arith.constant 0 : i32
          %parallel_loop3A_663 = arith.cmpi slt, %parallel_loop3A_650, %parallel_loop3A_662 : i32
          %parallel_loop3A_664 = arith.extui %parallel_loop3A_663 : i1 to i32
          %parallel_loop3A_665 = arith.subi %parallel_loop3A_661, %parallel_loop3A_664 : i32
          %parallel_loop3A_666 = arith.cmpi ne, %parallel_loop3A_658, %parallel_loop3A_665 : i32
          %parallel_loop3A_667 = arith.remsi %parallel_loop3A_649, %parallel_loop3A_650 : i32
          %parallel_loop3A_668 = arith.constant 0 : i32
          %parallel_loop3A_669 = arith.cmpi ne, %parallel_loop3A_667, %parallel_loop3A_668 : i32
          %parallel_loop3A_670 = arith.andi %parallel_loop3A_666, %parallel_loop3A_669 : i1
          %parallel_loop3A_671 = arith.constant 1 : i32
          %parallel_loop3A_672 = arith.subi %parallel_loop3A_651, %parallel_loop3A_671 : i32
          %parallel_loop3A_673 = arith.select %parallel_loop3A_670, %parallel_loop3A_672, %parallel_loop3A_651 : i32
          %parallel_loop3A_674 = arith.constant 16 : i32
          %parallel_loop3A_675 = arith.muli %parallel_loop3A_673, %parallel_loop3A_674 : i32
          %parallel_loop3A_676 = arith.subi %parallel_loop3A_649, %parallel_loop3A_675 : i32
          %parallel_loop3A_677 = arith.constant 0 : i32
          %parallel_loop3A_678 = arith.addi %scan3A_640, %parallel_loop3A_677 : i32
          %parallel_loop3A_679 = arith.constant 16 : i32
          %parallel_loop3A_680 = arith.muli %parallel_loop3A_649, %parallel_loop3A_679 : i32
          %parallel_loop3A_681 = tpu.assume_multiple %parallel_loop3A_680, 16 : i32
          %parallel_loop3A_682 = arith.index_cast %parallel_loop3A_678 : i32 to index
          %parallel_loop3A_683 = arith.index_cast %parallel_loop3A_681 : i32 to index
          %parallel_loop3A_684 = tpu.vector_load %arg6[%parallel_loop3A_682, %parallel_loop3A_683] {strides = array<i32>} : memref<24x768xf32, #tpu.memory_space<vmem>>, vector<1x16xf32>,
          %parallel_loop3A_685 = vector.shape_cast %parallel_loop3A_684 : vector<1x16xf32> to vector<16xf32>
          %parallel_loop3A_686 = arith.constant 2.000000e+00 : f32
          %parallel_loop3A_687 = vector.broadcast %parallel_loop3A_686 : f32 to vector<16xf32>
          %parallel_loop3A_688 = arith.mulf %parallel_loop3A_687, %parallel_loop3A_685 : vector<16xf32>
          %parallel_loop3A_689 = math.exp %parallel_loop3A_688 : vector<16xf32>
          %parallel_loop3A_690 = arith.constant 1.000000e+00 : f32
          %parallel_loop3A_691 = vector.broadcast %parallel_loop3A_690 : f32 to vector<16xf32>
          %parallel_loop3A_692 = arith.addf %parallel_loop3A_689, %parallel_loop3A_691 : vector<16xf32>
          %parallel_loop3A_693 = arith.constant 2.000000e+00 : f32
          %parallel_loop3A_694 = vector.broadcast %parallel_loop3A_693 : f32 to vector<16xf32>
          %parallel_loop3A_695 = arith.divf %parallel_loop3A_694, %parallel_loop3A_692 : vector<16xf32>
          %parallel_loop3A_696 = arith.constant 1.000000e+00 : f32
          %parallel_loop3A_697 = vector.broadcast %parallel_loop3A_696 : f32 to vector<16xf32>
          %parallel_loop3A_698 = arith.subf %parallel_loop3A_697, %parallel_loop3A_695 : vector<16xf32>
          %parallel_loop3A_699 = arith.index_cast %parallel_loop3A_673 : i32 to index
          %parallel_loop3A_700 = arith.index_cast %parallel_loop3A_676 : i32 to index
          %parallel_loop3A_701 = arith.index_cast %multiple_of3A_644 : i32 to index
          %parallel_loop3A_702 = tpu.vector_load %arg8[%parallel_loop3A_699, %parallel_loop3A_700, %parallel_loop3A_701] {strides = array<i32>} : memref<3x16x384xf32, #tpu.memory_space<vmem>>, vector<1x1x16xf32>,
          %parallel_loop3A_703 = vector.shape_cast %parallel_loop3A_702 : vector<1x1x16xf32> to vector<16xf32>
          %parallel_loop3A_704 = vector.shape_cast %parallel_loop3A_698 : vector<16xf32> to vector<1x1x16xf32>
          tpu.vector_store %arg8[%parallel_loop3A_699, %parallel_loop3A_700, %parallel_loop3A_701], %parallel_loop3A_704 {strides = array<i32>} : memref<3x16x384xf32, #tpu.memory_space<vmem>>, vector<1x1x16xf32>,
        } {sc.loop_unroll_factor = 8 : i64, sc.parallel_access}
        %scan3A_648 = arith.constant 0 : i32
        scf.yield %scan3A_648 : i32
      }
      %scan3A_426 = arith.constant 24 : i32
      %multiple_of3A_427 = arith.constant 64 : i32
      %multiple_of3A_428 = tpu.assume_multiple %multiple_of3A_427, 16 : i32
      %dma_start3A_429 = arith.constant 0 : i32
      %dma_start3A_430 = arith.constant 0 : i32
      %dma_start3A_431 = tpu.memref_slice %arg4[%add3A_194, %dma_start3A_429, %multiple_of3A_428, %dma_start3A_430] : memref<128x3x384x384xf32, #tpu.memory_space<hbm>> -> memref<1x3x16x384xf32, #tpu.memory_space<hbm>>
      %dma_start3A_432 = tpu.memref_squeeze %dma_start3A_431 : memref<1x3x16x384xf32, #tpu.memory_space<hbm>> -> memref<3x16x384xf32, #tpu.memory_space<hbm>>
      %dma_start3A_433 = arith.constant 0 : i32
      %dma_start3A_434 = arith.constant 0 : i32
      %dma_start3A_435 = tpu.memref_slice %arg4[%add3A_194, %dma_start3A_433, %multiple_of3A_428, %dma_start3A_434] : memref<128x3x384x384xf32, #tpu.memory_space<hbm>> -> memref<1x3x16x384xf32, #tpu.memory_space<hbm>>
      %dma_start3A_436 = tpu.memref_squeeze %dma_start3A_435 : memref<1x3x16x384xf32, #tpu.memory_space<hbm>> -> memref<3x16x384xf32, #tpu.memory_space<hbm>>
      tpu.enqueue_dma source(%arg8 : memref<3x16x384xf32, #tpu.memory_space<vmem>>) target(%dma_start3A_436 : memref<3x16x384xf32, #tpu.memory_space<hbm>>) target_semaphore(%arg13 : memref<!tpu.dma_semaphore, #tpu.memory_space<semaphore_mem>>)
      %mul3A_437 = arith.constant 200 : i32
      %mul3A_438 = arith.muli %scan3A_190, %mul3A_437 : i32
      %add3A_439 = arith.constant 144 : i32
      %add3A_440 = arith.addi %mul3A_438, %add3A_439 : i32
      %multiple_of3A_441 = tpu.assume_multiple %add3A_440, 8 : i32
      %dma_start3A_442 = arith.constant 0 : i32
      %dma_start3A_443 = arith.constant 0 : i32
      %dma_start3A_444 = tpu.memref_slice %arg6[%dma_start3A_442, %dma_start3A_443] : memref<24x768xf32, #tpu.memory_space<vmem>> -> memref<24x768xf32, #tpu.memory_space<vmem>>
      %dma_start3A_445 = tpu.memref_slice %arg5[%multiple_of3A_441] : memref<800xi32, #tpu.memory_space<vmem>> -> memref<24xi32, #tpu.memory_space<vmem>>
      %dma_start3A_446 = arith.constant 0 : i32
      %dma_start3A_447 = arith.constant 0 : i32
      %dma_start3A_448 = tpu.memref_slice %arg3[%dma_start3A_446, %dma_start3A_447] : memref<100000x768xf32, #tpu.memory_space<hbm>> -> memref<100000x768xf32, #tpu.memory_space<hbm>>
      tpu.enqueue_indirect_dma source(%dma_start3A_448 : memref<100000x768xf32, #tpu.memory_space<hbm>>) target(%dma_start3A_444 : memref<24x768xf32, #tpu.memory_space<vmem>>) offsets(%dma_start3A_445 : memref<24xi32, #tpu.memory_space<vmem>>) semaphore(%arg11 : memref<!tpu.dma_semaphore, #tpu.memory_space<semaphore_mem>>)
      %mul3A_449 = arith.constant 200 : i32
      %mul3A_450 = arith.muli %scan3A_190, %mul3A_449 : i32
      %add3A_451 = arith.constant 120 : i32
      %add3A_452 = arith.addi %mul3A_450, %add3A_451 : i32
      %multiple_of3A_453 = tpu.assume_multiple %add3A_452, 8 : i32
      %dma_wait3A_454 = arith.constant 0 : i32
      %dma_wait3A_455 = arith.constant 0 : i32
      %dma_wait3A_456 = tpu.memref_slice %arg7[%dma_wait3A_454, %dma_wait3A_455] : memref<32x768xf32, #tpu.memory_space<vmem>> -> memref<24x768xf32, #tpu.memory_space<vmem>>
      %dma_wait3A_457 = tpu.memref_slice %arg5[%multiple_of3A_453] : memref<800xi32, #tpu.memory_space<vmem>> -> memref<24xi32, #tpu.memory_space<vmem>>
      %dma_wait3A_458 = arith.constant 0 : i32
      %dma_wait3A_459 = arith.constant 0 : i32
      %dma_wait3A_460 = tpu.memref_slice %arg3[%dma_wait3A_458, %dma_wait3A_459] : memref<100000x768xf32, #tpu.memory_space<hbm>> -> memref<100000x768xf32, #tpu.memory_space<hbm>>
      tpu.wait_indirect_dma semaphore(%arg12 : memref<!tpu.dma_semaphore, #tpu.memory_space<semaphore_mem>>) src(%dma_wait3A_460 : memref<100000x768xf32, #tpu.memory_space<hbm>>) dst(%dma_wait3A_456 : memref<24x768xf32, #tpu.memory_space<vmem>>)
      %multiple_of3A_461 = arith.constant 80 : i32
      %multiple_of3A_462 = tpu.assume_multiple %multiple_of3A_461, 16 : i32
      %dma_wait3A_463 = arith.constant 0 : i32
      %dma_wait3A_464 = arith.constant 0 : i32
      %dma_wait3A_465 = tpu.memref_slice %arg4[%add3A_194, %dma_wait3A_463, %multiple_of3A_462, %dma_wait3A_464] : memref<128x3x384x384xf32, #tpu.memory_space<hbm>> -> memref<1x3x16x384xf32, #tpu.memory_space<hbm>>
      %dma_wait3A_466 = tpu.memref_squeeze %dma_wait3A_465 : memref<1x3x16x384xf32, #tpu.memory_space<hbm>> -> memref<3x16x384xf32, #tpu.memory_space<hbm>>
      %dma_wait3A_467 = arith.constant 0 : i32
      %dma_wait3A_468 = arith.constant 0 : i32
      %dma_wait3A_469 = tpu.memref_slice %arg4[%add3A_194, %dma_wait3A_467, %multiple_of3A_462, %dma_wait3A_468] : memref<128x3x384x384xf32, #tpu.memory_space<hbm>> -> memref<1x3x16x384xf32, #tpu.memory_space<hbm>>
      %dma_wait3A_470 = tpu.memref_squeeze %dma_wait3A_469 : memref<1x3x16x384xf32, #tpu.memory_space<hbm>> -> memref<3x16x384xf32, #tpu.memory_space<hbm>>
      tpu.wait_dma2 semaphore(%arg14 : memref<!tpu.dma_semaphore, #tpu.memory_space<semaphore_mem>>) src(%arg9 : memref<3x16x384xf32, #tpu.memory_space<vmem>>) dst(%dma_wait3A_470 : memref<3x16x384xf32, #tpu.memory_space<hbm>>)
      %scan3A_471 = arith.constant 0 : i32
      %scan3A_472 = arith.constant 0 : i32
      %scan3A_473 = arith.constant 24 : i32
      %scan3A_474 = arith.addi %scan3A_472, %scan3A_473 : i32
      %scan3A_475 = arith.constant 1 : i32
      %scan3A_476 = scf.for %scan3A_640 = %scan3A_472 to %scan3A_474 step %scan3A_475 iter_args(%scan3A_641 = %scan3A_471) -> (i32)  : i32 {
        %mul3A_642 = arith.constant 16 : i32
        %mul3A_643 = arith.muli %scan3A_640, %mul3A_642 : i32
        %multiple_of3A_644 = tpu.assume_multiple %mul3A_643, 16 : i32
        %parallel_loop3A_645 = arith.constant 0 : i32
        %parallel_loop3A_646 = arith.constant 48 : i32
        %parallel_loop3A_647 = arith.constant 1 : i32
        scf.for %parallel_loop3A_649 = %parallel_loop3A_645 to %parallel_loop3A_646 step %parallel_loop3A_647  : i32 {
          %parallel_loop3A_650 = arith.constant 16 : i32
          %parallel_loop3A_651 = arith.divsi %parallel_loop3A_649, %parallel_loop3A_650 : i32
          %parallel_loop3A_652 = arith.constant 0 : i32
          %parallel_loop3A_653 = arith.cmpi sgt, %parallel_loop3A_649, %parallel_loop3A_652 : i32
          %parallel_loop3A_654 = arith.extui %parallel_loop3A_653 : i1 to i32
          %parallel_loop3A_655 = arith.constant 0 : i32
          %parallel_loop3A_656 = arith.cmpi slt, %parallel_loop3A_649, %parallel_loop3A_655 : i32
          %parallel_loop3A_657 = arith.extui %parallel_loop3A_656 : i1 to i32
          %parallel_loop3A_658 = arith.subi %parallel_loop3A_654, %parallel_loop3A_657 : i32
          %parallel_loop3A_659 = arith.constant 0 : i32
          %parallel_loop3A_660 = arith.cmpi sgt, %parallel_loop3A_650, %parallel_loop3A_659 : i32
          %parallel_loop3A_661 = arith.extui %parallel_loop3A_660 : i1 to i32
          %parallel_loop3A_662 = arith.constant 0 : i32
          %parallel_loop3A_663 = arith.cmpi slt, %parallel_loop3A_650, %parallel_loop3A_662 : i32
          %parallel_loop3A_664 = arith.extui %parallel_loop3A_663 : i1 to i32
          %parallel_loop3A_665 = arith.subi %parallel_loop3A_661, %parallel_loop3A_664 : i32
          %parallel_loop3A_666 = arith.cmpi ne, %parallel_loop3A_658, %parallel_loop3A_665 : i32
          %parallel_loop3A_667 = arith.remsi %parallel_loop3A_649, %parallel_loop3A_650 : i32
          %parallel_loop3A_668 = arith.constant 0 : i32
          %parallel_loop3A_669 = arith.cmpi ne, %parallel_loop3A_667, %parallel_loop3A_668 : i32
          %parallel_loop3A_670 = arith.andi %parallel_loop3A_666, %parallel_loop3A_669 : i1
          %parallel_loop3A_671 = arith.constant 1 : i32
          %parallel_loop3A_672 = arith.subi %parallel_loop3A_651, %parallel_loop3A_671 : i32
          %parallel_loop3A_673 = arith.select %parallel_loop3A_670, %parallel_loop3A_672, %parallel_loop3A_651 : i32
          %parallel_loop3A_674 = arith.constant 16 : i32
          %parallel_loop3A_675 = arith.muli %parallel_loop3A_673, %parallel_loop3A_674 : i32
          %parallel_loop3A_676 = arith.subi %parallel_loop3A_649, %parallel_loop3A_675 : i32
          %parallel_loop3A_677 = arith.constant 0 : i32
          %parallel_loop3A_678 = arith.addi %scan3A_640, %parallel_loop3A_677 : i32
          %parallel_loop3A_679 = arith.constant 16 : i32
          %parallel_loop3A_680 = arith.muli %parallel_loop3A_649, %parallel_loop3A_679 : i32
          %parallel_loop3A_681 = tpu.assume_multiple %parallel_loop3A_680, 16 : i32
          %parallel_loop3A_682 = arith.index_cast %parallel_loop3A_678 : i32 to index
          %parallel_loop3A_683 = arith.index_cast %parallel_loop3A_681 : i32 to index
          %parallel_loop3A_684 = tpu.vector_load %arg7[%parallel_loop3A_682, %parallel_loop3A_683] {strides = array<i32>} : memref<32x768xf32, #tpu.memory_space<vmem>>, vector<1x16xf32>,
          %parallel_loop3A_685 = vector.shape_cast %parallel_loop3A_684 : vector<1x16xf32> to vector<16xf32>
          %parallel_loop3A_686 = arith.constant 2.000000e+00 : f32
          %parallel_loop3A_687 = vector.broadcast %parallel_loop3A_686 : f32 to vector<16xf32>
          %parallel_loop3A_688 = arith.mulf %parallel_loop3A_687, %parallel_loop3A_685 : vector<16xf32>
          %parallel_loop3A_689 = math.exp %parallel_loop3A_688 : vector<16xf32>
          %parallel_loop3A_690 = arith.constant 1.000000e+00 : f32
          %parallel_loop3A_691 = vector.broadcast %parallel_loop3A_690 : f32 to vector<16xf32>
          %parallel_loop3A_692 = arith.addf %parallel_loop3A_689, %parallel_loop3A_691 : vector<16xf32>
          %parallel_loop3A_693 = arith.constant 2.000000e+00 : f32
          %parallel_loop3A_694 = vector.broadcast %parallel_loop3A_693 : f32 to vector<16xf32>
          %parallel_loop3A_695 = arith.divf %parallel_loop3A_694, %parallel_loop3A_692 : vector<16xf32>
          %parallel_loop3A_696 = arith.constant 1.000000e+00 : f32
          %parallel_loop3A_697 = vector.broadcast %parallel_loop3A_696 : f32 to vector<16xf32>
          %parallel_loop3A_698 = arith.subf %parallel_loop3A_697, %parallel_loop3A_695 : vector<16xf32>
          %parallel_loop3A_699 = arith.index_cast %parallel_loop3A_673 : i32 to index
          %parallel_loop3A_700 = arith.index_cast %parallel_loop3A_676 : i32 to index
          %parallel_loop3A_701 = arith.index_cast %multiple_of3A_644 : i32 to index
          %parallel_loop3A_702 = tpu.vector_load %arg9[%parallel_loop3A_699, %parallel_loop3A_700, %parallel_loop3A_701] {strides = array<i32>} : memref<3x16x384xf32, #tpu.memory_space<vmem>>, vector<1x1x16xf32>,
          %parallel_loop3A_703 = vector.shape_cast %parallel_loop3A_702 : vector<1x1x16xf32> to vector<16xf32>
          %parallel_loop3A_704 = vector.shape_cast %parallel_loop3A_698 : vector<16xf32> to vector<1x1x16xf32>
          tpu.vector_store %arg9[%parallel_loop3A_699, %parallel_loop3A_700, %parallel_loop3A_701], %parallel_loop3A_704 {strides = array<i32>} : memref<3x16x384xf32, #tpu.memory_space<vmem>>, vector<1x1x16xf32>,
        } {sc.loop_unroll_factor = 8 : i64, sc.parallel_access}
        %scan3A_648 = arith.constant 0 : i32
        scf.yield %scan3A_648 : i32
      }
      %scan3A_477 = arith.constant 24 : i32
      %multiple_of3A_478 = arith.constant 80 : i32
      %multiple_of3A_479 = tpu.assume_multiple %multiple_of3A_478, 16 : i32
      %dma_start3A_480 = arith.constant 0 : i32
      %dma_start3A_481 = arith.constant 0 : i32
      %dma_start3A_482 = tpu.memref_slice %arg4[%add3A_194, %dma_start3A_480, %multiple_of3A_479, %dma_start3A_481] : memref<128x3x384x384xf32, #tpu.memory_space<hbm>> -> memref<1x3x16x384xf32, #tpu.memory_space<hbm>>
      %dma_start3A_483 = tpu.memref_squeeze %dma_start3A_482 : memref<1x3x16x384xf32, #tpu.memory_space<hbm>> -> memref<3x16x384xf32, #tpu.memory_space<hbm>>
      %dma_start3A_484 = arith.constant 0 : i32
      %dma_start3A_485 = arith.constant 0 : i32
      %dma_start3A_486 = tpu.memref_slice %arg4[%add3A_194, %dma_start3A_484, %multiple_of3A_479, %dma_start3A_485] : memref<128x3x384x384xf32, #tpu.memory_space<hbm>> -> memref<1x3x16x384xf32, #tpu.memory_space<hbm>>
      %dma_start3A_487 = tpu.memref_squeeze %dma_start3A_486 : memref<1x3x16x384xf32, #tpu.memory_space<hbm>> -> memref<3x16x384xf32, #tpu.memory_space<hbm>>
      tpu.enqueue_dma source(%arg9 : memref<3x16x384xf32, #tpu.memory_space<vmem>>) target(%dma_start3A_487 : memref<3x16x384xf32, #tpu.memory_space<hbm>>) target_semaphore(%arg14 : memref<!tpu.dma_semaphore, #tpu.memory_space<semaphore_mem>>)
      %mul3A_488 = arith.constant 200 : i32
      %mul3A_489 = arith.muli %scan3A_190, %mul3A_488 : i32
      %add3A_490 = arith.constant 168 : i32
      %add3A_491 = arith.addi %mul3A_489, %add3A_490 : i32
      %multiple_of3A_492 = tpu.assume_multiple %add3A_491, 8 : i32
      %dma_start3A_493 = arith.constant 0 : i32
      %dma_start3A_494 = arith.constant 0 : i32
      %dma_start3A_495 = tpu.memref_slice %arg7[%dma_start3A_493, %dma_start3A_494] : memref<32x768xf32, #tpu.memory_space<vmem>> -> memref<32x768xf32, #tpu.memory_space<vmem>>
      %dma_start3A_496 = tpu.memref_slice %arg5[%multiple_of3A_492] : memref<800xi32, #tpu.memory_space<vmem>> -> memref<32xi32, #tpu.memory_space<vmem>>
      %dma_start3A_497 = arith.constant 0 : i32
      %dma_start3A_498 = arith.constant 0 : i32
      %dma_start3A_499 = tpu.memref_slice %arg3[%dma_start3A_497, %dma_start3A_498] : memref<100000x768xf32, #tpu.memory_space<hbm>> -> memref<100000x768xf32, #tpu.memory_space<hbm>>
      tpu.enqueue_indirect_dma source(%dma_start3A_499 : memref<100000x768xf32, #tpu.memory_space<hbm>>) target(%dma_start3A_495 : memref<32x768xf32, #tpu.memory_space<vmem>>) offsets(%dma_start3A_496 : memref<32xi32, #tpu.memory_space<vmem>>) semaphore(%arg12 : memref<!tpu.dma_semaphore, #tpu.memory_space<semaphore_mem>>)
      %mul3A_500 = arith.constant 200 : i32
      %mul3A_501 = arith.muli %scan3A_190, %mul3A_500 : i32
      %add3A_502 = arith.constant 144 : i32
      %add3A_503 = arith.addi %mul3A_501, %add3A_502 : i32
      %multiple_of3A_504 = tpu.assume_multiple %add3A_503, 8 : i32
      %dma_wait3A_505 = arith.constant 0 : i32
      %dma_wait3A_506 = arith.constant 0 : i32
      %dma_wait3A_507 = tpu.memref_slice %arg6[%dma_wait3A_505, %dma_wait3A_506] : memref<24x768xf32, #tpu.memory_space<vmem>> -> memref<24x768xf32, #tpu.memory_space<vmem>>
      %dma_wait3A_508 = tpu.memref_slice %arg5[%multiple_of3A_504] : memref<800xi32, #tpu.memory_space<vmem>> -> memref<24xi32, #tpu.memory_space<vmem>>
      %dma_wait3A_509 = arith.constant 0 : i32
      %dma_wait3A_510 = arith.constant 0 : i32
      %dma_wait3A_511 = tpu.memref_slice %arg3[%dma_wait3A_509, %dma_wait3A_510] : memref<100000x768xf32, #tpu.memory_space<hbm>> -> memref<100000x768xf32, #tpu.memory_space<hbm>>
      tpu.wait_indirect_dma semaphore(%arg11 : memref<!tpu.dma_semaphore, #tpu.memory_space<semaphore_mem>>) src(%dma_wait3A_511 : memref<100000x768xf32, #tpu.memory_space<hbm>>) dst(%dma_wait3A_507 : memref<24x768xf32, #tpu.memory_space<vmem>>)
      %multiple_of3A_512 = arith.constant 96 : i32
      %multiple_of3A_513 = tpu.assume_multiple %multiple_of3A_512, 16 : i32
      %dma_wait3A_514 = arith.constant 0 : i32
      %dma_wait3A_515 = arith.constant 0 : i32
      %dma_wait3A_516 = tpu.memref_slice %arg4[%add3A_194, %dma_wait3A_514, %multiple_of3A_513, %dma_wait3A_515] : memref<128x3x384x384xf32, #tpu.memory_space<hbm>> -> memref<1x3x16x384xf32, #tpu.memory_space<hbm>>
      %dma_wait3A_517 = tpu.memref_squeeze %dma_wait3A_516 : memref<1x3x16x384xf32, #tpu.memory_space<hbm>> -> memref<3x16x384xf32, #tpu.memory_space<hbm>>
      %dma_wait3A_518 = arith.constant 0 : i32
      %dma_wait3A_519 = arith.constant 0 : i32
      %dma_wait3A_520 = tpu.memref_slice %arg4[%add3A_194, %dma_wait3A_518, %multiple_of3A_513, %dma_wait3A_519] : memref<128x3x384x384xf32, #tpu.memory_space<hbm>> -> memref<1x3x16x384xf32, #tpu.memory_space<hbm>>
      %dma_wait3A_521 = tpu.memref_squeeze %dma_wait3A_520 : memref<1x3x16x384xf32, #tpu.memory_space<hbm>> -> memref<3x16x384xf32, #tpu.memory_space<hbm>>
      tpu.wait_dma2 semaphore(%arg13 : memref<!tpu.dma_semaphore, #tpu.memory_space<semaphore_mem>>) src(%arg8 : memref<3x16x384xf32, #tpu.memory_space<vmem>>) dst(%dma_wait3A_521 : memref<3x16x384xf32, #tpu.memory_space<hbm>>)
      %scan3A_522 = arith.constant 0 : i32
      %scan3A_523 = arith.constant 0 : i32
      %scan3A_524 = arith.constant 24 : i32
      %scan3A_525 = arith.addi %scan3A_523, %scan3A_524 : i32
      %scan3A_526 = arith.constant 1 : i32
      %scan3A_527 = scf.for %scan3A_640 = %scan3A_523 to %scan3A_525 step %scan3A_526 iter_args(%scan3A_641 = %scan3A_522) -> (i32)  : i32 {
        %mul3A_642 = arith.constant 16 : i32
        %mul3A_643 = arith.muli %scan3A_640, %mul3A_642 : i32
        %multiple_of3A_644 = tpu.assume_multiple %mul3A_643, 16 : i32
        %parallel_loop3A_645 = arith.constant 0 : i32
        %parallel_loop3A_646 = arith.constant 48 : i32
        %parallel_loop3A_647 = arith.constant 1 : i32
        scf.for %parallel_loop3A_649 = %parallel_loop3A_645 to %parallel_loop3A_646 step %parallel_loop3A_647  : i32 {
          %parallel_loop3A_650 = arith.constant 16 : i32
          %parallel_loop3A_651 = arith.divsi %parallel_loop3A_649, %parallel_loop3A_650 : i32
          %parallel_loop3A_652 = arith.constant 0 : i32
          %parallel_loop3A_653 = arith.cmpi sgt, %parallel_loop3A_649, %parallel_loop3A_652 : i32
          %parallel_loop3A_654 = arith.extui %parallel_loop3A_653 : i1 to i32
          %parallel_loop3A_655 = arith.constant 0 : i32
          %parallel_loop3A_656 = arith.cmpi slt, %parallel_loop3A_649, %parallel_loop3A_655 : i32
          %parallel_loop3A_657 = arith.extui %parallel_loop3A_656 : i1 to i32
          %parallel_loop3A_658 = arith.subi %parallel_loop3A_654, %parallel_loop3A_657 : i32
          %parallel_loop3A_659 = arith.constant 0 : i32
          %parallel_loop3A_660 = arith.cmpi sgt, %parallel_loop3A_650, %parallel_loop3A_659 : i32
          %parallel_loop3A_661 = arith.extui %parallel_loop3A_660 : i1 to i32
          %parallel_loop3A_662 = arith.constant 0 : i32
          %parallel_loop3A_663 = arith.cmpi slt, %parallel_loop3A_650, %parallel_loop3A_662 : i32
          %parallel_loop3A_664 = arith.extui %parallel_loop3A_663 : i1 to i32
          %parallel_loop3A_665 = arith.subi %parallel_loop3A_661, %parallel_loop3A_664 : i32
          %parallel_loop3A_666 = arith.cmpi ne, %parallel_loop3A_658, %parallel_loop3A_665 : i32
          %parallel_loop3A_667 = arith.remsi %parallel_loop3A_649, %parallel_loop3A_650 : i32
          %parallel_loop3A_668 = arith.constant 0 : i32
          %parallel_loop3A_669 = arith.cmpi ne, %parallel_loop3A_667, %parallel_loop3A_668 : i32
          %parallel_loop3A_670 = arith.andi %parallel_loop3A_666, %parallel_loop3A_669 : i1
          %parallel_loop3A_671 = arith.constant 1 : i32
          %parallel_loop3A_672 = arith.subi %parallel_loop3A_651, %parallel_loop3A_671 : i32
          %parallel_loop3A_673 = arith.select %parallel_loop3A_670, %parallel_loop3A_672, %parallel_loop3A_651 : i32
          %parallel_loop3A_674 = arith.constant 16 : i32
          %parallel_loop3A_675 = arith.muli %parallel_loop3A_673, %parallel_loop3A_674 : i32
          %parallel_loop3A_676 = arith.subi %parallel_loop3A_649, %parallel_loop3A_675 : i32
          %parallel_loop3A_677 = arith.constant 0 : i32
          %parallel_loop3A_678 = arith.addi %scan3A_640, %parallel_loop3A_677 : i32
          %parallel_loop3A_679 = arith.constant 16 : i32
          %parallel_loop3A_680 = arith.muli %parallel_loop3A_649, %parallel_loop3A_679 : i32
          %parallel_loop3A_681 = tpu.assume_multiple %parallel_loop3A_680, 16 : i32
          %parallel_loop3A_682 = arith.index_cast %parallel_loop3A_678 : i32 to index
          %parallel_loop3A_683 = arith.index_cast %parallel_loop3A_681 : i32 to index
          %parallel_loop3A_684 = tpu.vector_load %arg6[%parallel_loop3A_682, %parallel_loop3A_683] {strides = array<i32>} : memref<24x768xf32, #tpu.memory_space<vmem>>, vector<1x16xf32>,
          %parallel_loop3A_685 = vector.shape_cast %parallel_loop3A_684 : vector<1x16xf32> to vector<16xf32>
          %parallel_loop3A_686 = arith.constant 2.000000e+00 : f32
          %parallel_loop3A_687 = vector.broadcast %parallel_loop3A_686 : f32 to vector<16xf32>
          %parallel_loop3A_688 = arith.mulf %parallel_loop3A_687, %parallel_loop3A_685 : vector<16xf32>
          %parallel_loop3A_689 = math.exp %parallel_loop3A_688 : vector<16xf32>
          %parallel_loop3A_690 = arith.constant 1.000000e+00 : f32
          %parallel_loop3A_691 = vector.broadcast %parallel_loop3A_690 : f32 to vector<16xf32>
          %parallel_loop3A_692 = arith.addf %parallel_loop3A_689, %parallel_loop3A_691 : vector<16xf32>
          %parallel_loop3A_693 = arith.constant 2.000000e+00 : f32
          %parallel_loop3A_694 = vector.broadcast %parallel_loop3A_693 : f32 to vector<16xf32>
          %parallel_loop3A_695 = arith.divf %parallel_loop3A_694, %parallel_loop3A_692 : vector<16xf32>
          %parallel_loop3A_696 = arith.constant 1.000000e+00 : f32
          %parallel_loop3A_697 = vector.broadcast %parallel_loop3A_696 : f32 to vector<16xf32>
          %parallel_loop3A_698 = arith.subf %parallel_loop3A_697, %parallel_loop3A_695 : vector<16xf32>
          %parallel_loop3A_699 = arith.index_cast %parallel_loop3A_673 : i32 to index
          %parallel_loop3A_700 = arith.index_cast %parallel_loop3A_676 : i32 to index
          %parallel_loop3A_701 = arith.index_cast %multiple_of3A_644 : i32 to index
          %parallel_loop3A_702 = tpu.vector_load %arg8[%parallel_loop3A_699, %parallel_loop3A_700, %parallel_loop3A_701] {strides = array<i32>} : memref<3x16x384xf32, #tpu.memory_space<vmem>>, vector<1x1x16xf32>,
          %parallel_loop3A_703 = vector.shape_cast %parallel_loop3A_702 : vector<1x1x16xf32> to vector<16xf32>
          %parallel_loop3A_704 = vector.shape_cast %parallel_loop3A_698 : vector<16xf32> to vector<1x1x16xf32>
          tpu.vector_store %arg8[%parallel_loop3A_699, %parallel_loop3A_700, %parallel_loop3A_701], %parallel_loop3A_704 {strides = array<i32>} : memref<3x16x384xf32, #tpu.memory_space<vmem>>, vector<1x1x16xf32>,
        } {sc.loop_unroll_factor = 8 : i64, sc.parallel_access}
        %scan3A_648 = arith.constant 0 : i32
        scf.yield %scan3A_648 : i32
      }
      %scan3A_528 = arith.constant 24 : i32
      %multiple_of3A_529 = arith.constant 96 : i32
      %multiple_of3A_530 = tpu.assume_multiple %multiple_of3A_529, 16 : i32
      %dma_start3A_531 = arith.constant 0 : i32
      %dma_start3A_532 = arith.constant 0 : i32
      %dma_start3A_533 = tpu.memref_slice %arg4[%add3A_194, %dma_start3A_531, %multiple_of3A_530, %dma_start3A_532] : memref<128x3x384x384xf32, #tpu.memory_space<hbm>> -> memref<1x3x16x384xf32, #tpu.memory_space<hbm>>
      %dma_start3A_534 = tpu.memref_squeeze %dma_start3A_533 : memref<1x3x16x384xf32, #tpu.memory_space<hbm>> -> memref<3x16x384xf32, #tpu.memory_space<hbm>>
      %dma_start3A_535 = arith.constant 0 : i32
      %dma_start3A_536 = arith.constant 0 : i32
      %dma_start3A_537 = tpu.memref_slice %arg4[%add3A_194, %dma_start3A_535, %multiple_of3A_530, %dma_start3A_536] : memref<128x3x384x384xf32, #tpu.memory_space<hbm>> -> memref<1x3x16x384xf32, #tpu.memory_space<hbm>>
      %dma_start3A_538 = tpu.memref_squeeze %dma_start3A_537 : memref<1x3x16x384xf32, #tpu.memory_space<hbm>> -> memref<3x16x384xf32, #tpu.memory_space<hbm>>
      tpu.enqueue_dma source(%arg8 : memref<3x16x384xf32, #tpu.memory_space<vmem>>) target(%dma_start3A_538 : memref<3x16x384xf32, #tpu.memory_space<hbm>>) target_semaphore(%arg13 : memref<!tpu.dma_semaphore, #tpu.memory_space<semaphore_mem>>)
      %mul3A_539 = arith.constant 200 : i32
      %mul3A_540 = arith.muli %scan3A_190, %mul3A_539 : i32
      %add3A_541 = arith.constant 168 : i32
      %add3A_542 = arith.addi %mul3A_540, %add3A_541 : i32
      %multiple_of3A_543 = tpu.assume_multiple %add3A_542, 8 : i32
      %dma_wait3A_544 = arith.constant 0 : i32
      %dma_wait3A_545 = arith.constant 0 : i32
      %dma_wait3A_546 = tpu.memref_slice %arg7[%dma_wait3A_544, %dma_wait3A_545] : memref<32x768xf32, #tpu.memory_space<vmem>> -> memref<32x768xf32, #tpu.memory_space<vmem>>
      %dma_wait3A_547 = tpu.memref_slice %arg5[%multiple_of3A_543] : memref<800xi32, #tpu.memory_space<vmem>> -> memref<32xi32, #tpu.memory_space<vmem>>
      %dma_wait3A_548 = arith.constant 0 : i32
      %dma_wait3A_549 = arith.constant 0 : i32
      %dma_wait3A_550 = tpu.memref_slice %arg3[%dma_wait3A_548, %dma_wait3A_549] : memref<100000x768xf32, #tpu.memory_space<hbm>> -> memref<100000x768xf32, #tpu.memory_space<hbm>>
      tpu.wait_indirect_dma semaphore(%arg12 : memref<!tpu.dma_semaphore, #tpu.memory_space<semaphore_mem>>) src(%dma_wait3A_550 : memref<100000x768xf32, #tpu.memory_space<hbm>>) dst(%dma_wait3A_546 : memref<32x768xf32, #tpu.memory_space<vmem>>)
      %multiple_of3A_551 = arith.constant 112 : i32
      %multiple_of3A_552 = tpu.assume_multiple %multiple_of3A_551, 16 : i32
      %dma_wait3A_553 = arith.constant 0 : i32
      %dma_wait3A_554 = arith.constant 0 : i32
      %dma_wait3A_555 = tpu.memref_slice %arg4[%add3A_194, %dma_wait3A_553, %multiple_of3A_552, %dma_wait3A_554] : memref<128x3x384x384xf32, #tpu.memory_space<hbm>> -> memref<1x3x16x384xf32, #tpu.memory_space<hbm>>
      %dma_wait3A_556 = tpu.memref_squeeze %dma_wait3A_555 : memref<1x3x16x384xf32, #tpu.memory_space<hbm>> -> memref<3x16x384xf32, #tpu.memory_space<hbm>>
      %dma_wait3A_557 = arith.constant 0 : i32
      %dma_wait3A_558 = arith.constant 0 : i32
      %dma_wait3A_559 = tpu.memref_slice %arg4[%add3A_194, %dma_wait3A_557, %multiple_of3A_552, %dma_wait3A_558] : memref<128x3x384x384xf32, #tpu.memory_space<hbm>> -> memref<1x3x16x384xf32, #tpu.memory_space<hbm>>
      %dma_wait3A_560 = tpu.memref_squeeze %dma_wait3A_559 : memref<1x3x16x384xf32, #tpu.memory_space<hbm>> -> memref<3x16x384xf32, #tpu.memory_space<hbm>>
      tpu.wait_dma2 semaphore(%arg14 : memref<!tpu.dma_semaphore, #tpu.memory_space<semaphore_mem>>) src(%arg9 : memref<3x16x384xf32, #tpu.memory_space<vmem>>) dst(%dma_wait3A_560 : memref<3x16x384xf32, #tpu.memory_space<hbm>>)
      %scan3A_561 = arith.constant 0 : i32
      %scan3A_562 = arith.constant 0 : i32
      %scan3A_563 = arith.constant 24 : i32
      %scan3A_564 = arith.addi %scan3A_562, %scan3A_563 : i32
      %scan3A_565 = arith.constant 1 : i32
      %scan3A_566 = scf.for %scan3A_640 = %scan3A_562 to %scan3A_564 step %scan3A_565 iter_args(%scan3A_641 = %scan3A_561) -> (i32)  : i32 {
        %mul3A_642 = arith.constant 16 : i32
        %mul3A_643 = arith.muli %scan3A_640, %mul3A_642 : i32
        %multiple_of3A_644 = tpu.assume_multiple %mul3A_643, 16 : i32
        %parallel_loop3A_645 = arith.constant 0 : i32
        %parallel_loop3A_646 = arith.constant 48 : i32
        %parallel_loop3A_647 = arith.constant 1 : i32
        scf.for %parallel_loop3A_649 = %parallel_loop3A_645 to %parallel_loop3A_646 step %parallel_loop3A_647  : i32 {
          %parallel_loop3A_650 = arith.constant 16 : i32
          %parallel_loop3A_651 = arith.divsi %parallel_loop3A_649, %parallel_loop3A_650 : i32
          %parallel_loop3A_652 = arith.constant 0 : i32
          %parallel_loop3A_653 = arith.cmpi sgt, %parallel_loop3A_649, %parallel_loop3A_652 : i32
          %parallel_loop3A_654 = arith.extui %parallel_loop3A_653 : i1 to i32
          %parallel_loop3A_655 = arith.constant 0 : i32
          %parallel_loop3A_656 = arith.cmpi slt, %parallel_loop3A_649, %parallel_loop3A_655 : i32
          %parallel_loop3A_657 = arith.extui %parallel_loop3A_656 : i1 to i32
          %parallel_loop3A_658 = arith.subi %parallel_loop3A_654, %parallel_loop3A_657 : i32
          %parallel_loop3A_659 = arith.constant 0 : i32
          %parallel_loop3A_660 = arith.cmpi sgt, %parallel_loop3A_650, %parallel_loop3A_659 : i32
          %parallel_loop3A_661 = arith.extui %parallel_loop3A_660 : i1 to i32
          %parallel_loop3A_662 = arith.constant 0 : i32
          %parallel_loop3A_663 = arith.cmpi slt, %parallel_loop3A_650, %parallel_loop3A_662 : i32
          %parallel_loop3A_664 = arith.extui %parallel_loop3A_663 : i1 to i32
          %parallel_loop3A_665 = arith.subi %parallel_loop3A_661, %parallel_loop3A_664 : i32
          %parallel_loop3A_666 = arith.cmpi ne, %parallel_loop3A_658, %parallel_loop3A_665 : i32
          %parallel_loop3A_667 = arith.remsi %parallel_loop3A_649, %parallel_loop3A_650 : i32
          %parallel_loop3A_668 = arith.constant 0 : i32
          %parallel_loop3A_669 = arith.cmpi ne, %parallel_loop3A_667, %parallel_loop3A_668 : i32
          %parallel_loop3A_670 = arith.andi %parallel_loop3A_666, %parallel_loop3A_669 : i1
          %parallel_loop3A_671 = arith.constant 1 : i32
          %parallel_loop3A_672 = arith.subi %parallel_loop3A_651, %parallel_loop3A_671 : i32
          %parallel_loop3A_673 = arith.select %parallel_loop3A_670, %parallel_loop3A_672, %parallel_loop3A_651 : i32
          %parallel_loop3A_674 = arith.constant 16 : i32
          %parallel_loop3A_675 = arith.muli %parallel_loop3A_673, %parallel_loop3A_674 : i32
          %parallel_loop3A_676 = arith.subi %parallel_loop3A_649, %parallel_loop3A_675 : i32
          %parallel_loop3A_677 = arith.constant 0 : i32
          %parallel_loop3A_678 = arith.addi %scan3A_640, %parallel_loop3A_677 : i32
          %parallel_loop3A_679 = arith.constant 16 : i32
          %parallel_loop3A_680 = arith.muli %parallel_loop3A_649, %parallel_loop3A_679 : i32
          %parallel_loop3A_681 = tpu.assume_multiple %parallel_loop3A_680, 16 : i32
          %parallel_loop3A_682 = arith.index_cast %parallel_loop3A_678 : i32 to index
          %parallel_loop3A_683 = arith.index_cast %parallel_loop3A_681 : i32 to index
          %parallel_loop3A_684 = tpu.vector_load %arg7[%parallel_loop3A_682, %parallel_loop3A_683] {strides = array<i32>} : memref<32x768xf32, #tpu.memory_space<vmem>>, vector<1x16xf32>,
          %parallel_loop3A_685 = vector.shape_cast %parallel_loop3A_684 : vector<1x16xf32> to vector<16xf32>
          %parallel_loop3A_686 = arith.constant 2.000000e+00 : f32
          %parallel_loop3A_687 = vector.broadcast %parallel_loop3A_686 : f32 to vector<16xf32>
          %parallel_loop3A_688 = arith.mulf %parallel_loop3A_687, %parallel_loop3A_685 : vector<16xf32>
          %parallel_loop3A_689 = math.exp %parallel_loop3A_688 : vector<16xf32>
          %parallel_loop3A_690 = arith.constant 1.000000e+00 : f32
          %parallel_loop3A_691 = vector.broadcast %parallel_loop3A_690 : f32 to vector<16xf32>
          %parallel_loop3A_692 = arith.addf %parallel_loop3A_689, %parallel_loop3A_691 : vector<16xf32>
          %parallel_loop3A_693 = arith.constant 2.000000e+00 : f32
          %parallel_loop3A_694 = vector.broadcast %parallel_loop3A_693 : f32 to vector<16xf32>
          %parallel_loop3A_695 = arith.divf %parallel_loop3A_694, %parallel_loop3A_692 : vector<16xf32>
          %parallel_loop3A_696 = arith.constant 1.000000e+00 : f32
          %parallel_loop3A_697 = vector.broadcast %parallel_loop3A_696 : f32 to vector<16xf32>
          %parallel_loop3A_698 = arith.subf %parallel_loop3A_697, %parallel_loop3A_695 : vector<16xf32>
          %parallel_loop3A_699 = arith.index_cast %parallel_loop3A_673 : i32 to index
          %parallel_loop3A_700 = arith.index_cast %parallel_loop3A_676 : i32 to index
          %parallel_loop3A_701 = arith.index_cast %multiple_of3A_644 : i32 to index
          %parallel_loop3A_702 = tpu.vector_load %arg9[%parallel_loop3A_699, %parallel_loop3A_700, %parallel_loop3A_701] {strides = array<i32>} : memref<3x16x384xf32, #tpu.memory_space<vmem>>, vector<1x1x16xf32>,
          %parallel_loop3A_703 = vector.shape_cast %parallel_loop3A_702 : vector<1x1x16xf32> to vector<16xf32>
          %parallel_loop3A_704 = vector.shape_cast %parallel_loop3A_698 : vector<16xf32> to vector<1x1x16xf32>
          tpu.vector_store %arg9[%parallel_loop3A_699, %parallel_loop3A_700, %parallel_loop3A_701], %parallel_loop3A_704 {strides = array<i32>} : memref<3x16x384xf32, #tpu.memory_space<vmem>>, vector<1x1x16xf32>,
        } {sc.loop_unroll_factor = 8 : i64, sc.parallel_access}
        %scan3A_648 = arith.constant 0 : i32
        scf.yield %scan3A_648 : i32
      }
      %scan3A_567 = arith.constant 24 : i32
      %multiple_of3A_568 = arith.constant 112 : i32
      %multiple_of3A_569 = tpu.assume_multiple %multiple_of3A_568, 16 : i32
      %dma_start3A_570 = arith.constant 0 : i32
      %dma_start3A_571 = arith.constant 0 : i32
      %dma_start3A_572 = tpu.memref_slice %arg4[%add3A_194, %dma_start3A_570, %multiple_of3A_569, %dma_start3A_571] : memref<128x3x384x384xf32, #tpu.memory_space<hbm>> -> memref<1x3x16x384xf32, #tpu.memory_space<hbm>>
      %dma_start3A_573 = tpu.memref_squeeze %dma_start3A_572 : memref<1x3x16x384xf32, #tpu.memory_space<hbm>> -> memref<3x16x384xf32, #tpu.memory_space<hbm>>
      %dma_start3A_574 = arith.constant 0 : i32
      %dma_start3A_575 = arith.constant 0 : i32
      %dma_start3A_576 = tpu.memref_slice %arg4[%add3A_194, %dma_start3A_574, %multiple_of3A_569, %dma_start3A_575] : memref<128x3x384x384xf32, #tpu.memory_space<hbm>> -> memref<1x3x16x384xf32, #tpu.memory_space<hbm>>
      %dma_start3A_577 = tpu.memref_squeeze %dma_start3A_576 : memref<1x3x16x384xf32, #tpu.memory_space<hbm>> -> memref<3x16x384xf32, #tpu.memory_space<hbm>>
      tpu.enqueue_dma source(%arg9 : memref<3x16x384xf32, #tpu.memory_space<vmem>>) target(%dma_start3A_577 : memref<3x16x384xf32, #tpu.memory_space<hbm>>) target_semaphore(%arg14 : memref<!tpu.dma_semaphore, #tpu.memory_space<semaphore_mem>>)
      %add3A_578 = arith.constant 1 : i32
      %add3A_579 = arith.addi %scan3A_190, %add3A_578 : i32
      %lt3A = arith.constant 4 : i32
      %lt3A_580 = arith.cmpi slt, %add3A_579, %lt3A : i32
      %convert_element_type3A_581 = arith.extui %lt3A_580 : i1 to i32
      %cond3A_582 = arith.constant 0 : i32
      %cond3A_583 = arith.cmpi ne, %convert_element_type3A_581, %cond3A_582 : i32
      scf.if %cond3A_583 {
        %add3A_640 = arith.constant 1 : i32
        %add3A_641 = arith.addi %scan3A_190, %add3A_640 : i32
        %mul3A_642 = arith.constant 200 : i32
        %mul3A_643 = arith.muli %add3A_641, %mul3A_642 : i32
        %add3A_644 = arith.constant 0 : i32
        %add3A_645 = arith.addi %mul3A_643, %add3A_644 : i32
        %multiple_of3A_646 = tpu.assume_multiple %add3A_645, 8 : i32
        %dma_start3A_647 = arith.constant 0 : i32
        %dma_start3A_648 = arith.constant 0 : i32
        %dma_start3A_649 = tpu.memref_slice %arg6[%dma_start3A_647, %dma_start3A_648] : memref<24x768xf32, #tpu.memory_space<vmem>> -> memref<24x768xf32, #tpu.memory_space<vmem>>
        %dma_start3A_650 = tpu.memref_slice %arg5[%multiple_of3A_646] : memref<800xi32, #tpu.memory_space<vmem>> -> memref<24xi32, #tpu.memory_space<vmem>>
        %dma_start3A_651 = arith.constant 0 : i32
        %dma_start3A_652 = arith.constant 0 : i32
        %dma_start3A_653 = tpu.memref_slice %arg3[%dma_start3A_651, %dma_start3A_652] : memref<100000x768xf32, #tpu.memory_space<hbm>> -> memref<100000x768xf32, #tpu.memory_space<hbm>>
        tpu.enqueue_indirect_dma source(%dma_start3A_653 : memref<100000x768xf32, #tpu.memory_space<hbm>>) target(%dma_start3A_649 : memref<24x768xf32, #tpu.memory_space<vmem>>) offsets(%dma_start3A_650 : memref<24xi32, #tpu.memory_space<vmem>>) semaphore(%arg11 : memref<!tpu.dma_semaphore, #tpu.memory_space<semaphore_mem>>)
      } else {
      }
      %gt3A_584 = arith.constant 0 : i32
      %gt3A_585 = arith.cmpi sgt, %scan3A_190, %gt3A_584 : i32
      %convert_element_type3A_586 = arith.extui %gt3A_585 : i1 to i32
      %cond3A_587 = arith.constant 0 : i32
      %cond3A_588 = arith.cmpi ne, %convert_element_type3A_586, %cond3A_587 : i32
      scf.if %cond3A_588 {
        %multiple_of3A_640 = arith.constant 144 : i32
        %multiple_of3A_641 = tpu.assume_multiple %multiple_of3A_640, 16 : i32
        %dma_wait3A_642 = arith.constant 0 : i32
        %dma_wait3A_643 = arith.constant 0 : i32
        %dma_wait3A_644 = tpu.memref_slice %arg4[%add3A_194, %dma_wait3A_642, %multiple_of3A_641, %dma_wait3A_643] : memref<128x3x384x384xf32, #tpu.memory_space<hbm>> -> memref<1x3x16x384xf32, #tpu.memory_space<hbm>>
        %dma_wait3A_645 = tpu.memref_squeeze %dma_wait3A_644 : memref<1x3x16x384xf32, #tpu.memory_space<hbm>> -> memref<3x16x384xf32, #tpu.memory_space<hbm>>
        %dma_wait3A_646 = arith.constant 0 : i32
        %dma_wait3A_647 = arith.constant 0 : i32
        %dma_wait3A_648 = tpu.memref_slice %arg4[%add3A_194, %dma_wait3A_646, %multiple_of3A_641, %dma_wait3A_647] : memref<128x3x384x384xf32, #tpu.memory_space<hbm>> -> memref<1x3x16x384xf32, #tpu.memory_space<hbm>>
        %dma_wait3A_649 = tpu.memref_squeeze %dma_wait3A_648 : memref<1x3x16x384xf32, #tpu.memory_space<hbm>> -> memref<3x16x384xf32, #tpu.memory_space<hbm>>
        tpu.wait_dma2 semaphore(%arg15 : memref<!tpu.dma_semaphore, #tpu.memory_space<semaphore_mem>>) src(%arg10 : memref<3x16x384xf32, #tpu.memory_space<vmem>>) dst(%dma_wait3A_649 : memref<3x16x384xf32, #tpu.memory_space<hbm>>)
        %multiple_of3A_650 = arith.constant 144 : i32
        %multiple_of3A_651 = tpu.assume_multiple %multiple_of3A_650, 16 : i32
        %dma_wait3A_652 = arith.constant 0 : i32
        %dma_wait3A_653 = arith.constant 0 : i32
        %dma_wait3A_654 = tpu.memref_slice %arg4[%add3A_194, %dma_wait3A_652, %multiple_of3A_651, %dma_wait3A_653] : memref<128x3x384x384xf32, #tpu.memory_space<hbm>> -> memref<1x3x16x384xf32, #tpu.memory_space<hbm>>
        %dma_wait3A_655 = tpu.memref_squeeze %dma_wait3A_654 : memref<1x3x16x384xf32, #tpu.memory_space<hbm>> -> memref<3x16x384xf32, #tpu.memory_space<hbm>>
        %dma_wait3A_656 = arith.constant 0 : i32
        %dma_wait3A_657 = arith.constant 0 : i32
        %dma_wait3A_658 = tpu.memref_slice %arg4[%add3A_194, %dma_wait3A_656, %multiple_of3A_651, %dma_wait3A_657] : memref<128x3x384x384xf32, #tpu.memory_space<hbm>> -> memref<1x3x16x384xf32, #tpu.memory_space<hbm>>
        %dma_wait3A_659 = tpu.memref_squeeze %dma_wait3A_658 : memref<1x3x16x384xf32, #tpu.memory_space<hbm>> -> memref<3x16x384xf32, #tpu.memory_space<hbm>>
        tpu.wait_dma2 semaphore(%arg15 : memref<!tpu.dma_semaphore, #tpu.memory_space<semaphore_mem>>) src(%arg10 : memref<3x16x384xf32, #tpu.memory_space<vmem>>) dst(%dma_wait3A_659 : memref<3x16x384xf32, #tpu.memory_space<hbm>>)
        %multiple_of3A_660 = arith.constant 144 : i32
        %multiple_of3A_661 = tpu.assume_multiple %multiple_of3A_660, 16 : i32
        %dma_wait3A_662 = arith.constant 0 : i32
        %dma_wait3A_663 = arith.constant 0 : i32
        %dma_wait3A_664 = tpu.memref_slice %arg4[%add3A_194, %dma_wait3A_662, %multiple_of3A_661, %dma_wait3A_663] : memref<128x3x384x384xf32, #tpu.memory_space<hbm>> -> memref<1x3x16x384xf32, #tpu.memory_space<hbm>>
        %dma_wait3A_665 = tpu.memref_squeeze %dma_wait3A_664 : memref<1x3x16x384xf32, #tpu.memory_space<hbm>> -> memref<3x16x384xf32, #tpu.memory_space<hbm>>
        %dma_wait3A_666 = arith.constant 0 : i32
        %dma_wait3A_667 = arith.constant 0 : i32
        %dma_wait3A_668 = tpu.memref_slice %arg4[%add3A_194, %dma_wait3A_666, %multiple_of3A_661, %dma_wait3A_667] : memref<128x3x384x384xf32, #tpu.memory_space<hbm>> -> memref<1x3x16x384xf32, #tpu.memory_space<hbm>>
        %dma_wait3A_669 = tpu.memref_squeeze %dma_wait3A_668 : memref<1x3x16x384xf32, #tpu.memory_space<hbm>> -> memref<3x16x384xf32, #tpu.memory_space<hbm>>
        tpu.wait_dma2 semaphore(%arg15 : memref<!tpu.dma_semaphore, #tpu.memory_space<semaphore_mem>>) src(%arg10 : memref<3x16x384xf32, #tpu.memory_space<vmem>>) dst(%dma_wait3A_669 : memref<3x16x384xf32, #tpu.memory_space<hbm>>)
        %multiple_of3A_670 = arith.constant 144 : i32
        %multiple_of3A_671 = tpu.assume_multiple %multiple_of3A_670, 16 : i32
        %dma_wait3A_672 = arith.constant 0 : i32
        %dma_wait3A_673 = arith.constant 0 : i32
        %dma_wait3A_674 = tpu.memref_slice %arg4[%add3A_194, %dma_wait3A_672, %multiple_of3A_671, %dma_wait3A_673] : memref<128x3x384x384xf32, #tpu.memory_space<hbm>> -> memref<1x3x16x384xf32, #tpu.memory_space<hbm>>
        %dma_wait3A_675 = tpu.memref_squeeze %dma_wait3A_674 : memref<1x3x16x384xf32, #tpu.memory_space<hbm>> -> memref<3x16x384xf32, #tpu.memory_space<hbm>>
        %dma_wait3A_676 = arith.constant 0 : i32
        %dma_wait3A_677 = arith.constant 0 : i32
        %dma_wait3A_678 = tpu.memref_slice %arg4[%add3A_194, %dma_wait3A_676, %multiple_of3A_671, %dma_wait3A_677] : memref<128x3x384x384xf32, #tpu.memory_space<hbm>> -> memref<1x3x16x384xf32, #tpu.memory_space<hbm>>
        %dma_wait3A_679 = tpu.memref_squeeze %dma_wait3A_678 : memref<1x3x16x384xf32, #tpu.memory_space<hbm>> -> memref<3x16x384xf32, #tpu.memory_space<hbm>>
        tpu.wait_dma2 semaphore(%arg15 : memref<!tpu.dma_semaphore, #tpu.memory_space<semaphore_mem>>) src(%arg10 : memref<3x16x384xf32, #tpu.memory_space<vmem>>) dst(%dma_wait3A_679 : memref<3x16x384xf32, #tpu.memory_space<hbm>>)
        %multiple_of3A_680 = arith.constant 144 : i32
        %multiple_of3A_681 = tpu.assume_multiple %multiple_of3A_680, 16 : i32
        %dma_wait3A_682 = arith.constant 0 : i32
        %dma_wait3A_683 = arith.constant 0 : i32
        %dma_wait3A_684 = tpu.memref_slice %arg4[%add3A_194, %dma_wait3A_682, %multiple_of3A_681, %dma_wait3A_683] : memref<128x3x384x384xf32, #tpu.memory_space<hbm>> -> memref<1x3x16x384xf32, #tpu.memory_space<hbm>>
        %dma_wait3A_685 = tpu.memref_squeeze %dma_wait3A_684 : memref<1x3x16x384xf32, #tpu.memory_space<hbm>> -> memref<3x16x384xf32, #tpu.memory_space<hbm>>
        %dma_wait3A_686 = arith.constant 0 : i32
        %dma_wait3A_687 = arith.constant 0 : i32
        %dma_wait3A_688 = tpu.memref_slice %arg4[%add3A_194, %dma_wait3A_686, %multiple_of3A_681, %dma_wait3A_687] : memref<128x3x384x384xf32, #tpu.memory_space<hbm>> -> memref<1x3x16x384xf32, #tpu.memory_space<hbm>>
        %dma_wait3A_689 = tpu.memref_squeeze %dma_wait3A_688 : memref<1x3x16x384xf32, #tpu.memory_space<hbm>> -> memref<3x16x384xf32, #tpu.memory_space<hbm>>
        tpu.wait_dma2 semaphore(%arg15 : memref<!tpu.dma_semaphore, #tpu.memory_space<semaphore_mem>>) src(%arg10 : memref<3x16x384xf32, #tpu.memory_space<vmem>>) dst(%dma_wait3A_689 : memref<3x16x384xf32, #tpu.memory_space<hbm>>)
        %multiple_of3A_690 = arith.constant 144 : i32
        %multiple_of3A_691 = tpu.assume_multiple %multiple_of3A_690, 16 : i32
        %dma_wait3A_692 = arith.constant 0 : i32
        %dma_wait3A_693 = arith.constant 0 : i32
        %dma_wait3A_694 = tpu.memref_slice %arg4[%add3A_194, %dma_wait3A_692, %multiple_of3A_691, %dma_wait3A_693] : memref<128x3x384x384xf32, #tpu.memory_space<hbm>> -> memref<1x3x16x384xf32, #tpu.memory_space<hbm>>
        %dma_wait3A_695 = tpu.memref_squeeze %dma_wait3A_694 : memref<1x3x16x384xf32, #tpu.memory_space<hbm>> -> memref<3x16x384xf32, #tpu.memory_space<hbm>>
        %dma_wait3A_696 = arith.constant 0 : i32
        %dma_wait3A_697 = arith.constant 0 : i32
        %dma_wait3A_698 = tpu.memref_slice %arg4[%add3A_194, %dma_wait3A_696, %multiple_of3A_691, %dma_wait3A_697] : memref<128x3x384x384xf32, #tpu.memory_space<hbm>> -> memref<1x3x16x384xf32, #tpu.memory_space<hbm>>
        %dma_wait3A_699 = tpu.memref_squeeze %dma_wait3A_698 : memref<1x3x16x384xf32, #tpu.memory_space<hbm>> -> memref<3x16x384xf32, #tpu.memory_space<hbm>>
        tpu.wait_dma2 semaphore(%arg15 : memref<!tpu.dma_semaphore, #tpu.memory_space<semaphore_mem>>) src(%arg10 : memref<3x16x384xf32, #tpu.memory_space<vmem>>) dst(%dma_wait3A_699 : memref<3x16x384xf32, #tpu.memory_space<hbm>>)
        %multiple_of3A_700 = arith.constant 144 : i32
        %multiple_of3A_701 = tpu.assume_multiple %multiple_of3A_700, 16 : i32
        %dma_wait3A_702 = arith.constant 0 : i32
        %dma_wait3A_703 = arith.constant 0 : i32
        %dma_wait3A_704 = tpu.memref_slice %arg4[%add3A_194, %dma_wait3A_702, %multiple_of3A_701, %dma_wait3A_703] : memref<128x3x384x384xf32, #tpu.memory_space<hbm>> -> memref<1x3x16x384xf32, #tpu.memory_space<hbm>>
        %dma_wait3A_705 = tpu.memref_squeeze %dma_wait3A_704 : memref<1x3x16x384xf32, #tpu.memory_space<hbm>> -> memref<3x16x384xf32, #tpu.memory_space<hbm>>
        %dma_wait3A_706 = arith.constant 0 : i32
        %dma_wait3A_707 = arith.constant 0 : i32
        %dma_wait3A_708 = tpu.memref_slice %arg4[%add3A_194, %dma_wait3A_706, %multiple_of3A_701, %dma_wait3A_707] : memref<128x3x384x384xf32, #tpu.memory_space<hbm>> -> memref<1x3x16x384xf32, #tpu.memory_space<hbm>>
        %dma_wait3A_709 = tpu.memref_squeeze %dma_wait3A_708 : memref<1x3x16x384xf32, #tpu.memory_space<hbm>> -> memref<3x16x384xf32, #tpu.memory_space<hbm>>
        tpu.wait_dma2 semaphore(%arg15 : memref<!tpu.dma_semaphore, #tpu.memory_space<semaphore_mem>>) src(%arg10 : memref<3x16x384xf32, #tpu.memory_space<vmem>>) dst(%dma_wait3A_709 : memref<3x16x384xf32, #tpu.memory_space<hbm>>)
        %multiple_of3A_710 = arith.constant 144 : i32
        %multiple_of3A_711 = tpu.assume_multiple %multiple_of3A_710, 16 : i32
        %dma_wait3A_712 = arith.constant 0 : i32
        %dma_wait3A_713 = arith.constant 0 : i32
        %dma_wait3A_714 = tpu.memref_slice %arg4[%add3A_194, %dma_wait3A_712, %multiple_of3A_711, %dma_wait3A_713] : memref<128x3x384x384xf32, #tpu.memory_space<hbm>> -> memref<1x3x16x384xf32, #tpu.memory_space<hbm>>
        %dma_wait3A_715 = tpu.memref_squeeze %dma_wait3A_714 : memref<1x3x16x384xf32, #tpu.memory_space<hbm>> -> memref<3x16x384xf32, #tpu.memory_space<hbm>>
        %dma_wait3A_716 = arith.constant 0 : i32
        %dma_wait3A_717 = arith.constant 0 : i32
        %dma_wait3A_718 = tpu.memref_slice %arg4[%add3A_194, %dma_wait3A_716, %multiple_of3A_711, %dma_wait3A_717] : memref<128x3x384x384xf32, #tpu.memory_space<hbm>> -> memref<1x3x16x384xf32, #tpu.memory_space<hbm>>
        %dma_wait3A_719 = tpu.memref_squeeze %dma_wait3A_718 : memref<1x3x16x384xf32, #tpu.memory_space<hbm>> -> memref<3x16x384xf32, #tpu.memory_space<hbm>>
        tpu.wait_dma2 semaphore(%arg15 : memref<!tpu.dma_semaphore, #tpu.memory_space<semaphore_mem>>) src(%arg10 : memref<3x16x384xf32, #tpu.memory_space<vmem>>) dst(%dma_wait3A_719 : memref<3x16x384xf32, #tpu.memory_space<hbm>>)
        %multiple_of3A_720 = arith.constant 144 : i32
        %multiple_of3A_721 = tpu.assume_multiple %multiple_of3A_720, 16 : i32
        %dma_wait3A_722 = arith.constant 0 : i32
        %dma_wait3A_723 = arith.constant 0 : i32
        %dma_wait3A_724 = tpu.memref_slice %arg4[%add3A_194, %dma_wait3A_722, %multiple_of3A_721, %dma_wait3A_723] : memref<128x3x384x384xf32, #tpu.memory_space<hbm>> -> memref<1x3x16x384xf32, #tpu.memory_space<hbm>>
        %dma_wait3A_725 = tpu.memref_squeeze %dma_wait3A_724 : memref<1x3x16x384xf32, #tpu.memory_space<hbm>> -> memref<3x16x384xf32, #tpu.memory_space<hbm>>
        %dma_wait3A_726 = arith.constant 0 : i32
        %dma_wait3A_727 = arith.constant 0 : i32
        %dma_wait3A_728 = tpu.memref_slice %arg4[%add3A_194, %dma_wait3A_726, %multiple_of3A_721, %dma_wait3A_727] : memref<128x3x384x384xf32, #tpu.memory_space<hbm>> -> memref<1x3x16x384xf32, #tpu.memory_space<hbm>>
        %dma_wait3A_729 = tpu.memref_squeeze %dma_wait3A_728 : memref<1x3x16x384xf32, #tpu.memory_space<hbm>> -> memref<3x16x384xf32, #tpu.memory_space<hbm>>
        tpu.wait_dma2 semaphore(%arg15 : memref<!tpu.dma_semaphore, #tpu.memory_space<semaphore_mem>>) src(%arg10 : memref<3x16x384xf32, #tpu.memory_space<vmem>>) dst(%dma_wait3A_729 : memref<3x16x384xf32, #tpu.memory_space<hbm>>)
        %multiple_of3A_730 = arith.constant 144 : i32
        %multiple_of3A_731 = tpu.assume_multiple %multiple_of3A_730, 16 : i32
        %dma_wait3A_732 = arith.constant 0 : i32
        %dma_wait3A_733 = arith.constant 0 : i32
        %dma_wait3A_734 = tpu.memref_slice %arg4[%add3A_194, %dma_wait3A_732, %multiple_of3A_731, %dma_wait3A_733] : memref<128x3x384x384xf32, #tpu.memory_space<hbm>> -> memref<1x3x16x384xf32, #tpu.memory_space<hbm>>
        %dma_wait3A_735 = tpu.memref_squeeze %dma_wait3A_734 : memref<1x3x16x384xf32, #tpu.memory_space<hbm>> -> memref<3x16x384xf32, #tpu.memory_space<hbm>>
        %dma_wait3A_736 = arith.constant 0 : i32
        %dma_wait3A_737 = arith.constant 0 : i32
        %dma_wait3A_738 = tpu.memref_slice %arg4[%add3A_194, %dma_wait3A_736, %multiple_of3A_731, %dma_wait3A_737] : memref<128x3x384x384xf32, #tpu.memory_space<hbm>> -> memref<1x3x16x384xf32, #tpu.memory_space<hbm>>
        %dma_wait3A_739 = tpu.memref_squeeze %dma_wait3A_738 : memref<1x3x16x384xf32, #tpu.memory_space<hbm>> -> memref<3x16x384xf32, #tpu.memory_space<hbm>>
        tpu.wait_dma2 semaphore(%arg15 : memref<!tpu.dma_semaphore, #tpu.memory_space<semaphore_mem>>) src(%arg10 : memref<3x16x384xf32, #tpu.memory_space<vmem>>) dst(%dma_wait3A_739 : memref<3x16x384xf32, #tpu.memory_space<hbm>>)
        %multiple_of3A_740 = arith.constant 144 : i32
        %multiple_of3A_741 = tpu.assume_multiple %multiple_of3A_740, 16 : i32
        %dma_wait3A_742 = arith.constant 0 : i32
        %dma_wait3A_743 = arith.constant 0 : i32
        %dma_wait3A_744 = tpu.memref_slice %arg4[%add3A_194, %dma_wait3A_742, %multiple_of3A_741, %dma_wait3A_743] : memref<128x3x384x384xf32, #tpu.memory_space<hbm>> -> memref<1x3x16x384xf32, #tpu.memory_space<hbm>>
        %dma_wait3A_745 = tpu.memref_squeeze %dma_wait3A_744 : memref<1x3x16x384xf32, #tpu.memory_space<hbm>> -> memref<3x16x384xf32, #tpu.memory_space<hbm>>
        %dma_wait3A_746 = arith.constant 0 : i32
        %dma_wait3A_747 = arith.constant 0 : i32
        %dma_wait3A_748 = tpu.memref_slice %arg4[%add3A_194, %dma_wait3A_746, %multiple_of3A_741, %dma_wait3A_747] : memref<128x3x384x384xf32, #tpu.memory_space<hbm>> -> memref<1x3x16x384xf32, #tpu.memory_space<hbm>>
        %dma_wait3A_749 = tpu.memref_squeeze %dma_wait3A_748 : memref<1x3x16x384xf32, #tpu.memory_space<hbm>> -> memref<3x16x384xf32, #tpu.memory_space<hbm>>
        tpu.wait_dma2 semaphore(%arg15 : memref<!tpu.dma_semaphore, #tpu.memory_space<semaphore_mem>>) src(%arg10 : memref<3x16x384xf32, #tpu.memory_space<vmem>>) dst(%dma_wait3A_749 : memref<3x16x384xf32, #tpu.memory_space<hbm>>)
        %multiple_of3A_750 = arith.constant 144 : i32
        %multiple_of3A_751 = tpu.assume_multiple %multiple_of3A_750, 16 : i32
        %dma_wait3A_752 = arith.constant 0 : i32
        %dma_wait3A_753 = arith.constant 0 : i32
        %dma_wait3A_754 = tpu.memref_slice %arg4[%add3A_194, %dma_wait3A_752, %multiple_of3A_751, %dma_wait3A_753] : memref<128x3x384x384xf32, #tpu.memory_space<hbm>> -> memref<1x3x16x384xf32, #tpu.memory_space<hbm>>
        %dma_wait3A_755 = tpu.memref_squeeze %dma_wait3A_754 : memref<1x3x16x384xf32, #tpu.memory_space<hbm>> -> memref<3x16x384xf32, #tpu.memory_space<hbm>>
        %dma_wait3A_756 = arith.constant 0 : i32
        %dma_wait3A_757 = arith.constant 0 : i32
        %dma_wait3A_758 = tpu.memref_slice %arg4[%add3A_194, %dma_wait3A_756, %multiple_of3A_751, %dma_wait3A_757] : memref<128x3x384x384xf32, #tpu.memory_space<hbm>> -> memref<1x3x16x384xf32, #tpu.memory_space<hbm>>
        %dma_wait3A_759 = tpu.memref_squeeze %dma_wait3A_758 : memref<1x3x16x384xf32, #tpu.memory_space<hbm>> -> memref<3x16x384xf32, #tpu.memory_space<hbm>>
        tpu.wait_dma2 semaphore(%arg15 : memref<!tpu.dma_semaphore, #tpu.memory_space<semaphore_mem>>) src(%arg10 : memref<3x16x384xf32, #tpu.memory_space<vmem>>) dst(%dma_wait3A_759 : memref<3x16x384xf32, #tpu.memory_space<hbm>>)
        %multiple_of3A_760 = arith.constant 144 : i32
        %multiple_of3A_761 = tpu.assume_multiple %multiple_of3A_760, 16 : i32
        %dma_wait3A_762 = arith.constant 0 : i32
        %dma_wait3A_763 = arith.constant 0 : i32
        %dma_wait3A_764 = tpu.memref_slice %arg4[%add3A_194, %dma_wait3A_762, %multiple_of3A_761, %dma_wait3A_763] : memref<128x3x384x384xf32, #tpu.memory_space<hbm>> -> memref<1x3x16x384xf32, #tpu.memory_space<hbm>>
        %dma_wait3A_765 = tpu.memref_squeeze %dma_wait3A_764 : memref<1x3x16x384xf32, #tpu.memory_space<hbm>> -> memref<3x16x384xf32, #tpu.memory_space<hbm>>
        %dma_wait3A_766 = arith.constant 0 : i32
        %dma_wait3A_767 = arith.constant 0 : i32
        %dma_wait3A_768 = tpu.memref_slice %arg4[%add3A_194, %dma_wait3A_766, %multiple_of3A_761, %dma_wait3A_767] : memref<128x3x384x384xf32, #tpu.memory_space<hbm>> -> memref<1x3x16x384xf32, #tpu.memory_space<hbm>>
        %dma_wait3A_769 = tpu.memref_squeeze %dma_wait3A_768 : memref<1x3x16x384xf32, #tpu.memory_space<hbm>> -> memref<3x16x384xf32, #tpu.memory_space<hbm>>
        tpu.wait_dma2 semaphore(%arg15 : memref<!tpu.dma_semaphore, #tpu.memory_space<semaphore_mem>>) src(%arg10 : memref<3x16x384xf32, #tpu.memory_space<vmem>>) dst(%dma_wait3A_769 : memref<3x16x384xf32, #tpu.memory_space<hbm>>)
        %multiple_of3A_770 = arith.constant 144 : i32
        %multiple_of3A_771 = tpu.assume_multiple %multiple_of3A_770, 16 : i32
        %dma_wait3A_772 = arith.constant 0 : i32
        %dma_wait3A_773 = arith.constant 0 : i32
        %dma_wait3A_774 = tpu.memref_slice %arg4[%add3A_194, %dma_wait3A_772, %multiple_of3A_771, %dma_wait3A_773] : memref<128x3x384x384xf32, #tpu.memory_space<hbm>> -> memref<1x3x16x384xf32, #tpu.memory_space<hbm>>
        %dma_wait3A_775 = tpu.memref_squeeze %dma_wait3A_774 : memref<1x3x16x384xf32, #tpu.memory_space<hbm>> -> memref<3x16x384xf32, #tpu.memory_space<hbm>>
        %dma_wait3A_776 = arith.constant 0 : i32
        %dma_wait3A_777 = arith.constant 0 : i32
        %dma_wait3A_778 = tpu.memref_slice %arg4[%add3A_194, %dma_wait3A_776, %multiple_of3A_771, %dma_wait3A_777] : memref<128x3x384x384xf32, #tpu.memory_space<hbm>> -> memref<1x3x16x384xf32, #tpu.memory_space<hbm>>
        %dma_wait3A_779 = tpu.memref_squeeze %dma_wait3A_778 : memref<1x3x16x384xf32, #tpu.memory_space<hbm>> -> memref<3x16x384xf32, #tpu.memory_space<hbm>>
        tpu.wait_dma2 semaphore(%arg15 : memref<!tpu.dma_semaphore, #tpu.memory_space<semaphore_mem>>) src(%arg10 : memref<3x16x384xf32, #tpu.memory_space<vmem>>) dst(%dma_wait3A_779 : memref<3x16x384xf32, #tpu.memory_space<hbm>>)
        %multiple_of3A_780 = arith.constant 144 : i32
        %multiple_of3A_781 = tpu.assume_multiple %multiple_of3A_780, 16 : i32
        %dma_wait3A_782 = arith.constant 0 : i32
        %dma_wait3A_783 = arith.constant 0 : i32
        %dma_wait3A_784 = tpu.memref_slice %arg4[%add3A_194, %dma_wait3A_782, %multiple_of3A_781, %dma_wait3A_783] : memref<128x3x384x384xf32, #tpu.memory_space<hbm>> -> memref<1x3x16x384xf32, #tpu.memory_space<hbm>>
        %dma_wait3A_785 = tpu.memref_squeeze %dma_wait3A_784 : memref<1x3x16x384xf32, #tpu.memory_space<hbm>> -> memref<3x16x384xf32, #tpu.memory_space<hbm>>
        %dma_wait3A_786 = arith.constant 0 : i32
        %dma_wait3A_787 = arith.constant 0 : i32
        %dma_wait3A_788 = tpu.memref_slice %arg4[%add3A_194, %dma_wait3A_786, %multiple_of3A_781, %dma_wait3A_787] : memref<128x3x384x384xf32, #tpu.memory_space<hbm>> -> memref<1x3x16x384xf32, #tpu.memory_space<hbm>>
        %dma_wait3A_789 = tpu.memref_squeeze %dma_wait3A_788 : memref<1x3x16x384xf32, #tpu.memory_space<hbm>> -> memref<3x16x384xf32, #tpu.memory_space<hbm>>
        tpu.wait_dma2 semaphore(%arg15 : memref<!tpu.dma_semaphore, #tpu.memory_space<semaphore_mem>>) src(%arg10 : memref<3x16x384xf32, #tpu.memory_space<vmem>>) dst(%dma_wait3A_789 : memref<3x16x384xf32, #tpu.memory_space<hbm>>)
      } else {
      }
      %parallel_loop3A = arith.constant 0 : i32
      %parallel_loop3A_589 = arith.constant 48 : i32
      %parallel_loop3A_590 = arith.constant 1 : i32
      scf.for %parallel_loop3A_640 = %parallel_loop3A to %parallel_loop3A_589 step %parallel_loop3A_590  : i32 {
        %parallel_loop3A_641 = arith.constant 16 : i32
        %parallel_loop3A_642 = arith.divsi %parallel_loop3A_640, %parallel_loop3A_641 : i32
        %parallel_loop3A_643 = arith.constant 0 : i32
        %parallel_loop3A_644 = arith.cmpi sgt, %parallel_loop3A_640, %parallel_loop3A_643 : i32
        %parallel_loop3A_645 = arith.extui %parallel_loop3A_644 : i1 to i32
        %parallel_loop3A_646 = arith.constant 0 : i32
        %parallel_loop3A_647 = arith.cmpi slt, %parallel_loop3A_640, %parallel_loop3A_646 : i32
        %parallel_loop3A_648 = arith.extui %parallel_loop3A_647 : i1 to i32
        %parallel_loop3A_649 = arith.subi %parallel_loop3A_645, %parallel_loop3A_648 : i32
        %parallel_loop3A_650 = arith.constant 0 : i32
        %parallel_loop3A_651 = arith.cmpi sgt, %parallel_loop3A_641, %parallel_loop3A_650 : i32
        %parallel_loop3A_652 = arith.extui %parallel_loop3A_651 : i1 to i32
        %parallel_loop3A_653 = arith.constant 0 : i32
        %parallel_loop3A_654 = arith.cmpi slt, %parallel_loop3A_641, %parallel_loop3A_653 : i32
        %parallel_loop3A_655 = arith.extui %parallel_loop3A_654 : i1 to i32
        %parallel_loop3A_656 = arith.subi %parallel_loop3A_652, %parallel_loop3A_655 : i32
        %parallel_loop3A_657 = arith.cmpi ne, %parallel_loop3A_649, %parallel_loop3A_656 : i32
        %parallel_loop3A_658 = arith.remsi %parallel_loop3A_640, %parallel_loop3A_641 : i32
        %parallel_loop3A_659 = arith.constant 0 : i32
        %parallel_loop3A_660 = arith.cmpi ne, %parallel_loop3A_658, %parallel_loop3A_659 : i32
        %parallel_loop3A_661 = arith.andi %parallel_loop3A_657, %parallel_loop3A_660 : i1
        %parallel_loop3A_662 = arith.constant 1 : i32
        %parallel_loop3A_663 = arith.subi %parallel_loop3A_642, %parallel_loop3A_662 : i32
        %parallel_loop3A_664 = arith.select %parallel_loop3A_661, %parallel_loop3A_663, %parallel_loop3A_642 : i32
        %parallel_loop3A_665 = arith.constant 16 : i32
        %parallel_loop3A_666 = arith.muli %parallel_loop3A_664, %parallel_loop3A_665 : i32
        %parallel_loop3A_667 = arith.subi %parallel_loop3A_640, %parallel_loop3A_666 : i32
        %parallel_loop3A_668 = arith.constant 16 : i32
        %parallel_loop3A_669 = arith.muli %parallel_loop3A_640, %parallel_loop3A_668 : i32
        %parallel_loop3A_670 = tpu.assume_multiple %parallel_loop3A_669, 16 : i32
        %parallel_loop3A_671 = arith.constant 31 : i32
        %parallel_loop3A_672 = arith.index_cast %parallel_loop3A_671 : i32 to index
        %parallel_loop3A_673 = arith.index_cast %parallel_loop3A_670 : i32 to index
        %parallel_loop3A_674 = tpu.vector_load %arg7[%parallel_loop3A_672, %parallel_loop3A_673] {strides = array<i32>} : memref<32x768xf32, #tpu.memory_space<vmem>>, vector<1x16xf32>,
        %parallel_loop3A_675 = vector.shape_cast %parallel_loop3A_674 : vector<1x16xf32> to vector<16xf32>
        %parallel_loop3A_676 = arith.constant 2.000000e+00 : f32
        %parallel_loop3A_677 = vector.broadcast %parallel_loop3A_676 : f32 to vector<16xf32>
        %parallel_loop3A_678 = arith.mulf %parallel_loop3A_677, %parallel_loop3A_675 : vector<16xf32>
        %parallel_loop3A_679 = math.exp %parallel_loop3A_678 : vector<16xf32>
        %parallel_loop3A_680 = arith.constant 1.000000e+00 : f32
        %parallel_loop3A_681 = vector.broadcast %parallel_loop3A_680 : f32 to vector<16xf32>
        %parallel_loop3A_682 = arith.addf %parallel_loop3A_679, %parallel_loop3A_681 : vector<16xf32>
        %parallel_loop3A_683 = arith.constant 2.000000e+00 : f32
        %parallel_loop3A_684 = vector.broadcast %parallel_loop3A_683 : f32 to vector<16xf32>
        %parallel_loop3A_685 = arith.divf %parallel_loop3A_684, %parallel_loop3A_682 : vector<16xf32>
        %parallel_loop3A_686 = arith.constant 1.000000e+00 : f32
        %parallel_loop3A_687 = vector.broadcast %parallel_loop3A_686 : f32 to vector<16xf32>
        %parallel_loop3A_688 = arith.subf %parallel_loop3A_687, %parallel_loop3A_685 : vector<16xf32>
        %parallel_loop3A_689 = arith.index_cast %parallel_loop3A_664 : i32 to index
        %parallel_loop3A_690 = arith.index_cast %parallel_loop3A_667 : i32 to index
        %parallel_loop3A_691 = arith.constant 0 : index
        %parallel_loop3A_692 = tpu.vector_load %arg10[%parallel_loop3A_689, %parallel_loop3A_690, %parallel_loop3A_691] {strides = array<i32>} : memref<3x16x384xf32, #tpu.memory_space<vmem>>, vector<1x1x16xf32>,
        %parallel_loop3A_693 = vector.shape_cast %parallel_loop3A_692 : vector<1x1x16xf32> to vector<16xf32>
        %parallel_loop3A_694 = vector.shape_cast %parallel_loop3A_688 : vector<16xf32> to vector<1x1x16xf32>
        tpu.vector_store %arg10[%parallel_loop3A_689, %parallel_loop3A_690, %parallel_loop3A_691], %parallel_loop3A_694 {strides = array<i32>} : memref<3x16x384xf32, #tpu.memory_space<vmem>>, vector<1x1x16xf32>,
      } {sc.loop_unroll_factor = 8 : i64, sc.parallel_access}
      %scan3A_591 = arith.constant 0 : i32
      %scan3A_592 = arith.constant 1 : i32
      %scan3A_593 = arith.constant 23 : i32
      %scan3A_594 = arith.addi %scan3A_592, %scan3A_593 : i32
      %scan3A_595 = arith.constant 1 : i32
      %scan3A_596 = scf.for %scan3A_640 = %scan3A_592 to %scan3A_594 step %scan3A_595 iter_args(%scan3A_641 = %scan3A_591) -> (i32)  : i32 {
        %mul3A_642 = arith.constant 16 : i32
        %mul3A_643 = arith.muli %scan3A_640, %mul3A_642 : i32
        %multiple_of3A_644 = tpu.assume_multiple %mul3A_643, 16 : i32
        %parallel_loop3A_645 = arith.constant 0 : i32
        %parallel_loop3A_646 = arith.constant 48 : i32
        %parallel_loop3A_647 = arith.constant 1 : i32
        scf.for %parallel_loop3A_649 = %parallel_loop3A_645 to %parallel_loop3A_646 step %parallel_loop3A_647  : i32 {
          %parallel_loop3A_650 = arith.constant 16 : i32
          %parallel_loop3A_651 = arith.divsi %parallel_loop3A_649, %parallel_loop3A_650 : i32
          %parallel_loop3A_652 = arith.constant 0 : i32
          %parallel_loop3A_653 = arith.cmpi sgt, %parallel_loop3A_649, %parallel_loop3A_652 : i32
          %parallel_loop3A_654 = arith.extui %parallel_loop3A_653 : i1 to i32
          %parallel_loop3A_655 = arith.constant 0 : i32
          %parallel_loop3A_656 = arith.cmpi slt, %parallel_loop3A_649, %parallel_loop3A_655 : i32
          %parallel_loop3A_657 = arith.extui %parallel_loop3A_656 : i1 to i32
          %parallel_loop3A_658 = arith.subi %parallel_loop3A_654, %parallel_loop3A_657 : i32
          %parallel_loop3A_659 = arith.constant 0 : i32
          %parallel_loop3A_660 = arith.cmpi sgt, %parallel_loop3A_650, %parallel_loop3A_659 : i32
          %parallel_loop3A_661 = arith.extui %parallel_loop3A_660 : i1 to i32
          %parallel_loop3A_662 = arith.constant 0 : i32
          %parallel_loop3A_663 = arith.cmpi slt, %parallel_loop3A_650, %parallel_loop3A_662 : i32
          %parallel_loop3A_664 = arith.extui %parallel_loop3A_663 : i1 to i32
          %parallel_loop3A_665 = arith.subi %parallel_loop3A_661, %parallel_loop3A_664 : i32
          %parallel_loop3A_666 = arith.cmpi ne, %parallel_loop3A_658, %parallel_loop3A_665 : i32
          %parallel_loop3A_667 = arith.remsi %parallel_loop3A_649, %parallel_loop3A_650 : i32
          %parallel_loop3A_668 = arith.constant 0 : i32
          %parallel_loop3A_669 = arith.cmpi ne, %parallel_loop3A_667, %parallel_loop3A_668 : i32
          %parallel_loop3A_670 = arith.andi %parallel_loop3A_666, %parallel_loop3A_669 : i1
          %parallel_loop3A_671 = arith.constant 1 : i32
          %parallel_loop3A_672 = arith.subi %parallel_loop3A_651, %parallel_loop3A_671 : i32
          %parallel_loop3A_673 = arith.select %parallel_loop3A_670, %parallel_loop3A_672, %parallel_loop3A_651 : i32
          %parallel_loop3A_674 = arith.constant 16 : i32
          %parallel_loop3A_675 = arith.muli %parallel_loop3A_673, %parallel_loop3A_674 : i32
          %parallel_loop3A_676 = arith.subi %parallel_loop3A_649, %parallel_loop3A_675 : i32
          %parallel_loop3A_677 = arith.index_cast %parallel_loop3A_673 : i32 to index
          %parallel_loop3A_678 = arith.index_cast %parallel_loop3A_676 : i32 to index
          %parallel_loop3A_679 = arith.constant 0 : index
          %parallel_loop3A_680 = tpu.vector_load %arg10[%parallel_loop3A_677, %parallel_loop3A_678, %parallel_loop3A_679] {strides = array<i32>} : memref<3x16x384xf32, #tpu.memory_space<vmem>>, vector<1x1x16xf32>,
          %parallel_loop3A_681 = vector.shape_cast %parallel_loop3A_680 : vector<1x1x16xf32> to vector<16xf32>
          %parallel_loop3A_682 = arith.index_cast %parallel_loop3A_673 : i32 to index
          %parallel_loop3A_683 = arith.index_cast %parallel_loop3A_676 : i32 to index
          %parallel_loop3A_684 = arith.index_cast %multiple_of3A_644 : i32 to index
          %parallel_loop3A_685 = tpu.vector_load %arg10[%parallel_loop3A_682, %parallel_loop3A_683, %parallel_loop3A_684] {strides = array<i32>} : memref<3x16x384xf32, #tpu.memory_space<vmem>>, vector<1x1x16xf32>,
          %parallel_loop3A_686 = vector.shape_cast %parallel_loop3A_685 : vector<1x1x16xf32> to vector<16xf32>
          %parallel_loop3A_687 = vector.shape_cast %parallel_loop3A_681 : vector<16xf32> to vector<1x1x16xf32>
          tpu.vector_store %arg10[%parallel_loop3A_682, %parallel_loop3A_683, %parallel_loop3A_684], %parallel_loop3A_687 {strides = array<i32>} : memref<3x16x384xf32, #tpu.memory_space<vmem>>, vector<1x1x16xf32>,
        } {sc.loop_unroll_factor = 8 : i64, sc.parallel_access}
        %scan3A_648 = arith.constant 0 : i32
        scf.yield %scan3A_648 : i32
      }
      %scan3A_597 = arith.constant 23 : i32
      %scan3A_598 = arith.constant 0 : i32
      %scan3A_599 = arith.constant 9 : i32
      %scan3A_600 = arith.constant 15 : i32
      %scan3A_601 = arith.addi %scan3A_599, %scan3A_600 : i32
      %scan3A_602 = arith.constant 1 : i32
      %scan3A_603 = scf.for %scan3A_640 = %scan3A_599 to %scan3A_601 step %scan3A_602 iter_args(%scan3A_641 = %scan3A_598) -> (i32)  : i32 {
        %mul3A_642 = arith.constant 16 : i32
        %mul3A_643 = arith.muli %scan3A_640, %mul3A_642 : i32
        %multiple_of3A_644 = tpu.assume_multiple %mul3A_643, 16 : i32
        %dma_start3A_645 = arith.constant 0 : i32
        %dma_start3A_646 = arith.constant 0 : i32
        %dma_start3A_647 = tpu.memref_slice %arg4[%add3A_194, %dma_start3A_645, %multiple_of3A_644, %dma_start3A_646] : memref<128x3x384x384xf32, #tpu.memory_space<hbm>> -> memref<1x3x16x384xf32, #tpu.memory_space<hbm>>
        %dma_start3A_648 = tpu.memref_squeeze %dma_start3A_647 : memref<1x3x16x384xf32, #tpu.memory_space<hbm>> -> memref<3x16x384xf32, #tpu.memory_space<hbm>>
        %dma_start3A_649 = arith.constant 0 : i32
        %dma_start3A_650 = arith.constant 0 : i32
        %dma_start3A_651 = tpu.memref_slice %arg4[%add3A_194, %dma_start3A_649, %multiple_of3A_644, %dma_start3A_650] : memref<128x3x384x384xf32, #tpu.memory_space<hbm>> -> memref<1x3x16x384xf32, #tpu.memory_space<hbm>>
        %dma_start3A_652 = tpu.memref_squeeze %dma_start3A_651 : memref<1x3x16x384xf32, #tpu.memory_space<hbm>> -> memref<3x16x384xf32, #tpu.memory_space<hbm>>
        tpu.enqueue_dma source(%arg10 : memref<3x16x384xf32, #tpu.memory_space<vmem>>) target(%dma_start3A_652 : memref<3x16x384xf32, #tpu.memory_space<hbm>>) target_semaphore(%arg15 : memref<!tpu.dma_semaphore, #tpu.memory_space<semaphore_mem>>)
        %scan3A_653 = arith.constant 0 : i32
        scf.yield %scan3A_653 : i32
      }
      %scan3A_604 = arith.constant 15 : i32
      %multiple_of3A_605 = arith.constant 128 : i32
      %multiple_of3A_606 = tpu.assume_multiple %multiple_of3A_605, 16 : i32
      %dma_wait3A_607 = arith.constant 0 : i32
      %dma_wait3A_608 = arith.constant 0 : i32
      %dma_wait3A_609 = tpu.memref_slice %arg4[%add3A_194, %dma_wait3A_607, %multiple_of3A_606, %dma_wait3A_608] : memref<128x3x384x384xf32, #tpu.memory_space<hbm>> -> memref<1x3x16x384xf32, #tpu.memory_space<hbm>>
      %dma_wait3A_610 = tpu.memref_squeeze %dma_wait3A_609 : memref<1x3x16x384xf32, #tpu.memory_space<hbm>> -> memref<3x16x384xf32, #tpu.memory_space<hbm>>
      %dma_wait3A_611 = arith.constant 0 : i32
      %dma_wait3A_612 = arith.constant 0 : i32
      %dma_wait3A_613 = tpu.memref_slice %arg4[%add3A_194, %dma_wait3A_611, %multiple_of3A_606, %dma_wait3A_612] : memref<128x3x384x384xf32, #tpu.memory_space<hbm>> -> memref<1x3x16x384xf32, #tpu.memory_space<hbm>>
      %dma_wait3A_614 = tpu.memref_squeeze %dma_wait3A_613 : memref<1x3x16x384xf32, #tpu.memory_space<hbm>> -> memref<3x16x384xf32, #tpu.memory_space<hbm>>
      tpu.wait_dma2 semaphore(%arg13 : memref<!tpu.dma_semaphore, #tpu.memory_space<semaphore_mem>>) src(%arg8 : memref<3x16x384xf32, #tpu.memory_space<vmem>>) dst(%dma_wait3A_614 : memref<3x16x384xf32, #tpu.memory_space<hbm>>)
      %scan3A_615 = arith.constant 0 : i32
      %scan3A_616 = arith.constant 0 : i32
      %scan3A_617 = arith.constant 7 : i32
      %scan3A_618 = arith.addi %scan3A_616, %scan3A_617 : i32
      %scan3A_619 = arith.constant 1 : i32
      %scan3A_620 = scf.for %scan3A_640 = %scan3A_616 to %scan3A_618 step %scan3A_619 iter_args(%scan3A_641 = %scan3A_615) -> (i32)  : i32 {
        %mul3A_642 = arith.constant 16 : i32
        %mul3A_643 = arith.muli %scan3A_640, %mul3A_642 : i32
        %multiple_of3A_644 = tpu.assume_multiple %mul3A_643, 16 : i32
        %parallel_loop3A_645 = arith.constant 0 : i32
        %parallel_loop3A_646 = arith.constant 48 : i32
        %parallel_loop3A_647 = arith.constant 1 : i32
        scf.for %parallel_loop3A_649 = %parallel_loop3A_645 to %parallel_loop3A_646 step %parallel_loop3A_647  : i32 {
          %parallel_loop3A_650 = arith.constant 16 : i32
          %parallel_loop3A_651 = arith.divsi %parallel_loop3A_649, %parallel_loop3A_650 : i32
          %parallel_loop3A_652 = arith.constant 0 : i32
          %parallel_loop3A_653 = arith.cmpi sgt, %parallel_loop3A_649, %parallel_loop3A_652 : i32
          %parallel_loop3A_654 = arith.extui %parallel_loop3A_653 : i1 to i32
          %parallel_loop3A_655 = arith.constant 0 : i32
          %parallel_loop3A_656 = arith.cmpi slt, %parallel_loop3A_649, %parallel_loop3A_655 : i32
          %parallel_loop3A_657 = arith.extui %parallel_loop3A_656 : i1 to i32
          %parallel_loop3A_658 = arith.subi %parallel_loop3A_654, %parallel_loop3A_657 : i32
          %parallel_loop3A_659 = arith.constant 0 : i32
          %parallel_loop3A_660 = arith.cmpi sgt, %parallel_loop3A_650, %parallel_loop3A_659 : i32
          %parallel_loop3A_661 = arith.extui %parallel_loop3A_660 : i1 to i32
          %parallel_loop3A_662 = arith.constant 0 : i32
          %parallel_loop3A_663 = arith.cmpi slt, %parallel_loop3A_650, %parallel_loop3A_662 : i32
          %parallel_loop3A_664 = arith.extui %parallel_loop3A_663 : i1 to i32
          %parallel_loop3A_665 = arith.subi %parallel_loop3A_661, %parallel_loop3A_664 : i32
          %parallel_loop3A_666 = arith.cmpi ne, %parallel_loop3A_658, %parallel_loop3A_665 : i32
          %parallel_loop3A_667 = arith.remsi %parallel_loop3A_649, %parallel_loop3A_650 : i32
          %parallel_loop3A_668 = arith.constant 0 : i32
          %parallel_loop3A_669 = arith.cmpi ne, %parallel_loop3A_667, %parallel_loop3A_668 : i32
          %parallel_loop3A_670 = arith.andi %parallel_loop3A_666, %parallel_loop3A_669 : i1
          %parallel_loop3A_671 = arith.constant 1 : i32
          %parallel_loop3A_672 = arith.subi %parallel_loop3A_651, %parallel_loop3A_671 : i32
          %parallel_loop3A_673 = arith.select %parallel_loop3A_670, %parallel_loop3A_672, %parallel_loop3A_651 : i32
          %parallel_loop3A_674 = arith.constant 16 : i32
          %parallel_loop3A_675 = arith.muli %parallel_loop3A_673, %parallel_loop3A_674 : i32
          %parallel_loop3A_676 = arith.subi %parallel_loop3A_649, %parallel_loop3A_675 : i32
          %parallel_loop3A_677 = arith.constant 24 : i32
          %parallel_loop3A_678 = arith.addi %scan3A_640, %parallel_loop3A_677 : i32
          %parallel_loop3A_679 = arith.constant 16 : i32
          %parallel_loop3A_680 = arith.muli %parallel_loop3A_649, %parallel_loop3A_679 : i32
          %parallel_loop3A_681 = tpu.assume_multiple %parallel_loop3A_680, 16 : i32
          %parallel_loop3A_682 = arith.index_cast %parallel_loop3A_678 : i32 to index
          %parallel_loop3A_683 = arith.index_cast %parallel_loop3A_681 : i32 to index
          %parallel_loop3A_684 = tpu.vector_load %arg7[%parallel_loop3A_682, %parallel_loop3A_683] {strides = array<i32>} : memref<32x768xf32, #tpu.memory_space<vmem>>, vector<1x16xf32>,
          %parallel_loop3A_685 = vector.shape_cast %parallel_loop3A_684 : vector<1x16xf32> to vector<16xf32>
          %parallel_loop3A_686 = arith.constant 2.000000e+00 : f32
          %parallel_loop3A_687 = vector.broadcast %parallel_loop3A_686 : f32 to vector<16xf32>
          %parallel_loop3A_688 = arith.mulf %parallel_loop3A_687, %parallel_loop3A_685 : vector<16xf32>
          %parallel_loop3A_689 = math.exp %parallel_loop3A_688 : vector<16xf32>
          %parallel_loop3A_690 = arith.constant 1.000000e+00 : f32
          %parallel_loop3A_691 = vector.broadcast %parallel_loop3A_690 : f32 to vector<16xf32>
          %parallel_loop3A_692 = arith.addf %parallel_loop3A_689, %parallel_loop3A_691 : vector<16xf32>
          %parallel_loop3A_693 = arith.constant 2.000000e+00 : f32
          %parallel_loop3A_694 = vector.broadcast %parallel_loop3A_693 : f32 to vector<16xf32>
          %parallel_loop3A_695 = arith.divf %parallel_loop3A_694, %parallel_loop3A_692 : vector<16xf32>
          %parallel_loop3A_696 = arith.constant 1.000000e+00 : f32
          %parallel_loop3A_697 = vector.broadcast %parallel_loop3A_696 : f32 to vector<16xf32>
          %parallel_loop3A_698 = arith.subf %parallel_loop3A_697, %parallel_loop3A_695 : vector<16xf32>
          %parallel_loop3A_699 = arith.index_cast %parallel_loop3A_673 : i32 to index
          %parallel_loop3A_700 = arith.index_cast %parallel_loop3A_676 : i32 to index
          %parallel_loop3A_701 = arith.index_cast %multiple_of3A_644 : i32 to index
          %parallel_loop3A_702 = tpu.vector_load %arg8[%parallel_loop3A_699, %parallel_loop3A_700, %parallel_loop3A_701] {strides = array<i32>} : memref<3x16x384xf32, #tpu.memory_space<vmem>>, vector<1x1x16xf32>,
          %parallel_loop3A_703 = vector.shape_cast %parallel_loop3A_702 : vector<1x1x16xf32> to vector<16xf32>
          %parallel_loop3A_704 = vector.shape_cast %parallel_loop3A_698 : vector<16xf32> to vector<1x1x16xf32>
          tpu.vector_store %arg8[%parallel_loop3A_699, %parallel_loop3A_700, %parallel_loop3A_701], %parallel_loop3A_704 {strides = array<i32>} : memref<3x16x384xf32, #tpu.memory_space<vmem>>, vector<1x1x16xf32>,
        } {sc.loop_unroll_factor = 8 : i64, sc.parallel_access}
        %scan3A_648 = arith.constant 0 : i32
        scf.yield %scan3A_648 : i32
      }
      %scan3A_621 = arith.constant 7 : i32
      %scan3A_622 = arith.constant 0 : i32
      %scan3A_623 = arith.constant 7 : i32
      %scan3A_624 = arith.constant 17 : i32
      %scan3A_625 = arith.addi %scan3A_623, %scan3A_624 : i32
      %scan3A_626 = arith.constant 1 : i32
      %scan3A_627 = scf.for %scan3A_640 = %scan3A_623 to %scan3A_625 step %scan3A_626 iter_args(%scan3A_641 = %scan3A_622) -> (i32)  : i32 {
        %mul3A_642 = arith.constant 16 : i32
        %mul3A_643 = arith.muli %scan3A_640, %mul3A_642 : i32
        %multiple_of3A_644 = tpu.assume_multiple %mul3A_643, 16 : i32
        %parallel_loop3A_645 = arith.constant 0 : i32
        %parallel_loop3A_646 = arith.constant 48 : i32
        %parallel_loop3A_647 = arith.constant 1 : i32
        scf.for %parallel_loop3A_649 = %parallel_loop3A_645 to %parallel_loop3A_646 step %parallel_loop3A_647  : i32 {
          %parallel_loop3A_650 = arith.constant 16 : i32
          %parallel_loop3A_651 = arith.divsi %parallel_loop3A_649, %parallel_loop3A_650 : i32
          %parallel_loop3A_652 = arith.constant 0 : i32
          %parallel_loop3A_653 = arith.cmpi sgt, %parallel_loop3A_649, %parallel_loop3A_652 : i32
          %parallel_loop3A_654 = arith.extui %parallel_loop3A_653 : i1 to i32
          %parallel_loop3A_655 = arith.constant 0 : i32
          %parallel_loop3A_656 = arith.cmpi slt, %parallel_loop3A_649, %parallel_loop3A_655 : i32
          %parallel_loop3A_657 = arith.extui %parallel_loop3A_656 : i1 to i32
          %parallel_loop3A_658 = arith.subi %parallel_loop3A_654, %parallel_loop3A_657 : i32
          %parallel_loop3A_659 = arith.constant 0 : i32
          %parallel_loop3A_660 = arith.cmpi sgt, %parallel_loop3A_650, %parallel_loop3A_659 : i32
          %parallel_loop3A_661 = arith.extui %parallel_loop3A_660 : i1 to i32
          %parallel_loop3A_662 = arith.constant 0 : i32
          %parallel_loop3A_663 = arith.cmpi slt, %parallel_loop3A_650, %parallel_loop3A_662 : i32
          %parallel_loop3A_664 = arith.extui %parallel_loop3A_663 : i1 to i32
          %parallel_loop3A_665 = arith.subi %parallel_loop3A_661, %parallel_loop3A_664 : i32
          %parallel_loop3A_666 = arith.cmpi ne, %parallel_loop3A_658, %parallel_loop3A_665 : i32
          %parallel_loop3A_667 = arith.remsi %parallel_loop3A_649, %parallel_loop3A_650 : i32
          %parallel_loop3A_668 = arith.constant 0 : i32
          %parallel_loop3A_669 = arith.cmpi ne, %parallel_loop3A_667, %parallel_loop3A_668 : i32
          %parallel_loop3A_670 = arith.andi %parallel_loop3A_666, %parallel_loop3A_669 : i1
          %parallel_loop3A_671 = arith.constant 1 : i32
          %parallel_loop3A_672 = arith.subi %parallel_loop3A_651, %parallel_loop3A_671 : i32
          %parallel_loop3A_673 = arith.select %parallel_loop3A_670, %parallel_loop3A_672, %parallel_loop3A_651 : i32
          %parallel_loop3A_674 = arith.constant 16 : i32
          %parallel_loop3A_675 = arith.muli %parallel_loop3A_673, %parallel_loop3A_674 : i32
          %parallel_loop3A_676 = arith.subi %parallel_loop3A_649, %parallel_loop3A_675 : i32
          %parallel_loop3A_677 = arith.index_cast %parallel_loop3A_673 : i32 to index
          %parallel_loop3A_678 = arith.index_cast %parallel_loop3A_676 : i32 to index
          %parallel_loop3A_679 = arith.constant 0 : index
          %parallel_loop3A_680 = tpu.vector_load %arg10[%parallel_loop3A_677, %parallel_loop3A_678, %parallel_loop3A_679] {strides = array<i32>} : memref<3x16x384xf32, #tpu.memory_space<vmem>>, vector<1x1x16xf32>,
          %parallel_loop3A_681 = vector.shape_cast %parallel_loop3A_680 : vector<1x1x16xf32> to vector<16xf32>
          %parallel_loop3A_682 = arith.index_cast %parallel_loop3A_673 : i32 to index
          %parallel_loop3A_683 = arith.index_cast %parallel_loop3A_676 : i32 to index
          %parallel_loop3A_684 = arith.index_cast %multiple_of3A_644 : i32 to index
          %parallel_loop3A_685 = tpu.vector_load %arg8[%parallel_loop3A_682, %parallel_loop3A_683, %parallel_loop3A_684] {strides = array<i32>} : memref<3x16x384xf32, #tpu.memory_space<vmem>>, vector<1x1x16xf32>,
          %parallel_loop3A_686 = vector.shape_cast %parallel_loop3A_685 : vector<1x1x16xf32> to vector<16xf32>
          %parallel_loop3A_687 = vector.shape_cast %parallel_loop3A_681 : vector<16xf32> to vector<1x1x16xf32>
          tpu.vector_store %arg8[%parallel_loop3A_682, %parallel_loop3A_683, %parallel_loop3A_684], %parallel_loop3A_687 {strides = array<i32>} : memref<3x16x384xf32, #tpu.memory_space<vmem>>, vector<1x1x16xf32>,
        } {sc.loop_unroll_factor = 8 : i64, sc.parallel_access}
        %scan3A_648 = arith.constant 0 : i32
        scf.yield %scan3A_648 : i32
      }
      %scan3A_628 = arith.constant 17 : i32
      %multiple_of3A_629 = arith.constant 128 : i32
      %multiple_of3A_630 = tpu.assume_multiple %multiple_of3A_629, 16 : i32
      %dma_start3A_631 = arith.constant 0 : i32
      %dma_start3A_632 = arith.constant 0 : i32
      %dma_start3A_633 = tpu.memref_slice %arg4[%add3A_194, %dma_start3A_631, %multiple_of3A_630, %dma_start3A_632] : memref<128x3x384x384xf32, #tpu.memory_space<hbm>> -> memref<1x3x16x384xf32, #tpu.memory_space<hbm>>
      %dma_start3A_634 = tpu.memref_squeeze %dma_start3A_633 : memref<1x3x16x384xf32, #tpu.memory_space<hbm>> -> memref<3x16x384xf32, #tpu.memory_space<hbm>>
      %dma_start3A_635 = arith.constant 0 : i32
      %dma_start3A_636 = arith.constant 0 : i32
      %dma_start3A_637 = tpu.memref_slice %arg4[%add3A_194, %dma_start3A_635, %multiple_of3A_630, %dma_start3A_636] : memref<128x3x384x384xf32, #tpu.memory_space<hbm>> -> memref<1x3x16x384xf32, #tpu.memory_space<hbm>>
      %dma_start3A_638 = tpu.memref_squeeze %dma_start3A_637 : memref<1x3x16x384xf32, #tpu.memory_space<hbm>> -> memref<3x16x384xf32, #tpu.memory_space<hbm>>
      tpu.enqueue_dma source(%arg8 : memref<3x16x384xf32, #tpu.memory_space<vmem>>) target(%dma_start3A_638 : memref<3x16x384xf32, #tpu.memory_space<hbm>>) target_semaphore(%arg13 : memref<!tpu.dma_semaphore, #tpu.memory_space<semaphore_mem>>)
      %scan3A_639 = arith.constant 0 : i32
      scf.yield %scan3A_639 : i32
    }
    %scan3A_16 = arith.constant 4 : i32
    %mul3A_17 = arith.constant 4 : i32
    %mul3A_18 = arith.muli %add3A, %mul3A_17 : i32
    %add3A_19 = arith.constant 3 : i32
    %add3A_20 = arith.addi %mul3A_18, %add3A_19 : i32
    %multiple_of3A_21 = arith.constant 128 : i32
    %multiple_of3A_22 = tpu.assume_multiple %multiple_of3A_21, 16 : i32
    %dma_wait3A = arith.constant 0 : i32
    %dma_wait3A_23 = arith.constant 0 : i32
    %dma_wait3A_24 = tpu.memref_slice %arg4[%add3A_20, %dma_wait3A, %multiple_of3A_22, %dma_wait3A_23] : memref<128x3x384x384xf32, #tpu.memory_space<hbm>> -> memref<1x3x16x384xf32, #tpu.memory_space<hbm>>
    %dma_wait3A_25 = tpu.memref_squeeze %dma_wait3A_24 : memref<1x3x16x384xf32, #tpu.memory_space<hbm>> -> memref<3x16x384xf32, #tpu.memory_space<hbm>>
    %dma_wait3A_26 = arith.constant 0 : i32
    %dma_wait3A_27 = arith.constant 0 : i32
    %dma_wait3A_28 = tpu.memref_slice %arg4[%add3A_20, %dma_wait3A_26, %multiple_of3A_22, %dma_wait3A_27] : memref<128x3x384x384xf32, #tpu.memory_space<hbm>> -> memref<1x3x16x384xf32, #tpu.memory_space<hbm>>
    %dma_wait3A_29 = tpu.memref_squeeze %dma_wait3A_28 : memref<1x3x16x384xf32, #tpu.memory_space<hbm>> -> memref<3x16x384xf32, #tpu.memory_space<hbm>>
    tpu.wait_dma2 semaphore(%arg13 : memref<!tpu.dma_semaphore, #tpu.memory_space<semaphore_mem>>) src(%arg8 : memref<3x16x384xf32, #tpu.memory_space<vmem>>) dst(%dma_wait3A_29 : memref<3x16x384xf32, #tpu.memory_space<hbm>>)
    %multiple_of3A_30 = arith.constant 112 : i32
    %multiple_of3A_31 = tpu.assume_multiple %multiple_of3A_30, 16 : i32
    %dma_wait3A_32 = arith.constant 0 : i32
    %dma_wait3A_33 = arith.constant 0 : i32
    %dma_wait3A_34 = tpu.memref_slice %arg4[%add3A_20, %dma_wait3A_32, %multiple_of3A_31, %dma_wait3A_33] : memref<128x3x384x384xf32, #tpu.memory_space<hbm>> -> memref<1x3x16x384xf32, #tpu.memory_space<hbm>>
    %dma_wait3A_35 = tpu.memref_squeeze %dma_wait3A_34 : memref<1x3x16x384xf32, #tpu.memory_space<hbm>> -> memref<3x16x384xf32, #tpu.memory_space<hbm>>
    %dma_wait3A_36 = arith.constant 0 : i32
    %dma_wait3A_37 = arith.constant 0 : i32
    %dma_wait3A_38 = tpu.memref_slice %arg4[%add3A_20, %dma_wait3A_36, %multiple_of3A_31, %dma_wait3A_37] : memref<128x3x384x384xf32, #tpu.memory_space<hbm>> -> memref<1x3x16x384xf32, #tpu.memory_space<hbm>>
    %dma_wait3A_39 = tpu.memref_squeeze %dma_wait3A_38 : memref<1x3x16x384xf32, #tpu.memory_space<hbm>> -> memref<3x16x384xf32, #tpu.memory_space<hbm>>
    tpu.wait_dma2 semaphore(%arg14 : memref<!tpu.dma_semaphore, #tpu.memory_space<semaphore_mem>>) src(%arg9 : memref<3x16x384xf32, #tpu.memory_space<vmem>>) dst(%dma_wait3A_39 : memref<3x16x384xf32, #tpu.memory_space<hbm>>)
    %multiple_of3A_40 = arith.constant 144 : i32
    %multiple_of3A_41 = tpu.assume_multiple %multiple_of3A_40, 16 : i32
    %dma_wait3A_42 = arith.constant 0 : i32
    %dma_wait3A_43 = arith.constant 0 : i32
    %dma_wait3A_44 = tpu.memref_slice %arg4[%add3A_20, %dma_wait3A_42, %multiple_of3A_41, %dma_wait3A_43] : memref<128x3x384x384xf32, #tpu.memory_space<hbm>> -> memref<1x3x16x384xf32, #tpu.memory_space<hbm>>
    %dma_wait3A_45 = tpu.memref_squeeze %dma_wait3A_44 : memref<1x3x16x384xf32, #tpu.memory_space<hbm>> -> memref<3x16x384xf32, #tpu.memory_space<hbm>>
    %dma_wait3A_46 = arith.constant 0 : i32
    %dma_wait3A_47 = arith.constant 0 : i32
    %dma_wait3A_48 = tpu.memref_slice %arg4[%add3A_20, %dma_wait3A_46, %multiple_of3A_41, %dma_wait3A_47] : memref<128x3x384x384xf32, #tpu.memory_space<hbm>> -> memref<1x3x16x384xf32, #tpu.memory_space<hbm>>
    %dma_wait3A_49 = tpu.memref_squeeze %dma_wait3A_48 : memref<1x3x16x384xf32, #tpu.memory_space<hbm>> -> memref<3x16x384xf32, #tpu.memory_space<hbm>>
    tpu.wait_dma2 semaphore(%arg15 : memref<!tpu.dma_semaphore, #tpu.memory_space<semaphore_mem>>) src(%arg10 : memref<3x16x384xf32, #tpu.memory_space<vmem>>) dst(%dma_wait3A_49 : memref<3x16x384xf32, #tpu.memory_space<hbm>>)
    %multiple_of3A_50 = arith.constant 144 : i32
    %multiple_of3A_51 = tpu.assume_multiple %multiple_of3A_50, 16 : i32
    %dma_wait3A_52 = arith.constant 0 : i32
    %dma_wait3A_53 = arith.constant 0 : i32
    %dma_wait3A_54 = tpu.memref_slice %arg4[%add3A_20, %dma_wait3A_52, %multiple_of3A_51, %dma_wait3A_53] : memref<128x3x384x384xf32, #tpu.memory_space<hbm>> -> memref<1x3x16x384xf32, #tpu.memory_space<hbm>>
    %dma_wait3A_55 = tpu.memref_squeeze %dma_wait3A_54 : memref<1x3x16x384xf32, #tpu.memory_space<hbm>> -> memref<3x16x384xf32, #tpu.memory_space<hbm>>
    %dma_wait3A_56 = arith.constant 0 : i32
    %dma_wait3A_57 = arith.constant 0 : i32
    %dma_wait3A_58 = tpu.memref_slice %arg4[%add3A_20, %dma_wait3A_56, %multiple_of3A_51, %dma_wait3A_57] : memref<128x3x384x384xf32, #tpu.memory_space<hbm>> -> memref<1x3x16x384xf32, #tpu.memory_space<hbm>>
    %dma_wait3A_59 = tpu.memref_squeeze %dma_wait3A_58 : memref<1x3x16x384xf32, #tpu.memory_space<hbm>> -> memref<3x16x384xf32, #tpu.memory_space<hbm>>
    tpu.wait_dma2 semaphore(%arg15 : memref<!tpu.dma_semaphore, #tpu.memory_space<semaphore_mem>>) src(%arg10 : memref<3x16x384xf32, #tpu.memory_space<vmem>>) dst(%dma_wait3A_59 : memref<3x16x384xf32, #tpu.memory_space<hbm>>)
    %multiple_of3A_60 = arith.constant 144 : i32
    %multiple_of3A_61 = tpu.assume_multiple %multiple_of3A_60, 16 : i32
    %dma_wait3A_62 = arith.constant 0 : i32
    %dma_wait3A_63 = arith.constant 0 : i32
    %dma_wait3A_64 = tpu.memref_slice %arg4[%add3A_20, %dma_wait3A_62, %multiple_of3A_61, %dma_wait3A_63] : memref<128x3x384x384xf32, #tpu.memory_space<hbm>> -> memref<1x3x16x384xf32, #tpu.memory_space<hbm>>
    %dma_wait3A_65 = tpu.memref_squeeze %dma_wait3A_64 : memref<1x3x16x384xf32, #tpu.memory_space<hbm>> -> memref<3x16x384xf32, #tpu.memory_space<hbm>>
    %dma_wait3A_66 = arith.constant 0 : i32
    %dma_wait3A_67 = arith.constant 0 : i32
    %dma_wait3A_68 = tpu.memref_slice %arg4[%add3A_20, %dma_wait3A_66, %multiple_of3A_61, %dma_wait3A_67] : memref<128x3x384x384xf32, #tpu.memory_space<hbm>> -> memref<1x3x16x384xf32, #tpu.memory_space<hbm>>
    %dma_wait3A_69 = tpu.memref_squeeze %dma_wait3A_68 : memref<1x3x16x384xf32, #tpu.memory_space<hbm>> -> memref<3x16x384xf32, #tpu.memory_space<hbm>>
    tpu.wait_dma2 semaphore(%arg15 : memref<!tpu.dma_semaphore, #tpu.memory_space<semaphore_mem>>) src(%arg10 : memref<3x16x384xf32, #tpu.memory_space<vmem>>) dst(%dma_wait3A_69 : memref<3x16x384xf32, #tpu.memory_space<hbm>>)
    %multiple_of3A_70 = arith.constant 144 : i32
    %multiple_of3A_71 = tpu.assume_multiple %multiple_of3A_70, 16 : i32
    %dma_wait3A_72 = arith.constant 0 : i32
    %dma_wait3A_73 = arith.constant 0 : i32
    %dma_wait3A_74 = tpu.memref_slice %arg4[%add3A_20, %dma_wait3A_72, %multiple_of3A_71, %dma_wait3A_73] : memref<128x3x384x384xf32, #tpu.memory_space<hbm>> -> memref<1x3x16x384xf32, #tpu.memory_space<hbm>>
    %dma_wait3A_75 = tpu.memref_squeeze %dma_wait3A_74 : memref<1x3x16x384xf32, #tpu.memory_space<hbm>> -> memref<3x16x384xf32, #tpu.memory_space<hbm>>
    %dma_wait3A_76 = arith.constant 0 : i32
    %dma_wait3A_77 = arith.constant 0 : i32
    %dma_wait3A_78 = tpu.memref_slice %arg4[%add3A_20, %dma_wait3A_76, %multiple_of3A_71, %dma_wait3A_77] : memref<128x3x384x384xf32, #tpu.memory_space<hbm>> -> memref<1x3x16x384xf32, #tpu.memory_space<hbm>>
    %dma_wait3A_79 = tpu.memref_squeeze %dma_wait3A_78 : memref<1x3x16x384xf32, #tpu.memory_space<hbm>> -> memref<3x16x384xf32, #tpu.memory_space<hbm>>
    tpu.wait_dma2 semaphore(%arg15 : memref<!tpu.dma_semaphore, #tpu.memory_space<semaphore_mem>>) src(%arg10 : memref<3x16x384xf32, #tpu.memory_space<vmem>>) dst(%dma_wait3A_79 : memref<3x16x384xf32, #tpu.memory_space<hbm>>)
    %multiple_of3A_80 = arith.constant 144 : i32
    %multiple_of3A_81 = tpu.assume_multiple %multiple_of3A_80, 16 : i32
    %dma_wait3A_82 = arith.constant 0 : i32
    %dma_wait3A_83 = arith.constant 0 : i32
    %dma_wait3A_84 = tpu.memref_slice %arg4[%add3A_20, %dma_wait3A_82, %multiple_of3A_81, %dma_wait3A_83] : memref<128x3x384x384xf32, #tpu.memory_space<hbm>> -> memref<1x3x16x384xf32, #tpu.memory_space<hbm>>
    %dma_wait3A_85 = tpu.memref_squeeze %dma_wait3A_84 : memref<1x3x16x384xf32, #tpu.memory_space<hbm>> -> memref<3x16x384xf32, #tpu.memory_space<hbm>>
    %dma_wait3A_86 = arith.constant 0 : i32
    %dma_wait3A_87 = arith.constant 0 : i32
    %dma_wait3A_88 = tpu.memref_slice %arg4[%add3A_20, %dma_wait3A_86, %multiple_of3A_81, %dma_wait3A_87] : memref<128x3x384x384xf32, #tpu.memory_space<hbm>> -> memref<1x3x16x384xf32, #tpu.memory_space<hbm>>
    %dma_wait3A_89 = tpu.memref_squeeze %dma_wait3A_88 : memref<1x3x16x384xf32, #tpu.memory_space<hbm>> -> memref<3x16x384xf32, #tpu.memory_space<hbm>>
    tpu.wait_dma2 semaphore(%arg15 : memref<!tpu.dma_semaphore, #tpu.memory_space<semaphore_mem>>) src(%arg10 : memref<3x16x384xf32, #tpu.memory_space<vmem>>) dst(%dma_wait3A_89 : memref<3x16x384xf32, #tpu.memory_space<hbm>>)
    %multiple_of3A_90 = arith.constant 144 : i32
    %multiple_of3A_91 = tpu.assume_multiple %multiple_of3A_90, 16 : i32
    %dma_wait3A_92 = arith.constant 0 : i32
    %dma_wait3A_93 = arith.constant 0 : i32
    %dma_wait3A_94 = tpu.memref_slice %arg4[%add3A_20, %dma_wait3A_92, %multiple_of3A_91, %dma_wait3A_93] : memref<128x3x384x384xf32, #tpu.memory_space<hbm>> -> memref<1x3x16x384xf32, #tpu.memory_space<hbm>>
    %dma_wait3A_95 = tpu.memref_squeeze %dma_wait3A_94 : memref<1x3x16x384xf32, #tpu.memory_space<hbm>> -> memref<3x16x384xf32, #tpu.memory_space<hbm>>
    %dma_wait3A_96 = arith.constant 0 : i32
    %dma_wait3A_97 = arith.constant 0 : i32
    %dma_wait3A_98 = tpu.memref_slice %arg4[%add3A_20, %dma_wait3A_96, %multiple_of3A_91, %dma_wait3A_97] : memref<128x3x384x384xf32, #tpu.memory_space<hbm>> -> memref<1x3x16x384xf32, #tpu.memory_space<hbm>>
    %dma_wait3A_99 = tpu.memref_squeeze %dma_wait3A_98 : memref<1x3x16x384xf32, #tpu.memory_space<hbm>> -> memref<3x16x384xf32, #tpu.memory_space<hbm>>
    tpu.wait_dma2 semaphore(%arg15 : memref<!tpu.dma_semaphore, #tpu.memory_space<semaphore_mem>>) src(%arg10 : memref<3x16x384xf32, #tpu.memory_space<vmem>>) dst(%dma_wait3A_99 : memref<3x16x384xf32, #tpu.memory_space<hbm>>)
    %multiple_of3A_100 = arith.constant 144 : i32
    %multiple_of3A_101 = tpu.assume_multiple %multiple_of3A_100, 16 : i32
    %dma_wait3A_102 = arith.constant 0 : i32
    %dma_wait3A_103 = arith.constant 0 : i32
    %dma_wait3A_104 = tpu.memref_slice %arg4[%add3A_20, %dma_wait3A_102, %multiple_of3A_101, %dma_wait3A_103] : memref<128x3x384x384xf32, #tpu.memory_space<hbm>> -> memref<1x3x16x384xf32, #tpu.memory_space<hbm>>
    %dma_wait3A_105 = tpu.memref_squeeze %dma_wait3A_104 : memref<1x3x16x384xf32, #tpu.memory_space<hbm>> -> memref<3x16x384xf32, #tpu.memory_space<hbm>>
    %dma_wait3A_106 = arith.constant 0 : i32
    %dma_wait3A_107 = arith.constant 0 : i32
    %dma_wait3A_108 = tpu.memref_slice %arg4[%add3A_20, %dma_wait3A_106, %multiple_of3A_101, %dma_wait3A_107] : memref<128x3x384x384xf32, #tpu.memory_space<hbm>> -> memref<1x3x16x384xf32, #tpu.memory_space<hbm>>
    %dma_wait3A_109 = tpu.memref_squeeze %dma_wait3A_108 : memref<1x3x16x384xf32, #tpu.memory_space<hbm>> -> memref<3x16x384xf32, #tpu.memory_space<hbm>>
    tpu.wait_dma2 semaphore(%arg15 : memref<!tpu.dma_semaphore, #tpu.memory_space<semaphore_mem>>) src(%arg10 : memref<3x16x384xf32, #tpu.memory_space<vmem>>) dst(%dma_wait3A_109 : memref<3x16x384xf32, #tpu.memory_space<hbm>>)
    %multiple_of3A_110 = arith.constant 144 : i32
    %multiple_of3A_111 = tpu.assume_multiple %multiple_of3A_110, 16 : i32
    %dma_wait3A_112 = arith.constant 0 : i32
    %dma_wait3A_113 = arith.constant 0 : i32
    %dma_wait3A_114 = tpu.memref_slice %arg4[%add3A_20, %dma_wait3A_112, %multiple_of3A_111, %dma_wait3A_113] : memref<128x3x384x384xf32, #tpu.memory_space<hbm>> -> memref<1x3x16x384xf32, #tpu.memory_space<hbm>>
    %dma_wait3A_115 = tpu.memref_squeeze %dma_wait3A_114 : memref<1x3x16x384xf32, #tpu.memory_space<hbm>> -> memref<3x16x384xf32, #tpu.memory_space<hbm>>
    %dma_wait3A_116 = arith.constant 0 : i32
    %dma_wait3A_117 = arith.constant 0 : i32
    %dma_wait3A_118 = tpu.memref_slice %arg4[%add3A_20, %dma_wait3A_116, %multiple_of3A_111, %dma_wait3A_117] : memref<128x3x384x384xf32, #tpu.memory_space<hbm>> -> memref<1x3x16x384xf32, #tpu.memory_space<hbm>>
    %dma_wait3A_119 = tpu.memref_squeeze %dma_wait3A_118 : memref<1x3x16x384xf32, #tpu.memory_space<hbm>> -> memref<3x16x384xf32, #tpu.memory_space<hbm>>
    tpu.wait_dma2 semaphore(%arg15 : memref<!tpu.dma_semaphore, #tpu.memory_space<semaphore_mem>>) src(%arg10 : memref<3x16x384xf32, #tpu.memory_space<vmem>>) dst(%dma_wait3A_119 : memref<3x16x384xf32, #tpu.memory_space<hbm>>)
    %multiple_of3A_120 = arith.constant 144 : i32
    %multiple_of3A_121 = tpu.assume_multiple %multiple_of3A_120, 16 : i32
    %dma_wait3A_122 = arith.constant 0 : i32
    %dma_wait3A_123 = arith.constant 0 : i32
    %dma_wait3A_124 = tpu.memref_slice %arg4[%add3A_20, %dma_wait3A_122, %multiple_of3A_121, %dma_wait3A_123] : memref<128x3x384x384xf32, #tpu.memory_space<hbm>> -> memref<1x3x16x384xf32, #tpu.memory_space<hbm>>
    %dma_wait3A_125 = tpu.memref_squeeze %dma_wait3A_124 : memref<1x3x16x384xf32, #tpu.memory_space<hbm>> -> memref<3x16x384xf32, #tpu.memory_space<hbm>>
    %dma_wait3A_126 = arith.constant 0 : i32
    %dma_wait3A_127 = arith.constant 0 : i32
    %dma_wait3A_128 = tpu.memref_slice %arg4[%add3A_20, %dma_wait3A_126, %multiple_of3A_121, %dma_wait3A_127] : memref<128x3x384x384xf32, #tpu.memory_space<hbm>> -> memref<1x3x16x384xf32, #tpu.memory_space<hbm>>
    %dma_wait3A_129 = tpu.memref_squeeze %dma_wait3A_128 : memref<1x3x16x384xf32, #tpu.memory_space<hbm>> -> memref<3x16x384xf32, #tpu.memory_space<hbm>>
    tpu.wait_dma2 semaphore(%arg15 : memref<!tpu.dma_semaphore, #tpu.memory_space<semaphore_mem>>) src(%arg10 : memref<3x16x384xf32, #tpu.memory_space<vmem>>) dst(%dma_wait3A_129 : memref<3x16x384xf32, #tpu.memory_space<hbm>>)
    %multiple_of3A_130 = arith.constant 144 : i32
    %multiple_of3A_131 = tpu.assume_multiple %multiple_of3A_130, 16 : i32
    %dma_wait3A_132 = arith.constant 0 : i32
    %dma_wait3A_133 = arith.constant 0 : i32
    %dma_wait3A_134 = tpu.memref_slice %arg4[%add3A_20, %dma_wait3A_132, %multiple_of3A_131, %dma_wait3A_133] : memref<128x3x384x384xf32, #tpu.memory_space<hbm>> -> memref<1x3x16x384xf32, #tpu.memory_space<hbm>>
    %dma_wait3A_135 = tpu.memref_squeeze %dma_wait3A_134 : memref<1x3x16x384xf32, #tpu.memory_space<hbm>> -> memref<3x16x384xf32, #tpu.memory_space<hbm>>
    %dma_wait3A_136 = arith.constant 0 : i32
    %dma_wait3A_137 = arith.constant 0 : i32
    %dma_wait3A_138 = tpu.memref_slice %arg4[%add3A_20, %dma_wait3A_136, %multiple_of3A_131, %dma_wait3A_137] : memref<128x3x384x384xf32, #tpu.memory_space<hbm>> -> memref<1x3x16x384xf32, #tpu.memory_space<hbm>>
    %dma_wait3A_139 = tpu.memref_squeeze %dma_wait3A_138 : memref<1x3x16x384xf32, #tpu.memory_space<hbm>> -> memref<3x16x384xf32, #tpu.memory_space<hbm>>
    tpu.wait_dma2 semaphore(%arg15 : memref<!tpu.dma_semaphore, #tpu.memory_space<semaphore_mem>>) src(%arg10 : memref<3x16x384xf32, #tpu.memory_space<vmem>>) dst(%dma_wait3A_139 : memref<3x16x384xf32, #tpu.memory_space<hbm>>)
    %multiple_of3A_140 = arith.constant 144 : i32
    %multiple_of3A_141 = tpu.assume_multiple %multiple_of3A_140, 16 : i32
    %dma_wait3A_142 = arith.constant 0 : i32
    %dma_wait3A_143 = arith.constant 0 : i32
    %dma_wait3A_144 = tpu.memref_slice %arg4[%add3A_20, %dma_wait3A_142, %multiple_of3A_141, %dma_wait3A_143] : memref<128x3x384x384xf32, #tpu.memory_space<hbm>> -> memref<1x3x16x384xf32, #tpu.memory_space<hbm>>
    %dma_wait3A_145 = tpu.memref_squeeze %dma_wait3A_144 : memref<1x3x16x384xf32, #tpu.memory_space<hbm>> -> memref<3x16x384xf32, #tpu.memory_space<hbm>>
    %dma_wait3A_146 = arith.constant 0 : i32
    %dma_wait3A_147 = arith.constant 0 : i32
    %dma_wait3A_148 = tpu.memref_slice %arg4[%add3A_20, %dma_wait3A_146, %multiple_of3A_141, %dma_wait3A_147] : memref<128x3x384x384xf32, #tpu.memory_space<hbm>> -> memref<1x3x16x384xf32, #tpu.memory_space<hbm>>
    %dma_wait3A_149 = tpu.memref_squeeze %dma_wait3A_148 : memref<1x3x16x384xf32, #tpu.memory_space<hbm>> -> memref<3x16x384xf32, #tpu.memory_space<hbm>>
    tpu.wait_dma2 semaphore(%arg15 : memref<!tpu.dma_semaphore, #tpu.memory_space<semaphore_mem>>) src(%arg10 : memref<3x16x384xf32, #tpu.memory_space<vmem>>) dst(%dma_wait3A_149 : memref<3x16x384xf32, #tpu.memory_space<hbm>>)
    %multiple_of3A_150 = arith.constant 144 : i32
    %multiple_of3A_151 = tpu.assume_multiple %multiple_of3A_150, 16 : i32
    %dma_wait3A_152 = arith.constant 0 : i32
    %dma_wait3A_153 = arith.constant 0 : i32
    %dma_wait3A_154 = tpu.memref_slice %arg4[%add3A_20, %dma_wait3A_152, %multiple_of3A_151, %dma_wait3A_153] : memref<128x3x384x384xf32, #tpu.memory_space<hbm>> -> memref<1x3x16x384xf32, #tpu.memory_space<hbm>>
    %dma_wait3A_155 = tpu.memref_squeeze %dma_wait3A_154 : memref<1x3x16x384xf32, #tpu.memory_space<hbm>> -> memref<3x16x384xf32, #tpu.memory_space<hbm>>
    %dma_wait3A_156 = arith.constant 0 : i32
    %dma_wait3A_157 = arith.constant 0 : i32
    %dma_wait3A_158 = tpu.memref_slice %arg4[%add3A_20, %dma_wait3A_156, %multiple_of3A_151, %dma_wait3A_157] : memref<128x3x384x384xf32, #tpu.memory_space<hbm>> -> memref<1x3x16x384xf32, #tpu.memory_space<hbm>>
    %dma_wait3A_159 = tpu.memref_squeeze %dma_wait3A_158 : memref<1x3x16x384xf32, #tpu.memory_space<hbm>> -> memref<3x16x384xf32, #tpu.memory_space<hbm>>
    tpu.wait_dma2 semaphore(%arg15 : memref<!tpu.dma_semaphore, #tpu.memory_space<semaphore_mem>>) src(%arg10 : memref<3x16x384xf32, #tpu.memory_space<vmem>>) dst(%dma_wait3A_159 : memref<3x16x384xf32, #tpu.memory_space<hbm>>)
    %multiple_of3A_160 = arith.constant 144 : i32
    %multiple_of3A_161 = tpu.assume_multiple %multiple_of3A_160, 16 : i32
    %dma_wait3A_162 = arith.constant 0 : i32
    %dma_wait3A_163 = arith.constant 0 : i32
    %dma_wait3A_164 = tpu.memref_slice %arg4[%add3A_20, %dma_wait3A_162, %multiple_of3A_161, %dma_wait3A_163] : memref<128x3x384x384xf32, #tpu.memory_space<hbm>> -> memref<1x3x16x384xf32, #tpu.memory_space<hbm>>
    %dma_wait3A_165 = tpu.memref_squeeze %dma_wait3A_164 : memref<1x3x16x384xf32, #tpu.memory_space<hbm>> -> memref<3x16x384xf32, #tpu.memory_space<hbm>>
    %dma_wait3A_166 = arith.constant 0 : i32
    %dma_wait3A_167 = arith.constant 0 : i32
    %dma_wait3A_168 = tpu.memref_slice %arg4[%add3A_20, %dma_wait3A_166, %multiple_of3A_161, %dma_wait3A_167] : memref<128x3x384x384xf32, #tpu.memory_space<hbm>> -> memref<1x3x16x384xf32, #tpu.memory_space<hbm>>
    %dma_wait3A_169 = tpu.memref_squeeze %dma_wait3A_168 : memref<1x3x16x384xf32, #tpu.memory_space<hbm>> -> memref<3x16x384xf32, #tpu.memory_space<hbm>>
    tpu.wait_dma2 semaphore(%arg15 : memref<!tpu.dma_semaphore, #tpu.memory_space<semaphore_mem>>) src(%arg10 : memref<3x16x384xf32, #tpu.memory_space<vmem>>) dst(%dma_wait3A_169 : memref<3x16x384xf32, #tpu.memory_space<hbm>>)
    %multiple_of3A_170 = arith.constant 144 : i32
    %multiple_of3A_171 = tpu.assume_multiple %multiple_of3A_170, 16 : i32
    %dma_wait3A_172 = arith.constant 0 : i32
    %dma_wait3A_173 = arith.constant 0 : i32
    %dma_wait3A_174 = tpu.memref_slice %arg4[%add3A_20, %dma_wait3A_172, %multiple_of3A_171, %dma_wait3A_173] : memref<128x3x384x384xf32, #tpu.memory_space<hbm>> -> memref<1x3x16x384xf32, #tpu.memory_space<hbm>>
    %dma_wait3A_175 = tpu.memref_squeeze %dma_wait3A_174 : memref<1x3x16x384xf32, #tpu.memory_space<hbm>> -> memref<3x16x384xf32, #tpu.memory_space<hbm>>
    %dma_wait3A_176 = arith.constant 0 : i32
    %dma_wait3A_177 = arith.constant 0 : i32
    %dma_wait3A_178 = tpu.memref_slice %arg4[%add3A_20, %dma_wait3A_176, %multiple_of3A_171, %dma_wait3A_177] : memref<128x3x384x384xf32, #tpu.memory_space<hbm>> -> memref<1x3x16x384xf32, #tpu.memory_space<hbm>>
    %dma_wait3A_179 = tpu.memref_squeeze %dma_wait3A_178 : memref<1x3x16x384xf32, #tpu.memory_space<hbm>> -> memref<3x16x384xf32, #tpu.memory_space<hbm>>
    tpu.wait_dma2 semaphore(%arg15 : memref<!tpu.dma_semaphore, #tpu.memory_space<semaphore_mem>>) src(%arg10 : memref<3x16x384xf32, #tpu.memory_space<vmem>>) dst(%dma_wait3A_179 : memref<3x16x384xf32, #tpu.memory_space<hbm>>)
    %multiple_of3A_180 = arith.constant 144 : i32
    %multiple_of3A_181 = tpu.assume_multiple %multiple_of3A_180, 16 : i32
    %dma_wait3A_182 = arith.constant 0 : i32
    %dma_wait3A_183 = arith.constant 0 : i32
    %dma_wait3A_184 = tpu.memref_slice %arg4[%add3A_20, %dma_wait3A_182, %multiple_of3A_181, %dma_wait3A_183] : memref<128x3x384x384xf32, #tpu.memory_space<hbm>> -> memref<1x3x16x384xf32, #tpu.memory_space<hbm>>
    %dma_wait3A_185 = tpu.memref_squeeze %dma_wait3A_184 : memref<1x3x16x384xf32, #tpu.memory_space<hbm>> -> memref<3x16x384xf32, #tpu.memory_space<hbm>>
    %dma_wait3A_186 = arith.constant 0 : i32
    %dma_wait3A_187 = arith.constant 0 : i32
    %dma_wait3A_188 = tpu.memref_slice %arg4[%add3A_20, %dma_wait3A_186, %multiple_of3A_181, %dma_wait3A_187] : memref<128x3x384x384xf32, #tpu.memory_space<hbm>> -> memref<1x3x16x384xf32, #tpu.memory_space<hbm>>
    %dma_wait3A_189 = tpu.memref_squeeze %dma_wait3A_188 : memref<1x3x16x384xf32, #tpu.memory_space<hbm>> -> memref<3x16x384xf32, #tpu.memory_space<hbm>>
    tpu.wait_dma2 semaphore(%arg15 : memref<!tpu.dma_semaphore, #tpu.memory_space<semaphore_mem>>) src(%arg10 : memref<3x16x384xf32, #tpu.memory_space<vmem>>) dst(%dma_wait3A_189 : memref<3x16x384xf32, #tpu.memory_space<hbm>>)
    return
  }
}

</mosaic_0001>

<sc_bundles>
// kernel: kernel.3.cloned.1.call-start
scs
__scs_entry_jumppad:
0x0: {  	(pc) =	sbr.rel $0x88, $3  }
0x1: {  	(tag) =	ssettag $0x0;
	lr =	simm.s32 $0x1  }
0x2: {  	[smem:$0x3F9F] =	sst lr;
	_ =	strace $0xD0000000  }
0x3: {  	_ = 	snop  }
0x4: {  	_ = 	snop  }
0x5: {  	_ = 	snop  }
0x6: {  	_ = 	snop  }
0x7: {  	_ = 	snop  }
__scs_overlays_trampoline_lowered:
0x8: {  	[smem:$0x3FAE] =	sst s0  }
0x9: {  	[smem:$0x3FAF] =	sst s1  }
0xa: {  	[smem:$0x3FB0] =	sst s2  }
0xb: {  	[smem:$0x3FB1] =	sst s3  }
0xc: {  	[smem:$0x3FB2] =	sst s4  }
0xd: {  	[smem:$0x3FB3] =	sst s5  }
0xe: {  	[smem:$0x3FB4] =	sst s6  }
0xf: {  	[smem:$0x3FB5] =	sst s7  }
0x10: {  	[smem:$0x3FB6] =	sst s8  }
0x11: {  	[smem:$0x3FB7] =	sst s9;
	s0 =	simm.s32 @!p0 $0x0  }
0x12: {  	s1 =	sld [smem:$0x3F9D];
	s0 =	simm.s32 @p0 $0x1  }
0x13: {  	[smem:$0x3FB8] =	sst s0;
	s0 =	simm.s32 @!p1 $0x0  }
0x14: {  	s2 =	sld [smem:$0x3F9C];
	s0 =	simm.s32 @p1 $0x1  }
0x15: {  	[smem:$0x3FB9] =	sst s0;
	s0 =	simm.s32 @!p2 $0x0  }
0x16: {  	s3 =	sld [smem:$0x3FDB];
	s0 =	simm.s32 @p2 $0x1  }
0x17: {  	s4 =	simm.s32 $0x1BF5;
	[smem:$0x3FBB] =	sst s0  }
0x18: {  	s0 =	sld [smem:$0x3F9E];
	_ =	swait.ge [sflag:s4], $0x0  }
0x19: {  	s7 =	sld [smem:$0x3F9F]  }
0x1a: {  	s8 =	sadd.s32 $0xFFFFE003, lr  }
0x1b: {  	s9 =	sadd.s32 $0xFFFFFEF7, lr;
	s5 =	simm.s32 $0xFFFFFFFF;
	p2 =	slt.u32 s8, $0xFFFFF086  }
0x1c: {  	p1 =	slt.u32 s9, $0xF7A;
	s5 =	simm.s32 @!p2 $0x0  }
0x1d: {  	s5 =	simm.s32 @p1 $0x1;
	p0 =	seq.s32 s7, s2  }
0x1e: {  	s7 =	smul.u32 @!p0 $0xF7A, s2;
	p2 =	seq.s32 @!p0 s5, $0x0  }
0x1f: {  	s9 =	smul.u32 $0xF7A, s1;
	s8 =	simm.s32 @!p0 $0x1BF5;
	p2 =	por !p2, p0  }
0x20: {  	[sflag:s8] =	ssyncset.s32 @!p0 $0xFFFFF086;
	s6 =	sadd.s32 @!p0 s3, s7;
	s7 =	simm.s32 @!p0 $0x108  }
0x21: {  	s3 =	sadd.s32 s3, s9;
	s6 =	sadd.s32 @!p0 $0x88, s6;
	s7 =	simm.s32 @p2 $0x1082  }
0x22: {  	[simem:s7], [sflag:s8] =	dma.local @!p0 [hbm:s6], $0xF7A  }
0x23: {  	s9 =	sor.u32 $0xD0000000, s2;
	s6 =	simm.s32 $0x108;
	_ =	swait.ge @!p0 [sflag:s8], $0x0  }
0x24: {  	s3 =	sadd.s32 $0x88, s3;
	s6 =	simm.s32 @!p1 $0x1082;
	[sflag:s4] =	ssyncset.s32 $0xFFFFF086  }
0x25: {  	[simem:s6], [sflag:s4] =	dma.local [hbm:s3], $0xF7A  }
0x26: {  	[smem:$0x3F9F] =	sst s1;
	(tag) =	ssettag s2;
	_ =	strace s9  }
0x27: {  	s1 =	sld [smem:$0x3FAF]  }
0x28: {  	s2 =	sld [smem:$0x3FB0]  }
0x29: {  	s4 =	sld [smem:$0x3FB2]  }
0x2a: {  	p0 =	seq.s32 s5, $0x0;
	s5 =	sld [smem:$0x3FB3]  }
0x2b: {  	s6 =	sld [smem:$0x3FB4]  }
0x2c: {  	s7 =	sld [smem:$0x3FB5]  }
0x2d: {  	s3 =	simm.s32 $0x108;
	s8 =	sld [smem:$0x3FB6]  }
0x2e: {  	s3 =	simm.s32 @!p0 $0x1082;
	s9 =	sld [smem:$0x3FB7]  }
0x2f: {  	lr =	sadd.s32 s0, s3;
	s0 =	sld [smem:$0x3FAE]  }
0x30: {  	s3 =	sld [smem:$0x3FB1]  }
0x31: {  	[smem:$0x3FBA] =	sst s10  }
0x32: {  	s10 =	sld [smem:$0x3FB8];
	_ =	sdelay $0x3  }
0x33: {  	p0 =	seq.s32 s10, $0x1;
	s10 =	sld [smem:$0x3FBA];
	_ =	sdelay $0x3  }
0x34: {  	[smem:$0x3FBA] =	sst s10  }
0x35: {  	s10 =	sld [smem:$0x3FB9];
	_ =	sdelay $0x3  }
0x36: {  	p1 =	seq.s32 s10, $0x1;
	s10 =	sld [smem:$0x3FBA];
	_ =	sdelay $0x3  }
0x37: {  	[smem:$0x3FBA] =	sst s10  }
0x38: {  	s10 =	sld [smem:$0x3FBB]  }
0x39: {  	_ = 	snop;
	(pc) =	sbr.ind lr, $3  }
0x3a: {  	_ = 	snop  }
0x3b: {  	_ = 	snop  }
0x3c: {  	p2 =	seq.s32 s10, $0x1;
	s10 =	sld [smem:$0x3FBA]  }
0x3d: {  	_ =	shalt  }
0x3e: {  	_ =	shalt  }
0x3f: {  	_ =	shalt  }
0x40: {  	_ =	shalt  }
0x41: {  	_ =	shalt  }
0x42: {  	_ =	shalt  }
0x43: {  	_ =	shalt  }
0x44: {  	_ =	shalt  }
0x45: {  	_ =	shalt  }
0x46: {  	_ =	shalt  }
0x47: {  	_ =	shalt  }
0x48: {  	_ =	shalt  }
0x49: {  	_ =	shalt  }
0x4a: {  	_ =	shalt  }
0x4b: {  	_ =	shalt  }
0x4c: {  	_ =	shalt  }
0x4d: {  	_ =	shalt  }
0x4e: {  	_ =	shalt  }
0x4f: {  	_ =	shalt  }
0x50: {  	_ =	shalt  }
0x51: {  	_ =	shalt  }
0x52: {  	_ =	shalt  }
0x53: {  	_ =	shalt  }
0x54: {  	_ =	shalt  }
0x55: {  	_ =	shalt  }
0x56: {  	_ =	shalt  }
0x57: {  	_ =	shalt  }
0x58: {  	_ =	shalt  }
0x59: {  	_ =	shalt  }
0x5a: {  	_ =	shalt  }
0x5b: {  	_ =	shalt  }
0x5c: {  	_ =	shalt  }
0x5d: {  	_ =	shalt  }
0x5e: {  	_ =	shalt  }
0x5f: {  	_ =	shalt  }
0x60: {  	_ =	shalt  }
0x61: {  	_ =	shalt  }
0x62: {  	_ =	shalt  }
0x63: {  	_ =	shalt  }
0x64: {  	_ =	shalt  }
0x65: {  	_ =	shalt  }
0x66: {  	_ =	shalt  }
0x67: {  	_ =	shalt  }
0x68: {  	_ =	shalt  }
0x69: {  	_ =	shalt  }
0x6a: {  	_ =	shalt  }
0x6b: {  	_ =	shalt  }
0x6c: {  	_ =	shalt  }
0x6d: {  	_ =	shalt  }
0x6e: {  	_ =	shalt  }
0x6f: {  	_ =	shalt  }
0x70: {  	_ =	shalt  }
0x71: {  	_ =	shalt  }
0x72: {  	_ =	shalt  }
0x73: {  	_ =	shalt  }
0x74: {  	_ =	shalt  }
0x75: {  	_ =	shalt  }
0x76: {  	_ =	shalt  }
0x77: {  	_ =	shalt  }
0x78: {  	_ =	shalt  }
0x79: {  	_ =	shalt  }
0x7a: {  	_ =	shalt  }
0x7b: {  	_ =	shalt  }
0x7c: {  	_ =	shalt  }
0x7d: {  	_ =	shalt  }
0x7e: {  	_ =	shalt  }
0x7f: {  	_ =	shalt  }
0x80: {  	_ =	shalt  }
0x81: {  	_ =	shalt  }
0x82: {  	_ =	shalt  }
0x83: {  	_ =	shalt  }
0x84: {  	_ =	shalt  }
0x85: {  	_ =	shalt  }
0x86: {  	_ =	shalt  }
0x87: {  	_ =	shalt  }
.Lfunc_end0:
.L_simem_size_0:
called_computation_lowered:
.L_overlay_start_0:
0x88: {  	s2 =	sld [smem:$0x3FD9]  }
0x89: {  	s3 =	sld [smem:$0x3FFE];
	_ =	sdelay $0x1  }
0x8a: {  	s1 =	srdreg.scid  }
0x8b: {  	s0 =	sand.u32 $0x1, s1  }
0x8c: {  	s17 =	sshll.u32 s0, $0xA;
	s2 =	sadd.s32 s3, s2  }
0x8d: {  	s2 =	sadd.s32 s2, s17  }
0x8e: {  	[smem:$0x3FC6] =	sst s2  }
0x8f: {  	_ = 	snop  }
0x90: {  	s2 =	sld [smem:$0x3FC8]  }
0x91: {  	s18 =	sld [smem:$0x3FD0];
	(tm) =	ssettm $0x1  }
0x92: {  	s4 =	sld [smem:$0x3FFB];
	_ =	sdelay $0x3  }
0x93: {  	_ =	strace s4  }
0x94: {  	s4 =	sld [smem:$0x3FFC];
	_ =	sdelay $0x3  }
0x95: {  	_ =	strace s4  }
0x96: {  	s4 =	sld [smem:$0x3FFD];
	_ =	sdelay $0x3  }
0x97: {  	_ =	strace s4  }
0x98: {  	_ =	strace $0x8FFFFFFF  }
0x99: {  	s19 =	sld [smem:$0x3FDB];
	_ =	sdelay $0x1  }
0x9a: {  	s5 =	simm.s32 $_scs_section_size  }
0x9b: {  	s6 =	simm.s32 $_size__tile_overlayer_lowered;
	s7 =	simm.s32 $_tile_overlayer_lowered  }
0x9c: {  	s22 =	simm.s32 $0x1BFF;
	s21 =	sshll.u32 s7, $0x1;
	s4 =	sadd.s32 s5, s19  }
0x9d: {  	s8 =	simm.s32 $0x0;
	s20 =	sshll.u32 s6, $0x1;
	s6 =	sadd.s32 s21, s4  }
0x9e: {  	[timem:s8], [sflag:s22] =	dma.local [hbm:s6], s20  }
0x9f: {  	_ =	swait.ge [sflag:s22], s20  }
0xa0: {  	s5 =	ssub.s32 $0x0, s20;
	[sflag:s22] =	ssyncset.done $0x0  }
0xa1: {  	[sflag:s22] =	ssyncadd.s32 s5;
	_ =	sdelay $0x1  }
0xa2: {  	s23 =	simm.s32 $0x1B8B  }
0xa3: {  	_ =	swait.ge [sflag:s23], $0x1  }
0xa4: {  	[sflag:s23] =	ssyncset.done $0x0  }
0xa5: {  	s25 =	simm.s32 $0x1B8E;
	s24 =	sld [smem:$0x3FFE];
	[sflag:s23] =	ssyncadd.s32 $0xFFFFFFFF  }
0xa6: {  	s26 =	simm.s32 $execute0_lowered;
	[smem:$0x3FD2] =	sst s25  }
0xa7: {  	s6 =	sshll.u32 s26, $0x1;
	_ =	strace $0x80000046;
	[dreg:$0x1] =	wrdreg $0xFFFFFFFF  }
0xa8: {  	s28 =	simm.s32 $_size_execute0_lowered;
	s4 =	sadd.s32 s4, s6;
	[dreg:$0x0] =	wrdreg $0x0  }
0xa9: {  	s6 =	sshll.u32 s28, $0x1;
	[dreg:$0x2] =	wrdreg s4  }
0xaa: {  	[dreg:$0x3] =	wrdreg s6  }
0xab: {  	[dreg:$0x4] =	wrdreg $0xC0  }
0xac: {  	_ =	task [dreg:s8], $0x5FFFF  }
0xad: {  	[dreg:$0x1] =	wrdreg $0xFFFFFFFF  }
0xae: {  	[dreg:$0x0] =	wrdreg $0x60  }
0xaf: {  	[dreg:$0x2] =	wrdreg s24  }
0xb0: {  	[dreg:$0x3] =	wrdreg s2  }
0xb1: {  	[dreg:$0x4] =	wrdreg s18  }
0xb2: {  	[dreg:$0x5] =	wrdreg $0x9  }
0xb3: {  	_ =	task.clear_ibuf [dreg:s8], $0x6FFFF;
	_ =	strace $0x90000046  }
0xb4: {  	s29 =	simm.s32 $0x9;
	_ =	strace $0x80000048  }
0xb5: {  	_ =	swait.ge [sflag:s29], $0x1  }
0xb6: {  	[sflag:s29] =	ssyncadd.s32 $0xFFFFFFFF  }
0xb7: {  	_ =	strace $0x90000048  }
0xb8: {  	_ =	sfence  }
0xb9: {  	s30 =	sld [smem:$0x0];
	_ =	sdelay $0x2  }
0xba: {  	s31 =	sshll.u32 s1, $0xD;
	s1 =	sshrl.u32 s1, $0x2  }
0xbb: {  	s3 =	sand.u32 $0x4000, s31;
	s1 =	sadd.s32 s1, s30  }
0xbc: {  	s0 =	sor.u32 s3, s0;
	s1 =	sshll.u32 s1, $0x11  }
0xbd: {  	s0 =	sor.u32 s1, s0  }
0xbe: {  	s0 =	sadd.s32 $0x8F2B, s0  }
0xbf: {  	[sflag:s0] =	ssyncadd.remote.s32 $0x1  }
0xc0: {  	_ =	sfence.sel $0xFFFF  }
0xc1: {  	[dreg:$0x0] =	wrdreg $0xFFFFFFFF;
	(pc) =	sbr.abs _section_cstart, $3  }
0xc2: {  	[dreg:$0x1] =	wrdreg $0xFFFFFFFF  }
0xc3: {  	_ =	task.clear_ibuf [dreg:s8], $0x2FFFF;
	_ =	strace $0x9FFFFFFF  }
0xc4: {  	(tm) =	ssettm $0x7FFFFFFF  }
0xc5: {  	_ =	shalt  }
tec
execute0_lowered:
.L_overlay_start_1:
0x0: {  	(tag) =	ssettag $0x1  }
0x1: {  	s0 =	srdreg.scid  }
0x2: {  	s2 =	stileid.u32;
	s1 =	rddreg [dreg:$0x0]  }
0x3: {  	s8 =	rddreg [dreg:$0x2];
	s4 =	simm.s32 $0x0;
	s29 =	simm.s32 $0x380  }
0x4: {  	s30 =	simm.s32 $0xB80;
	s31 =	simm.s32 $0x1380;
	s11 =	simm.s32 $0xAB80  }
0x5: {  	s12 =	simm.s32 $0x2;
	s9 =	simm.s32 $0x4;
	s10 =	simm.s32 $0x13B80  }
0x6: {  	s13 =	simm.s32 $0x5;
	s3 =	sshll.u32 s2, $0x1;
	s2 =	rddreg [dreg:$0x1]  }
0x7: {  	s15 =	simm.s32 $0x0;
	s0 =	sand.u32 $0x1, s0;
	[smem:$0x7FF] =	sst s4  }
0x8: {  	s26 =	sadd.s32 $0x300, s8;
	s28 =	sadd.s32 $0x600, s8;
	s8 =	simm.s32 $0x3  }
0x9: {  	s3 =	sor.u32 s0, s3;
	s0 =	ssub.s32 $0x2, s0;
	_ =	strace $0x80000047  }
0xa: {  	s6 =	sadd.s32 $0x100, s2;
	s7 =	sadd.s32 $0x200, s2;
	[dreg:$0x6] =	wrdreg s26  }
0xb: {  	[dreg:$0x7] =	wrdreg s28;
	s5 =	smul.u32 $0x64, s3;
	s24 =	sshrl.u32 s0, $0x1  }
0xc: {  	s25 =	sshll.u32 s3, $0x2;
	s3 =	simm.s32 $0xF380;
	s0 =	ssub.s32 s0, s24  }
0xd: {  	v2 =	vlaneseq.u32;
	[dreg:$0x5] =	wrdreg s25;
	s1 =	sadd.s32 s5, s1;
	s0 =	smax.u32 s0, $0x1  }
0xe: {  	vm0 =	vmmov $0xffff;
	v1 =	vshrl.u32 v2, $0x3;
	s5 =	simm.s32 $0x24000;
	s1 =	sadd.s32 $0x400, s1;
	[dreg:$0x8] =	wrdreg s0  }
0xf: {  	v0 =	vand.u32 $0x7, v2;
	v2 =	vor.u32 $0x8, v2;
	v1 =	vmul.u32 $0x8, v1;
	s0 =	simm.s32 $0x1800;
	[dreg:$0x4] =	wrdreg s1;
	s1 =	simm.s32 $0x1  }
.LBB2_1:
0x10: {  	[dreg:$0x9] =	wrdreg s15  }
0x11: {  	s14 =	rddreg [dreg:$0x4];
	s21 =	simm.s32 $0x6  }
0x12: {  	[tilespmem:s4], [sflag:$0x6] =	stream.linear.gather [hbm4b:s14+s4], $0x320, $0x38;
	[tilespmem:$0x18380] =	vst v63  }
0x13: {  	_ =	swait.ge [sflag:s21], $0x320  }
0x14: {  	[sflag:s21] =	ssyncset.done $0x0  }
0x15: {  	[sflag:s21] =	ssyncadd.s32 $0xFFFFFCE0  }
0x16: {  	v3 =	vld [tilespmem:$0x0];
	_ =	sdelay $0x4  }
0x17: {  	v4 =	vshrl.u32 v3, $0x3  }
0x18: {  	v4 =	vmul.u32 $0x30, v4  }
0x19: {  	v3 =	vand.u32 $0x7, v3  }
0x1a: {  	v3 =	vor.u32 v3, v4  }
0x1b: {  	v4 =	vperm.xlane v3, v0;
	_ =	sdelay $0x1  }
0x1c: {  	v4 =	vadd.s32 v1, v4;
	_ =	sdelay $0x3  }
0x1d: {  	v3 =	vperm.xlane v3, v2  }
0x1e: {  	[tilespmem:s29], [sflag:$0x1] =	stream.indirect_vreg.gather [hbm4b:s2+s4], $0x80, v4, vm0, $0xb8;
	[tilespmem:$0x18380] =	vst v63  }
0x1f: {  	v3 =	vadd.s32 v1, v3  }
0x20: {  	[tilespmem:s30], [sflag:$0x1] =	stream.indirect_vreg.gather [hbm4b:s6+s4], $0x80, v4, vm0, $0xb8;
	[tilespmem:$0x18380] =	vst v63  }
0x21: {  	_ = 	snop  }
0x22: {  	[tilespmem:s31], [sflag:$0x1] =	stream.indirect_vreg.gather [hbm4b:s7+s4], $0x80, v4, vm0, $0xb8;
	[tilespmem:$0x18380] =	vst v63  }
0x23: {  	s22 =	simm.s32 $0x1B80  }
0x24: {  	[tilespmem:s22], [sflag:$0x1] =	stream.indirect_vreg.gather [hbm4b:s2+s4], $0x80, v3, vm0, $0xb8;
	[tilespmem:$0x18380] =	vst v63  }
0x25: {  	s23 =	simm.s32 $0x2380  }
0x26: {  	[tilespmem:s23], [sflag:$0x1] =	stream.indirect_vreg.gather [hbm4b:s6+s4], $0x80, v3, vm0, $0xb8;
	[tilespmem:$0x18380] =	vst v63  }
0x27: {  	s24 =	simm.s32 $0x2B80  }
0x28: {  	[tilespmem:s24], [sflag:$0x1] =	stream.indirect_vreg.gather [hbm4b:s7+s4], $0x80, v3, vm0, $0xb8;
	[tilespmem:$0x18380] =	vst v63  }
0x29: {  	v3 =	vld.msk [tilespmem:$0x10], $0xff;
	_ =	sdelay $0x4  }
0x2a: {  	v63 =	vshrl.u32 v3, $0x3  }
0x2b: {  	v4 =	vmul.u32 $0x30, v63  }
0x2c: {  	v3 =	vand.u32 $0x7, v3  }
0x2d: {  	v3 =	vor.u32 v3, v4  }
0x2e: {  	v3 =	vperm.xlane v3, v0;
	_ =	sdelay $0x1  }
0x2f: {  	v3 =	vadd.s32 v1, v3;
	_ =	sdelay $0x3  }
0x30: {  	s25 =	simm.s32 $0x3380  }
0x31: {  	[tilespmem:s25], [sflag:$0x1] =	stream.indirect_vreg.gather [hbm4b:s2+s4], $0x80, v3, vm0, $0xb8;
	[tilespmem:$0x18380] =	vst v63  }
0x32: {  	s26 =	simm.s32 $0x3B80  }
0x33: {  	[tilespmem:s26], [sflag:$0x1] =	stream.indirect_vreg.gather [hbm4b:s6+s4], $0x80, v3, vm0, $0xb8;
	[tilespmem:$0x18380] =	vst v63  }
0x34: {  	s28 =	simm.s32 $0x4380;
	s15 =	simm.s32 $0x0  }
0x35: {  	[tilespmem:s28], [sflag:$0x1] =	stream.indirect_vreg.gather [hbm4b:s7+s4], $0x80, v3, vm0, $0xb8;
	[tilespmem:$0x18380] =	vst v63  }
.LBB2_2:
0x36: {  	s14 =	smul.u32 $0x320, s15;
	_ =	sdelay $0x1  }
0x37: {  	s16 =	sshra.s32 s14, $0x2  }
0x38: {  	v3 =	vld [tilespmem:s16+$0x18];
	_ =	sdelay $0x4  }
0x39: {  	v4 =	vshrl.u32 v3, $0x3  }
0x3a: {  	v4 =	vmul.u32 $0x30, v4  }
0x3b: {  	v3 =	vand.u32 $0x7, v3  }
0x3c: {  	v3 =	vor.u32 v3, v4  }
0x3d: {  	v4 =	vperm.xlane v3, v0;
	_ =	sdelay $0x1  }
0x3e: {  	v4 =	vadd.s32 v1, v4;
	_ =	sdelay $0x3  }
0x3f: {  	s18 =	simm.s32 $0x4B80;
	v3 =	vperm.xlane v3, v2  }
0x40: {  	[tilespmem:s18], [sflag:$0x2] =	stream.indirect_vreg.gather [hbm4b:s2+s4], $0x80, v4, vm0, $0xb8;
	[tilespmem:$0x18380] =	vst v63  }
0x41: {  	s19 =	simm.s32 $0x5380;
	v3 =	vadd.s32 v1, v3  }
0x42: {  	[tilespmem:s19], [sflag:$0x2] =	stream.indirect_vreg.gather [hbm4b:s6+s4], $0x80, v4, vm0, $0xb8;
	[tilespmem:$0x18380] =	vst v63  }
0x43: {  	s20 =	simm.s32 $0x5B80  }
0x44: {  	[tilespmem:s20], [sflag:$0x2] =	stream.indirect_vreg.gather [hbm4b:s7+s4], $0x80, v4, vm0, $0xb8;
	[tilespmem:$0x18380] =	vst v63  }
0x45: {  	s21 =	simm.s32 $0x6380  }
0x46: {  	[tilespmem:s21], [sflag:$0x2] =	stream.indirect_vreg.gather [hbm4b:s2+s4], $0x80, v3, vm0, $0xb8;
	[tilespmem:$0x18380] =	vst v63  }
0x47: {  	s22 =	simm.s32 $0x6B80  }
0x48: {  	[tilespmem:s22], [sflag:$0x2] =	stream.indirect_vreg.gather [hbm4b:s6+s4], $0x80, v3, vm0, $0xb8;
	[tilespmem:$0x18380] =	vst v63  }
0x49: {  	s23 =	simm.s32 $0x7380  }
0x4a: {  	[tilespmem:s23], [sflag:$0x2] =	stream.indirect_vreg.gather [hbm4b:s7+s4], $0x80, v3, vm0, $0xb8;
	[tilespmem:$0x18380] =	vst v63  }
0x4b: {  	v3 =	vld.msk [tilespmem:s16+$0x28], $0xff;
	_ =	sdelay $0x4  }
0x4c: {  	v63 =	vshrl.u32 v3, $0x3  }
0x4d: {  	v4 =	vmul.u32 $0x30, v63  }
0x4e: {  	v3 =	vand.u32 $0x7, v3  }
0x4f: {  	v3 =	vor.u32 v3, v4  }
0x50: {  	v3 =	vperm.xlane v3, v0;
	_ =	sdelay $0x1  }
0x51: {  	v3 =	vadd.s32 v1, v3;
	_ =	sdelay $0x3  }
0x52: {  	s24 =	simm.s32 $0x7B80  }
0x53: {  	[tilespmem:s24], [sflag:$0x2] =	stream.indirect_vreg.gather [hbm4b:s2+s4], $0x80, v3, vm0, $0xb8;
	[tilespmem:$0x18380] =	vst v63  }
0x54: {  	s25 =	simm.s32 $0x8380  }
0x55: {  	[tilespmem:s25], [sflag:$0x2] =	stream.indirect_vreg.gather [hbm4b:s6+s4], $0x80, v3, vm0, $0xb8;
	[tilespmem:$0x18380] =	vst v63  }
0x56: {  	s26 =	simm.s32 $0x8B80  }
0x57: {  	[tilespmem:s26], [sflag:$0x2] =	stream.indirect_vreg.gather [hbm4b:s7+s4], $0x80, v3, vm0, $0xb8;
	[tilespmem:$0x18380] =	vst v63  }
0x58: {  	_ =	swait.ge [sflag:s1], $0x4800  }
0x59: {  	p0 =	seq.s32 s15, $0x0;
	[sflag:s1] =	ssyncset.done $0x0  }
0x5a: {  	s17 =	simm.s32 @!p0 $0x3;
	[sflag:s1] =	ssyncadd.s32 $0xFFFFB800  }
0x5b: {  	_ =	swait.ge @!p0 [sflag:s17], $0x4800  }
0x5c: {  	s18 =	simm.s32 $0x0;
	s28 =	rddreg [dreg:$0x5];
	[sflag:s17] =	ssyncset.done @!p0 $0x0  }
0x5d: {  	s14 =	sadd.s32 s28, s15;
	[sflag:s17] =	ssyncadd.s32 @!p0 $0xFFFFB800;
	s17 =	simm.s32 $0x0  }
.LBB2_3:
0x5e: {  	s19 =	sshrl.u32 s18, $0x3  }
0x5f: {  	s20 =	sand.u32 $0x7, s17;
	s19 =	smul.u32 $0x6000, s19  }
0x60: {  	s20 =	sshll.u32 s20, $0x9  }
0x61: {  	s19 =	sor.u32 s20, s19  }
0x62: {  	s19 =	sshra.s32 s19, $0x2  }
0x63: {  	s19 =	sadd.s32 $0x3C0, s19  }
0x64: {  	v3 =	vld [tilespmem:s19+$0xFFFFFFC0]  }
0x65: {  	v4 =	vld [tilespmem:s19+$0x30]  }
0x66: {  	v5 =	vld [tilespmem:s19+$0xFFFFFFD0]  }
0x67: {  	v6 =	vld [tilespmem:s19+$0xFFFFFFE0]  }
0x68: {  	v7 =	vld [tilespmem:s19+$0x20]  }
0x69: {  	v3 =	vadd.f32 v3, v3  }
0x6a: {  	v4 =	vadd.f32 v4, v4  }
0x6b: {  	v8 =	vld [tilespmem:s19+$0x10];
	v5 =	vadd.f32 v5, v5;
	v3 =	vmul.f32 $1.442695020e+00, v3  }
0x6c: {  	v9 =	vld [tilespmem:s19+$0x0];
	v6 =	vadd.f32 v6, v6;
	v4 =	vmul.f32 $1.442695020e+00, v4  }
0x6d: {  	v7 =	vadd.f32 v7, v7;
	(erf) = vpow2.f32 v3;
	v3 =	vmul.f32 $1.442695020e+00, v5;
	v5 =	vld [tilespmem:s19+$0xFFFFFFF0]  }
0x6e: {  	v6 =	vmul.f32 $1.442695020e+00, v6;
	(erf) = vpow2.f32 v4  }
0x6f: {  	v4 =	vmul.f32 $1.442695020e+00, v7;
	(erf) = vpow2.f32 v3  }
0x70: {  	(erf) = vpow2.f32 v6  }
0x71: {  	(erf) = vpow2.f32 v4;
	v4 =	vadd.f32 v9, v9  }
0x72: {  	v3 =	vadd.f32 v8, v8;
	v5 =	vadd.f32 v5, v5  }
0x73: {  	v4 =	vmul.f32 $1.442695020e+00, v4  }
0x74: {  	s19 =	sadd.s32 $0x400, s19;
	v3 =	vmul.f32 $1.442695020e+00, v3;
	v5 =	vmul.f32 $1.442695020e+00, v5  }
0x75: {  	v6 =	vld [tilespmem:s19+$0xFFFFFFC0]  }
0x76: {  	v8 =	vld [tilespmem:s19+$0xFFFFFFD0];
	(erf) = vpow2.f32 v3;
	v7 =	vpop (erf)  }
0x77: {  	v3 =	vld [tilespmem:s19+$0x30];
	(erf) = vpow2.f32 v4;
	v4 =	vpop (erf)  }
0x78: {  	(erf) = vpow2.f32 v5;
	v7 =	vadd.f32 $1.000000000e+00, v7;
	v5 =	vpop (erf)  }
0x79: {  	v9 =	vld [tilespmem:s19+$0xFFFFFFE0];
	v4 =	vadd.f32 $1.000000000e+00, v4;
	v11 =	vpop (erf)  }
0x7a: {  	v10 =	vld [tilespmem:s19+$0x20];
	v6 =	vadd.f32 v6, v6;
	v12 =	vpop (erf);
	(erf) = vrcp.f32 v7  }
0x7b: {  	v7 =	vadd.f32 $1.000000000e+00, v12;
	(erf) = vrcp.f32 v4;
	v4 =	vadd.f32 v8, v8;
	v8 =	vld [tilespmem:s19+$0x10]  }
0x7c: {  	v6 =	vmul.f32 $1.442695020e+00, v6;
	v3 =	vadd.f32 v3, v3  }
0x7d: {  	(erf) = vrcp.f32 v7;
	v4 =	vmul.f32 $1.442695020e+00, v4  }
0x7e: {  	v9 =	vadd.f32 v9, v9;
	v3 =	vmul.f32 $1.442695020e+00, v3;
	v7 =	vld [tilespmem:s19+$0x0];
	(erf) = vpow2.f32 v6  }
0x7f: {  	v10 =	vadd.f32 v10, v10;
	v12 =	vpop (erf);
	v6 =	vld [tilespmem:s19+$0xFFFFFFF0]  }
0x80: {  	v9 =	vmul.f32 $1.442695020e+00, v9;
	v13 =	vpop (erf);
	(erf) = vpow2.f32 v3;
	v8 =	vadd.f32 v8, v8  }
0x81: {  	v10 =	vmul.f32 $1.442695020e+00, v10;
	(erf) = vpow2.f32 v4;
	v4 =	vpop (erf)  }
0x82: {  	v5 =	vadd.f32 $1.000000000e+00, v5;
	(erf) = vpow2.f32 v9;
	v4 =	vadd.f32 $1.000000000e+00, v4  }
0x83: {  	v9 =	vadd.f32 $1.000000000e+00, v13;
	(erf) = vpow2.f32 v10;
	v7 =	vadd.f32 v7, v7  }
0x84: {  	(erf) = vrcp.f32 v4;
	v4 =	vadd.f32 v6, v6;
	v6 =	vmul.f32 $1.442695020e+00, v8;
	v8 =	vpop (erf)  }
0x85: {  	s24 =	sadd.s32 $0x400, s19;
	v11 =	vadd.f32 $1.000000000e+00, v11;
	v7 =	vmul.f32 $1.442695020e+00, v7;
	(erf) = vrcp.f32 v5;
	v10 =	vpop (erf)  }
0x86: {  	v12 =	vadd.f32 $1.000000000e+00, v12;
	v5 =	vld [tilespmem:s24+$0xFFFFFFC0];
	v8 =	vadd.f32 v8, v8;
	(erf) = vrcp.f32 v9;
	v13 =	vpop (erf)  }
0x87: {  	v9 =	vld [tilespmem:s24+$0x30];
	v10 =	vadd.f32 v10, v10;
	(erf) = vpow2.f32 v6;
	v14 =	vpop (erf);
	v13 =	vadd.f32 v13, v13  }
0x88: {  	v6 =	vld [tilespmem:s24+$0x0];
	v16 =	vsub.f32 $1.000000000e+00, v8;
	(erf) = vrcp.f32 v11;
	v8 =	vadd.f32 $1.000000000e+00, v14  }
0x89: {  	v4 =	vmul.f32 $1.442695020e+00, v4;
	v11 =	vld [tilespmem:s24+$0x20];
	(erf) = vpow2.f32 v7;
	v7 =	vpop (erf)  }
0x8a: {  	v14 =	vsub.f32 $1.000000000e+00, v10;
	v10 =	vld [tilespmem:s24+$0xFFFFFFD0];
	v15 =	vpop (erf);
	(erf) = vrcp.f32 v12  }
0x8b: {  	s22 =	sshll.u32 s18, $0x4;
	v17 =	vsub.f32 $1.000000000e+00, v13;
	v7 =	vadd.f32 $1.000000000e+00, v7;
	v13 =	vpop (erf);
	(erf) = vpow2.f32 v4  }
0x8c: {  	s20 =	sand.u32 $0x70, s22;
	v5 =	vadd.f32 v5, v5;
	v12 =	vld [tilespmem:s24+$0xFFFFFFE0];
	(erf) = vrcp.f32 v8;
	v8 =	vpop (erf)  }
0x8d: {  	v3 =	vmov s20;
	v9 =	vadd.f32 v9, v9;
	v8 =	vadd.f32 $1.000000000e+00, v8  }
0x8e: {  	v19 =	vld [tilespmem:s24+$0xFFFFFFF0];
	v4 =	vadd.f32 $1.000000000e+00, v13;
	v18 =	vmul.f32 $1.442695020e+00, v5;
	v5 =	vadd.f32 v6, v6;
	v6 =	vpop (erf)  }
0x8f: {  	v13 =	vld [tilespmem:s24+$0x10];
	v11 =	vadd.f32 v11, v11;
	(erf) = vrcp.f32 v7;
	v10 =	vadd.f32 v10, v10;
	v7 =	vpop (erf)  }
0x90: {  	v9 =	vmul.f32 $1.442695020e+00, v9;
	v20 =	vadd.f32 v6, v6;
	v6 =	vmul.f32 $1.442695020e+00, v5;
	v21 =	vpop (erf)  }
0x91: {  	s23 =	simm.s32 $0x0;
	v11 =	vmul.f32 $1.442695020e+00, v11;
	v12 =	vadd.f32 v12, v12;
	(erf) = vrcp.f32 v8;
	v8 =	vpop (erf)  }
0x92: {  	s21 =	smul.u32 $0x6000, s23;
	v5 =	vadd.f32 v7, v7;
	v10 =	vmul.f32 $1.442695020e+00, v10;
	(erf) = vpow2.f32 v18;
	v7 =	vpop (erf)  }
0x93: {  	s25 =	sshll.u32 s18, $0x7;
	s26 =	simm.s32 $0x0;
	s28 =	simm.s32 $0x1;
	v19 =	vadd.f32 v19, v19;
	(erf) = vpow2.f32 v9;
	v22 =	vmul.f32 $1.442695020e+00, v12;
	v18 =	vpop (erf)  }
0x94: {  	s21 =	sshra.s32 s21, $0x2;
	s22 =	simm.s32 $0x0;
	s20 =	sand.u32 $0xC00, s26;
	v63 =	vadd.f32 $1.000000000e+00, v15;
	v13 =	vadd.f32 v13, v13;
	(erf) = vpow2.f32 v10;
	v62 =	vpop (erf)  }
0x95: {  	s22 =	smul.u32 $0x6000, s22;
	s19 =	sand.u32 $0xC00, s25;
	s20 =	sadd.s32 s20, s21;
	(erf) = vpow2.f32 v22;
	v10 =	vadd.f32 v7, v7;
	v12 =	vadd.f32 $1.000000000e+00, v18;
	v18 =	vpop (erf)  }
0x96: {  	s23 =	simm.s32 $0xFFFFFFFF;
	s25 =	smul.u32 $0x6000, s28;
	s21 =	sadd.s32 s19, s20;
	(erf) = vpow2.f32 v11;
	v7 =	vadd.f32 $1.000000000e+00, v18;
	v11 =	vpop (erf);
	v18 =	vadd.f32 v62, v62  }
0x97: {  	s22 =	sshra.s32 s22, $0x2;
	s28 =	simm.s32 $0x0;
	s26 =	sand.u32 $0xC00, s23;
	[tilespmem:v3+s21+$0xAF00 ss:$0x1] =	vst.idx.msk $0xffff, v14;
	v9 =	vadd.f32 v21, v21;
	v13 =	vmul.f32 $1.442695020e+00, v13;
	v14 =	vadd.f32 v11, v11  }
0x98: {  	s28 =	sand.u32 $0xC00, s28;
	s22 =	sadd.s32 s26, s22;
	s26 =	sshra.s32 s25, $0x2;
	[tilespmem:v3+s21+$0xAB80 ss:$0x1] =	vst.idx.msk $0xffff, v16;
	v11 =	vmul.f32 $1.442695020e+00, v19;
	(erf) = vrcp.f32 v7;
	v15 =	vsub.f32 $1.000000000e+00, v18  }
0x99: {  	s23 =	simm.s32 $0x10;
	s20 =	sadd.s32 s28, s26;
	[tilespmem:v3+s21+$0xAE80 ss:$0x1] =	vst.idx.msk $0xffff, v17;
	s24 =	sadd.s32 $0x400, s24;
	v16 =	vpop (erf);
	v7 =	vsub.f32 $1.000000000e+00, v14;
	(erf) = vrcp.f32 v63;
	v14 =	vsub.f32 $1.000000000e+00, v20  }
.LBB2_4:
0x9a: {  	s23 =	sadd.s32 $0x8, s23;
	v17 =	vld [tilespmem:s24+$0xFFFFFFC0];
	v16 =	vadd.f32 v16, v16;
	(erf) = vrcp.f32 v12;
	v12 =	vpop (erf);
	v9 =	vsub.f32 $1.000000000e+00, v9;
	[tilespmem:v3+s21+$0xAE00 ss:$0x1] =	vst.idx.msk $0xffff, v15  }
0x9b: {  	v5 =	vsub.f32 $1.000000000e+00, v5;
	v10 =	vsub.f32 $1.000000000e+00, v10;
	s25 =	sshrl.u32 s23, $0x4;
	s26 =	sshll.u32 s23, $0x1C;
	v15 =	vld [tilespmem:s24+$0x30];
	p1 =	slt.u32 s23, $0x28;
	v18 =	vpop (erf);
	(erf) = vpow2.f32 v13;
	[tilespmem:v3+s21+$0xAD00 ss:$0x1] =	vst.idx.msk $0xffff, v14  }
0x9c: {  	v8 =	vadd.f32 $1.000000000e+00, v8;
	v12 =	vadd.f32 v12, v12;
	s25 =	smul.u32 $0x6000, s25;
	s26 =	sshra.s32 s26, $0x1F;
	v13 =	vld [tilespmem:s24+$0x0];
	(erf) = vrcp.f32 v4;
	[tilespmem:v3+s21+$0xAD80 ss:$0x1] =	vst.idx.msk $0xffff, v9  }
0x9d: {  	v14 =	vadd.f32 $1.000000000e+00, v18;
	v18 =	vsub.f32 $1.000000000e+00, v16;
	v9 =	vld [tilespmem:s24+$0x20];
	(erf) = vpow2.f32 v6;
	v4 =	vpop (erf);
	[tilespmem:v3+s21+$0xAC00 ss:$0x1] =	vst.idx.msk $0xffff, v5  }
0x9e: {  	s26 =	sand.u32 $0xC00, s26;
	v12 =	vsub.f32 $1.000000000e+00, v12;
	s25 =	sshra.s32 s25, $0x2;
	v5 =	vld [tilespmem:s24+$0xFFFFFFD0];
	v16 =	vpop (erf);
	(erf) = vrcp.f32 v8;
	[tilespmem:v3+s21+$0xAC80 ss:$0x1] =	vst.idx.msk $0xffff, v10;
	s21 =	sadd.s32 s19, s22  }
0x9f: {  	s22 =	smov.u32 s20;
	v8 =	vadd.f32 v17, v17;
	v10 =	vld [tilespmem:s24+$0xFFFFFFE0];
	v17 =	vadd.f32 $1.000000000e+00, v4;
	v4 =	vpop (erf);
	(erf) = vpow2.f32 v11;
	[tilespmem:v3+s21+$0xAF00 ss:$0x1] =	vst.idx.msk $0xffff, v18;
	s20 =	sadd.s32 s26, s25  }
0xa0: {  	v11 =	vld [tilespmem:s24+$0x10];
	v15 =	vadd.f32 v15, v15;
	v4 =	vadd.f32 $1.000000000e+00, v4;
	(erf) = vrcp.f32 v14;
	v6 =	vpop (erf);
	[tilespmem:v3+s21+$0xAE80 ss:$0x1] =	vst.idx.msk $0xffff, v12  }
0xa1: {  	v12 =	vmul.f32 $1.442695020e+00, v8;
	v14 =	vld [tilespmem:s24+$0xFFFFFFF0];
	v19 =	vadd.f32 v13, v13;
	v13 =	vadd.f32 $1.000000000e+00, v6;
	[tilespmem:v3+s21+$0xAB80 ss:$0x1] =	vst.idx.msk $0xffff, v7;
	v6 =	vpop (erf)  }
0xa2: {  	v7 =	vadd.f32 v9, v9;
	(erf) = vrcp.f32 v17;
	v17 =	vadd.f32 v6, v6;
	v9 =	vpop (erf)  }
0xa3: {  	v18 =	vadd.f32 v5, v5;
	v6 =	vmul.f32 $1.442695020e+00, v19;
	v5 =	vadd.f32 v9, v9;
	v9 =	vpop (erf)  }
0xa4: {  	v10 =	vadd.f32 v10, v10;
	v7 =	vmul.f32 $1.442695020e+00, v7;
	v8 =	vpop (erf);
	(erf) = vrcp.f32 v13  }
0xa5: {  	v13 =	vmul.f32 $1.442695020e+00, v15;
	v21 =	vadd.f32 v11, v11;
	(erf) = vpow2.f32 v12;
	v15 =	vpop (erf)  }
0xa6: {  	v9 =	vadd.f32 v9, v9;
	v18 =	vmul.f32 $1.442695020e+00, v18;
	v14 =	vadd.f32 v14, v14;
	v12 =	vpop (erf)  }
0xa7: {  	v19 =	vmul.f32 $1.442695020e+00, v10;
	(erf) = vpow2.f32 v13;
	v12 =	vadd.f32 $1.000000000e+00, v12;
	v20 =	vpop (erf)  }
.Ltmp0:
0xa8: {  	v10 =	vadd.f32 v15, v15;
	v13 =	vmul.f32 $1.442695020e+00, v21;
	(erf) = vpow2.f32 v18;
	v11 =	vpop (erf);
	(pc) =	sbr.rel @p1 .LBB2_4-.Ltmp0, $4  }
0xa9: {  	v18 =	vadd.f32 v20, v20;
	(erf) = vpow2.f32 v19;
	v15 =	vadd.f32 $1.000000000e+00, v11;
	v11 =	vpop (erf)  }
0xaa: {  	v19 =	vadd.f32 $1.000000000e+00, v16;
	(erf) = vpow2.f32 v7;
	v7 =	vadd.f32 v11, v11  }
0xab: {  	v11 =	vmul.f32 $1.442695020e+00, v14;
	(erf) = vrcp.f32 v15;
	v16 =	vpop (erf);
	v15 =	vsub.f32 $1.000000000e+00, v18  }
0xac: {  	s24 =	sadd.s32 $0x400, s24;
	v14 =	vsub.f32 $1.000000000e+00, v17;
	v7 =	vsub.f32 $1.000000000e+00, v7;
	(erf) = vrcp.f32 v19  }
0xad: {  	(erf) = vrcp.f32 v12  }
0xae: {  	v31 =	vpop (erf);
	(erf) = vpow2.f32 v13  }
0xaf: {  	v8 =	vadd.f32 $1.000000000e+00, v8;
	v32 =	vpop (erf);
	(erf) = vrcp.f32 v4  }
0xb0: {  	(erf) = vpow2.f32 v6;
	v33 =	vpop (erf)  }
0xb1: {  	v34 =	vpop (erf);
	(erf) = vrcp.f32 v8  }
0xb2: {  	v35 =	vpop (erf);
	(erf) = vpow2.f32 v11  }
0xb3: {  	v36 =	vpop (erf)  }
0xb4: {  	v17 =	vpop (erf)  }
0xb5: {  	v18 =	vpop (erf)  }
0xb6: {  	v19 =	vpop (erf)  }
0xb7: {  	v20 =	vpop (erf)  }
0xb8: {  	v21 =	vpop (erf)  }
0xb9: {  	v13 =	vadd.f32 $1.000000000e+00, v32;
	v22 =	vpop (erf)  }
0xba: {  	v41 =	vsub.f32 $1.000000000e+00, v9;
	v4 =	vadd.f32 $1.000000000e+00, v33;
	v23 =	vpop (erf)  }
0xbb: {  	v43 =	vadd.f32 v16, v16;
	v11 =	vadd.f32 $1.000000000e+00, v36;
	(erf) = vrcp.f32 v13;
	v37 =	vpop (erf)  }
0xbc: {  	[tilespmem:v3+s21+$0xAE00 ss:$0x1] =	vst.idx.msk $0xffff, v15;
	v5 =	vsub.f32 $1.000000000e+00, v5;
	(erf) = vrcp.f32 v4;
	v38 =	vadd.f32 $1.000000000e+00, v37  }
0xbd: {  	v44 =	vsub.f32 $1.000000000e+00, v10;
	s22 =	sadd.s32 s19, s22;
	[tilespmem:v3+s21+$0xAD00 ss:$0x1] =	vst.idx.msk $0xffff, v14;
	v6 =	vadd.f32 $1.000000000e+00, v34;
	(erf) = vrcp.f32 v11  }
0xbe: {  	v45 =	vadd.f32 v31, v31;
	[tilespmem:v3+s22+$0xAB80 ss:$0x1] =	vst.idx.msk $0xffff, v7;
	v39 =	vadd.f32 $1.000000000e+00, v22;
	(erf) = vrcp.f32 v38  }
0xbf: {  	[tilespmem:v3+s21+$0xAD80 ss:$0x1] =	vst.idx.msk $0xffff, v41;
	v46 =	vsub.f32 $1.000000000e+00, v43;
	v40 =	vadd.f32 $1.000000000e+00, v35;
	(erf) = vrcp.f32 v6  }
0xc0: {  	[tilespmem:v3+s21+$0xAC00 ss:$0x1] =	vst.idx.msk $0xffff, v5;
	v54 =	vadd.f32 v18, v18;
	v42 =	vadd.f32 $1.000000000e+00, v20;
	(erf) = vrcp.f32 v39  }
0xc1: {  	[tilespmem:v3+s21+$0xAC80 ss:$0x1] =	vst.idx.msk $0xffff, v44;
	v47 =	vsub.f32 $1.000000000e+00, v45;
	v52 =	vadd.f32 v19, v19;
	(erf) = vrcp.f32 v40  }
0xc2: {  	[tilespmem:v3+s22+$0xAF00 ss:$0x1] =	vst.idx.msk $0xffff, v46;
	v50 =	vadd.f32 v17, v17;
	v7 =	vsub.f32 $1.000000000e+00, v54;
	(erf) = vrcp.f32 v42  }
0xc3: {  	[tilespmem:v3+s22+$0xAE80 ss:$0x1] =	vst.idx.msk $0xffff, v47;
	v56 =	vadd.f32 v21, v21;
	v5 =	vsub.f32 $1.000000000e+00, v52  }
0xc4: {  	[tilespmem:v3+s22+$0xAC00 ss:$0x1] =	vst.idx.msk $0xffff, v7;
	v49 =	vadd.f32 v23, v23;
	v4 =	vsub.f32 $1.000000000e+00, v50;
	v48 =	vpop (erf)  }
0xc5: {  	v12 =	vsub.f32 $1.000000000e+00, v56;
	[tilespmem:v3+s22+$0xAD80 ss:$0x1] =	vst.idx.msk $0xffff, v5;
	v51 =	vpop (erf);
	v6 =	vadd.f32 v48, v48  }
0xc6: {  	v8 =	vsub.f32 $1.000000000e+00, v49;
	[tilespmem:v3+s22+$0xAD00 ss:$0x1] =	vst.idx.msk $0xffff, v4;
	v53 =	vpop (erf);
	v9 =	vadd.f32 v51, v51  }
0xc7: {  	[tilespmem:v3+s22+$0xAC80 ss:$0x1] =	vst.idx.msk $0xffff, v12;
	v10 =	vadd.f32 v53, v53;
	v6 =	vsub.f32 $1.000000000e+00, v6;
	v55 =	vpop (erf)  }
0xc8: {  	s28 =	sadd.s32 s19, s20;
	[tilespmem:v3+s22+$0xAE00 ss:$0x1] =	vst.idx.msk $0xffff, v8;
	v9 =	vsub.f32 $1.000000000e+00, v9;
	v57 =	vpop (erf);
	v61 =	vadd.f32 v55, v55  }
0xc9: {  	v10 =	vsub.f32 $1.000000000e+00, v10;
	[tilespmem:v3+s28+$0xAB80 ss:$0x1] =	vst.idx.msk $0xffff, v6;
	v58 =	vpop (erf);
	v62 =	vadd.f32 v57, v57  }
0xca: {  	s18 =	sadd.s32 $0x1, s18;
	[tilespmem:v3+s28+$0xAF00 ss:$0x1] =	vst.idx.msk $0xffff, v9;
	v59 =	vpop (erf);
	v4 =	vadd.f32 v58, v58;
	v63 =	vsub.f32 $1.000000000e+00, v61  }
0xcb: {  	p1 =	sne.s32 s18, $0x18;
	[tilespmem:v3+s28+$0xAE80 ss:$0x1] =	vst.idx.msk $0xffff, v10;
	v60 =	vpop (erf);
	v5 =	vadd.f32 v59, v59;
	v6 =	vsub.f32 $1.000000000e+00, v62  }
.Ltmp1:
0xcc: {  	v7 =	vadd.f32 v60, v60;
	v4 =	vsub.f32 $1.000000000e+00, v4;
	[tilespmem:v3+s28+$0xAD00 ss:$0x1] =	vst.idx.msk $0xffff, v63;
	(pc) =	sbr.rel @p1 .LBB2_3-.Ltmp1, $4  }
0xcd: {  	v5 =	vsub.f32 $1.000000000e+00, v5;
	[tilespmem:v3+s28+$0xAC00 ss:$0x1] =	vst.idx.msk $0xffff, v6  }
0xce: {  	v7 =	vsub.f32 $1.000000000e+00, v7;
	[tilespmem:v3+s28+$0xAD80 ss:$0x1] =	vst.idx.msk $0xffff, v4  }
0xcf: {  	[tilespmem:v3+s28+$0xAC80 ss:$0x1] =	vst.idx.msk $0xffff, v5  }
0xd0: {  	s17 =	sadd.s32 $0x1, s17;
	[tilespmem:v3+s28+$0xAE00 ss:$0x1] =	vst.idx.msk $0xffff, v7  }
0xd1: {  	s14 =	smul.u32 $0x6C000, s14;
	_ =	sdelay $0x1  }
0xd2: {  	s22 =	rddreg [dreg:$0x2];
	s17 =	sshrl.u32 s14, $0x3  }
0xd3: {  	s14 =	sadd.s32 s22, s17  }
0xd4: {  	[hbm4b:s14+s0] =	stream.strided.scatter [tilespmem:s11], [sflag:$0x3], $0x4800, s5, s0, $0x38;
	[tilespmem:$0x18380] =	vst v63  }
0xd5: {  	v3 =	vld [tilespmem:s16+$0x30];
	_ =	sdelay $0x4  }
0xd6: {  	v4 =	vshrl.u32 v3, $0x3  }
0xd7: {  	v4 =	vmul.u32 $0x30, v4  }
0xd8: {  	v3 =	vand.u32 $0x7, v3  }
0xd9: {  	v3 =	vor.u32 v3, v4  }
0xda: {  	v4 =	vperm.xlane v3, v0;
	_ =	sdelay $0x1  }
0xdb: {  	v4 =	vadd.s32 v1, v4;
	_ =	sdelay $0x3  }
0xdc: {  	v3 =	vperm.xlane v3, v2  }
0xdd: {  	[tilespmem:s29], [sflag:$0x1] =	stream.indirect_vreg.gather [hbm4b:s2+s4], $0x80, v4, vm0, $0xb8;
	[tilespmem:$0x18380] =	vst v63  }
0xde: {  	v3 =	vadd.s32 v1, v3  }
0xdf: {  	[tilespmem:s30], [sflag:$0x1] =	stream.indirect_vreg.gather [hbm4b:s6+s4], $0x80, v4, vm0, $0xb8;
	[tilespmem:$0x18380] =	vst v63  }
0xe0: {  	_ = 	snop  }
0xe1: {  	[tilespmem:s31], [sflag:$0x1] =	stream.indirect_vreg.gather [hbm4b:s7+s4], $0x80, v4, vm0, $0xb8;
	[tilespmem:$0x18380] =	vst v63  }
0xe2: {  	s18 =	simm.s32 $0x1B80  }
0xe3: {  	[tilespmem:s18], [sflag:$0x1] =	stream.indirect_vreg.gather [hbm4b:s2+s4], $0x80, v3, vm0, $0xb8;
	[tilespmem:$0x18380] =	vst v63  }
0xe4: {  	s23 =	simm.s32 $0x2380  }
0xe5: {  	[tilespmem:s23], [sflag:$0x1] =	stream.indirect_vreg.gather [hbm4b:s6+s4], $0x80, v3, vm0, $0xb8;
	[tilespmem:$0x18380] =	vst v63  }
0xe6: {  	s24 =	simm.s32 $0x2B80  }
0xe7: {  	[tilespmem:s24], [sflag:$0x1] =	stream.indirect_vreg.gather [hbm4b:s7+s4], $0x80, v3, vm0, $0xb8;
	[tilespmem:$0x18380] =	vst v63  }
0xe8: {  	v3 =	vld.msk [tilespmem:s16+$0x40], $0xff;
	_ =	sdelay $0x4  }
0xe9: {  	v63 =	vshrl.u32 v3, $0x3  }
0xea: {  	v4 =	vmul.u32 $0x30, v63  }
0xeb: {  	v3 =	vand.u32 $0x7, v3  }
0xec: {  	v3 =	vor.u32 v3, v4  }
0xed: {  	v3 =	vperm.xlane v3, v0;
	_ =	sdelay $0x1  }
0xee: {  	v3 =	vadd.s32 v1, v3;
	_ =	sdelay $0x3  }
0xef: {  	s25 =	simm.s32 $0x3380  }
0xf0: {  	[tilespmem:s25], [sflag:$0x1] =	stream.indirect_vreg.gather [hbm4b:s2+s4], $0x80, v3, vm0, $0xb8;
	[tilespmem:$0x18380] =	vst v63  }
0xf1: {  	s26 =	simm.s32 $0x3B80  }
0xf2: {  	[tilespmem:s26], [sflag:$0x1] =	stream.indirect_vreg.gather [hbm4b:s6+s4], $0x80, v3, vm0, $0xb8;
	[tilespmem:$0x18380] =	vst v63  }
0xf3: {  	s28 =	simm.s32 $0x4380  }
0xf4: {  	[tilespmem:s28], [sflag:$0x1] =	stream.indirect_vreg.gather [hbm4b:s7+s4], $0x80, v3, vm0, $0xb8;
	[tilespmem:$0x18380] =	vst v63  }
0xf5: {  	_ =	swait.ge [sflag:s12], $0x4800  }
0xf6: {  	[sflag:s12] =	ssyncset.done $0x0  }
0xf7: {  	s18 =	simm.s32 @!p0 $0x4;
	[sflag:s12] =	ssyncadd.s32 $0xFFFFB800  }
0xf8: {  	_ =	swait.ge @!p0 [sflag:s18], $0x4800  }
0xf9: {  	[sflag:s18] =	ssyncset.done @!p0 $0x0  }
0xfa: {  	s19 =	simm.s32 $0x0;
	[sflag:s18] =	ssyncadd.s32 @!p0 $0xFFFFB800;
	s18 =	simm.s32 $0x0  }
.LBB2_7:
0xfb: {  	s20 =	sshrl.u32 s19, $0x3  }
0xfc: {  	s21 =	sand.u32 $0x7, s18;
	s20 =	smul.u32 $0x6000, s20  }
0xfd: {  	s21 =	sshll.u32 s21, $0x9  }
0xfe: {  	s20 =	sor.u32 s21, s20  }
0xff: {  	s20 =	sshra.s32 s20, $0x2  }
0x100: {  	s20 =	sadd.s32 $0x4BC0, s20  }
0x101: {  	v3 =	vld [tilespmem:s20+$0xFFFFFFC0]  }
0x102: {  	v4 =	vld [tilespmem:s20+$0x30]  }
0x103: {  	v5 =	vld [tilespmem:s20+$0xFFFFFFD0]  }
0x104: {  	v6 =	vld [tilespmem:s20+$0xFFFFFFE0]  }
0x105: {  	v7 =	vld [tilespmem:s20+$0x20]  }
0x106: {  	v3 =	vadd.f32 v3, v3  }
0x107: {  	v4 =	vadd.f32 v4, v4  }
0x108: {  	v8 =	vld [tilespmem:s20+$0x10];
	v5 =	vadd.f32 v5, v5;
	v3 =	vmul.f32 $1.442695020e+00, v3  }
0x109: {  	v9 =	vld [tilespmem:s20+$0x0];
	v6 =	vadd.f32 v6, v6;
	v4 =	vmul.f32 $1.442695020e+00, v4  }
0x10a: {  	v7 =	vadd.f32 v7, v7;
	(erf) = vpow2.f32 v3;
	v3 =	vmul.f32 $1.442695020e+00, v5;
	v5 =	vld [tilespmem:s20+$0xFFFFFFF0]  }
0x10b: {  	v6 =	vmul.f32 $1.442695020e+00, v6;
	(erf) = vpow2.f32 v4  }
0x10c: {  	v4 =	vmul.f32 $1.442695020e+00, v7;
	(erf) = vpow2.f32 v3  }
0x10d: {  	(erf) = vpow2.f32 v6  }
0x10e: {  	(erf) = vpow2.f32 v4;
	v4 =	vadd.f32 v9, v9  }
0x10f: {  	v3 =	vadd.f32 v8, v8;
	v5 =	vadd.f32 v5, v5  }
0x110: {  	v4 =	vmul.f32 $1.442695020e+00, v4  }
0x111: {  	s20 =	sadd.s32 $0x400, s20;
	v3 =	vmul.f32 $1.442695020e+00, v3;
	v5 =	vmul.f32 $1.442695020e+00, v5  }
0x112: {  	v6 =	vld [tilespmem:s20+$0xFFFFFFC0]  }
0x113: {  	v8 =	vld [tilespmem:s20+$0xFFFFFFD0];
	(erf) = vpow2.f32 v3;
	v7 =	vpop (erf)  }
0x114: {  	v3 =	vld [tilespmem:s20+$0x30];
	(erf) = vpow2.f32 v4;
	v4 =	vpop (erf)  }
0x115: {  	(erf) = vpow2.f32 v5;
	v7 =	vadd.f32 $1.000000000e+00, v7;
	v5 =	vpop (erf)  }
0x116: {  	v9 =	vld [tilespmem:s20+$0xFFFFFFE0];
	v4 =	vadd.f32 $1.000000000e+00, v4;
	v11 =	vpop (erf)  }
0x117: {  	v10 =	vld [tilespmem:s20+$0x20];
	v6 =	vadd.f32 v6, v6;
	v12 =	vpop (erf);
	(erf) = vrcp.f32 v7  }
0x118: {  	v7 =	vadd.f32 $1.000000000e+00, v12;
	(erf) = vrcp.f32 v4;
	v4 =	vadd.f32 v8, v8;
	v8 =	vld [tilespmem:s20+$0x10]  }
0x119: {  	v6 =	vmul.f32 $1.442695020e+00, v6;
	v3 =	vadd.f32 v3, v3  }
0x11a: {  	(erf) = vrcp.f32 v7;
	v4 =	vmul.f32 $1.442695020e+00, v4  }
0x11b: {  	v9 =	vadd.f32 v9, v9;
	v3 =	vmul.f32 $1.442695020e+00, v3;
	v7 =	vld [tilespmem:s20+$0x0];
	(erf) = vpow2.f32 v6  }
0x11c: {  	v10 =	vadd.f32 v10, v10;
	v12 =	vpop (erf);
	v6 =	vld [tilespmem:s20+$0xFFFFFFF0]  }
0x11d: {  	v9 =	vmul.f32 $1.442695020e+00, v9;
	v13 =	vpop (erf);
	(erf) = vpow2.f32 v3;
	v8 =	vadd.f32 v8, v8  }
0x11e: {  	v10 =	vmul.f32 $1.442695020e+00, v10;
	(erf) = vpow2.f32 v4;
	v4 =	vpop (erf)  }
0x11f: {  	v5 =	vadd.f32 $1.000000000e+00, v5;
	(erf) = vpow2.f32 v9;
	v4 =	vadd.f32 $1.000000000e+00, v4  }
0x120: {  	v9 =	vadd.f32 $1.000000000e+00, v13;
	(erf) = vpow2.f32 v10;
	v7 =	vadd.f32 v7, v7  }
0x121: {  	(erf) = vrcp.f32 v4;
	v4 =	vadd.f32 v6, v6;
	v6 =	vmul.f32 $1.442695020e+00, v8;
	v8 =	vpop (erf)  }
0x122: {  	s25 =	sadd.s32 $0x400, s20;
	v11 =	vadd.f32 $1.000000000e+00, v11;
	v7 =	vmul.f32 $1.442695020e+00, v7;
	(erf) = vrcp.f32 v5;
	v10 =	vpop (erf)  }
0x123: {  	v12 =	vadd.f32 $1.000000000e+00, v12;
	v5 =	vld [tilespmem:s25+$0xFFFFFFC0];
	v8 =	vadd.f32 v8, v8;
	(erf) = vrcp.f32 v9;
	v13 =	vpop (erf)  }
0x124: {  	v9 =	vld [tilespmem:s25+$0x30];
	v10 =	vadd.f32 v10, v10;
	(erf) = vpow2.f32 v6;
	v14 =	vpop (erf);
	v13 =	vadd.f32 v13, v13  }
0x125: {  	v6 =	vld [tilespmem:s25+$0x0];
	v16 =	vsub.f32 $1.000000000e+00, v8;
	(erf) = vrcp.f32 v11;
	v8 =	vadd.f32 $1.000000000e+00, v14  }
0x126: {  	v4 =	vmul.f32 $1.442695020e+00, v4;
	v11 =	vld [tilespmem:s25+$0x20];
	(erf) = vpow2.f32 v7;
	v7 =	vpop (erf)  }
0x127: {  	v14 =	vsub.f32 $1.000000000e+00, v10;
	v10 =	vld [tilespmem:s25+$0xFFFFFFD0];
	v15 =	vpop (erf);
	(erf) = vrcp.f32 v12  }
0x128: {  	s22 =	sshll.u32 s19, $0x4;
	v17 =	vsub.f32 $1.000000000e+00, v13;
	v7 =	vadd.f32 $1.000000000e+00, v7;
	v13 =	vpop (erf);
	(erf) = vpow2.f32 v4  }
0x129: {  	s21 =	sand.u32 $0x70, s22;
	v5 =	vadd.f32 v5, v5;
	v12 =	vld [tilespmem:s25+$0xFFFFFFE0];
	(erf) = vrcp.f32 v8;
	v8 =	vpop (erf)  }
0x12a: {  	v3 =	vmov s21;
	v9 =	vadd.f32 v9, v9;
	v8 =	vadd.f32 $1.000000000e+00, v8  }
0x12b: {  	v19 =	vld [tilespmem:s25+$0xFFFFFFF0];
	v4 =	vadd.f32 $1.000000000e+00, v13;
	v18 =	vmul.f32 $1.442695020e+00, v5;
	v5 =	vadd.f32 v6, v6;
	v6 =	vpop (erf)  }
0x12c: {  	v13 =	vld [tilespmem:s25+$0x10];
	v11 =	vadd.f32 v11, v11;
	(erf) = vrcp.f32 v7;
	v10 =	vadd.f32 v10, v10;
	v7 =	vpop (erf)  }
0x12d: {  	v9 =	vmul.f32 $1.442695020e+00, v9;
	v20 =	vadd.f32 v6, v6;
	v6 =	vmul.f32 $1.442695020e+00, v5;
	v21 =	vpop (erf)  }
0x12e: {  	s23 =	simm.s32 $0x0;
	v11 =	vmul.f32 $1.442695020e+00, v11;
	v12 =	vadd.f32 v12, v12;
	(erf) = vrcp.f32 v8;
	v8 =	vpop (erf)  }
0x12f: {  	s22 =	smul.u32 $0x6000, s23;
	v5 =	vadd.f32 v7, v7;
	v10 =	vmul.f32 $1.442695020e+00, v10;
	(erf) = vpow2.f32 v18;
	v7 =	vpop (erf)  }
0x130: {  	s24 =	sshll.u32 s19, $0x7;
	s26 =	simm.s32 $0x0;
	s28 =	simm.s32 $0x1;
	v19 =	vadd.f32 v19, v19;
	(erf) = vpow2.f32 v9;
	v22 =	vmul.f32 $1.442695020e+00, v12;
	v18 =	vpop (erf)  }
0x131: {  	s23 =	simm.s32 $0x0;
	s22 =	sshra.s32 s22, $0x2;
	s21 =	sand.u32 $0xC00, s26;
	v63 =	vadd.f32 $1.000000000e+00, v15;
	v13 =	vadd.f32 v13, v13;
	(erf) = vpow2.f32 v10;
	v62 =	vpop (erf)  }
0x132: {  	s23 =	smul.u32 $0x6000, s23;
	s20 =	sand.u32 $0xC00, s24;
	s21 =	sadd.s32 s21, s22;
	(erf) = vpow2.f32 v22;
	v10 =	vadd.f32 v7, v7;
	v12 =	vadd.f32 $1.000000000e+00, v18;
	v18 =	vpop (erf)  }
0x133: {  	s24 =	simm.s32 $0xFFFFFFFF;
	s26 =	smul.u32 $0x6000, s28;
	s22 =	sadd.s32 s20, s21;
	(erf) = vpow2.f32 v11;
	v7 =	vadd.f32 $1.000000000e+00, v18;
	v11 =	vpop (erf);
	v18 =	vadd.f32 v62, v62  }
0x134: {  	s23 =	sshra.s32 s23, $0x2;
	s24 =	sand.u32 $0xC00, s24;
	s28 =	simm.s32 $0x0;
	[tilespmem:v3+s22+$0xF700 ss:$0x1] =	vst.idx.msk $0xffff, v14;
	v9 =	vadd.f32 v21, v21;
	v13 =	vmul.f32 $1.442695020e+00, v13;
	v14 =	vadd.f32 v11, v11  }
0x135: {  	s23 =	sadd.s32 s24, s23;
	s28 =	sand.u32 $0xC00, s28;
	s26 =	sshra.s32 s26, $0x2;
	[tilespmem:v3+s22+$0xF380 ss:$0x1] =	vst.idx.msk $0xffff, v16;
	v11 =	vmul.f32 $1.442695020e+00, v19;
	(erf) = vrcp.f32 v7;
	v15 =	vsub.f32 $1.000000000e+00, v18  }
0x136: {  	s24 =	simm.s32 $0x10;
	s21 =	sadd.s32 s28, s26;
	[tilespmem:v3+s22+$0xF680 ss:$0x1] =	vst.idx.msk $0xffff, v17;
	s25 =	sadd.s32 $0x400, s25;
	v16 =	vpop (erf);
	v7 =	vsub.f32 $1.000000000e+00, v14;
	(erf) = vrcp.f32 v63;
	v14 =	vsub.f32 $1.000000000e+00, v20  }
.LBB2_8:
0x137: {  	s24 =	sadd.s32 $0x8, s24;
	v17 =	vld [tilespmem:s25+$0xFFFFFFC0];
	v16 =	vadd.f32 v16, v16;
	(erf) = vrcp.f32 v12;
	v12 =	vpop (erf);
	v9 =	vsub.f32 $1.000000000e+00, v9;
	[tilespmem:v3+s22+$0xF600 ss:$0x1] =	vst.idx.msk $0xffff, v15  }
0x138: {  	v5 =	vsub.f32 $1.000000000e+00, v5;
	v10 =	vsub.f32 $1.000000000e+00, v10;
	s26 =	sshrl.u32 s24, $0x4;
	s28 =	sshll.u32 s24, $0x1C;
	v15 =	vld [tilespmem:s25+$0x30];
	p0 =	slt.u32 s24, $0x28;
	v18 =	vpop (erf);
	(erf) = vpow2.f32 v13;
	[tilespmem:v3+s22+$0xF500 ss:$0x1] =	vst.idx.msk $0xffff, v14  }
0x139: {  	v8 =	vadd.f32 $1.000000000e+00, v8;
	v12 =	vadd.f32 v12, v12;
	s26 =	smul.u32 $0x6000, s26;
	s28 =	sshra.s32 s28, $0x1F;
	v13 =	vld [tilespmem:s25+$0x0];
	(erf) = vrcp.f32 v4;
	[tilespmem:v3+s22+$0xF580 ss:$0x1] =	vst.idx.msk $0xffff, v9  }
0x13a: {  	v14 =	vadd.f32 $1.000000000e+00, v18;
	v18 =	vsub.f32 $1.000000000e+00, v16;
	v9 =	vld [tilespmem:s25+$0x20];
	(erf) = vpow2.f32 v6;
	v4 =	vpop (erf);
	[tilespmem:v3+s22+$0xF400 ss:$0x1] =	vst.idx.msk $0xffff, v5  }
0x13b: {  	s28 =	sand.u32 $0xC00, s28;
	v12 =	vsub.f32 $1.000000000e+00, v12;
	s26 =	sshra.s32 s26, $0x2;
	v5 =	vld [tilespmem:s25+$0xFFFFFFD0];
	v16 =	vpop (erf);
	(erf) = vrcp.f32 v8;
	[tilespmem:v3+s22+$0xF480 ss:$0x1] =	vst.idx.msk $0xffff, v10;
	s22 =	sadd.s32 s20, s23  }
0x13c: {  	s23 =	smov.u32 s21;
	v8 =	vadd.f32 v17, v17;
	v10 =	vld [tilespmem:s25+$0xFFFFFFE0];
	v17 =	vadd.f32 $1.000000000e+00, v4;
	v4 =	vpop (erf);
	(erf) = vpow2.f32 v11;
	[tilespmem:v3+s22+$0xF700 ss:$0x1] =	vst.idx.msk $0xffff, v18;
	s21 =	sadd.s32 s28, s26  }
0x13d: {  	v11 =	vld [tilespmem:s25+$0x10];
	v15 =	vadd.f32 v15, v15;
	v4 =	vadd.f32 $1.000000000e+00, v4;
	(erf) = vrcp.f32 v14;
	v6 =	vpop (erf);
	[tilespmem:v3+s22+$0xF680 ss:$0x1] =	vst.idx.msk $0xffff, v12  }
0x13e: {  	v12 =	vmul.f32 $1.442695020e+00, v8;
	v14 =	vld [tilespmem:s25+$0xFFFFFFF0];
	v19 =	vadd.f32 v13, v13;
	v13 =	vadd.f32 $1.000000000e+00, v6;
	[tilespmem:v3+s22+$0xF380 ss:$0x1] =	vst.idx.msk $0xffff, v7;
	v6 =	vpop (erf)  }
0x13f: {  	v7 =	vadd.f32 v9, v9;
	(erf) = vrcp.f32 v17;
	v17 =	vadd.f32 v6, v6;
	v9 =	vpop (erf)  }
0x140: {  	v18 =	vadd.f32 v5, v5;
	v6 =	vmul.f32 $1.442695020e+00, v19;
	v5 =	vadd.f32 v9, v9;
	v9 =	vpop (erf)  }
0x141: {  	v10 =	vadd.f32 v10, v10;
	v7 =	vmul.f32 $1.442695020e+00, v7;
	v8 =	vpop (erf);
	(erf) = vrcp.f32 v13  }
0x142: {  	v13 =	vmul.f32 $1.442695020e+00, v15;
	v21 =	vadd.f32 v11, v11;
	(erf) = vpow2.f32 v12;
	v15 =	vpop (erf)  }
0x143: {  	v9 =	vadd.f32 v9, v9;
	v18 =	vmul.f32 $1.442695020e+00, v18;
	v14 =	vadd.f32 v14, v14;
	v12 =	vpop (erf)  }
0x144: {  	v19 =	vmul.f32 $1.442695020e+00, v10;
	(erf) = vpow2.f32 v13;
	v12 =	vadd.f32 $1.000000000e+00, v12;
	v20 =	vpop (erf)  }
.Ltmp2:
0x145: {  	v10 =	vadd.f32 v15, v15;
	v13 =	vmul.f32 $1.442695020e+00, v21;
	(erf) = vpow2.f32 v18;
	v11 =	vpop (erf);
	(pc) =	sbr.rel @p0 .LBB2_8-.Ltmp2, $4  }
0x146: {  	v18 =	vadd.f32 v20, v20;
	(erf) = vpow2.f32 v19;
	v15 =	vadd.f32 $1.000000000e+00, v11;
	v11 =	vpop (erf)  }
0x147: {  	v19 =	vadd.f32 $1.000000000e+00, v16;
	(erf) = vpow2.f32 v7;
	v7 =	vadd.f32 v11, v11  }
0x148: {  	v11 =	vmul.f32 $1.442695020e+00, v14;
	(erf) = vrcp.f32 v15;
	v16 =	vpop (erf);
	v15 =	vsub.f32 $1.000000000e+00, v18  }
0x149: {  	s25 =	sadd.s32 $0x400, s25;
	v14 =	vsub.f32 $1.000000000e+00, v17;
	v7 =	vsub.f32 $1.000000000e+00, v7;
	(erf) = vrcp.f32 v19  }
0x14a: {  	(erf) = vrcp.f32 v12  }
0x14b: {  	v31 =	vpop (erf);
	(erf) = vpow2.f32 v13  }
0x14c: {  	v8 =	vadd.f32 $1.000000000e+00, v8;
	v32 =	vpop (erf);
	(erf) = vrcp.f32 v4  }
0x14d: {  	(erf) = vpow2.f32 v6;
	v33 =	vpop (erf)  }
0x14e: {  	v34 =	vpop (erf);
	(erf) = vrcp.f32 v8  }
0x14f: {  	v35 =	vpop (erf);
	(erf) = vpow2.f32 v11  }
0x150: {  	v36 =	vpop (erf)  }
0x151: {  	v17 =	vpop (erf)  }
0x152: {  	v18 =	vpop (erf)  }
0x153: {  	v19 =	vpop (erf)  }
0x154: {  	v20 =	vpop (erf)  }
0x155: {  	v21 =	vpop (erf)  }
0x156: {  	v13 =	vadd.f32 $1.000000000e+00, v32;
	v22 =	vpop (erf)  }
0x157: {  	v41 =	vsub.f32 $1.000000000e+00, v9;
	v4 =	vadd.f32 $1.000000000e+00, v33;
	v23 =	vpop (erf)  }
0x158: {  	v43 =	vadd.f32 v16, v16;
	v11 =	vadd.f32 $1.000000000e+00, v36;
	(erf) = vrcp.f32 v13;
	v37 =	vpop (erf)  }
0x159: {  	[tilespmem:v3+s22+$0xF600 ss:$0x1] =	vst.idx.msk $0xffff, v15;
	v5 =	vsub.f32 $1.000000000e+00, v5;
	(erf) = vrcp.f32 v4;
	v38 =	vadd.f32 $1.000000000e+00, v37  }
0x15a: {  	v44 =	vsub.f32 $1.000000000e+00, v10;
	s23 =	sadd.s32 s20, s23;
	[tilespmem:v3+s22+$0xF500 ss:$0x1] =	vst.idx.msk $0xffff, v14;
	v6 =	vadd.f32 $1.000000000e+00, v34;
	(erf) = vrcp.f32 v11  }
0x15b: {  	v45 =	vadd.f32 v31, v31;
	[tilespmem:v3+s23+$0xF380 ss:$0x1] =	vst.idx.msk $0xffff, v7;
	v39 =	vadd.f32 $1.000000000e+00, v22;
	(erf) = vrcp.f32 v38  }
0x15c: {  	[tilespmem:v3+s22+$0xF580 ss:$0x1] =	vst.idx.msk $0xffff, v41;
	v46 =	vsub.f32 $1.000000000e+00, v43;
	v40 =	vadd.f32 $1.000000000e+00, v35;
	(erf) = vrcp.f32 v6  }
0x15d: {  	[tilespmem:v3+s22+$0xF400 ss:$0x1] =	vst.idx.msk $0xffff, v5;
	v54 =	vadd.f32 v18, v18;
	v42 =	vadd.f32 $1.000000000e+00, v20;
	(erf) = vrcp.f32 v39  }
0x15e: {  	[tilespmem:v3+s22+$0xF480 ss:$0x1] =	vst.idx.msk $0xffff, v44;
	v47 =	vsub.f32 $1.000000000e+00, v45;
	v52 =	vadd.f32 v19, v19;
	(erf) = vrcp.f32 v40  }
0x15f: {  	[tilespmem:v3+s23+$0xF700 ss:$0x1] =	vst.idx.msk $0xffff, v46;
	v50 =	vadd.f32 v17, v17;
	v7 =	vsub.f32 $1.000000000e+00, v54;
	(erf) = vrcp.f32 v42  }
0x160: {  	[tilespmem:v3+s23+$0xF680 ss:$0x1] =	vst.idx.msk $0xffff, v47;
	v56 =	vadd.f32 v21, v21;
	v5 =	vsub.f32 $1.000000000e+00, v52  }
0x161: {  	[tilespmem:v3+s23+$0xF400 ss:$0x1] =	vst.idx.msk $0xffff, v7;
	v49 =	vadd.f32 v23, v23;
	v4 =	vsub.f32 $1.000000000e+00, v50;
	v48 =	vpop (erf)  }
0x162: {  	v12 =	vsub.f32 $1.000000000e+00, v56;
	[tilespmem:v3+s23+$0xF580 ss:$0x1] =	vst.idx.msk $0xffff, v5;
	v51 =	vpop (erf);
	v6 =	vadd.f32 v48, v48  }
0x163: {  	v8 =	vsub.f32 $1.000000000e+00, v49;
	[tilespmem:v3+s23+$0xF500 ss:$0x1] =	vst.idx.msk $0xffff, v4;
	v53 =	vpop (erf);
	v9 =	vadd.f32 v51, v51  }
0x164: {  	[tilespmem:v3+s23+$0xF480 ss:$0x1] =	vst.idx.msk $0xffff, v12;
	v10 =	vadd.f32 v53, v53;
	v6 =	vsub.f32 $1.000000000e+00, v6;
	v55 =	vpop (erf)  }
0x165: {  	s28 =	sadd.s32 s20, s21;
	[tilespmem:v3+s23+$0xF600 ss:$0x1] =	vst.idx.msk $0xffff, v8;
	v9 =	vsub.f32 $1.000000000e+00, v9;
	v57 =	vpop (erf);
	v61 =	vadd.f32 v55, v55  }
0x166: {  	v10 =	vsub.f32 $1.000000000e+00, v10;
	[tilespmem:v3+s28+$0xF380 ss:$0x1] =	vst.idx.msk $0xffff, v6;
	v58 =	vpop (erf);
	v62 =	vadd.f32 v57, v57  }
0x167: {  	s19 =	sadd.s32 $0x1, s19;
	[tilespmem:v3+s28+$0xF700 ss:$0x1] =	vst.idx.msk $0xffff, v9;
	v59 =	vpop (erf);
	v4 =	vadd.f32 v58, v58;
	v63 =	vsub.f32 $1.000000000e+00, v61  }
0x168: {  	p0 =	sne.s32 s19, $0x18;
	[tilespmem:v3+s28+$0xF680 ss:$0x1] =	vst.idx.msk $0xffff, v10;
	v60 =	vpop (erf);
	v5 =	vadd.f32 v59, v59;
	v6 =	vsub.f32 $1.000000000e+00, v62  }
.Ltmp3:
0x169: {  	v7 =	vadd.f32 v60, v60;
	v4 =	vsub.f32 $1.000000000e+00, v4;
	[tilespmem:v3+s28+$0xF500 ss:$0x1] =	vst.idx.msk $0xffff, v63;
	(pc) =	sbr.rel @p0 .LBB2_7-.Ltmp3, $4  }
0x16a: {  	v5 =	vsub.f32 $1.000000000e+00, v5;
	[tilespmem:v3+s28+$0xF400 ss:$0x1] =	vst.idx.msk $0xffff, v6  }
0x16b: {  	v7 =	vsub.f32 $1.000000000e+00, v7;
	[tilespmem:v3+s28+$0xF580 ss:$0x1] =	vst.idx.msk $0xffff, v4  }
0x16c: {  	[tilespmem:v3+s28+$0xF480 ss:$0x1] =	vst.idx.msk $0xffff, v5  }
0x16d: {  	s18 =	sadd.s32 $0x1, s18;
	[tilespmem:v3+s28+$0xF600 ss:$0x1] =	vst.idx.msk $0xffff, v7  }
0x16e: {  	s18 =	rddreg [dreg:$0x6]  }
0x16f: {  	s18 =	sadd.s32 s17, s18  }
0x170: {  	[hbm4b:s18+s0] =	stream.strided.scatter [tilespmem:s3], [sflag:$0x4], $0x4800, s5, s0, $0x38;
	[tilespmem:$0x18380] =	vst v63  }
0x171: {  	v3 =	vld [tilespmem:s16+$0x48];
	_ =	sdelay $0x4  }
0x172: {  	v4 =	vshrl.u32 v3, $0x3  }
0x173: {  	v4 =	vmul.u32 $0x30, v4  }
0x174: {  	v3 =	vand.u32 $0x7, v3  }
0x175: {  	v3 =	vor.u32 v3, v4  }
0x176: {  	v4 =	vperm.xlane v3, v0;
	_ =	sdelay $0x1  }
0x177: {  	v4 =	vadd.s32 v1, v4;
	_ =	sdelay $0x3  }
0x178: {  	s19 =	simm.s32 $0x4B80;
	s18 =	simm.s32 $0x0;
	v3 =	vperm.xlane v3, v2  }
0x179: {  	[tilespmem:s19], [sflag:$0x2] =	stream.indirect_vreg.gather [hbm4b:s2+s18], $0x80, v4, vm0, $0xb8;
	[tilespmem:$0x18380] =	vst v63  }
0x17a: {  	s28 =	simm.s32 $0x5380;
	v3 =	vadd.s32 v1, v3  }
0x17b: {  	[tilespmem:s28], [sflag:$0x2] =	stream.indirect_vreg.gather [hbm4b:s6+s18], $0x80, v4, vm0, $0xb8;
	[tilespmem:$0x18380] =	vst v63  }
0x17c: {  	s20 =	simm.s32 $0x5B80  }
0x17d: {  	[tilespmem:s20], [sflag:$0x2] =	stream.indirect_vreg.gather [hbm4b:s7+s18], $0x80, v4, vm0, $0xb8;
	[tilespmem:$0x18380] =	vst v63  }
0x17e: {  	s21 =	simm.s32 $0x6380  }
0x17f: {  	[tilespmem:s21], [sflag:$0x2] =	stream.indirect_vreg.gather [hbm4b:s2+s18], $0x80, v3, vm0, $0xb8;
	[tilespmem:$0x18380] =	vst v63  }
0x180: {  	s22 =	simm.s32 $0x6B80  }
0x181: {  	[tilespmem:s22], [sflag:$0x2] =	stream.indirect_vreg.gather [hbm4b:s6+s18], $0x80, v3, vm0, $0xb8;
	[tilespmem:$0x18380] =	vst v63  }
0x182: {  	s23 =	simm.s32 $0x7380  }
0x183: {  	[tilespmem:s23], [sflag:$0x2] =	stream.indirect_vreg.gather [hbm4b:s7+s18], $0x80, v3, vm0, $0xb8;
	[tilespmem:$0x18380] =	vst v63  }
0x184: {  	v3 =	vld.msk [tilespmem:s16+$0x58], $0xff;
	_ =	sdelay $0x4  }
0x185: {  	v63 =	vshrl.u32 v3, $0x3  }
0x186: {  	v4 =	vmul.u32 $0x30, v63  }
0x187: {  	v3 =	vand.u32 $0x7, v3  }
0x188: {  	v3 =	vor.u32 v3, v4  }
0x189: {  	v3 =	vperm.xlane v3, v0;
	_ =	sdelay $0x1  }
0x18a: {  	v3 =	vadd.s32 v1, v3;
	_ =	sdelay $0x3  }
0x18b: {  	s24 =	simm.s32 $0x7B80  }
0x18c: {  	[tilespmem:s24], [sflag:$0x2] =	stream.indirect_vreg.gather [hbm4b:s2+s18], $0x80, v3, vm0, $0xb8;
	[tilespmem:$0x18380] =	vst v63  }
0x18d: {  	s25 =	simm.s32 $0x8380  }
0x18e: {  	[tilespmem:s25], [sflag:$0x2] =	stream.indirect_vreg.gather [hbm4b:s6+s18], $0x80, v3, vm0, $0xb8;
	[tilespmem:$0x18380] =	vst v63  }
0x18f: {  	s26 =	simm.s32 $0x8B80  }
0x190: {  	[tilespmem:s26], [sflag:$0x2] =	stream.indirect_vreg.gather [hbm4b:s7+s18], $0x80, v3, vm0, $0xb8;
	[tilespmem:$0x18380] =	vst v63  }
0x191: {  	_ =	swait.ge [sflag:s1], $0x4800  }
0x192: {  	[sflag:s1] =	ssyncset.done $0x0  }
0x193: {  	[sflag:s1] =	ssyncadd.s32 $0xFFFFB800  }
0x194: {  	_ =	swait.ge [sflag:s8], $0x4800  }
0x195: {  	[sflag:s8] =	ssyncset.done $0x0;
	s28 =	rddreg [dreg:$0x7]  }
0x196: {  	s19 =	simm.s32 $0x0;
	s17 =	sadd.s32 s17, s28;
	[sflag:s8] =	ssyncadd.s32 $0xFFFFB800  }
.LBB2_11:
0x197: {  	s20 =	sshrl.u32 s19, $0x3  }
0x198: {  	s21 =	sand.u32 $0x7, s18;
	s20 =	smul.u32 $0x6000, s20  }
0x199: {  	s21 =	sshll.u32 s21, $0x9  }
0x19a: {  	s20 =	sor.u32 s21, s20  }
0x19b: {  	s20 =	sshra.s32 s20, $0x2  }
0x19c: {  	s20 =	sadd.s32 $0x3C0, s20  }
0x19d: {  	v3 =	vld [tilespmem:s20+$0xFFFFFFC0]  }
0x19e: {  	v4 =	vld [tilespmem:s20+$0x30]  }
0x19f: {  	v5 =	vld [tilespmem:s20+$0xFFFFFFD0]  }
0x1a0: {  	v6 =	vld [tilespmem:s20+$0xFFFFFFE0]  }
0x1a1: {  	v7 =	vld [tilespmem:s20+$0x20]  }
0x1a2: {  	v3 =	vadd.f32 v3, v3  }
0x1a3: {  	v4 =	vadd.f32 v4, v4  }
0x1a4: {  	v8 =	vld [tilespmem:s20+$0x10];
	v5 =	vadd.f32 v5, v5;
	v3 =	vmul.f32 $1.442695020e+00, v3  }
0x1a5: {  	v9 =	vld [tilespmem:s20+$0x0];
	v6 =	vadd.f32 v6, v6;
	v4 =	vmul.f32 $1.442695020e+00, v4  }
0x1a6: {  	v7 =	vadd.f32 v7, v7;
	(erf) = vpow2.f32 v3;
	v3 =	vmul.f32 $1.442695020e+00, v5;
	v5 =	vld [tilespmem:s20+$0xFFFFFFF0]  }
0x1a7: {  	v6 =	vmul.f32 $1.442695020e+00, v6;
	(erf) = vpow2.f32 v4  }
0x1a8: {  	v4 =	vmul.f32 $1.442695020e+00, v7;
	(erf) = vpow2.f32 v3  }
0x1a9: {  	(erf) = vpow2.f32 v6  }
0x1aa: {  	(erf) = vpow2.f32 v4;
	v4 =	vadd.f32 v9, v9  }
0x1ab: {  	v3 =	vadd.f32 v8, v8;
	v5 =	vadd.f32 v5, v5  }
0x1ac: {  	v4 =	vmul.f32 $1.442695020e+00, v4  }
0x1ad: {  	s20 =	sadd.s32 $0x400, s20;
	v3 =	vmul.f32 $1.442695020e+00, v3;
	v5 =	vmul.f32 $1.442695020e+00, v5  }
0x1ae: {  	v6 =	vld [tilespmem:s20+$0xFFFFFFC0]  }
0x1af: {  	v8 =	vld [tilespmem:s20+$0xFFFFFFD0];
	(erf) = vpow2.f32 v3;
	v7 =	vpop (erf)  }
0x1b0: {  	v3 =	vld [tilespmem:s20+$0x30];
	(erf) = vpow2.f32 v4;
	v4 =	vpop (erf)  }
0x1b1: {  	(erf) = vpow2.f32 v5;
	v7 =	vadd.f32 $1.000000000e+00, v7;
	v5 =	vpop (erf)  }
0x1b2: {  	v9 =	vld [tilespmem:s20+$0xFFFFFFE0];
	v4 =	vadd.f32 $1.000000000e+00, v4;
	v11 =	vpop (erf)  }
0x1b3: {  	v10 =	vld [tilespmem:s20+$0x20];
	v6 =	vadd.f32 v6, v6;
	v12 =	vpop (erf);
	(erf) = vrcp.f32 v7  }
0x1b4: {  	v7 =	vadd.f32 $1.000000000e+00, v12;
	(erf) = vrcp.f32 v4;
	v4 =	vadd.f32 v8, v8;
	v8 =	vld [tilespmem:s20+$0x10]  }
0x1b5: {  	v6 =	vmul.f32 $1.442695020e+00, v6;
	v3 =	vadd.f32 v3, v3  }
0x1b6: {  	(erf) = vrcp.f32 v7;
	v4 =	vmul.f32 $1.442695020e+00, v4  }
0x1b7: {  	v9 =	vadd.f32 v9, v9;
	v3 =	vmul.f32 $1.442695020e+00, v3;
	v7 =	vld [tilespmem:s20+$0x0];
	(erf) = vpow2.f32 v6  }
0x1b8: {  	v10 =	vadd.f32 v10, v10;
	v12 =	vpop (erf);
	v6 =	vld [tilespmem:s20+$0xFFFFFFF0]  }
0x1b9: {  	v9 =	vmul.f32 $1.442695020e+00, v9;
	v13 =	vpop (erf);
	(erf) = vpow2.f32 v3;
	v8 =	vadd.f32 v8, v8  }
0x1ba: {  	v10 =	vmul.f32 $1.442695020e+00, v10;
	(erf) = vpow2.f32 v4;
	v4 =	vpop (erf)  }
0x1bb: {  	v5 =	vadd.f32 $1.000000000e+00, v5;
	(erf) = vpow2.f32 v9;
	v4 =	vadd.f32 $1.000000000e+00, v4  }
0x1bc: {  	v9 =	vadd.f32 $1.000000000e+00, v13;
	(erf) = vpow2.f32 v10;
	v7 =	vadd.f32 v7, v7  }
0x1bd: {  	(erf) = vrcp.f32 v4;
	v4 =	vadd.f32 v6, v6;
	v6 =	vmul.f32 $1.442695020e+00, v8;
	v8 =	vpop (erf)  }
0x1be: {  	s25 =	sadd.s32 $0x400, s20;
	v11 =	vadd.f32 $1.000000000e+00, v11;
	v7 =	vmul.f32 $1.442695020e+00, v7;
	(erf) = vrcp.f32 v5;
	v10 =	vpop (erf)  }
0x1bf: {  	v12 =	vadd.f32 $1.000000000e+00, v12;
	v5 =	vld [tilespmem:s25+$0xFFFFFFC0];
	v8 =	vadd.f32 v8, v8;
	(erf) = vrcp.f32 v9;
	v13 =	vpop (erf)  }
0x1c0: {  	v9 =	vld [tilespmem:s25+$0x30];
	v10 =	vadd.f32 v10, v10;
	(erf) = vpow2.f32 v6;
	v14 =	vpop (erf);
	v13 =	vadd.f32 v13, v13  }
0x1c1: {  	v6 =	vld [tilespmem:s25+$0x0];
	v16 =	vsub.f32 $1.000000000e+00, v8;
	(erf) = vrcp.f32 v11;
	v8 =	vadd.f32 $1.000000000e+00, v14  }
0x1c2: {  	v4 =	vmul.f32 $1.442695020e+00, v4;
	v11 =	vld [tilespmem:s25+$0x20];
	(erf) = vpow2.f32 v7;
	v7 =	vpop (erf)  }
0x1c3: {  	v14 =	vsub.f32 $1.000000000e+00, v10;
	v10 =	vld [tilespmem:s25+$0xFFFFFFD0];
	v15 =	vpop (erf);
	(erf) = vrcp.f32 v12  }
0x1c4: {  	s22 =	sshll.u32 s19, $0x4;
	v17 =	vsub.f32 $1.000000000e+00, v13;
	v7 =	vadd.f32 $1.000000000e+00, v7;
	v13 =	vpop (erf);
	(erf) = vpow2.f32 v4  }
0x1c5: {  	s21 =	sand.u32 $0x70, s22;
	v5 =	vadd.f32 v5, v5;
	v12 =	vld [tilespmem:s25+$0xFFFFFFE0];
	(erf) = vrcp.f32 v8;
	v8 =	vpop (erf)  }
0x1c6: {  	v3 =	vmov s21;
	v9 =	vadd.f32 v9, v9;
	v8 =	vadd.f32 $1.000000000e+00, v8  }
0x1c7: {  	v19 =	vld [tilespmem:s25+$0xFFFFFFF0];
	v4 =	vadd.f32 $1.000000000e+00, v13;
	v18 =	vmul.f32 $1.442695020e+00, v5;
	v5 =	vadd.f32 v6, v6;
	v6 =	vpop (erf)  }
0x1c8: {  	v13 =	vld [tilespmem:s25+$0x10];
	v11 =	vadd.f32 v11, v11;
	(erf) = vrcp.f32 v7;
	v10 =	vadd.f32 v10, v10;
	v7 =	vpop (erf)  }
0x1c9: {  	v9 =	vmul.f32 $1.442695020e+00, v9;
	v20 =	vadd.f32 v6, v6;
	v6 =	vmul.f32 $1.442695020e+00, v5;
	v21 =	vpop (erf)  }
0x1ca: {  	s23 =	simm.s32 $0x0;
	v11 =	vmul.f32 $1.442695020e+00, v11;
	v12 =	vadd.f32 v12, v12;
	(erf) = vrcp.f32 v8;
	v8 =	vpop (erf)  }
0x1cb: {  	s22 =	smul.u32 $0x6000, s23;
	v5 =	vadd.f32 v7, v7;
	v10 =	vmul.f32 $1.442695020e+00, v10;
	(erf) = vpow2.f32 v18;
	v7 =	vpop (erf)  }
0x1cc: {  	s24 =	sshll.u32 s19, $0x7;
	s26 =	simm.s32 $0x0;
	s28 =	simm.s32 $0x1;
	v19 =	vadd.f32 v19, v19;
	(erf) = vpow2.f32 v9;
	v22 =	vmul.f32 $1.442695020e+00, v12;
	v18 =	vpop (erf)  }
0x1cd: {  	s23 =	simm.s32 $0x0;
	s22 =	sshra.s32 s22, $0x2;
	s21 =	sand.u32 $0xC00, s26;
	v63 =	vadd.f32 $1.000000000e+00, v15;
	v13 =	vadd.f32 v13, v13;
	(erf) = vpow2.f32 v10;
	v62 =	vpop (erf)  }
0x1ce: {  	s23 =	smul.u32 $0x6000, s23;
	s20 =	sand.u32 $0xC00, s24;
	s21 =	sadd.s32 s21, s22;
	(erf) = vpow2.f32 v22;
	v10 =	vadd.f32 v7, v7;
	v12 =	vadd.f32 $1.000000000e+00, v18;
	v18 =	vpop (erf)  }
0x1cf: {  	s24 =	simm.s32 $0xFFFFFFFF;
	s26 =	smul.u32 $0x6000, s28;
	s22 =	sadd.s32 s20, s21;
	(erf) = vpow2.f32 v11;
	v7 =	vadd.f32 $1.000000000e+00, v18;
	v11 =	vpop (erf);
	v18 =	vadd.f32 v62, v62  }
0x1d0: {  	s23 =	sshra.s32 s23, $0x2;
	s24 =	sand.u32 $0xC00, s24;
	s28 =	simm.s32 $0x0;
	[tilespmem:v3+s22+$0xAF00 ss:$0x1] =	vst.idx.msk $0xffff, v14;
	v9 =	vadd.f32 v21, v21;
	v13 =	vmul.f32 $1.442695020e+00, v13;
	v14 =	vadd.f32 v11, v11  }
0x1d1: {  	s23 =	sadd.s32 s24, s23;
	s28 =	sand.u32 $0xC00, s28;
	s26 =	sshra.s32 s26, $0x2;
	[tilespmem:v3+s22+$0xAB80 ss:$0x1] =	vst.idx.msk $0xffff, v16;
	v11 =	vmul.f32 $1.442695020e+00, v19;
	(erf) = vrcp.f32 v7;
	v15 =	vsub.f32 $1.000000000e+00, v18  }
0x1d2: {  	s24 =	simm.s32 $0x10;
	s21 =	sadd.s32 s28, s26;
	[tilespmem:v3+s22+$0xAE80 ss:$0x1] =	vst.idx.msk $0xffff, v17;
	s25 =	sadd.s32 $0x400, s25;
	v16 =	vpop (erf);
	v7 =	vsub.f32 $1.000000000e+00, v14;
	(erf) = vrcp.f32 v63;
	v14 =	vsub.f32 $1.000000000e+00, v20  }
.LBB2_12:
0x1d3: {  	s24 =	sadd.s32 $0x8, s24;
	v17 =	vld [tilespmem:s25+$0xFFFFFFC0];
	v16 =	vadd.f32 v16, v16;
	(erf) = vrcp.f32 v12;
	v12 =	vpop (erf);
	v9 =	vsub.f32 $1.000000000e+00, v9;
	[tilespmem:v3+s22+$0xAE00 ss:$0x1] =	vst.idx.msk $0xffff, v15  }
0x1d4: {  	v5 =	vsub.f32 $1.000000000e+00, v5;
	v10 =	vsub.f32 $1.000000000e+00, v10;
	s26 =	sshrl.u32 s24, $0x4;
	s28 =	sshll.u32 s24, $0x1C;
	v15 =	vld [tilespmem:s25+$0x30];
	p0 =	slt.u32 s24, $0x28;
	v18 =	vpop (erf);
	(erf) = vpow2.f32 v13;
	[tilespmem:v3+s22+$0xAD00 ss:$0x1] =	vst.idx.msk $0xffff, v14  }
0x1d5: {  	v8 =	vadd.f32 $1.000000000e+00, v8;
	v12 =	vadd.f32 v12, v12;
	s26 =	smul.u32 $0x6000, s26;
	s28 =	sshra.s32 s28, $0x1F;
	v13 =	vld [tilespmem:s25+$0x0];
	(erf) = vrcp.f32 v4;
	[tilespmem:v3+s22+$0xAD80 ss:$0x1] =	vst.idx.msk $0xffff, v9  }
0x1d6: {  	v14 =	vadd.f32 $1.000000000e+00, v18;
	v18 =	vsub.f32 $1.000000000e+00, v16;
	v9 =	vld [tilespmem:s25+$0x20];
	(erf) = vpow2.f32 v6;
	v4 =	vpop (erf);
	[tilespmem:v3+s22+$0xAC00 ss:$0x1] =	vst.idx.msk $0xffff, v5  }
0x1d7: {  	s28 =	sand.u32 $0xC00, s28;
	v12 =	vsub.f32 $1.000000000e+00, v12;
	s26 =	sshra.s32 s26, $0x2;
	v5 =	vld [tilespmem:s25+$0xFFFFFFD0];
	v16 =	vpop (erf);
	(erf) = vrcp.f32 v8;
	[tilespmem:v3+s22+$0xAC80 ss:$0x1] =	vst.idx.msk $0xffff, v10;
	s22 =	sadd.s32 s20, s23  }
0x1d8: {  	s23 =	smov.u32 s21;
	v8 =	vadd.f32 v17, v17;
	v10 =	vld [tilespmem:s25+$0xFFFFFFE0];
	v17 =	vadd.f32 $1.000000000e+00, v4;
	v4 =	vpop (erf);
	(erf) = vpow2.f32 v11;
	[tilespmem:v3+s22+$0xAF00 ss:$0x1] =	vst.idx.msk $0xffff, v18;
	s21 =	sadd.s32 s28, s26  }
0x1d9: {  	v11 =	vld [tilespmem:s25+$0x10];
	v15 =	vadd.f32 v15, v15;
	v4 =	vadd.f32 $1.000000000e+00, v4;
	(erf) = vrcp.f32 v14;
	v6 =	vpop (erf);
	[tilespmem:v3+s22+$0xAE80 ss:$0x1] =	vst.idx.msk $0xffff, v12  }
0x1da: {  	v12 =	vmul.f32 $1.442695020e+00, v8;
	v14 =	vld [tilespmem:s25+$0xFFFFFFF0];
	v19 =	vadd.f32 v13, v13;
	v13 =	vadd.f32 $1.000000000e+00, v6;
	[tilespmem:v3+s22+$0xAB80 ss:$0x1] =	vst.idx.msk $0xffff, v7;
	v6 =	vpop (erf)  }
0x1db: {  	v7 =	vadd.f32 v9, v9;
	(erf) = vrcp.f32 v17;
	v17 =	vadd.f32 v6, v6;
	v9 =	vpop (erf)  }
0x1dc: {  	v18 =	vadd.f32 v5, v5;
	v6 =	vmul.f32 $1.442695020e+00, v19;
	v5 =	vadd.f32 v9, v9;
	v9 =	vpop (erf)  }
0x1dd: {  	v10 =	vadd.f32 v10, v10;
	v7 =	vmul.f32 $1.442695020e+00, v7;
	v8 =	vpop (erf);
	(erf) = vrcp.f32 v13  }
0x1de: {  	v13 =	vmul.f32 $1.442695020e+00, v15;
	v21 =	vadd.f32 v11, v11;
	(erf) = vpow2.f32 v12;
	v15 =	vpop (erf)  }
0x1df: {  	v9 =	vadd.f32 v9, v9;
	v18 =	vmul.f32 $1.442695020e+00, v18;
	v14 =	vadd.f32 v14, v14;
	v12 =	vpop (erf)  }
0x1e0: {  	v19 =	vmul.f32 $1.442695020e+00, v10;
	(erf) = vpow2.f32 v13;
	v12 =	vadd.f32 $1.000000000e+00, v12;
	v20 =	vpop (erf)  }
.Ltmp4:
0x1e1: {  	v10 =	vadd.f32 v15, v15;
	v13 =	vmul.f32 $1.442695020e+00, v21;
	(erf) = vpow2.f32 v18;
	v11 =	vpop (erf);
	(pc) =	sbr.rel @p0 .LBB2_12-.Ltmp4, $4  }
0x1e2: {  	v18 =	vadd.f32 v20, v20;
	(erf) = vpow2.f32 v19;
	v15 =	vadd.f32 $1.000000000e+00, v11;
	v11 =	vpop (erf)  }
0x1e3: {  	v19 =	vadd.f32 $1.000000000e+00, v16;
	(erf) = vpow2.f32 v7;
	v7 =	vadd.f32 v11, v11  }
0x1e4: {  	v11 =	vmul.f32 $1.442695020e+00, v14;
	(erf) = vrcp.f32 v15;
	v16 =	vpop (erf);
	v15 =	vsub.f32 $1.000000000e+00, v18  }
0x1e5: {  	s25 =	sadd.s32 $0x400, s25;
	v14 =	vsub.f32 $1.000000000e+00, v17;
	v7 =	vsub.f32 $1.000000000e+00, v7;
	(erf) = vrcp.f32 v19  }
0x1e6: {  	(erf) = vrcp.f32 v12  }
0x1e7: {  	v31 =	vpop (erf);
	(erf) = vpow2.f32 v13  }
0x1e8: {  	v8 =	vadd.f32 $1.000000000e+00, v8;
	v32 =	vpop (erf);
	(erf) = vrcp.f32 v4  }
0x1e9: {  	(erf) = vpow2.f32 v6;
	v33 =	vpop (erf)  }
0x1ea: {  	v34 =	vpop (erf);
	(erf) = vrcp.f32 v8  }
0x1eb: {  	v35 =	vpop (erf);
	(erf) = vpow2.f32 v11  }
0x1ec: {  	v36 =	vpop (erf)  }
0x1ed: {  	v17 =	vpop (erf)  }
0x1ee: {  	v18 =	vpop (erf)  }
0x1ef: {  	v19 =	vpop (erf)  }
0x1f0: {  	v20 =	vpop (erf)  }
0x1f1: {  	v21 =	vpop (erf)  }
0x1f2: {  	v13 =	vadd.f32 $1.000000000e+00, v32;
	v22 =	vpop (erf)  }
0x1f3: {  	v41 =	vsub.f32 $1.000000000e+00, v9;
	v4 =	vadd.f32 $1.000000000e+00, v33;
	v23 =	vpop (erf)  }
0x1f4: {  	v43 =	vadd.f32 v16, v16;
	v11 =	vadd.f32 $1.000000000e+00, v36;
	(erf) = vrcp.f32 v13;
	v37 =	vpop (erf)  }
0x1f5: {  	[tilespmem:v3+s22+$0xAE00 ss:$0x1] =	vst.idx.msk $0xffff, v15;
	v5 =	vsub.f32 $1.000000000e+00, v5;
	(erf) = vrcp.f32 v4;
	v38 =	vadd.f32 $1.000000000e+00, v37  }
0x1f6: {  	v44 =	vsub.f32 $1.000000000e+00, v10;
	s23 =	sadd.s32 s20, s23;
	[tilespmem:v3+s22+$0xAD00 ss:$0x1] =	vst.idx.msk $0xffff, v14;
	v6 =	vadd.f32 $1.000000000e+00, v34;
	(erf) = vrcp.f32 v11  }
0x1f7: {  	v45 =	vadd.f32 v31, v31;
	[tilespmem:v3+s23+$0xAB80 ss:$0x1] =	vst.idx.msk $0xffff, v7;
	v39 =	vadd.f32 $1.000000000e+00, v22;
	(erf) = vrcp.f32 v38  }
0x1f8: {  	[tilespmem:v3+s22+$0xAD80 ss:$0x1] =	vst.idx.msk $0xffff, v41;
	v46 =	vsub.f32 $1.000000000e+00, v43;
	v40 =	vadd.f32 $1.000000000e+00, v35;
	(erf) = vrcp.f32 v6  }
0x1f9: {  	[tilespmem:v3+s22+$0xAC00 ss:$0x1] =	vst.idx.msk $0xffff, v5;
	v54 =	vadd.f32 v18, v18;
	v42 =	vadd.f32 $1.000000000e+00, v20;
	(erf) = vrcp.f32 v39  }
0x1fa: {  	[tilespmem:v3+s22+$0xAC80 ss:$0x1] =	vst.idx.msk $0xffff, v44;
	v47 =	vsub.f32 $1.000000000e+00, v45;
	v52 =	vadd.f32 v19, v19;
	(erf) = vrcp.f32 v40  }
0x1fb: {  	[tilespmem:v3+s23+$0xAF00 ss:$0x1] =	vst.idx.msk $0xffff, v46;
	v50 =	vadd.f32 v17, v17;
	v7 =	vsub.f32 $1.000000000e+00, v54;
	(erf) = vrcp.f32 v42  }
0x1fc: {  	[tilespmem:v3+s23+$0xAE80 ss:$0x1] =	vst.idx.msk $0xffff, v47;
	v56 =	vadd.f32 v21, v21;
	v5 =	vsub.f32 $1.000000000e+00, v52  }
0x1fd: {  	[tilespmem:v3+s23+$0xAC00 ss:$0x1] =	vst.idx.msk $0xffff, v7;
	v49 =	vadd.f32 v23, v23;
	v4 =	vsub.f32 $1.000000000e+00, v50;
	v48 =	vpop (erf)  }
0x1fe: {  	v12 =	vsub.f32 $1.000000000e+00, v56;
	[tilespmem:v3+s23+$0xAD80 ss:$0x1] =	vst.idx.msk $0xffff, v5;
	v51 =	vpop (erf);
	v6 =	vadd.f32 v48, v48  }
0x1ff: {  	v8 =	vsub.f32 $1.000000000e+00, v49;
	[tilespmem:v3+s23+$0xAD00 ss:$0x1] =	vst.idx.msk $0xffff, v4;
	v53 =	vpop (erf);
	v9 =	vadd.f32 v51, v51  }
0x200: {  	[tilespmem:v3+s23+$0xAC80 ss:$0x1] =	vst.idx.msk $0xffff, v12;
	v10 =	vadd.f32 v53, v53;
	v6 =	vsub.f32 $1.000000000e+00, v6;
	v55 =	vpop (erf)  }
0x201: {  	s28 =	sadd.s32 s20, s21;
	[tilespmem:v3+s23+$0xAE00 ss:$0x1] =	vst.idx.msk $0xffff, v8;
	v9 =	vsub.f32 $1.000000000e+00, v9;
	v57 =	vpop (erf);
	v61 =	vadd.f32 v55, v55  }
0x202: {  	v10 =	vsub.f32 $1.000000000e+00, v10;
	[tilespmem:v3+s28+$0xAB80 ss:$0x1] =	vst.idx.msk $0xffff, v6;
	v58 =	vpop (erf);
	v62 =	vadd.f32 v57, v57  }
0x203: {  	s19 =	sadd.s32 $0x1, s19;
	[tilespmem:v3+s28+$0xAF00 ss:$0x1] =	vst.idx.msk $0xffff, v9;
	v59 =	vpop (erf);
	v4 =	vadd.f32 v58, v58;
	v63 =	vsub.f32 $1.000000000e+00, v61  }
0x204: {  	p0 =	sne.s32 s19, $0x18;
	[tilespmem:v3+s28+$0xAE80 ss:$0x1] =	vst.idx.msk $0xffff, v10;
	v60 =	vpop (erf);
	v5 =	vadd.f32 v59, v59;
	v6 =	vsub.f32 $1.000000000e+00, v62  }
.Ltmp5:
0x205: {  	v7 =	vadd.f32 v60, v60;
	v4 =	vsub.f32 $1.000000000e+00, v4;
	[tilespmem:v3+s28+$0xAD00 ss:$0x1] =	vst.idx.msk $0xffff, v63;
	(pc) =	sbr.rel @p0 .LBB2_11-.Ltmp5, $4  }
0x206: {  	v5 =	vsub.f32 $1.000000000e+00, v5;
	[tilespmem:v3+s28+$0xAC00 ss:$0x1] =	vst.idx.msk $0xffff, v6  }
0x207: {  	v7 =	vsub.f32 $1.000000000e+00, v7;
	[tilespmem:v3+s28+$0xAD80 ss:$0x1] =	vst.idx.msk $0xffff, v4  }
0x208: {  	[tilespmem:v3+s28+$0xAC80 ss:$0x1] =	vst.idx.msk $0xffff, v5  }
0x209: {  	s18 =	sadd.s32 $0x1, s18;
	[tilespmem:v3+s28+$0xAE00 ss:$0x1] =	vst.idx.msk $0xffff, v7  }
0x20a: {  	[hbm4b:s17+s0] =	stream.strided.scatter [tilespmem:s11], [sflag:$0x3], $0x4800, s5, s0, $0x38;
	[tilespmem:$0x18380] =	vst v63  }
0x20b: {  	v3 =	vld [tilespmem:s16+$0x60];
	_ =	sdelay $0x4  }
0x20c: {  	v4 =	vshrl.u32 v3, $0x3  }
0x20d: {  	v4 =	vmul.u32 $0x30, v4  }
0x20e: {  	v3 =	vand.u32 $0x7, v3  }
0x20f: {  	v3 =	vor.u32 v3, v4  }
0x210: {  	v4 =	vperm.xlane v3, v0;
	_ =	sdelay $0x1  }
0x211: {  	v4 =	vadd.s32 v1, v4;
	_ =	sdelay $0x3  }
0x212: {  	s17 =	simm.s32 $0x0;
	v3 =	vperm.xlane v3, v2  }
0x213: {  	[tilespmem:s29], [sflag:$0x1] =	stream.indirect_vreg.gather [hbm4b:s2+s17], $0x80, v4, vm0, $0xb8;
	[tilespmem:$0x18380] =	vst v63  }
0x214: {  	v3 =	vadd.s32 v1, v3  }
0x215: {  	[tilespmem:s30], [sflag:$0x1] =	stream.indirect_vreg.gather [hbm4b:s6+s17], $0x80, v4, vm0, $0xb8;
	[tilespmem:$0x18380] =	vst v63  }
0x216: {  	_ = 	snop  }
0x217: {  	[tilespmem:s31], [sflag:$0x1] =	stream.indirect_vreg.gather [hbm4b:s7+s17], $0x80, v4, vm0, $0xb8;
	[tilespmem:$0x18380] =	vst v63  }
0x218: {  	s18 =	simm.s32 $0x1B80  }
0x219: {  	[tilespmem:s18], [sflag:$0x1] =	stream.indirect_vreg.gather [hbm4b:s2+s17], $0x80, v3, vm0, $0xb8;
	[tilespmem:$0x18380] =	vst v63  }
0x21a: {  	s23 =	simm.s32 $0x2380  }
0x21b: {  	[tilespmem:s23], [sflag:$0x1] =	stream.indirect_vreg.gather [hbm4b:s6+s17], $0x80, v3, vm0, $0xb8;
	[tilespmem:$0x18380] =	vst v63  }
0x21c: {  	s24 =	simm.s32 $0x2B80  }
0x21d: {  	[tilespmem:s24], [sflag:$0x1] =	stream.indirect_vreg.gather [hbm4b:s7+s17], $0x80, v3, vm0, $0xb8;
	[tilespmem:$0x18380] =	vst v63  }
0x21e: {  	v3 =	vld.msk [tilespmem:s16+$0x70], $0xff;
	_ =	sdelay $0x4  }
0x21f: {  	v63 =	vshrl.u32 v3, $0x3  }
0x220: {  	v4 =	vmul.u32 $0x30, v63  }
0x221: {  	v3 =	vand.u32 $0x7, v3  }
0x222: {  	v3 =	vor.u32 v3, v4  }
0x223: {  	v3 =	vperm.xlane v3, v0;
	_ =	sdelay $0x1  }
0x224: {  	v3 =	vadd.s32 v1, v3;
	_ =	sdelay $0x3  }
0x225: {  	s25 =	simm.s32 $0x3380  }
0x226: {  	[tilespmem:s25], [sflag:$0x1] =	stream.indirect_vreg.gather [hbm4b:s2+s17], $0x80, v3, vm0, $0xb8;
	[tilespmem:$0x18380] =	vst v63  }
0x227: {  	s26 =	simm.s32 $0x3B80  }
0x228: {  	[tilespmem:s26], [sflag:$0x1] =	stream.indirect_vreg.gather [hbm4b:s6+s17], $0x80, v3, vm0, $0xb8;
	[tilespmem:$0x18380] =	vst v63  }
0x229: {  	s28 =	simm.s32 $0x4380  }
0x22a: {  	[tilespmem:s28], [sflag:$0x1] =	stream.indirect_vreg.gather [hbm4b:s7+s17], $0x80, v3, vm0, $0xb8;
	[tilespmem:$0x18380] =	vst v63  }
0x22b: {  	_ =	swait.ge [sflag:s12], $0x4800  }
0x22c: {  	[sflag:s12] =	ssyncset.done $0x0  }
0x22d: {  	[sflag:s12] =	ssyncadd.s32 $0xFFFFB800  }
0x22e: {  	_ =	swait.ge [sflag:s9], $0x4800  }
0x22f: {  	[sflag:s9] =	ssyncset.done $0x0  }
0x230: {  	s19 =	simm.s32 $0x0;
	s18 =	sadd.s32 $0x900, s14;
	[sflag:s9] =	ssyncadd.s32 $0xFFFFB800  }
.LBB2_15:
0x231: {  	s20 =	sshrl.u32 s19, $0x3  }
0x232: {  	s21 =	sand.u32 $0x7, s17;
	s20 =	smul.u32 $0x6000, s20  }
0x233: {  	s21 =	sshll.u32 s21, $0x9  }
0x234: {  	s20 =	sor.u32 s21, s20  }
0x235: {  	s20 =	sshra.s32 s20, $0x2  }
0x236: {  	s20 =	sadd.s32 $0x4BC0, s20  }
0x237: {  	v3 =	vld [tilespmem:s20+$0xFFFFFFC0]  }
0x238: {  	v4 =	vld [tilespmem:s20+$0x30]  }
0x239: {  	v5 =	vld [tilespmem:s20+$0xFFFFFFD0]  }
0x23a: {  	v6 =	vld [tilespmem:s20+$0xFFFFFFE0]  }
0x23b: {  	v7 =	vld [tilespmem:s20+$0x20]  }
0x23c: {  	v3 =	vadd.f32 v3, v3  }
0x23d: {  	v4 =	vadd.f32 v4, v4  }
0x23e: {  	v8 =	vld [tilespmem:s20+$0x10];
	v5 =	vadd.f32 v5, v5;
	v3 =	vmul.f32 $1.442695020e+00, v3  }
0x23f: {  	v9 =	vld [tilespmem:s20+$0x0];
	v6 =	vadd.f32 v6, v6;
	v4 =	vmul.f32 $1.442695020e+00, v4  }
0x240: {  	v7 =	vadd.f32 v7, v7;
	(erf) = vpow2.f32 v3;
	v3 =	vmul.f32 $1.442695020e+00, v5;
	v5 =	vld [tilespmem:s20+$0xFFFFFFF0]  }
0x241: {  	v6 =	vmul.f32 $1.442695020e+00, v6;
	(erf) = vpow2.f32 v4  }
0x242: {  	v4 =	vmul.f32 $1.442695020e+00, v7;
	(erf) = vpow2.f32 v3  }
0x243: {  	(erf) = vpow2.f32 v6  }
0x244: {  	(erf) = vpow2.f32 v4;
	v4 =	vadd.f32 v9, v9  }
0x245: {  	v3 =	vadd.f32 v8, v8;
	v5 =	vadd.f32 v5, v5  }
0x246: {  	v4 =	vmul.f32 $1.442695020e+00, v4  }
0x247: {  	s20 =	sadd.s32 $0x400, s20;
	v3 =	vmul.f32 $1.442695020e+00, v3;
	v5 =	vmul.f32 $1.442695020e+00, v5  }
0x248: {  	v6 =	vld [tilespmem:s20+$0xFFFFFFC0]  }
0x249: {  	v8 =	vld [tilespmem:s20+$0xFFFFFFD0];
	(erf) = vpow2.f32 v3;
	v7 =	vpop (erf)  }
0x24a: {  	v3 =	vld [tilespmem:s20+$0x30];
	(erf) = vpow2.f32 v4;
	v4 =	vpop (erf)  }
0x24b: {  	(erf) = vpow2.f32 v5;
	v7 =	vadd.f32 $1.000000000e+00, v7;
	v5 =	vpop (erf)  }
0x24c: {  	v9 =	vld [tilespmem:s20+$0xFFFFFFE0];
	v4 =	vadd.f32 $1.000000000e+00, v4;
	v11 =	vpop (erf)  }
0x24d: {  	v10 =	vld [tilespmem:s20+$0x20];
	v6 =	vadd.f32 v6, v6;
	v12 =	vpop (erf);
	(erf) = vrcp.f32 v7  }
0x24e: {  	v7 =	vadd.f32 $1.000000000e+00, v12;
	(erf) = vrcp.f32 v4;
	v4 =	vadd.f32 v8, v8;
	v8 =	vld [tilespmem:s20+$0x10]  }
0x24f: {  	v6 =	vmul.f32 $1.442695020e+00, v6;
	v3 =	vadd.f32 v3, v3  }
0x250: {  	(erf) = vrcp.f32 v7;
	v4 =	vmul.f32 $1.442695020e+00, v4  }
0x251: {  	v9 =	vadd.f32 v9, v9;
	v3 =	vmul.f32 $1.442695020e+00, v3;
	v7 =	vld [tilespmem:s20+$0x0];
	(erf) = vpow2.f32 v6  }
0x252: {  	v10 =	vadd.f32 v10, v10;
	v12 =	vpop (erf);
	v6 =	vld [tilespmem:s20+$0xFFFFFFF0]  }
0x253: {  	v9 =	vmul.f32 $1.442695020e+00, v9;
	v13 =	vpop (erf);
	(erf) = vpow2.f32 v3;
	v8 =	vadd.f32 v8, v8  }
0x254: {  	v10 =	vmul.f32 $1.442695020e+00, v10;
	(erf) = vpow2.f32 v4;
	v4 =	vpop (erf)  }
0x255: {  	v5 =	vadd.f32 $1.000000000e+00, v5;
	(erf) = vpow2.f32 v9;
	v4 =	vadd.f32 $1.000000000e+00, v4  }
0x256: {  	v9 =	vadd.f32 $1.000000000e+00, v13;
	(erf) = vpow2.f32 v10;
	v7 =	vadd.f32 v7, v7  }
0x257: {  	(erf) = vrcp.f32 v4;
	v4 =	vadd.f32 v6, v6;
	v6 =	vmul.f32 $1.442695020e+00, v8;
	v8 =	vpop (erf)  }
0x258: {  	s25 =	sadd.s32 $0x400, s20;
	v11 =	vadd.f32 $1.000000000e+00, v11;
	v7 =	vmul.f32 $1.442695020e+00, v7;
	(erf) = vrcp.f32 v5;
	v10 =	vpop (erf)  }
0x259: {  	v12 =	vadd.f32 $1.000000000e+00, v12;
	v5 =	vld [tilespmem:s25+$0xFFFFFFC0];
	v8 =	vadd.f32 v8, v8;
	(erf) = vrcp.f32 v9;
	v13 =	vpop (erf)  }
0x25a: {  	v9 =	vld [tilespmem:s25+$0x30];
	v10 =	vadd.f32 v10, v10;
	(erf) = vpow2.f32 v6;
	v14 =	vpop (erf);
	v13 =	vadd.f32 v13, v13  }
0x25b: {  	v6 =	vld [tilespmem:s25+$0x0];
	v16 =	vsub.f32 $1.000000000e+00, v8;
	(erf) = vrcp.f32 v11;
	v8 =	vadd.f32 $1.000000000e+00, v14  }
0x25c: {  	v4 =	vmul.f32 $1.442695020e+00, v4;
	v11 =	vld [tilespmem:s25+$0x20];
	(erf) = vpow2.f32 v7;
	v7 =	vpop (erf)  }
0x25d: {  	v14 =	vsub.f32 $1.000000000e+00, v10;
	v10 =	vld [tilespmem:s25+$0xFFFFFFD0];
	v15 =	vpop (erf);
	(erf) = vrcp.f32 v12  }
0x25e: {  	s22 =	sshll.u32 s19, $0x4;
	v17 =	vsub.f32 $1.000000000e+00, v13;
	v7 =	vadd.f32 $1.000000000e+00, v7;
	v13 =	vpop (erf);
	(erf) = vpow2.f32 v4  }
0x25f: {  	s21 =	sand.u32 $0x70, s22;
	v5 =	vadd.f32 v5, v5;
	v12 =	vld [tilespmem:s25+$0xFFFFFFE0];
	(erf) = vrcp.f32 v8;
	v8 =	vpop (erf)  }
0x260: {  	v3 =	vmov s21;
	v9 =	vadd.f32 v9, v9;
	v8 =	vadd.f32 $1.000000000e+00, v8  }
0x261: {  	v19 =	vld [tilespmem:s25+$0xFFFFFFF0];
	v4 =	vadd.f32 $1.000000000e+00, v13;
	v18 =	vmul.f32 $1.442695020e+00, v5;
	v5 =	vadd.f32 v6, v6;
	v6 =	vpop (erf)  }
0x262: {  	v13 =	vld [tilespmem:s25+$0x10];
	v11 =	vadd.f32 v11, v11;
	(erf) = vrcp.f32 v7;
	v10 =	vadd.f32 v10, v10;
	v7 =	vpop (erf)  }
0x263: {  	v9 =	vmul.f32 $1.442695020e+00, v9;
	v20 =	vadd.f32 v6, v6;
	v6 =	vmul.f32 $1.442695020e+00, v5;
	v21 =	vpop (erf)  }
0x264: {  	s23 =	simm.s32 $0x0;
	v11 =	vmul.f32 $1.442695020e+00, v11;
	v12 =	vadd.f32 v12, v12;
	(erf) = vrcp.f32 v8;
	v8 =	vpop (erf)  }
0x265: {  	s22 =	smul.u32 $0x6000, s23;
	v5 =	vadd.f32 v7, v7;
	v10 =	vmul.f32 $1.442695020e+00, v10;
	(erf) = vpow2.f32 v18;
	v7 =	vpop (erf)  }
0x266: {  	s24 =	sshll.u32 s19, $0x7;
	s26 =	simm.s32 $0x0;
	s28 =	simm.s32 $0x1;
	v19 =	vadd.f32 v19, v19;
	(erf) = vpow2.f32 v9;
	v22 =	vmul.f32 $1.442695020e+00, v12;
	v18 =	vpop (erf)  }
0x267: {  	s23 =	simm.s32 $0x0;
	s22 =	sshra.s32 s22, $0x2;
	s21 =	sand.u32 $0xC00, s26;
	v63 =	vadd.f32 $1.000000000e+00, v15;
	v13 =	vadd.f32 v13, v13;
	(erf) = vpow2.f32 v10;
	v62 =	vpop (erf)  }
0x268: {  	s23 =	smul.u32 $0x6000, s23;
	s20 =	sand.u32 $0xC00, s24;
	s21 =	sadd.s32 s21, s22;
	(erf) = vpow2.f32 v22;
	v10 =	vadd.f32 v7, v7;
	v12 =	vadd.f32 $1.000000000e+00, v18;
	v18 =	vpop (erf)  }
0x269: {  	s24 =	simm.s32 $0xFFFFFFFF;
	s26 =	smul.u32 $0x6000, s28;
	s22 =	sadd.s32 s20, s21;
	(erf) = vpow2.f32 v11;
	v7 =	vadd.f32 $1.000000000e+00, v18;
	v11 =	vpop (erf);
	v18 =	vadd.f32 v62, v62  }
0x26a: {  	s23 =	sshra.s32 s23, $0x2;
	s24 =	sand.u32 $0xC00, s24;
	s28 =	simm.s32 $0x0;
	[tilespmem:v3+s22+$0xF700 ss:$0x1] =	vst.idx.msk $0xffff, v14;
	v9 =	vadd.f32 v21, v21;
	v13 =	vmul.f32 $1.442695020e+00, v13;
	v14 =	vadd.f32 v11, v11  }
0x26b: {  	s23 =	sadd.s32 s24, s23;
	s28 =	sand.u32 $0xC00, s28;
	s26 =	sshra.s32 s26, $0x2;
	[tilespmem:v3+s22+$0xF380 ss:$0x1] =	vst.idx.msk $0xffff, v16;
	v11 =	vmul.f32 $1.442695020e+00, v19;
	(erf) = vrcp.f32 v7;
	v15 =	vsub.f32 $1.000000000e+00, v18  }
0x26c: {  	s24 =	simm.s32 $0x10;
	s21 =	sadd.s32 s28, s26;
	[tilespmem:v3+s22+$0xF680 ss:$0x1] =	vst.idx.msk $0xffff, v17;
	s25 =	sadd.s32 $0x400, s25;
	v16 =	vpop (erf);
	v7 =	vsub.f32 $1.000000000e+00, v14;
	(erf) = vrcp.f32 v63;
	v14 =	vsub.f32 $1.000000000e+00, v20  }
.LBB2_16:
0x26d: {  	s24 =	sadd.s32 $0x8, s24;
	v17 =	vld [tilespmem:s25+$0xFFFFFFC0];
	v16 =	vadd.f32 v16, v16;
	(erf) = vrcp.f32 v12;
	v12 =	vpop (erf);
	v9 =	vsub.f32 $1.000000000e+00, v9;
	[tilespmem:v3+s22+$0xF600 ss:$0x1] =	vst.idx.msk $0xffff, v15  }
0x26e: {  	v5 =	vsub.f32 $1.000000000e+00, v5;
	v10 =	vsub.f32 $1.000000000e+00, v10;
	s26 =	sshrl.u32 s24, $0x4;
	s28 =	sshll.u32 s24, $0x1C;
	v15 =	vld [tilespmem:s25+$0x30];
	p0 =	slt.u32 s24, $0x28;
	v18 =	vpop (erf);
	(erf) = vpow2.f32 v13;
	[tilespmem:v3+s22+$0xF500 ss:$0x1] =	vst.idx.msk $0xffff, v14  }
0x26f: {  	v8 =	vadd.f32 $1.000000000e+00, v8;
	v12 =	vadd.f32 v12, v12;
	s26 =	smul.u32 $0x6000, s26;
	s28 =	sshra.s32 s28, $0x1F;
	v13 =	vld [tilespmem:s25+$0x0];
	(erf) = vrcp.f32 v4;
	[tilespmem:v3+s22+$0xF580 ss:$0x1] =	vst.idx.msk $0xffff, v9  }
0x270: {  	v14 =	vadd.f32 $1.000000000e+00, v18;
	v18 =	vsub.f32 $1.000000000e+00, v16;
	v9 =	vld [tilespmem:s25+$0x20];
	(erf) = vpow2.f32 v6;
	v4 =	vpop (erf);
	[tilespmem:v3+s22+$0xF400 ss:$0x1] =	vst.idx.msk $0xffff, v5  }
0x271: {  	s28 =	sand.u32 $0xC00, s28;
	v12 =	vsub.f32 $1.000000000e+00, v12;
	s26 =	sshra.s32 s26, $0x2;
	v5 =	vld [tilespmem:s25+$0xFFFFFFD0];
	v16 =	vpop (erf);
	(erf) = vrcp.f32 v8;
	[tilespmem:v3+s22+$0xF480 ss:$0x1] =	vst.idx.msk $0xffff, v10;
	s22 =	sadd.s32 s20, s23  }
0x272: {  	s23 =	smov.u32 s21;
	v8 =	vadd.f32 v17, v17;
	v10 =	vld [tilespmem:s25+$0xFFFFFFE0];
	v17 =	vadd.f32 $1.000000000e+00, v4;
	v4 =	vpop (erf);
	(erf) = vpow2.f32 v11;
	[tilespmem:v3+s22+$0xF700 ss:$0x1] =	vst.idx.msk $0xffff, v18;
	s21 =	sadd.s32 s28, s26  }
0x273: {  	v11 =	vld [tilespmem:s25+$0x10];
	v15 =	vadd.f32 v15, v15;
	v4 =	vadd.f32 $1.000000000e+00, v4;
	(erf) = vrcp.f32 v14;
	v6 =	vpop (erf);
	[tilespmem:v3+s22+$0xF680 ss:$0x1] =	vst.idx.msk $0xffff, v12  }
0x274: {  	v12 =	vmul.f32 $1.442695020e+00, v8;
	v14 =	vld [tilespmem:s25+$0xFFFFFFF0];
	v19 =	vadd.f32 v13, v13;
	v13 =	vadd.f32 $1.000000000e+00, v6;
	[tilespmem:v3+s22+$0xF380 ss:$0x1] =	vst.idx.msk $0xffff, v7;
	v6 =	vpop (erf)  }
0x275: {  	v7 =	vadd.f32 v9, v9;
	(erf) = vrcp.f32 v17;
	v17 =	vadd.f32 v6, v6;
	v9 =	vpop (erf)  }
0x276: {  	v18 =	vadd.f32 v5, v5;
	v6 =	vmul.f32 $1.442695020e+00, v19;
	v5 =	vadd.f32 v9, v9;
	v9 =	vpop (erf)  }
0x277: {  	v10 =	vadd.f32 v10, v10;
	v7 =	vmul.f32 $1.442695020e+00, v7;
	v8 =	vpop (erf);
	(erf) = vrcp.f32 v13  }
0x278: {  	v13 =	vmul.f32 $1.442695020e+00, v15;
	v21 =	vadd.f32 v11, v11;
	(erf) = vpow2.f32 v12;
	v15 =	vpop (erf)  }
0x279: {  	v9 =	vadd.f32 v9, v9;
	v18 =	vmul.f32 $1.442695020e+00, v18;
	v14 =	vadd.f32 v14, v14;
	v12 =	vpop (erf)  }
0x27a: {  	v19 =	vmul.f32 $1.442695020e+00, v10;
	(erf) = vpow2.f32 v13;
	v12 =	vadd.f32 $1.000000000e+00, v12;
	v20 =	vpop (erf)  }
.Ltmp6:
0x27b: {  	v10 =	vadd.f32 v15, v15;
	v13 =	vmul.f32 $1.442695020e+00, v21;
	(erf) = vpow2.f32 v18;
	v11 =	vpop (erf);
	(pc) =	sbr.rel @p0 .LBB2_16-.Ltmp6, $4  }
0x27c: {  	v18 =	vadd.f32 v20, v20;
	(erf) = vpow2.f32 v19;
	v15 =	vadd.f32 $1.000000000e+00, v11;
	v11 =	vpop (erf)  }
0x27d: {  	v19 =	vadd.f32 $1.000000000e+00, v16;
	(erf) = vpow2.f32 v7;
	v7 =	vadd.f32 v11, v11  }
0x27e: {  	v11 =	vmul.f32 $1.442695020e+00, v14;
	(erf) = vrcp.f32 v15;
	v16 =	vpop (erf);
	v15 =	vsub.f32 $1.000000000e+00, v18  }
0x27f: {  	s25 =	sadd.s32 $0x400, s25;
	v14 =	vsub.f32 $1.000000000e+00, v17;
	v7 =	vsub.f32 $1.000000000e+00, v7;
	(erf) = vrcp.f32 v19  }
0x280: {  	(erf) = vrcp.f32 v12  }
0x281: {  	v31 =	vpop (erf);
	(erf) = vpow2.f32 v13  }
0x282: {  	v8 =	vadd.f32 $1.000000000e+00, v8;
	v32 =	vpop (erf);
	(erf) = vrcp.f32 v4  }
0x283: {  	(erf) = vpow2.f32 v6;
	v33 =	vpop (erf)  }
0x284: {  	v34 =	vpop (erf);
	(erf) = vrcp.f32 v8  }
0x285: {  	v35 =	vpop (erf);
	(erf) = vpow2.f32 v11  }
0x286: {  	v36 =	vpop (erf)  }
0x287: {  	v17 =	vpop (erf)  }
0x288: {  	v18 =	vpop (erf)  }
0x289: {  	v19 =	vpop (erf)  }
0x28a: {  	v20 =	vpop (erf)  }
0x28b: {  	v21 =	vpop (erf)  }
0x28c: {  	v13 =	vadd.f32 $1.000000000e+00, v32;
	v22 =	vpop (erf)  }
0x28d: {  	v41 =	vsub.f32 $1.000000000e+00, v9;
	v4 =	vadd.f32 $1.000000000e+00, v33;
	v23 =	vpop (erf)  }
0x28e: {  	v43 =	vadd.f32 v16, v16;
	v11 =	vadd.f32 $1.000000000e+00, v36;
	(erf) = vrcp.f32 v13;
	v37 =	vpop (erf)  }
0x28f: {  	[tilespmem:v3+s22+$0xF600 ss:$0x1] =	vst.idx.msk $0xffff, v15;
	v5 =	vsub.f32 $1.000000000e+00, v5;
	(erf) = vrcp.f32 v4;
	v38 =	vadd.f32 $1.000000000e+00, v37  }
0x290: {  	v44 =	vsub.f32 $1.000000000e+00, v10;
	s23 =	sadd.s32 s20, s23;
	[tilespmem:v3+s22+$0xF500 ss:$0x1] =	vst.idx.msk $0xffff, v14;
	v6 =	vadd.f32 $1.000000000e+00, v34;
	(erf) = vrcp.f32 v11  }
0x291: {  	v45 =	vadd.f32 v31, v31;
	[tilespmem:v3+s23+$0xF380 ss:$0x1] =	vst.idx.msk $0xffff, v7;
	v39 =	vadd.f32 $1.000000000e+00, v22;
	(erf) = vrcp.f32 v38  }
0x292: {  	[tilespmem:v3+s22+$0xF580 ss:$0x1] =	vst.idx.msk $0xffff, v41;
	v46 =	vsub.f32 $1.000000000e+00, v43;
	v40 =	vadd.f32 $1.000000000e+00, v35;
	(erf) = vrcp.f32 v6  }
0x293: {  	[tilespmem:v3+s22+$0xF400 ss:$0x1] =	vst.idx.msk $0xffff, v5;
	v54 =	vadd.f32 v18, v18;
	v42 =	vadd.f32 $1.000000000e+00, v20;
	(erf) = vrcp.f32 v39  }
0x294: {  	[tilespmem:v3+s22+$0xF480 ss:$0x1] =	vst.idx.msk $0xffff, v44;
	v47 =	vsub.f32 $1.000000000e+00, v45;
	v52 =	vadd.f32 v19, v19;
	(erf) = vrcp.f32 v40  }
0x295: {  	[tilespmem:v3+s23+$0xF700 ss:$0x1] =	vst.idx.msk $0xffff, v46;
	v50 =	vadd.f32 v17, v17;
	v7 =	vsub.f32 $1.000000000e+00, v54;
	(erf) = vrcp.f32 v42  }
0x296: {  	[tilespmem:v3+s23+$0xF680 ss:$0x1] =	vst.idx.msk $0xffff, v47;
	v56 =	vadd.f32 v21, v21;
	v5 =	vsub.f32 $1.000000000e+00, v52  }
0x297: {  	[tilespmem:v3+s23+$0xF400 ss:$0x1] =	vst.idx.msk $0xffff, v7;
	v49 =	vadd.f32 v23, v23;
	v4 =	vsub.f32 $1.000000000e+00, v50;
	v48 =	vpop (erf)  }
0x298: {  	v12 =	vsub.f32 $1.000000000e+00, v56;
	[tilespmem:v3+s23+$0xF580 ss:$0x1] =	vst.idx.msk $0xffff, v5;
	v51 =	vpop (erf);
	v6 =	vadd.f32 v48, v48  }
0x299: {  	v8 =	vsub.f32 $1.000000000e+00, v49;
	[tilespmem:v3+s23+$0xF500 ss:$0x1] =	vst.idx.msk $0xffff, v4;
	v53 =	vpop (erf);
	v9 =	vadd.f32 v51, v51  }
0x29a: {  	[tilespmem:v3+s23+$0xF480 ss:$0x1] =	vst.idx.msk $0xffff, v12;
	v10 =	vadd.f32 v53, v53;
	v6 =	vsub.f32 $1.000000000e+00, v6;
	v55 =	vpop (erf)  }
0x29b: {  	s28 =	sadd.s32 s20, s21;
	[tilespmem:v3+s23+$0xF600 ss:$0x1] =	vst.idx.msk $0xffff, v8;
	v9 =	vsub.f32 $1.000000000e+00, v9;
	v57 =	vpop (erf);
	v61 =	vadd.f32 v55, v55  }
0x29c: {  	v10 =	vsub.f32 $1.000000000e+00, v10;
	[tilespmem:v3+s28+$0xF380 ss:$0x1] =	vst.idx.msk $0xffff, v6;
	v58 =	vpop (erf);
	v62 =	vadd.f32 v57, v57  }
0x29d: {  	s19 =	sadd.s32 $0x1, s19;
	[tilespmem:v3+s28+$0xF700 ss:$0x1] =	vst.idx.msk $0xffff, v9;
	v59 =	vpop (erf);
	v4 =	vadd.f32 v58, v58;
	v63 =	vsub.f32 $1.000000000e+00, v61  }
0x29e: {  	p0 =	sne.s32 s19, $0x18;
	[tilespmem:v3+s28+$0xF680 ss:$0x1] =	vst.idx.msk $0xffff, v10;
	v60 =	vpop (erf);
	v5 =	vadd.f32 v59, v59;
	v6 =	vsub.f32 $1.000000000e+00, v62  }
.Ltmp7:
0x29f: {  	v7 =	vadd.f32 v60, v60;
	v4 =	vsub.f32 $1.000000000e+00, v4;
	[tilespmem:v3+s28+$0xF500 ss:$0x1] =	vst.idx.msk $0xffff, v63;
	(pc) =	sbr.rel @p0 .LBB2_15-.Ltmp7, $4  }
0x2a0: {  	v5 =	vsub.f32 $1.000000000e+00, v5;
	[tilespmem:v3+s28+$0xF400 ss:$0x1] =	vst.idx.msk $0xffff, v6  }
0x2a1: {  	v7 =	vsub.f32 $1.000000000e+00, v7;
	[tilespmem:v3+s28+$0xF580 ss:$0x1] =	vst.idx.msk $0xffff, v4  }
0x2a2: {  	[tilespmem:v3+s28+$0xF480 ss:$0x1] =	vst.idx.msk $0xffff, v5  }
0x2a3: {  	s17 =	sadd.s32 $0x1, s17;
	[tilespmem:v3+s28+$0xF600 ss:$0x1] =	vst.idx.msk $0xffff, v7  }
0x2a4: {  	[hbm4b:s18+s0] =	stream.strided.scatter [tilespmem:s3], [sflag:$0x4], $0x4800, s5, s0, $0x38;
	[tilespmem:$0x18380] =	vst v63  }
0x2a5: {  	v3 =	vld [tilespmem:s16+$0x78];
	_ =	sdelay $0x4  }
0x2a6: {  	v4 =	vshrl.u32 v3, $0x3  }
0x2a7: {  	v4 =	vmul.u32 $0x30, v4  }
0x2a8: {  	v3 =	vand.u32 $0x7, v3  }
0x2a9: {  	v3 =	vor.u32 v3, v4  }
0x2aa: {  	v4 =	vperm.xlane v3, v0;
	_ =	sdelay $0x1  }
0x2ab: {  	v4 =	vadd.s32 v1, v4;
	_ =	sdelay $0x3  }
0x2ac: {  	s17 =	simm.s32 $0x0;
	s19 =	simm.s32 $0x4B80;
	v3 =	vperm.xlane v3, v2  }
0x2ad: {  	[tilespmem:s19], [sflag:$0x2] =	stream.indirect_vreg.gather [hbm4b:s2+s17], $0x80, v4, vm0, $0xb8;
	[tilespmem:$0x18380] =	vst v63  }
0x2ae: {  	s20 =	simm.s32 $0x5380;
	v3 =	vadd.s32 v1, v3  }
0x2af: {  	[tilespmem:s20], [sflag:$0x2] =	stream.indirect_vreg.gather [hbm4b:s6+s17], $0x80, v4, vm0, $0xb8;
	[tilespmem:$0x18380] =	vst v63  }
0x2b0: {  	s21 =	simm.s32 $0x5B80  }
0x2b1: {  	[tilespmem:s21], [sflag:$0x2] =	stream.indirect_vreg.gather [hbm4b:s7+s17], $0x80, v4, vm0, $0xb8;
	[tilespmem:$0x18380] =	vst v63  }
0x2b2: {  	s22 =	simm.s32 $0x6380  }
0x2b3: {  	[tilespmem:s22], [sflag:$0x2] =	stream.indirect_vreg.gather [hbm4b:s2+s17], $0x80, v3, vm0, $0xb8;
	[tilespmem:$0x18380] =	vst v63  }
0x2b4: {  	s23 =	simm.s32 $0x6B80  }
0x2b5: {  	[tilespmem:s23], [sflag:$0x2] =	stream.indirect_vreg.gather [hbm4b:s6+s17], $0x80, v3, vm0, $0xb8;
	[tilespmem:$0x18380] =	vst v63  }
0x2b6: {  	s24 =	simm.s32 $0x7380  }
0x2b7: {  	[tilespmem:s24], [sflag:$0x2] =	stream.indirect_vreg.gather [hbm4b:s7+s17], $0x80, v3, vm0, $0xb8;
	[tilespmem:$0x18380] =	vst v63  }
0x2b8: {  	v3 =	vld.msk [tilespmem:s16+$0x88], $0xff;
	_ =	sdelay $0x4  }
0x2b9: {  	v63 =	vshrl.u32 v3, $0x3  }
0x2ba: {  	v4 =	vmul.u32 $0x30, v63  }
0x2bb: {  	v3 =	vand.u32 $0x7, v3  }
0x2bc: {  	v3 =	vor.u32 v3, v4  }
0x2bd: {  	v3 =	vperm.xlane v3, v0;
	_ =	sdelay $0x1  }
0x2be: {  	v3 =	vadd.s32 v1, v3;
	_ =	sdelay $0x3  }
0x2bf: {  	s25 =	simm.s32 $0x7B80  }
0x2c0: {  	[tilespmem:s25], [sflag:$0x2] =	stream.indirect_vreg.gather [hbm4b:s2+s17], $0x80, v3, vm0, $0xb8;
	[tilespmem:$0x18380] =	vst v63  }
0x2c1: {  	s26 =	simm.s32 $0x8380  }
0x2c2: {  	[tilespmem:s26], [sflag:$0x2] =	stream.indirect_vreg.gather [hbm4b:s6+s17], $0x80, v3, vm0, $0xb8;
	[tilespmem:$0x18380] =	vst v63  }
0x2c3: {  	s28 =	simm.s32 $0x8B80  }
0x2c4: {  	[tilespmem:s28], [sflag:$0x2] =	stream.indirect_vreg.gather [hbm4b:s7+s17], $0x80, v3, vm0, $0xb8;
	[tilespmem:$0x18380] =	vst v63  }
0x2c5: {  	_ =	swait.ge [sflag:s1], $0x4800  }
0x2c6: {  	[sflag:s1] =	ssyncset.done $0x0  }
0x2c7: {  	[sflag:s1] =	ssyncadd.s32 $0xFFFFB800  }
0x2c8: {  	_ =	swait.ge [sflag:s8], $0x4800  }
0x2c9: {  	[sflag:s8] =	ssyncset.done $0x0  }
0x2ca: {  	s18 =	sadd.s32 $0xC00, s14;
	s19 =	simm.s32 $0x0;
	[sflag:s8] =	ssyncadd.s32 $0xFFFFB800  }
.LBB2_19:
0x2cb: {  	s20 =	sshrl.u32 s19, $0x3  }
0x2cc: {  	s21 =	sand.u32 $0x7, s17;
	s20 =	smul.u32 $0x6000, s20  }
0x2cd: {  	s21 =	sshll.u32 s21, $0x9  }
0x2ce: {  	s20 =	sor.u32 s21, s20  }
0x2cf: {  	s20 =	sshra.s32 s20, $0x2  }
0x2d0: {  	s20 =	sadd.s32 $0x3C0, s20  }
0x2d1: {  	v3 =	vld [tilespmem:s20+$0xFFFFFFC0]  }
0x2d2: {  	v4 =	vld [tilespmem:s20+$0x30]  }
0x2d3: {  	v5 =	vld [tilespmem:s20+$0xFFFFFFD0]  }
0x2d4: {  	v6 =	vld [tilespmem:s20+$0xFFFFFFE0]  }
0x2d5: {  	v7 =	vld [tilespmem:s20+$0x20]  }
0x2d6: {  	v3 =	vadd.f32 v3, v3  }
0x2d7: {  	v4 =	vadd.f32 v4, v4  }
0x2d8: {  	v8 =	vld [tilespmem:s20+$0x10];
	v5 =	vadd.f32 v5, v5;
	v3 =	vmul.f32 $1.442695020e+00, v3  }
0x2d9: {  	v9 =	vld [tilespmem:s20+$0x0];
	v6 =	vadd.f32 v6, v6;
	v4 =	vmul.f32 $1.442695020e+00, v4  }
0x2da: {  	v7 =	vadd.f32 v7, v7;
	(erf) = vpow2.f32 v3;
	v3 =	vmul.f32 $1.442695020e+00, v5;
	v5 =	vld [tilespmem:s20+$0xFFFFFFF0]  }
0x2db: {  	v6 =	vmul.f32 $1.442695020e+00, v6;
	(erf) = vpow2.f32 v4  }
0x2dc: {  	v4 =	vmul.f32 $1.442695020e+00, v7;
	(erf) = vpow2.f32 v3  }
0x2dd: {  	(erf) = vpow2.f32 v6  }
0x2de: {  	(erf) = vpow2.f32 v4;
	v4 =	vadd.f32 v9, v9  }
0x2df: {  	v3 =	vadd.f32 v8, v8;
	v5 =	vadd.f32 v5, v5  }
0x2e0: {  	v4 =	vmul.f32 $1.442695020e+00, v4  }
0x2e1: {  	s20 =	sadd.s32 $0x400, s20;
	v3 =	vmul.f32 $1.442695020e+00, v3;
	v5 =	vmul.f32 $1.442695020e+00, v5  }
0x2e2: {  	v6 =	vld [tilespmem:s20+$0xFFFFFFC0]  }
0x2e3: {  	v8 =	vld [tilespmem:s20+$0xFFFFFFD0];
	(erf) = vpow2.f32 v3;
	v7 =	vpop (erf)  }
0x2e4: {  	v3 =	vld [tilespmem:s20+$0x30];
	(erf) = vpow2.f32 v4;
	v4 =	vpop (erf)  }
0x2e5: {  	(erf) = vpow2.f32 v5;
	v7 =	vadd.f32 $1.000000000e+00, v7;
	v5 =	vpop (erf)  }
0x2e6: {  	v9 =	vld [tilespmem:s20+$0xFFFFFFE0];
	v4 =	vadd.f32 $1.000000000e+00, v4;
	v11 =	vpop (erf)  }
0x2e7: {  	v10 =	vld [tilespmem:s20+$0x20];
	v6 =	vadd.f32 v6, v6;
	v12 =	vpop (erf);
	(erf) = vrcp.f32 v7  }
0x2e8: {  	v7 =	vadd.f32 $1.000000000e+00, v12;
	(erf) = vrcp.f32 v4;
	v4 =	vadd.f32 v8, v8;
	v8 =	vld [tilespmem:s20+$0x10]  }
0x2e9: {  	v6 =	vmul.f32 $1.442695020e+00, v6;
	v3 =	vadd.f32 v3, v3  }
0x2ea: {  	(erf) = vrcp.f32 v7;
	v4 =	vmul.f32 $1.442695020e+00, v4  }
0x2eb: {  	v9 =	vadd.f32 v9, v9;
	v3 =	vmul.f32 $1.442695020e+00, v3;
	v7 =	vld [tilespmem:s20+$0x0];
	(erf) = vpow2.f32 v6  }
0x2ec: {  	v10 =	vadd.f32 v10, v10;
	v12 =	vpop (erf);
	v6 =	vld [tilespmem:s20+$0xFFFFFFF0]  }
0x2ed: {  	v9 =	vmul.f32 $1.442695020e+00, v9;
	v13 =	vpop (erf);
	(erf) = vpow2.f32 v3;
	v8 =	vadd.f32 v8, v8  }
0x2ee: {  	v10 =	vmul.f32 $1.442695020e+00, v10;
	(erf) = vpow2.f32 v4;
	v4 =	vpop (erf)  }
0x2ef: {  	v5 =	vadd.f32 $1.000000000e+00, v5;
	(erf) = vpow2.f32 v9;
	v4 =	vadd.f32 $1.000000000e+00, v4  }
0x2f0: {  	v9 =	vadd.f32 $1.000000000e+00, v13;
	(erf) = vpow2.f32 v10;
	v7 =	vadd.f32 v7, v7  }
0x2f1: {  	(erf) = vrcp.f32 v4;
	v4 =	vadd.f32 v6, v6;
	v6 =	vmul.f32 $1.442695020e+00, v8;
	v8 =	vpop (erf)  }
0x2f2: {  	s25 =	sadd.s32 $0x400, s20;
	v11 =	vadd.f32 $1.000000000e+00, v11;
	v7 =	vmul.f32 $1.442695020e+00, v7;
	(erf) = vrcp.f32 v5;
	v10 =	vpop (erf)  }
0x2f3: {  	v12 =	vadd.f32 $1.000000000e+00, v12;
	v5 =	vld [tilespmem:s25+$0xFFFFFFC0];
	v8 =	vadd.f32 v8, v8;
	(erf) = vrcp.f32 v9;
	v13 =	vpop (erf)  }
0x2f4: {  	v9 =	vld [tilespmem:s25+$0x30];
	v10 =	vadd.f32 v10, v10;
	(erf) = vpow2.f32 v6;
	v14 =	vpop (erf);
	v13 =	vadd.f32 v13, v13  }
0x2f5: {  	v6 =	vld [tilespmem:s25+$0x0];
	v16 =	vsub.f32 $1.000000000e+00, v8;
	(erf) = vrcp.f32 v11;
	v8 =	vadd.f32 $1.000000000e+00, v14  }
0x2f6: {  	v4 =	vmul.f32 $1.442695020e+00, v4;
	v11 =	vld [tilespmem:s25+$0x20];
	(erf) = vpow2.f32 v7;
	v7 =	vpop (erf)  }
0x2f7: {  	v14 =	vsub.f32 $1.000000000e+00, v10;
	v10 =	vld [tilespmem:s25+$0xFFFFFFD0];
	v15 =	vpop (erf);
	(erf) = vrcp.f32 v12  }
0x2f8: {  	s22 =	sshll.u32 s19, $0x4;
	v17 =	vsub.f32 $1.000000000e+00, v13;
	v7 =	vadd.f32 $1.000000000e+00, v7;
	v13 =	vpop (erf);
	(erf) = vpow2.f32 v4  }
0x2f9: {  	s21 =	sand.u32 $0x70, s22;
	v5 =	vadd.f32 v5, v5;
	v12 =	vld [tilespmem:s25+$0xFFFFFFE0];
	(erf) = vrcp.f32 v8;
	v8 =	vpop (erf)  }
0x2fa: {  	v3 =	vmov s21;
	v9 =	vadd.f32 v9, v9;
	v8 =	vadd.f32 $1.000000000e+00, v8  }
0x2fb: {  	v19 =	vld [tilespmem:s25+$0xFFFFFFF0];
	v4 =	vadd.f32 $1.000000000e+00, v13;
	v18 =	vmul.f32 $1.442695020e+00, v5;
	v5 =	vadd.f32 v6, v6;
	v6 =	vpop (erf)  }
0x2fc: {  	v13 =	vld [tilespmem:s25+$0x10];
	v11 =	vadd.f32 v11, v11;
	(erf) = vrcp.f32 v7;
	v10 =	vadd.f32 v10, v10;
	v7 =	vpop (erf)  }
0x2fd: {  	v9 =	vmul.f32 $1.442695020e+00, v9;
	v20 =	vadd.f32 v6, v6;
	v6 =	vmul.f32 $1.442695020e+00, v5;
	v21 =	vpop (erf)  }
0x2fe: {  	s23 =	simm.s32 $0x0;
	v11 =	vmul.f32 $1.442695020e+00, v11;
	v12 =	vadd.f32 v12, v12;
	(erf) = vrcp.f32 v8;
	v8 =	vpop (erf)  }
0x2ff: {  	s22 =	smul.u32 $0x6000, s23;
	v5 =	vadd.f32 v7, v7;
	v10 =	vmul.f32 $1.442695020e+00, v10;
	(erf) = vpow2.f32 v18;
	v7 =	vpop (erf)  }
0x300: {  	s24 =	sshll.u32 s19, $0x7;
	s26 =	simm.s32 $0x0;
	s28 =	simm.s32 $0x1;
	v19 =	vadd.f32 v19, v19;
	(erf) = vpow2.f32 v9;
	v22 =	vmul.f32 $1.442695020e+00, v12;
	v18 =	vpop (erf)  }
0x301: {  	s23 =	simm.s32 $0x0;
	s22 =	sshra.s32 s22, $0x2;
	s21 =	sand.u32 $0xC00, s26;
	v63 =	vadd.f32 $1.000000000e+00, v15;
	v13 =	vadd.f32 v13, v13;
	(erf) = vpow2.f32 v10;
	v62 =	vpop (erf)  }
0x302: {  	s23 =	smul.u32 $0x6000, s23;
	s20 =	sand.u32 $0xC00, s24;
	s21 =	sadd.s32 s21, s22;
	(erf) = vpow2.f32 v22;
	v10 =	vadd.f32 v7, v7;
	v12 =	vadd.f32 $1.000000000e+00, v18;
	v18 =	vpop (erf)  }
0x303: {  	s24 =	simm.s32 $0xFFFFFFFF;
	s26 =	smul.u32 $0x6000, s28;
	s22 =	sadd.s32 s20, s21;
	(erf) = vpow2.f32 v11;
	v7 =	vadd.f32 $1.000000000e+00, v18;
	v11 =	vpop (erf);
	v18 =	vadd.f32 v62, v62  }
0x304: {  	s23 =	sshra.s32 s23, $0x2;
	s24 =	sand.u32 $0xC00, s24;
	s28 =	simm.s32 $0x0;
	[tilespmem:v3+s22+$0xAF00 ss:$0x1] =	vst.idx.msk $0xffff, v14;
	v9 =	vadd.f32 v21, v21;
	v13 =	vmul.f32 $1.442695020e+00, v13;
	v14 =	vadd.f32 v11, v11  }
0x305: {  	s23 =	sadd.s32 s24, s23;
	s28 =	sand.u32 $0xC00, s28;
	s26 =	sshra.s32 s26, $0x2;
	[tilespmem:v3+s22+$0xAB80 ss:$0x1] =	vst.idx.msk $0xffff, v16;
	v11 =	vmul.f32 $1.442695020e+00, v19;
	(erf) = vrcp.f32 v7;
	v15 =	vsub.f32 $1.000000000e+00, v18  }
0x306: {  	s24 =	simm.s32 $0x10;
	s21 =	sadd.s32 s28, s26;
	[tilespmem:v3+s22+$0xAE80 ss:$0x1] =	vst.idx.msk $0xffff, v17;
	s25 =	sadd.s32 $0x400, s25;
	v16 =	vpop (erf);
	v7 =	vsub.f32 $1.000000000e+00, v14;
	(erf) = vrcp.f32 v63;
	v14 =	vsub.f32 $1.000000000e+00, v20  }
.LBB2_20:
0x307: {  	s24 =	sadd.s32 $0x8, s24;
	v17 =	vld [tilespmem:s25+$0xFFFFFFC0];
	v16 =	vadd.f32 v16, v16;
	(erf) = vrcp.f32 v12;
	v12 =	vpop (erf);
	v9 =	vsub.f32 $1.000000000e+00, v9;
	[tilespmem:v3+s22+$0xAE00 ss:$0x1] =	vst.idx.msk $0xffff, v15  }
0x308: {  	v5 =	vsub.f32 $1.000000000e+00, v5;
	v10 =	vsub.f32 $1.000000000e+00, v10;
	s26 =	sshrl.u32 s24, $0x4;
	s28 =	sshll.u32 s24, $0x1C;
	v15 =	vld [tilespmem:s25+$0x30];
	p0 =	slt.u32 s24, $0x28;
	v18 =	vpop (erf);
	(erf) = vpow2.f32 v13;
	[tilespmem:v3+s22+$0xAD00 ss:$0x1] =	vst.idx.msk $0xffff, v14  }
0x309: {  	v8 =	vadd.f32 $1.000000000e+00, v8;
	v12 =	vadd.f32 v12, v12;
	s26 =	smul.u32 $0x6000, s26;
	s28 =	sshra.s32 s28, $0x1F;
	v13 =	vld [tilespmem:s25+$0x0];
	(erf) = vrcp.f32 v4;
	[tilespmem:v3+s22+$0xAD80 ss:$0x1] =	vst.idx.msk $0xffff, v9  }
0x30a: {  	v14 =	vadd.f32 $1.000000000e+00, v18;
	v18 =	vsub.f32 $1.000000000e+00, v16;
	v9 =	vld [tilespmem:s25+$0x20];
	(erf) = vpow2.f32 v6;
	v4 =	vpop (erf);
	[tilespmem:v3+s22+$0xAC00 ss:$0x1] =	vst.idx.msk $0xffff, v5  }
0x30b: {  	s28 =	sand.u32 $0xC00, s28;
	v12 =	vsub.f32 $1.000000000e+00, v12;
	s26 =	sshra.s32 s26, $0x2;
	v5 =	vld [tilespmem:s25+$0xFFFFFFD0];
	v16 =	vpop (erf);
	(erf) = vrcp.f32 v8;
	[tilespmem:v3+s22+$0xAC80 ss:$0x1] =	vst.idx.msk $0xffff, v10;
	s22 =	sadd.s32 s20, s23  }
0x30c: {  	s23 =	smov.u32 s21;
	v8 =	vadd.f32 v17, v17;
	v10 =	vld [tilespmem:s25+$0xFFFFFFE0];
	v17 =	vadd.f32 $1.000000000e+00, v4;
	v4 =	vpop (erf);
	(erf) = vpow2.f32 v11;
	[tilespmem:v3+s22+$0xAF00 ss:$0x1] =	vst.idx.msk $0xffff, v18;
	s21 =	sadd.s32 s28, s26  }
0x30d: {  	v11 =	vld [tilespmem:s25+$0x10];
	v15 =	vadd.f32 v15, v15;
	v4 =	vadd.f32 $1.000000000e+00, v4;
	(erf) = vrcp.f32 v14;
	v6 =	vpop (erf);
	[tilespmem:v3+s22+$0xAE80 ss:$0x1] =	vst.idx.msk $0xffff, v12  }
0x30e: {  	v12 =	vmul.f32 $1.442695020e+00, v8;
	v14 =	vld [tilespmem:s25+$0xFFFFFFF0];
	v19 =	vadd.f32 v13, v13;
	v13 =	vadd.f32 $1.000000000e+00, v6;
	[tilespmem:v3+s22+$0xAB80 ss:$0x1] =	vst.idx.msk $0xffff, v7;
	v6 =	vpop (erf)  }
0x30f: {  	v7 =	vadd.f32 v9, v9;
	(erf) = vrcp.f32 v17;
	v17 =	vadd.f32 v6, v6;
	v9 =	vpop (erf)  }
0x310: {  	v18 =	vadd.f32 v5, v5;
	v6 =	vmul.f32 $1.442695020e+00, v19;
	v5 =	vadd.f32 v9, v9;
	v9 =	vpop (erf)  }
0x311: {  	v10 =	vadd.f32 v10, v10;
	v7 =	vmul.f32 $1.442695020e+00, v7;
	v8 =	vpop (erf);
	(erf) = vrcp.f32 v13  }
0x312: {  	v13 =	vmul.f32 $1.442695020e+00, v15;
	v21 =	vadd.f32 v11, v11;
	(erf) = vpow2.f32 v12;
	v15 =	vpop (erf)  }
0x313: {  	v9 =	vadd.f32 v9, v9;
	v18 =	vmul.f32 $1.442695020e+00, v18;
	v14 =	vadd.f32 v14, v14;
	v12 =	vpop (erf)  }
0x314: {  	v19 =	vmul.f32 $1.442695020e+00, v10;
	(erf) = vpow2.f32 v13;
	v12 =	vadd.f32 $1.000000000e+00, v12;
	v20 =	vpop (erf)  }
.Ltmp8:
0x315: {  	v10 =	vadd.f32 v15, v15;
	v13 =	vmul.f32 $1.442695020e+00, v21;
	(erf) = vpow2.f32 v18;
	v11 =	vpop (erf);
	(pc) =	sbr.rel @p0 .LBB2_20-.Ltmp8, $4  }
0x316: {  	v18 =	vadd.f32 v20, v20;
	(erf) = vpow2.f32 v19;
	v15 =	vadd.f32 $1.000000000e+00, v11;
	v11 =	vpop (erf)  }
0x317: {  	v19 =	vadd.f32 $1.000000000e+00, v16;
	(erf) = vpow2.f32 v7;
	v7 =	vadd.f32 v11, v11  }
0x318: {  	v11 =	vmul.f32 $1.442695020e+00, v14;
	(erf) = vrcp.f32 v15;
	v16 =	vpop (erf);
	v15 =	vsub.f32 $1.000000000e+00, v18  }
0x319: {  	s25 =	sadd.s32 $0x400, s25;
	v14 =	vsub.f32 $1.000000000e+00, v17;
	v7 =	vsub.f32 $1.000000000e+00, v7;
	(erf) = vrcp.f32 v19  }
0x31a: {  	(erf) = vrcp.f32 v12  }
0x31b: {  	v31 =	vpop (erf);
	(erf) = vpow2.f32 v13  }
0x31c: {  	v8 =	vadd.f32 $1.000000000e+00, v8;
	v32 =	vpop (erf);
	(erf) = vrcp.f32 v4  }
0x31d: {  	(erf) = vpow2.f32 v6;
	v33 =	vpop (erf)  }
0x31e: {  	v34 =	vpop (erf);
	(erf) = vrcp.f32 v8  }
0x31f: {  	v35 =	vpop (erf);
	(erf) = vpow2.f32 v11  }
0x320: {  	v36 =	vpop (erf)  }
0x321: {  	v17 =	vpop (erf)  }
0x322: {  	v18 =	vpop (erf)  }
0x323: {  	v19 =	vpop (erf)  }
0x324: {  	v20 =	vpop (erf)  }
0x325: {  	v21 =	vpop (erf)  }
0x326: {  	v13 =	vadd.f32 $1.000000000e+00, v32;
	v22 =	vpop (erf)  }
0x327: {  	v41 =	vsub.f32 $1.000000000e+00, v9;
	v4 =	vadd.f32 $1.000000000e+00, v33;
	v23 =	vpop (erf)  }
0x328: {  	v43 =	vadd.f32 v16, v16;
	v11 =	vadd.f32 $1.000000000e+00, v36;
	(erf) = vrcp.f32 v13;
	v37 =	vpop (erf)  }
0x329: {  	[tilespmem:v3+s22+$0xAE00 ss:$0x1] =	vst.idx.msk $0xffff, v15;
	v5 =	vsub.f32 $1.000000000e+00, v5;
	(erf) = vrcp.f32 v4;
	v38 =	vadd.f32 $1.000000000e+00, v37  }
0x32a: {  	v44 =	vsub.f32 $1.000000000e+00, v10;
	s23 =	sadd.s32 s20, s23;
	[tilespmem:v3+s22+$0xAD00 ss:$0x1] =	vst.idx.msk $0xffff, v14;
	v6 =	vadd.f32 $1.000000000e+00, v34;
	(erf) = vrcp.f32 v11  }
0x32b: {  	v45 =	vadd.f32 v31, v31;
	[tilespmem:v3+s23+$0xAB80 ss:$0x1] =	vst.idx.msk $0xffff, v7;
	v39 =	vadd.f32 $1.000000000e+00, v22;
	(erf) = vrcp.f32 v38  }
0x32c: {  	[tilespmem:v3+s22+$0xAD80 ss:$0x1] =	vst.idx.msk $0xffff, v41;
	v46 =	vsub.f32 $1.000000000e+00, v43;
	v40 =	vadd.f32 $1.000000000e+00, v35;
	(erf) = vrcp.f32 v6  }
0x32d: {  	[tilespmem:v3+s22+$0xAC00 ss:$0x1] =	vst.idx.msk $0xffff, v5;
	v54 =	vadd.f32 v18, v18;
	v42 =	vadd.f32 $1.000000000e+00, v20;
	(erf) = vrcp.f32 v39  }
0x32e: {  	[tilespmem:v3+s22+$0xAC80 ss:$0x1] =	vst.idx.msk $0xffff, v44;
	v47 =	vsub.f32 $1.000000000e+00, v45;
	v52 =	vadd.f32 v19, v19;
	(erf) = vrcp.f32 v40  }
0x32f: {  	[tilespmem:v3+s23+$0xAF00 ss:$0x1] =	vst.idx.msk $0xffff, v46;
	v50 =	vadd.f32 v17, v17;
	v7 =	vsub.f32 $1.000000000e+00, v54;
	(erf) = vrcp.f32 v42  }
0x330: {  	[tilespmem:v3+s23+$0xAE80 ss:$0x1] =	vst.idx.msk $0xffff, v47;
	v56 =	vadd.f32 v21, v21;
	v5 =	vsub.f32 $1.000000000e+00, v52  }
0x331: {  	[tilespmem:v3+s23+$0xAC00 ss:$0x1] =	vst.idx.msk $0xffff, v7;
	v49 =	vadd.f32 v23, v23;
	v4 =	vsub.f32 $1.000000000e+00, v50;
	v48 =	vpop (erf)  }
0x332: {  	v12 =	vsub.f32 $1.000000000e+00, v56;
	[tilespmem:v3+s23+$0xAD80 ss:$0x1] =	vst.idx.msk $0xffff, v5;
	v51 =	vpop (erf);
	v6 =	vadd.f32 v48, v48  }
0x333: {  	v8 =	vsub.f32 $1.000000000e+00, v49;
	[tilespmem:v3+s23+$0xAD00 ss:$0x1] =	vst.idx.msk $0xffff, v4;
	v53 =	vpop (erf);
	v9 =	vadd.f32 v51, v51  }
0x334: {  	[tilespmem:v3+s23+$0xAC80 ss:$0x1] =	vst.idx.msk $0xffff, v12;
	v10 =	vadd.f32 v53, v53;
	v6 =	vsub.f32 $1.000000000e+00, v6;
	v55 =	vpop (erf)  }
0x335: {  	s28 =	sadd.s32 s20, s21;
	[tilespmem:v3+s23+$0xAE00 ss:$0x1] =	vst.idx.msk $0xffff, v8;
	v9 =	vsub.f32 $1.000000000e+00, v9;
	v57 =	vpop (erf);
	v61 =	vadd.f32 v55, v55  }
0x336: {  	v10 =	vsub.f32 $1.000000000e+00, v10;
	[tilespmem:v3+s28+$0xAB80 ss:$0x1] =	vst.idx.msk $0xffff, v6;
	v58 =	vpop (erf);
	v62 =	vadd.f32 v57, v57  }
0x337: {  	s19 =	sadd.s32 $0x1, s19;
	[tilespmem:v3+s28+$0xAF00 ss:$0x1] =	vst.idx.msk $0xffff, v9;
	v59 =	vpop (erf);
	v4 =	vadd.f32 v58, v58;
	v63 =	vsub.f32 $1.000000000e+00, v61  }
0x338: {  	p0 =	sne.s32 s19, $0x18;
	[tilespmem:v3+s28+$0xAE80 ss:$0x1] =	vst.idx.msk $0xffff, v10;
	v60 =	vpop (erf);
	v5 =	vadd.f32 v59, v59;
	v6 =	vsub.f32 $1.000000000e+00, v62  }
.Ltmp9:
0x339: {  	v7 =	vadd.f32 v60, v60;
	v4 =	vsub.f32 $1.000000000e+00, v4;
	[tilespmem:v3+s28+$0xAD00 ss:$0x1] =	vst.idx.msk $0xffff, v63;
	(pc) =	sbr.rel @p0 .LBB2_19-.Ltmp9, $4  }
0x33a: {  	v5 =	vsub.f32 $1.000000000e+00, v5;
	[tilespmem:v3+s28+$0xAC00 ss:$0x1] =	vst.idx.msk $0xffff, v6  }
0x33b: {  	v7 =	vsub.f32 $1.000000000e+00, v7;
	[tilespmem:v3+s28+$0xAD80 ss:$0x1] =	vst.idx.msk $0xffff, v4  }
0x33c: {  	[tilespmem:v3+s28+$0xAC80 ss:$0x1] =	vst.idx.msk $0xffff, v5  }
0x33d: {  	s17 =	sadd.s32 $0x1, s17;
	[tilespmem:v3+s28+$0xAE00 ss:$0x1] =	vst.idx.msk $0xffff, v7  }
0x33e: {  	[hbm4b:s18+s0] =	stream.strided.scatter [tilespmem:s11], [sflag:$0x3], $0x4800, s5, s0, $0x38;
	[tilespmem:$0x18380] =	vst v63  }
0x33f: {  	v3 =	vld [tilespmem:s16+$0x90];
	_ =	sdelay $0x4  }
0x340: {  	v4 =	vshrl.u32 v3, $0x3  }
0x341: {  	v4 =	vmul.u32 $0x30, v4  }
0x342: {  	v3 =	vand.u32 $0x7, v3  }
0x343: {  	v3 =	vor.u32 v3, v4  }
0x344: {  	v4 =	vperm.xlane v3, v0;
	_ =	sdelay $0x1  }
0x345: {  	v4 =	vadd.s32 v1, v4;
	_ =	sdelay $0x3  }
0x346: {  	s17 =	simm.s32 $0x0;
	v3 =	vperm.xlane v3, v2  }
0x347: {  	[tilespmem:s29], [sflag:$0x1] =	stream.indirect_vreg.gather [hbm4b:s2+s17], $0x80, v4, vm0, $0xb8;
	[tilespmem:$0x18380] =	vst v63  }
0x348: {  	v3 =	vadd.s32 v1, v3  }
0x349: {  	[tilespmem:s30], [sflag:$0x1] =	stream.indirect_vreg.gather [hbm4b:s6+s17], $0x80, v4, vm0, $0xb8;
	[tilespmem:$0x18380] =	vst v63  }
0x34a: {  	_ = 	snop  }
0x34b: {  	[tilespmem:s31], [sflag:$0x1] =	stream.indirect_vreg.gather [hbm4b:s7+s17], $0x80, v4, vm0, $0xb8;
	[tilespmem:$0x18380] =	vst v63  }
0x34c: {  	s25 =	simm.s32 $0x1B80  }
0x34d: {  	[tilespmem:s25], [sflag:$0x1] =	stream.indirect_vreg.gather [hbm4b:s2+s17], $0x80, v3, vm0, $0xb8;
	[tilespmem:$0x18380] =	vst v63  }
0x34e: {  	s26 =	simm.s32 $0x2380  }
0x34f: {  	[tilespmem:s26], [sflag:$0x1] =	stream.indirect_vreg.gather [hbm4b:s6+s17], $0x80, v3, vm0, $0xb8;
	[tilespmem:$0x18380] =	vst v63  }
0x350: {  	s28 =	simm.s32 $0x2B80  }
0x351: {  	[tilespmem:s28], [sflag:$0x1] =	stream.indirect_vreg.gather [hbm4b:s7+s17], $0x80, v3, vm0, $0xb8;
	[tilespmem:$0x18380] =	vst v63  }
0x352: {  	v3 =	vld.msk [tilespmem:s16+$0xA0], $0xff;
	_ =	sdelay $0x4  }
0x353: {  	v63 =	vshrl.u32 v3, $0x3  }
0x354: {  	v4 =	vmul.u32 $0x30, v63  }
0x355: {  	v3 =	vand.u32 $0x7, v3  }
0x356: {  	v3 =	vor.u32 v3, v4  }
0x357: {  	v3 =	vperm.xlane v3, v0;
	_ =	sdelay $0x1  }
0x358: {  	v3 =	vadd.s32 v1, v3;
	_ =	sdelay $0x3  }
0x359: {  	s29 =	simm.s32 $0x3380  }
0x35a: {  	[tilespmem:s29], [sflag:$0x1] =	stream.indirect_vreg.gather [hbm4b:s2+s17], $0x80, v3, vm0, $0xb8;
	[tilespmem:$0x18380] =	vst v63  }
0x35b: {  	s30 =	simm.s32 $0x3B80  }
0x35c: {  	[tilespmem:s30], [sflag:$0x1] =	stream.indirect_vreg.gather [hbm4b:s6+s17], $0x80, v3, vm0, $0xb8;
	[tilespmem:$0x18380] =	vst v63  }
0x35d: {  	s31 =	simm.s32 $0x4380  }
0x35e: {  	[tilespmem:s31], [sflag:$0x1] =	stream.indirect_vreg.gather [hbm4b:s7+s17], $0x80, v3, vm0, $0xb8;
	[tilespmem:$0x18380] =	vst v63  }
0x35f: {  	_ =	swait.ge [sflag:s12], $0x4800  }
0x360: {  	[sflag:s12] =	ssyncset.done $0x0  }
0x361: {  	[sflag:s12] =	ssyncadd.s32 $0xFFFFB800  }
0x362: {  	_ =	swait.ge [sflag:s9], $0x4800  }
0x363: {  	[sflag:s9] =	ssyncset.done $0x0  }
0x364: {  	s18 =	sadd.s32 $0xF00, s14;
	s19 =	simm.s32 $0x0;
	[sflag:s9] =	ssyncadd.s32 $0xFFFFB800  }
.LBB2_23:
0x365: {  	s20 =	sshrl.u32 s19, $0x3  }
0x366: {  	s21 =	sand.u32 $0x7, s17;
	s20 =	smul.u32 $0x6000, s20  }
0x367: {  	s21 =	sshll.u32 s21, $0x9  }
0x368: {  	s20 =	sor.u32 s21, s20  }
0x369: {  	s20 =	sshra.s32 s20, $0x2  }
0x36a: {  	s20 =	sadd.s32 $0x4BC0, s20  }
0x36b: {  	v3 =	vld [tilespmem:s20+$0xFFFFFFC0]  }
0x36c: {  	v4 =	vld [tilespmem:s20+$0x30]  }
0x36d: {  	v5 =	vld [tilespmem:s20+$0xFFFFFFD0]  }
0x36e: {  	v6 =	vld [tilespmem:s20+$0xFFFFFFE0]  }
0x36f: {  	v7 =	vld [tilespmem:s20+$0x20]  }
0x370: {  	v3 =	vadd.f32 v3, v3  }
0x371: {  	v4 =	vadd.f32 v4, v4  }
0x372: {  	v8 =	vld [tilespmem:s20+$0x10];
	v5 =	vadd.f32 v5, v5;
	v3 =	vmul.f32 $1.442695020e+00, v3  }
0x373: {  	v9 =	vld [tilespmem:s20+$0x0];
	v6 =	vadd.f32 v6, v6;
	v4 =	vmul.f32 $1.442695020e+00, v4  }
0x374: {  	v7 =	vadd.f32 v7, v7;
	(erf) = vpow2.f32 v3;
	v3 =	vmul.f32 $1.442695020e+00, v5;
	v5 =	vld [tilespmem:s20+$0xFFFFFFF0]  }
0x375: {  	v6 =	vmul.f32 $1.442695020e+00, v6;
	(erf) = vpow2.f32 v4  }
0x376: {  	v4 =	vmul.f32 $1.442695020e+00, v7;
	(erf) = vpow2.f32 v3  }
0x377: {  	(erf) = vpow2.f32 v6  }
0x378: {  	(erf) = vpow2.f32 v4;
	v4 =	vadd.f32 v9, v9  }
0x379: {  	v3 =	vadd.f32 v8, v8;
	v5 =	vadd.f32 v5, v5  }
0x37a: {  	v4 =	vmul.f32 $1.442695020e+00, v4  }
0x37b: {  	s20 =	sadd.s32 $0x400, s20;
	v3 =	vmul.f32 $1.442695020e+00, v3;
	v5 =	vmul.f32 $1.442695020e+00, v5  }
0x37c: {  	v6 =	vld [tilespmem:s20+$0xFFFFFFC0]  }
0x37d: {  	v8 =	vld [tilespmem:s20+$0xFFFFFFD0];
	(erf) = vpow2.f32 v3;
	v7 =	vpop (erf)  }
0x37e: {  	v3 =	vld [tilespmem:s20+$0x30];
	(erf) = vpow2.f32 v4;
	v4 =	vpop (erf)  }
0x37f: {  	(erf) = vpow2.f32 v5;
	v7 =	vadd.f32 $1.000000000e+00, v7;
	v5 =	vpop (erf)  }
0x380: {  	v9 =	vld [tilespmem:s20+$0xFFFFFFE0];
	v4 =	vadd.f32 $1.000000000e+00, v4;
	v11 =	vpop (erf)  }
0x381: {  	v10 =	vld [tilespmem:s20+$0x20];
	v6 =	vadd.f32 v6, v6;
	v12 =	vpop (erf);
	(erf) = vrcp.f32 v7  }
0x382: {  	v7 =	vadd.f32 $1.000000000e+00, v12;
	(erf) = vrcp.f32 v4;
	v4 =	vadd.f32 v8, v8;
	v8 =	vld [tilespmem:s20+$0x10]  }
0x383: {  	v6 =	vmul.f32 $1.442695020e+00, v6;
	v3 =	vadd.f32 v3, v3  }
0x384: {  	(erf) = vrcp.f32 v7;
	v4 =	vmul.f32 $1.442695020e+00, v4  }
0x385: {  	v9 =	vadd.f32 v9, v9;
	v3 =	vmul.f32 $1.442695020e+00, v3;
	v7 =	vld [tilespmem:s20+$0x0];
	(erf) = vpow2.f32 v6  }
0x386: {  	v10 =	vadd.f32 v10, v10;
	v12 =	vpop (erf);
	v6 =	vld [tilespmem:s20+$0xFFFFFFF0]  }
0x387: {  	v9 =	vmul.f32 $1.442695020e+00, v9;
	v13 =	vpop (erf);
	(erf) = vpow2.f32 v3;
	v8 =	vadd.f32 v8, v8  }
0x388: {  	v10 =	vmul.f32 $1.442695020e+00, v10;
	(erf) = vpow2.f32 v4;
	v4 =	vpop (erf)  }
0x389: {  	v5 =	vadd.f32 $1.000000000e+00, v5;
	(erf) = vpow2.f32 v9;
	v4 =	vadd.f32 $1.000000000e+00, v4  }
0x38a: {  	v9 =	vadd.f32 $1.000000000e+00, v13;
	(erf) = vpow2.f32 v10;
	v7 =	vadd.f32 v7, v7  }
0x38b: {  	(erf) = vrcp.f32 v4;
	v4 =	vadd.f32 v6, v6;
	v6 =	vmul.f32 $1.442695020e+00, v8;
	v8 =	vpop (erf)  }
0x38c: {  	s25 =	sadd.s32 $0x400, s20;
	v11 =	vadd.f32 $1.000000000e+00, v11;
	v7 =	vmul.f32 $1.442695020e+00, v7;
	(erf) = vrcp.f32 v5;
	v10 =	vpop (erf)  }
0x38d: {  	v12 =	vadd.f32 $1.000000000e+00, v12;
	v5 =	vld [tilespmem:s25+$0xFFFFFFC0];
	v8 =	vadd.f32 v8, v8;
	(erf) = vrcp.f32 v9;
	v13 =	vpop (erf)  }
0x38e: {  	v9 =	vld [tilespmem:s25+$0x30];
	v10 =	vadd.f32 v10, v10;
	(erf) = vpow2.f32 v6;
	v14 =	vpop (erf);
	v13 =	vadd.f32 v13, v13  }
0x38f: {  	v6 =	vld [tilespmem:s25+$0x0];
	v16 =	vsub.f32 $1.000000000e+00, v8;
	(erf) = vrcp.f32 v11;
	v8 =	vadd.f32 $1.000000000e+00, v14  }
0x390: {  	v4 =	vmul.f32 $1.442695020e+00, v4;
	v11 =	vld [tilespmem:s25+$0x20];
	(erf) = vpow2.f32 v7;
	v7 =	vpop (erf)  }
0x391: {  	v14 =	vsub.f32 $1.000000000e+00, v10;
	v10 =	vld [tilespmem:s25+$0xFFFFFFD0];
	v15 =	vpop (erf);
	(erf) = vrcp.f32 v12  }
0x392: {  	s26 =	sshll.u32 s19, $0x4;
	v17 =	vsub.f32 $1.000000000e+00, v13;
	v7 =	vadd.f32 $1.000000000e+00, v7;
	v13 =	vpop (erf);
	(erf) = vpow2.f32 v4  }
0x393: {  	s21 =	sand.u32 $0x70, s26;
	v5 =	vadd.f32 v5, v5;
	v12 =	vld [tilespmem:s25+$0xFFFFFFE0];
	(erf) = vrcp.f32 v8;
	v8 =	vpop (erf)  }
0x394: {  	v3 =	vmov s21;
	v9 =	vadd.f32 v9, v9;
	v8 =	vadd.f32 $1.000000000e+00, v8  }
0x395: {  	v19 =	vld [tilespmem:s25+$0xFFFFFFF0];
	v4 =	vadd.f32 $1.000000000e+00, v13;
	v18 =	vmul.f32 $1.442695020e+00, v5;
	v5 =	vadd.f32 v6, v6;
	v6 =	vpop (erf)  }
0x396: {  	v13 =	vld [tilespmem:s25+$0x10];
	v11 =	vadd.f32 v11, v11;
	(erf) = vrcp.f32 v7;
	v10 =	vadd.f32 v10, v10;
	v7 =	vpop (erf)  }
0x397: {  	v9 =	vmul.f32 $1.442695020e+00, v9;
	v20 =	vadd.f32 v6, v6;
	v6 =	vmul.f32 $1.442695020e+00, v5;
	v21 =	vpop (erf)  }
0x398: {  	s28 =	simm.s32 $0x0;
	v11 =	vmul.f32 $1.442695020e+00, v11;
	v12 =	vadd.f32 v12, v12;
	(erf) = vrcp.f32 v8;
	v8 =	vpop (erf)  }
0x399: {  	s22 =	smul.u32 $0x6000, s28;
	v5 =	vadd.f32 v7, v7;
	v10 =	vmul.f32 $1.442695020e+00, v10;
	(erf) = vpow2.f32 v18;
	v7 =	vpop (erf)  }
0x39a: {  	s29 =	sshll.u32 s19, $0x7;
	s30 =	simm.s32 $0x0;
	s23 =	simm.s32 $0x0;
	v19 =	vadd.f32 v19, v19;
	(erf) = vpow2.f32 v9;
	v22 =	vmul.f32 $1.442695020e+00, v12;
	v18 =	vpop (erf)  }
0x39b: {  	s31 =	simm.s32 $0x1;
	s22 =	sshra.s32 s22, $0x2;
	s21 =	sand.u32 $0xC00, s30;
	v63 =	vadd.f32 $1.000000000e+00, v15;
	v13 =	vadd.f32 v13, v13;
	(erf) = vpow2.f32 v10;
	v62 =	vpop (erf)  }
0x39c: {  	s23 =	smul.u32 $0x6000, s23;
	s20 =	sand.u32 $0xC00, s29;
	s21 =	sadd.s32 s21, s22;
	(erf) = vpow2.f32 v22;
	v10 =	vadd.f32 v7, v7;
	v12 =	vadd.f32 $1.000000000e+00, v18;
	v18 =	vpop (erf)  }
0x39d: {  	s24 =	simm.s32 $0xFFFFFFFF;
	s26 =	smul.u32 $0x6000, s31;
	s22 =	sadd.s32 s20, s21;
	(erf) = vpow2.f32 v11;
	v7 =	vadd.f32 $1.000000000e+00, v18;
	v11 =	vpop (erf);
	v18 =	vadd.f32 v62, v62  }
0x39e: {  	s28 =	sand.u32 $0xC00, s24;
	s24 =	simm.s32 $0x10;
	s29 =	simm.s32 $0x0;
	[tilespmem:v3+s22+$0xF700 ss:$0x1] =	vst.idx.msk $0xffff, v14;
	v9 =	vadd.f32 v21, v21;
	v13 =	vmul.f32 $1.442695020e+00, v13;
	v14 =	vadd.f32 v11, v11  }
0x39f: {  	s23 =	sshra.s32 s23, $0x2;
	s30 =	sshra.s32 s26, $0x2;
	s31 =	sand.u32 $0xC00, s29;
	[tilespmem:v3+s22+$0xF380 ss:$0x1] =	vst.idx.msk $0xffff, v16;
	v11 =	vmul.f32 $1.442695020e+00, v19;
	(erf) = vrcp.f32 v7;
	v15 =	vsub.f32 $1.000000000e+00, v18  }
0x3a0: {  	s23 =	sadd.s32 s28, s23;
	s21 =	sadd.s32 s31, s30;
	[tilespmem:v3+s22+$0xF680 ss:$0x1] =	vst.idx.msk $0xffff, v17;
	s25 =	sadd.s32 $0x400, s25;
	v16 =	vpop (erf);
	v7 =	vsub.f32 $1.000000000e+00, v14;
	(erf) = vrcp.f32 v63;
	v14 =	vsub.f32 $1.000000000e+00, v20  }
.LBB2_24:
0x3a1: {  	s24 =	sadd.s32 $0x8, s24;
	v17 =	vld [tilespmem:s25+$0xFFFFFFC0];
	v16 =	vadd.f32 v16, v16;
	(erf) = vrcp.f32 v12;
	v12 =	vpop (erf);
	v9 =	vsub.f32 $1.000000000e+00, v9;
	[tilespmem:v3+s22+$0xF600 ss:$0x1] =	vst.idx.msk $0xffff, v15  }
0x3a2: {  	v5 =	vsub.f32 $1.000000000e+00, v5;
	v10 =	vsub.f32 $1.000000000e+00, v10;
	s26 =	sshrl.u32 s24, $0x4;
	s28 =	sshll.u32 s24, $0x1C;
	v15 =	vld [tilespmem:s25+$0x30];
	p0 =	slt.u32 s24, $0x28;
	v18 =	vpop (erf);
	(erf) = vpow2.f32 v13;
	[tilespmem:v3+s22+$0xF500 ss:$0x1] =	vst.idx.msk $0xffff, v14  }
0x3a3: {  	v8 =	vadd.f32 $1.000000000e+00, v8;
	v12 =	vadd.f32 v12, v12;
	s26 =	smul.u32 $0x6000, s26;
	s28 =	sshra.s32 s28, $0x1F;
	v13 =	vld [tilespmem:s25+$0x0];
	(erf) = vrcp.f32 v4;
	[tilespmem:v3+s22+$0xF580 ss:$0x1] =	vst.idx.msk $0xffff, v9  }
0x3a4: {  	v14 =	vadd.f32 $1.000000000e+00, v18;
	v18 =	vsub.f32 $1.000000000e+00, v16;
	v9 =	vld [tilespmem:s25+$0x20];
	(erf) = vpow2.f32 v6;
	v4 =	vpop (erf);
	[tilespmem:v3+s22+$0xF400 ss:$0x1] =	vst.idx.msk $0xffff, v5  }
0x3a5: {  	s28 =	sand.u32 $0xC00, s28;
	v12 =	vsub.f32 $1.000000000e+00, v12;
	s26 =	sshra.s32 s26, $0x2;
	v5 =	vld [tilespmem:s25+$0xFFFFFFD0];
	v16 =	vpop (erf);
	(erf) = vrcp.f32 v8;
	[tilespmem:v3+s22+$0xF480 ss:$0x1] =	vst.idx.msk $0xffff, v10;
	s22 =	sadd.s32 s20, s23  }
0x3a6: {  	s23 =	smov.u32 s21;
	v8 =	vadd.f32 v17, v17;
	v10 =	vld [tilespmem:s25+$0xFFFFFFE0];
	v17 =	vadd.f32 $1.000000000e+00, v4;
	v4 =	vpop (erf);
	(erf) = vpow2.f32 v11;
	[tilespmem:v3+s22+$0xF700 ss:$0x1] =	vst.idx.msk $0xffff, v18;
	s21 =	sadd.s32 s28, s26  }
0x3a7: {  	v11 =	vld [tilespmem:s25+$0x10];
	v15 =	vadd.f32 v15, v15;
	v4 =	vadd.f32 $1.000000000e+00, v4;
	(erf) = vrcp.f32 v14;
	v6 =	vpop (erf);
	[tilespmem:v3+s22+$0xF680 ss:$0x1] =	vst.idx.msk $0xffff, v12  }
0x3a8: {  	v12 =	vmul.f32 $1.442695020e+00, v8;
	v14 =	vld [tilespmem:s25+$0xFFFFFFF0];
	v19 =	vadd.f32 v13, v13;
	v13 =	vadd.f32 $1.000000000e+00, v6;
	[tilespmem:v3+s22+$0xF380 ss:$0x1] =	vst.idx.msk $0xffff, v7;
	v6 =	vpop (erf)  }
0x3a9: {  	v7 =	vadd.f32 v9, v9;
	(erf) = vrcp.f32 v17;
	v17 =	vadd.f32 v6, v6;
	v9 =	vpop (erf)  }
0x3aa: {  	v18 =	vadd.f32 v5, v5;
	v6 =	vmul.f32 $1.442695020e+00, v19;
	v5 =	vadd.f32 v9, v9;
	v9 =	vpop (erf)  }
0x3ab: {  	v10 =	vadd.f32 v10, v10;
	v7 =	vmul.f32 $1.442695020e+00, v7;
	v8 =	vpop (erf);
	(erf) = vrcp.f32 v13  }
0x3ac: {  	v13 =	vmul.f32 $1.442695020e+00, v15;
	v21 =	vadd.f32 v11, v11;
	(erf) = vpow2.f32 v12;
	v15 =	vpop (erf)  }
0x3ad: {  	v9 =	vadd.f32 v9, v9;
	v18 =	vmul.f32 $1.442695020e+00, v18;
	v14 =	vadd.f32 v14, v14;
	v12 =	vpop (erf)  }
0x3ae: {  	v19 =	vmul.f32 $1.442695020e+00, v10;
	(erf) = vpow2.f32 v13;
	v12 =	vadd.f32 $1.000000000e+00, v12;
	v20 =	vpop (erf)  }
.Ltmp10:
0x3af: {  	v10 =	vadd.f32 v15, v15;
	v13 =	vmul.f32 $1.442695020e+00, v21;
	(erf) = vpow2.f32 v18;
	v11 =	vpop (erf);
	(pc) =	sbr.rel @p0 .LBB2_24-.Ltmp10, $4  }
0x3b0: {  	v18 =	vadd.f32 v20, v20;
	(erf) = vpow2.f32 v19;
	v15 =	vadd.f32 $1.000000000e+00, v11;
	v11 =	vpop (erf)  }
0x3b1: {  	v19 =	vadd.f32 $1.000000000e+00, v16;
	(erf) = vpow2.f32 v7;
	v7 =	vadd.f32 v11, v11  }
0x3b2: {  	v11 =	vmul.f32 $1.442695020e+00, v14;
	(erf) = vrcp.f32 v15;
	v16 =	vpop (erf);
	v15 =	vsub.f32 $1.000000000e+00, v18  }
0x3b3: {  	s25 =	sadd.s32 $0x400, s25;
	v14 =	vsub.f32 $1.000000000e+00, v17;
	v7 =	vsub.f32 $1.000000000e+00, v7;
	(erf) = vrcp.f32 v19  }
0x3b4: {  	(erf) = vrcp.f32 v12  }
0x3b5: {  	v31 =	vpop (erf);
	(erf) = vpow2.f32 v13  }
0x3b6: {  	v8 =	vadd.f32 $1.000000000e+00, v8;
	v32 =	vpop (erf);
	(erf) = vrcp.f32 v4  }
0x3b7: {  	(erf) = vpow2.f32 v6;
	v33 =	vpop (erf)  }
0x3b8: {  	v34 =	vpop (erf);
	(erf) = vrcp.f32 v8  }
0x3b9: {  	v35 =	vpop (erf);
	(erf) = vpow2.f32 v11  }
0x3ba: {  	v36 =	vpop (erf)  }
0x3bb: {  	v17 =	vpop (erf)  }
0x3bc: {  	v18 =	vpop (erf)  }
0x3bd: {  	v19 =	vpop (erf)  }
0x3be: {  	v20 =	vpop (erf)  }
0x3bf: {  	v21 =	vpop (erf)  }
0x3c0: {  	v13 =	vadd.f32 $1.000000000e+00, v32;
	v22 =	vpop (erf)  }
0x3c1: {  	v41 =	vsub.f32 $1.000000000e+00, v9;
	v4 =	vadd.f32 $1.000000000e+00, v33;
	v23 =	vpop (erf)  }
0x3c2: {  	v43 =	vadd.f32 v16, v16;
	v11 =	vadd.f32 $1.000000000e+00, v36;
	(erf) = vrcp.f32 v13;
	v37 =	vpop (erf)  }
0x3c3: {  	[tilespmem:v3+s22+$0xF600 ss:$0x1] =	vst.idx.msk $0xffff, v15;
	v5 =	vsub.f32 $1.000000000e+00, v5;
	(erf) = vrcp.f32 v4;
	v38 =	vadd.f32 $1.000000000e+00, v37  }
0x3c4: {  	v44 =	vsub.f32 $1.000000000e+00, v10;
	s23 =	sadd.s32 s20, s23;
	[tilespmem:v3+s22+$0xF500 ss:$0x1] =	vst.idx.msk $0xffff, v14;
	v6 =	vadd.f32 $1.000000000e+00, v34;
	(erf) = vrcp.f32 v11  }
0x3c5: {  	v45 =	vadd.f32 v31, v31;
	[tilespmem:v3+s23+$0xF380 ss:$0x1] =	vst.idx.msk $0xffff, v7;
	v39 =	vadd.f32 $1.000000000e+00, v22;
	(erf) = vrcp.f32 v38  }
0x3c6: {  	[tilespmem:v3+s22+$0xF580 ss:$0x1] =	vst.idx.msk $0xffff, v41;
	v46 =	vsub.f32 $1.000000000e+00, v43;
	v40 =	vadd.f32 $1.000000000e+00, v35;
	(erf) = vrcp.f32 v6  }
0x3c7: {  	[tilespmem:v3+s22+$0xF400 ss:$0x1] =	vst.idx.msk $0xffff, v5;
	v54 =	vadd.f32 v18, v18;
	v42 =	vadd.f32 $1.000000000e+00, v20;
	(erf) = vrcp.f32 v39  }
0x3c8: {  	[tilespmem:v3+s22+$0xF480 ss:$0x1] =	vst.idx.msk $0xffff, v44;
	v47 =	vsub.f32 $1.000000000e+00, v45;
	v52 =	vadd.f32 v19, v19;
	(erf) = vrcp.f32 v40  }
0x3c9: {  	[tilespmem:v3+s23+$0xF700 ss:$0x1] =	vst.idx.msk $0xffff, v46;
	v50 =	vadd.f32 v17, v17;
	v7 =	vsub.f32 $1.000000000e+00, v54;
	(erf) = vrcp.f32 v42  }
0x3ca: {  	[tilespmem:v3+s23+$0xF680 ss:$0x1] =	vst.idx.msk $0xffff, v47;
	v56 =	vadd.f32 v21, v21;
	v5 =	vsub.f32 $1.000000000e+00, v52  }
0x3cb: {  	[tilespmem:v3+s23+$0xF400 ss:$0x1] =	vst.idx.msk $0xffff, v7;
	v49 =	vadd.f32 v23, v23;
	v4 =	vsub.f32 $1.000000000e+00, v50;
	v48 =	vpop (erf)  }
0x3cc: {  	v12 =	vsub.f32 $1.000000000e+00, v56;
	[tilespmem:v3+s23+$0xF580 ss:$0x1] =	vst.idx.msk $0xffff, v5;
	v51 =	vpop (erf);
	v6 =	vadd.f32 v48, v48  }
0x3cd: {  	v8 =	vsub.f32 $1.000000000e+00, v49;
	[tilespmem:v3+s23+$0xF500 ss:$0x1] =	vst.idx.msk $0xffff, v4;
	v53 =	vpop (erf);
	v9 =	vadd.f32 v51, v51  }
0x3ce: {  	[tilespmem:v3+s23+$0xF480 ss:$0x1] =	vst.idx.msk $0xffff, v12;
	v10 =	vadd.f32 v53, v53;
	v6 =	vsub.f32 $1.000000000e+00, v6;
	v55 =	vpop (erf)  }
0x3cf: {  	s31 =	sadd.s32 s20, s21;
	[tilespmem:v3+s23+$0xF600 ss:$0x1] =	vst.idx.msk $0xffff, v8;
	v9 =	vsub.f32 $1.000000000e+00, v9;
	v57 =	vpop (erf);
	v61 =	vadd.f32 v55, v55  }
0x3d0: {  	v10 =	vsub.f32 $1.000000000e+00, v10;
	[tilespmem:v3+s31+$0xF380 ss:$0x1] =	vst.idx.msk $0xffff, v6;
	v58 =	vpop (erf);
	v62 =	vadd.f32 v57, v57  }
0x3d1: {  	s19 =	sadd.s32 $0x1, s19;
	[tilespmem:v3+s31+$0xF700 ss:$0x1] =	vst.idx.msk $0xffff, v9;
	v59 =	vpop (erf);
	v4 =	vadd.f32 v58, v58;
	v63 =	vsub.f32 $1.000000000e+00, v61  }
0x3d2: {  	p0 =	sne.s32 s19, $0x18;
	[tilespmem:v3+s31+$0xF680 ss:$0x1] =	vst.idx.msk $0xffff, v10;
	v60 =	vpop (erf);
	v5 =	vadd.f32 v59, v59;
	v6 =	vsub.f32 $1.000000000e+00, v62  }
.Ltmp11:
0x3d3: {  	v7 =	vadd.f32 v60, v60;
	v4 =	vsub.f32 $1.000000000e+00, v4;
	[tilespmem:v3+s31+$0xF500 ss:$0x1] =	vst.idx.msk $0xffff, v63;
	(pc) =	sbr.rel @p0 .LBB2_23-.Ltmp11, $4  }
0x3d4: {  	v5 =	vsub.f32 $1.000000000e+00, v5;
	[tilespmem:v3+s31+$0xF400 ss:$0x1] =	vst.idx.msk $0xffff, v6  }
0x3d5: {  	v7 =	vsub.f32 $1.000000000e+00, v7;
	[tilespmem:v3+s31+$0xF580 ss:$0x1] =	vst.idx.msk $0xffff, v4  }
0x3d6: {  	[tilespmem:v3+s31+$0xF480 ss:$0x1] =	vst.idx.msk $0xffff, v5  }
0x3d7: {  	s17 =	sadd.s32 $0x1, s17;
	[tilespmem:v3+s31+$0xF600 ss:$0x1] =	vst.idx.msk $0xffff, v7  }
0x3d8: {  	[hbm4b:s18+s0] =	stream.strided.scatter [tilespmem:s3], [sflag:$0x4], $0x4800, s5, s0, $0x38;
	[tilespmem:$0x18380] =	vst v63  }
0x3d9: {  	v3 =	vld [tilespmem:s16+$0xA8];
	_ =	sdelay $0x4  }
0x3da: {  	v4 =	vshrl.u32 v3, $0x3  }
0x3db: {  	v4 =	vmul.u32 $0x30, v4  }
0x3dc: {  	v3 =	vand.u32 $0x7, v3  }
0x3dd: {  	v3 =	vor.u32 v3, v4  }
0x3de: {  	v4 =	vperm.xlane v3, v0;
	_ =	sdelay $0x1  }
0x3df: {  	v4 =	vadd.s32 v1, v4;
	_ =	sdelay $0x3  }
0x3e0: {  	s17 =	simm.s32 $0x0;
	s19 =	simm.s32 $0x4B80;
	v3 =	vperm.xlane v3, v2  }
0x3e1: {  	[tilespmem:s19], [sflag:$0x2] =	stream.indirect_vreg.gather [hbm4b:s2+s17], $0x80, v4, vm0, $0xb8;
	[tilespmem:$0x18380] =	vst v63  }
0x3e2: {  	s20 =	simm.s32 $0x5380;
	v3 =	vadd.s32 v1, v3  }
0x3e3: {  	[tilespmem:s20], [sflag:$0x2] =	stream.indirect_vreg.gather [hbm4b:s6+s17], $0x80, v4, vm0, $0xb8;
	[tilespmem:$0x18380] =	vst v63  }
0x3e4: {  	s21 =	simm.s32 $0x5B80  }
0x3e5: {  	[tilespmem:s21], [sflag:$0x2] =	stream.indirect_vreg.gather [hbm4b:s7+s17], $0x80, v4, vm0, $0xb8;
	[tilespmem:$0x18380] =	vst v63  }
0x3e6: {  	s22 =	simm.s32 $0x6380  }
0x3e7: {  	[tilespmem:s22], [sflag:$0x2] =	stream.indirect_vreg.gather [hbm4b:s2+s17], $0x80, v3, vm0, $0xb8;
	[tilespmem:$0x18380] =	vst v63  }
0x3e8: {  	s23 =	simm.s32 $0x6B80  }
0x3e9: {  	[tilespmem:s23], [sflag:$0x2] =	stream.indirect_vreg.gather [hbm4b:s6+s17], $0x80, v3, vm0, $0xb8;
	[tilespmem:$0x18380] =	vst v63  }
0x3ea: {  	s24 =	simm.s32 $0x7380  }
0x3eb: {  	[tilespmem:s24], [sflag:$0x2] =	stream.indirect_vreg.gather [hbm4b:s7+s17], $0x80, v3, vm0, $0xb8;
	[tilespmem:$0x18380] =	vst v63  }
0x3ec: {  	v3 =	vld [tilespmem:s16+$0xB8];
	_ =	sdelay $0x4  }
0x3ed: {  	v63 =	vshrl.u32 v3, $0x3  }
0x3ee: {  	v4 =	vmul.u32 $0x30, v63  }
0x3ef: {  	v3 =	vand.u32 $0x7, v3  }
0x3f0: {  	v3 =	vor.u32 v3, v4  }
0x3f1: {  	v4 =	vperm.xlane v3, v0;
	_ =	sdelay $0x1  }
0x3f2: {  	v4 =	vadd.s32 v1, v4;
	_ =	sdelay $0x3  }
0x3f3: {  	s25 =	simm.s32 $0x7B80;
	v3 =	vperm.xlane v3, v2  }
0x3f4: {  	[tilespmem:s25], [sflag:$0x2] =	stream.indirect_vreg.gather [hbm4b:s2+s17], $0x80, v4, vm0, $0xb8;
	[tilespmem:$0x18380] =	vst v63  }
0x3f5: {  	s26 =	simm.s32 $0x8380;
	v3 =	vadd.s32 v1, v3  }
0x3f6: {  	[tilespmem:s26], [sflag:$0x2] =	stream.indirect_vreg.gather [hbm4b:s6+s17], $0x80, v4, vm0, $0xb8;
	[tilespmem:$0x18380] =	vst v63  }
0x3f7: {  	s28 =	simm.s32 $0x8B80  }
0x3f8: {  	[tilespmem:s28], [sflag:$0x2] =	stream.indirect_vreg.gather [hbm4b:s7+s17], $0x80, v4, vm0, $0xb8;
	[tilespmem:$0x18380] =	vst v63  }
0x3f9: {  	s29 =	simm.s32 $0x9380  }
0x3fa: {  	[tilespmem:s29], [sflag:$0x2] =	stream.indirect_vreg.gather [hbm4b:s2+s17], $0x80, v3, vm0, $0xb8;
	[tilespmem:$0x18380] =	vst v63  }
0x3fb: {  	s30 =	simm.s32 $0x9B80  }
0x3fc: {  	[tilespmem:s30], [sflag:$0x2] =	stream.indirect_vreg.gather [hbm4b:s6+s17], $0x80, v3, vm0, $0xb8;
	[tilespmem:$0x18380] =	vst v63  }
0x3fd: {  	s31 =	simm.s32 $0xA380  }
0x3fe: {  	[tilespmem:s31], [sflag:$0x2] =	stream.indirect_vreg.gather [hbm4b:s7+s17], $0x80, v3, vm0, $0xb8;
	[tilespmem:$0x18380] =	vst v63  }
0x3ff: {  	_ =	swait.ge [sflag:s1], $0x4800  }
0x400: {  	[sflag:s1] =	ssyncset.done $0x0  }
0x401: {  	[sflag:s1] =	ssyncadd.s32 $0xFFFFB800  }
0x402: {  	_ =	swait.ge [sflag:s8], $0x4800  }
0x403: {  	[sflag:s8] =	ssyncset.done $0x0  }
0x404: {  	s18 =	simm.s32 $0x0;
	s16 =	sadd.s32 $0x1200, s14;
	[sflag:s8] =	ssyncadd.s32 $0xFFFFB800  }
.LBB2_27:
0x405: {  	s19 =	sshrl.u32 s18, $0x3  }
0x406: {  	s20 =	sand.u32 $0x7, s17;
	s19 =	smul.u32 $0x6000, s19  }
0x407: {  	s20 =	sshll.u32 s20, $0x9  }
0x408: {  	s19 =	sor.u32 s20, s19  }
0x409: {  	s19 =	sshra.s32 s19, $0x2  }
0x40a: {  	s19 =	sadd.s32 $0x3C0, s19  }
0x40b: {  	v3 =	vld [tilespmem:s19+$0xFFFFFFC0]  }
0x40c: {  	v4 =	vld [tilespmem:s19+$0x30]  }
0x40d: {  	v5 =	vld [tilespmem:s19+$0xFFFFFFD0]  }
0x40e: {  	v6 =	vld [tilespmem:s19+$0xFFFFFFE0]  }
0x40f: {  	v7 =	vld [tilespmem:s19+$0x20]  }
0x410: {  	v3 =	vadd.f32 v3, v3  }
0x411: {  	v4 =	vadd.f32 v4, v4  }
0x412: {  	v8 =	vld [tilespmem:s19+$0x10];
	v5 =	vadd.f32 v5, v5;
	v3 =	vmul.f32 $1.442695020e+00, v3  }
0x413: {  	v9 =	vld [tilespmem:s19+$0x0];
	v6 =	vadd.f32 v6, v6;
	v4 =	vmul.f32 $1.442695020e+00, v4  }
0x414: {  	v7 =	vadd.f32 v7, v7;
	(erf) = vpow2.f32 v3;
	v3 =	vmul.f32 $1.442695020e+00, v5;
	v5 =	vld [tilespmem:s19+$0xFFFFFFF0]  }
0x415: {  	v6 =	vmul.f32 $1.442695020e+00, v6;
	(erf) = vpow2.f32 v4  }
0x416: {  	v4 =	vmul.f32 $1.442695020e+00, v7;
	(erf) = vpow2.f32 v3  }
0x417: {  	(erf) = vpow2.f32 v6  }
0x418: {  	(erf) = vpow2.f32 v4;
	v4 =	vadd.f32 v9, v9  }
0x419: {  	v3 =	vadd.f32 v8, v8;
	v5 =	vadd.f32 v5, v5  }
0x41a: {  	v4 =	vmul.f32 $1.442695020e+00, v4  }
0x41b: {  	s19 =	sadd.s32 $0x400, s19;
	v3 =	vmul.f32 $1.442695020e+00, v3;
	v5 =	vmul.f32 $1.442695020e+00, v5  }
0x41c: {  	v6 =	vld [tilespmem:s19+$0xFFFFFFC0]  }
0x41d: {  	v8 =	vld [tilespmem:s19+$0xFFFFFFD0];
	(erf) = vpow2.f32 v3;
	v7 =	vpop (erf)  }
0x41e: {  	v3 =	vld [tilespmem:s19+$0x30];
	(erf) = vpow2.f32 v4;
	v4 =	vpop (erf)  }
0x41f: {  	(erf) = vpow2.f32 v5;
	v7 =	vadd.f32 $1.000000000e+00, v7;
	v5 =	vpop (erf)  }
0x420: {  	v9 =	vld [tilespmem:s19+$0xFFFFFFE0];
	v4 =	vadd.f32 $1.000000000e+00, v4;
	v11 =	vpop (erf)  }
0x421: {  	v10 =	vld [tilespmem:s19+$0x20];
	v6 =	vadd.f32 v6, v6;
	v12 =	vpop (erf);
	(erf) = vrcp.f32 v7  }
0x422: {  	v7 =	vadd.f32 $1.000000000e+00, v12;
	(erf) = vrcp.f32 v4;
	v4 =	vadd.f32 v8, v8;
	v8 =	vld [tilespmem:s19+$0x10]  }
0x423: {  	v6 =	vmul.f32 $1.442695020e+00, v6;
	v3 =	vadd.f32 v3, v3  }
0x424: {  	(erf) = vrcp.f32 v7;
	v4 =	vmul.f32 $1.442695020e+00, v4  }
0x425: {  	v9 =	vadd.f32 v9, v9;
	v3 =	vmul.f32 $1.442695020e+00, v3;
	v7 =	vld [tilespmem:s19+$0x0];
	(erf) = vpow2.f32 v6  }
0x426: {  	v10 =	vadd.f32 v10, v10;
	v12 =	vpop (erf);
	v6 =	vld [tilespmem:s19+$0xFFFFFFF0]  }
0x427: {  	v9 =	vmul.f32 $1.442695020e+00, v9;
	v13 =	vpop (erf);
	(erf) = vpow2.f32 v3;
	v8 =	vadd.f32 v8, v8  }
0x428: {  	v10 =	vmul.f32 $1.442695020e+00, v10;
	(erf) = vpow2.f32 v4;
	v4 =	vpop (erf)  }
0x429: {  	v5 =	vadd.f32 $1.000000000e+00, v5;
	(erf) = vpow2.f32 v9;
	v4 =	vadd.f32 $1.000000000e+00, v4  }
0x42a: {  	v9 =	vadd.f32 $1.000000000e+00, v13;
	(erf) = vpow2.f32 v10;
	v7 =	vadd.f32 v7, v7  }
0x42b: {  	(erf) = vrcp.f32 v4;
	v4 =	vadd.f32 v6, v6;
	v6 =	vmul.f32 $1.442695020e+00, v8;
	v8 =	vpop (erf)  }
0x42c: {  	s24 =	sadd.s32 $0x400, s19;
	v11 =	vadd.f32 $1.000000000e+00, v11;
	v7 =	vmul.f32 $1.442695020e+00, v7;
	(erf) = vrcp.f32 v5;
	v10 =	vpop (erf)  }
0x42d: {  	v12 =	vadd.f32 $1.000000000e+00, v12;
	v5 =	vld [tilespmem:s24+$0xFFFFFFC0];
	v8 =	vadd.f32 v8, v8;
	(erf) = vrcp.f32 v9;
	v13 =	vpop (erf)  }
0x42e: {  	v9 =	vld [tilespmem:s24+$0x30];
	v10 =	vadd.f32 v10, v10;
	(erf) = vpow2.f32 v6;
	v14 =	vpop (erf);
	v13 =	vadd.f32 v13, v13  }
0x42f: {  	v6 =	vld [tilespmem:s24+$0x0];
	v16 =	vsub.f32 $1.000000000e+00, v8;
	(erf) = vrcp.f32 v11;
	v8 =	vadd.f32 $1.000000000e+00, v14  }
0x430: {  	v4 =	vmul.f32 $1.442695020e+00, v4;
	v11 =	vld [tilespmem:s24+$0x20];
	(erf) = vpow2.f32 v7;
	v7 =	vpop (erf)  }
0x431: {  	v14 =	vsub.f32 $1.000000000e+00, v10;
	v10 =	vld [tilespmem:s24+$0xFFFFFFD0];
	v15 =	vpop (erf);
	(erf) = vrcp.f32 v12  }
0x432: {  	s31 =	sshll.u32 s18, $0x4;
	v17 =	vsub.f32 $1.000000000e+00, v13;
	v7 =	vadd.f32 $1.000000000e+00, v7;
	v13 =	vpop (erf);
	(erf) = vpow2.f32 v4  }
0x433: {  	s20 =	sand.u32 $0x70, s31;
	v5 =	vadd.f32 v5, v5;
	v12 =	vld [tilespmem:s24+$0xFFFFFFE0];
	(erf) = vrcp.f32 v8;
	v8 =	vpop (erf)  }
0x434: {  	v3 =	vmov s20;
	v9 =	vadd.f32 v9, v9;
	v8 =	vadd.f32 $1.000000000e+00, v8  }
0x435: {  	v19 =	vld [tilespmem:s24+$0xFFFFFFF0];
	v4 =	vadd.f32 $1.000000000e+00, v13;
	v18 =	vmul.f32 $1.442695020e+00, v5;
	v5 =	vadd.f32 v6, v6;
	v6 =	vpop (erf)  }
0x436: {  	v13 =	vld [tilespmem:s24+$0x10];
	v11 =	vadd.f32 v11, v11;
	(erf) = vrcp.f32 v7;
	v10 =	vadd.f32 v10, v10;
	v7 =	vpop (erf)  }
0x437: {  	v9 =	vmul.f32 $1.442695020e+00, v9;
	v20 =	vadd.f32 v6, v6;
	v6 =	vmul.f32 $1.442695020e+00, v5;
	v21 =	vpop (erf)  }
0x438: {  	s21 =	simm.s32 $0x0;
	v11 =	vmul.f32 $1.442695020e+00, v11;
	v12 =	vadd.f32 v12, v12;
	(erf) = vrcp.f32 v8;
	v8 =	vpop (erf)  }
0x439: {  	s21 =	smul.u32 $0x6000, s21;
	v5 =	vadd.f32 v7, v7;
	v10 =	vmul.f32 $1.442695020e+00, v10;
	(erf) = vpow2.f32 v18;
	v7 =	vpop (erf)  }
0x43a: {  	s22 =	sshll.u32 s18, $0x7;
	s23 =	simm.s32 $0x0;
	s25 =	simm.s32 $0x1;
	v19 =	vadd.f32 v19, v19;
	(erf) = vpow2.f32 v9;
	v22 =	vmul.f32 $1.442695020e+00, v12;
	v18 =	vpop (erf)  }
0x43b: {  	s25 =	smul.u32 $0x6000, s25;
	s21 =	sshra.s32 s21, $0x2;
	s20 =	sand.u32 $0xC00, s23;
	v63 =	vadd.f32 $1.000000000e+00, v15;
	v13 =	vadd.f32 v13, v13;
	(erf) = vpow2.f32 v10;
	v62 =	vpop (erf)  }
0x43c: {  	s19 =	sand.u32 $0xC00, s22;
	s22 =	simm.s32 $0x0;
	s20 =	sadd.s32 s20, s21;
	(erf) = vpow2.f32 v22;
	v10 =	vadd.f32 v7, v7;
	v12 =	vadd.f32 $1.000000000e+00, v18;
	v18 =	vpop (erf)  }
0x43d: {  	s29 =	simm.s32 $0x0;
	s22 =	smul.u32 $0x6000, s22;
	s21 =	sadd.s32 s19, s20;
	(erf) = vpow2.f32 v11;
	v7 =	vadd.f32 $1.000000000e+00, v18;
	v11 =	vpop (erf);
	v18 =	vadd.f32 v62, v62  }
0x43e: {  	s30 =	sshra.s32 s25, $0x2;
	s31 =	sand.u32 $0xC00, s29;
	s23 =	simm.s32 $0xFFFFFFFF;
	[tilespmem:v3+s21+$0xAF00 ss:$0x1] =	vst.idx.msk $0xffff, v14;
	v9 =	vadd.f32 v21, v21;
	v13 =	vmul.f32 $1.442695020e+00, v13;
	v14 =	vadd.f32 v11, v11  }
0x43f: {  	s28 =	sand.u32 $0xC00, s23;
	s23 =	simm.s32 $0x10;
	s26 =	sshra.s32 s22, $0x2;
	[tilespmem:v3+s21+$0xAB80 ss:$0x1] =	vst.idx.msk $0xffff, v16;
	v11 =	vmul.f32 $1.442695020e+00, v19;
	(erf) = vrcp.f32 v7;
	v15 =	vsub.f32 $1.000000000e+00, v18  }
0x440: {  	s20 =	sadd.s32 s31, s30;
	s22 =	sadd.s32 s28, s26;
	[tilespmem:v3+s21+$0xAE80 ss:$0x1] =	vst.idx.msk $0xffff, v17;
	s24 =	sadd.s32 $0x400, s24;
	v16 =	vpop (erf);
	v7 =	vsub.f32 $1.000000000e+00, v14;
	(erf) = vrcp.f32 v63;
	v14 =	vsub.f32 $1.000000000e+00, v20  }
.LBB2_28:
0x441: {  	s23 =	sadd.s32 $0x8, s23;
	v17 =	vld [tilespmem:s24+$0xFFFFFFC0];
	v16 =	vadd.f32 v16, v16;
	(erf) = vrcp.f32 v12;
	v12 =	vpop (erf);
	v9 =	vsub.f32 $1.000000000e+00, v9;
	[tilespmem:v3+s21+$0xAE00 ss:$0x1] =	vst.idx.msk $0xffff, v15  }
0x442: {  	v5 =	vsub.f32 $1.000000000e+00, v5;
	v10 =	vsub.f32 $1.000000000e+00, v10;
	s25 =	sshrl.u32 s23, $0x4;
	s26 =	sshll.u32 s23, $0x1C;
	v15 =	vld [tilespmem:s24+$0x30];
	p0 =	slt.u32 s23, $0x28;
	v18 =	vpop (erf);
	(erf) = vpow2.f32 v13;
	[tilespmem:v3+s21+$0xAD00 ss:$0x1] =	vst.idx.msk $0xffff, v14  }
0x443: {  	v8 =	vadd.f32 $1.000000000e+00, v8;
	v12 =	vadd.f32 v12, v12;
	s25 =	smul.u32 $0x6000, s25;
	s26 =	sshra.s32 s26, $0x1F;
	v13 =	vld [tilespmem:s24+$0x0];
	(erf) = vrcp.f32 v4;
	[tilespmem:v3+s21+$0xAD80 ss:$0x1] =	vst.idx.msk $0xffff, v9  }
0x444: {  	v14 =	vadd.f32 $1.000000000e+00, v18;
	v18 =	vsub.f32 $1.000000000e+00, v16;
	v9 =	vld [tilespmem:s24+$0x20];
	(erf) = vpow2.f32 v6;
	v4 =	vpop (erf);
	[tilespmem:v3+s21+$0xAC00 ss:$0x1] =	vst.idx.msk $0xffff, v5  }
0x445: {  	s26 =	sand.u32 $0xC00, s26;
	v12 =	vsub.f32 $1.000000000e+00, v12;
	s25 =	sshra.s32 s25, $0x2;
	v5 =	vld [tilespmem:s24+$0xFFFFFFD0];
	v16 =	vpop (erf);
	(erf) = vrcp.f32 v8;
	[tilespmem:v3+s21+$0xAC80 ss:$0x1] =	vst.idx.msk $0xffff, v10;
	s21 =	sadd.s32 s19, s22  }
0x446: {  	s22 =	smov.u32 s20;
	v8 =	vadd.f32 v17, v17;
	v10 =	vld [tilespmem:s24+$0xFFFFFFE0];
	v17 =	vadd.f32 $1.000000000e+00, v4;
	v4 =	vpop (erf);
	(erf) = vpow2.f32 v11;
	[tilespmem:v3+s21+$0xAF00 ss:$0x1] =	vst.idx.msk $0xffff, v18;
	s20 =	sadd.s32 s26, s25  }
0x447: {  	v11 =	vld [tilespmem:s24+$0x10];
	v15 =	vadd.f32 v15, v15;
	v4 =	vadd.f32 $1.000000000e+00, v4;
	(erf) = vrcp.f32 v14;
	v6 =	vpop (erf);
	[tilespmem:v3+s21+$0xAE80 ss:$0x1] =	vst.idx.msk $0xffff, v12  }
0x448: {  	v12 =	vmul.f32 $1.442695020e+00, v8;
	v14 =	vld [tilespmem:s24+$0xFFFFFFF0];
	v19 =	vadd.f32 v13, v13;
	v13 =	vadd.f32 $1.000000000e+00, v6;
	[tilespmem:v3+s21+$0xAB80 ss:$0x1] =	vst.idx.msk $0xffff, v7;
	v6 =	vpop (erf)  }
0x449: {  	v7 =	vadd.f32 v9, v9;
	(erf) = vrcp.f32 v17;
	v17 =	vadd.f32 v6, v6;
	v9 =	vpop (erf)  }
0x44a: {  	v18 =	vadd.f32 v5, v5;
	v6 =	vmul.f32 $1.442695020e+00, v19;
	v5 =	vadd.f32 v9, v9;
	v9 =	vpop (erf)  }
0x44b: {  	v10 =	vadd.f32 v10, v10;
	v7 =	vmul.f32 $1.442695020e+00, v7;
	v8 =	vpop (erf);
	(erf) = vrcp.f32 v13  }
0x44c: {  	v13 =	vmul.f32 $1.442695020e+00, v15;
	v21 =	vadd.f32 v11, v11;
	(erf) = vpow2.f32 v12;
	v15 =	vpop (erf)  }
0x44d: {  	v9 =	vadd.f32 v9, v9;
	v18 =	vmul.f32 $1.442695020e+00, v18;
	v14 =	vadd.f32 v14, v14;
	v12 =	vpop (erf)  }
0x44e: {  	v19 =	vmul.f32 $1.442695020e+00, v10;
	(erf) = vpow2.f32 v13;
	v12 =	vadd.f32 $1.000000000e+00, v12;
	v20 =	vpop (erf)  }
.Ltmp12:
0x44f: {  	v10 =	vadd.f32 v15, v15;
	v13 =	vmul.f32 $1.442695020e+00, v21;
	(erf) = vpow2.f32 v18;
	v11 =	vpop (erf);
	(pc) =	sbr.rel @p0 .LBB2_28-.Ltmp12, $4  }
0x450: {  	v18 =	vadd.f32 v20, v20;
	(erf) = vpow2.f32 v19;
	v15 =	vadd.f32 $1.000000000e+00, v11;
	v11 =	vpop (erf)  }
0x451: {  	v19 =	vadd.f32 $1.000000000e+00, v16;
	(erf) = vpow2.f32 v7;
	v7 =	vadd.f32 v11, v11  }
0x452: {  	v11 =	vmul.f32 $1.442695020e+00, v14;
	(erf) = vrcp.f32 v15;
	v16 =	vpop (erf);
	v15 =	vsub.f32 $1.000000000e+00, v18  }
0x453: {  	s24 =	sadd.s32 $0x400, s24;
	v14 =	vsub.f32 $1.000000000e+00, v17;
	v7 =	vsub.f32 $1.000000000e+00, v7;
	(erf) = vrcp.f32 v19  }
0x454: {  	(erf) = vrcp.f32 v12  }
0x455: {  	v31 =	vpop (erf);
	(erf) = vpow2.f32 v13  }
0x456: {  	v8 =	vadd.f32 $1.000000000e+00, v8;
	v32 =	vpop (erf);
	(erf) = vrcp.f32 v4  }
0x457: {  	(erf) = vpow2.f32 v6;
	v33 =	vpop (erf)  }
0x458: {  	v34 =	vpop (erf);
	(erf) = vrcp.f32 v8  }
0x459: {  	v35 =	vpop (erf);
	(erf) = vpow2.f32 v11  }
0x45a: {  	v36 =	vpop (erf)  }
0x45b: {  	v17 =	vpop (erf)  }
0x45c: {  	v18 =	vpop (erf)  }
0x45d: {  	v19 =	vpop (erf)  }
0x45e: {  	v20 =	vpop (erf)  }
0x45f: {  	v21 =	vpop (erf)  }
0x460: {  	v13 =	vadd.f32 $1.000000000e+00, v32;
	v22 =	vpop (erf)  }
0x461: {  	v41 =	vsub.f32 $1.000000000e+00, v9;
	v4 =	vadd.f32 $1.000000000e+00, v33;
	v23 =	vpop (erf)  }
0x462: {  	v43 =	vadd.f32 v16, v16;
	v11 =	vadd.f32 $1.000000000e+00, v36;
	(erf) = vrcp.f32 v13;
	v37 =	vpop (erf)  }
0x463: {  	[tilespmem:v3+s21+$0xAE00 ss:$0x1] =	vst.idx.msk $0xffff, v15;
	v5 =	vsub.f32 $1.000000000e+00, v5;
	(erf) = vrcp.f32 v4;
	v38 =	vadd.f32 $1.000000000e+00, v37  }
0x464: {  	v44 =	vsub.f32 $1.000000000e+00, v10;
	s22 =	sadd.s32 s19, s22;
	[tilespmem:v3+s21+$0xAD00 ss:$0x1] =	vst.idx.msk $0xffff, v14;
	v6 =	vadd.f32 $1.000000000e+00, v34;
	(erf) = vrcp.f32 v11  }
0x465: {  	v45 =	vadd.f32 v31, v31;
	[tilespmem:v3+s22+$0xAB80 ss:$0x1] =	vst.idx.msk $0xffff, v7;
	v39 =	vadd.f32 $1.000000000e+00, v22;
	(erf) = vrcp.f32 v38  }
0x466: {  	[tilespmem:v3+s21+$0xAD80 ss:$0x1] =	vst.idx.msk $0xffff, v41;
	v46 =	vsub.f32 $1.000000000e+00, v43;
	v40 =	vadd.f32 $1.000000000e+00, v35;
	(erf) = vrcp.f32 v6  }
0x467: {  	[tilespmem:v3+s21+$0xAC00 ss:$0x1] =	vst.idx.msk $0xffff, v5;
	v54 =	vadd.f32 v18, v18;
	v42 =	vadd.f32 $1.000000000e+00, v20;
	(erf) = vrcp.f32 v39  }
0x468: {  	[tilespmem:v3+s21+$0xAC80 ss:$0x1] =	vst.idx.msk $0xffff, v44;
	v47 =	vsub.f32 $1.000000000e+00, v45;
	v52 =	vadd.f32 v19, v19;
	(erf) = vrcp.f32 v40  }
0x469: {  	[tilespmem:v3+s22+$0xAF00 ss:$0x1] =	vst.idx.msk $0xffff, v46;
	v50 =	vadd.f32 v17, v17;
	v7 =	vsub.f32 $1.000000000e+00, v54;
	(erf) = vrcp.f32 v42  }
0x46a: {  	[tilespmem:v3+s22+$0xAE80 ss:$0x1] =	vst.idx.msk $0xffff, v47;
	v56 =	vadd.f32 v21, v21;
	v5 =	vsub.f32 $1.000000000e+00, v52  }
0x46b: {  	[tilespmem:v3+s22+$0xAC00 ss:$0x1] =	vst.idx.msk $0xffff, v7;
	v49 =	vadd.f32 v23, v23;
	v4 =	vsub.f32 $1.000000000e+00, v50;
	v48 =	vpop (erf)  }
0x46c: {  	v12 =	vsub.f32 $1.000000000e+00, v56;
	[tilespmem:v3+s22+$0xAD80 ss:$0x1] =	vst.idx.msk $0xffff, v5;
	v51 =	vpop (erf);
	v6 =	vadd.f32 v48, v48  }
0x46d: {  	v8 =	vsub.f32 $1.000000000e+00, v49;
	[tilespmem:v3+s22+$0xAD00 ss:$0x1] =	vst.idx.msk $0xffff, v4;
	v53 =	vpop (erf);
	v9 =	vadd.f32 v51, v51  }
0x46e: {  	[tilespmem:v3+s22+$0xAC80 ss:$0x1] =	vst.idx.msk $0xffff, v12;
	v10 =	vadd.f32 v53, v53;
	v6 =	vsub.f32 $1.000000000e+00, v6;
	v55 =	vpop (erf)  }
0x46f: {  	s31 =	sadd.s32 s19, s20;
	[tilespmem:v3+s22+$0xAE00 ss:$0x1] =	vst.idx.msk $0xffff, v8;
	v9 =	vsub.f32 $1.000000000e+00, v9;
	v57 =	vpop (erf);
	v61 =	vadd.f32 v55, v55  }
0x470: {  	v10 =	vsub.f32 $1.000000000e+00, v10;
	[tilespmem:v3+s31+$0xAB80 ss:$0x1] =	vst.idx.msk $0xffff, v6;
	v58 =	vpop (erf);
	v62 =	vadd.f32 v57, v57  }
0x471: {  	s18 =	sadd.s32 $0x1, s18;
	[tilespmem:v3+s31+$0xAF00 ss:$0x1] =	vst.idx.msk $0xffff, v9;
	v59 =	vpop (erf);
	v4 =	vadd.f32 v58, v58;
	v63 =	vsub.f32 $1.000000000e+00, v61  }
0x472: {  	p0 =	sne.s32 s18, $0x18;
	[tilespmem:v3+s31+$0xAE80 ss:$0x1] =	vst.idx.msk $0xffff, v10;
	v60 =	vpop (erf);
	v5 =	vadd.f32 v59, v59;
	v6 =	vsub.f32 $1.000000000e+00, v62  }
.Ltmp13:
0x473: {  	v7 =	vadd.f32 v60, v60;
	v4 =	vsub.f32 $1.000000000e+00, v4;
	[tilespmem:v3+s31+$0xAD00 ss:$0x1] =	vst.idx.msk $0xffff, v63;
	(pc) =	sbr.rel @p0 .LBB2_27-.Ltmp13, $4  }
0x474: {  	v5 =	vsub.f32 $1.000000000e+00, v5;
	[tilespmem:v3+s31+$0xAC00 ss:$0x1] =	vst.idx.msk $0xffff, v6  }
0x475: {  	v7 =	vsub.f32 $1.000000000e+00, v7;
	[tilespmem:v3+s31+$0xAD80 ss:$0x1] =	vst.idx.msk $0xffff, v4  }
0x476: {  	[tilespmem:v3+s31+$0xAC80 ss:$0x1] =	vst.idx.msk $0xffff, v5  }
0x477: {  	s17 =	sadd.s32 $0x1, s17;
	[tilespmem:v3+s31+$0xAE00 ss:$0x1] =	vst.idx.msk $0xffff, v7  }
0x478: {  	[hbm4b:s16+s0] =	stream.strided.scatter [tilespmem:s11], [sflag:$0x3], $0x4800, s5, s0, $0x38;
	[tilespmem:$0x18380] =	vst v63  }
0x479: {  	_ =	swait.ge [sflag:s12], $0x6000  }
0x47a: {  	[sflag:s12] =	ssyncset.done $0x0  }
0x47b: {  	[sflag:s12] =	ssyncadd.s32 $0xFFFFA000  }
0x47c: {  	_ =	swait.ge [sflag:s9], $0x4800  }
0x47d: {  	s17 =	sadd.s32 $0x1500, s14;
	[sflag:s9] =	ssyncset.done $0x0  }
0x47e: {  	s16 =	simm.s32 $0x0;
	s18 =	simm.s32 $0x0;
	[sflag:s9] =	ssyncadd.s32 $0xFFFFB800  }
.LBB2_31:
0x47f: {  	s19 =	sshrl.u32 s18, $0x3  }
0x480: {  	s20 =	sand.u32 $0x7, s16;
	s19 =	smul.u32 $0x6000, s19  }
0x481: {  	s20 =	sshll.u32 s20, $0x9  }
0x482: {  	s19 =	sor.u32 s20, s19  }
0x483: {  	s19 =	sshra.s32 s19, $0x2  }
0x484: {  	s19 =	sadd.s32 $0x4BC0, s19  }
0x485: {  	v3 =	vld [tilespmem:s19+$0xFFFFFFC0]  }
0x486: {  	v4 =	vld [tilespmem:s19+$0x30]  }
0x487: {  	v5 =	vld [tilespmem:s19+$0xFFFFFFD0]  }
0x488: {  	v6 =	vld [tilespmem:s19+$0xFFFFFFE0]  }
0x489: {  	v7 =	vld [tilespmem:s19+$0x20]  }
0x48a: {  	v3 =	vadd.f32 v3, v3  }
0x48b: {  	v4 =	vadd.f32 v4, v4  }
0x48c: {  	v8 =	vld [tilespmem:s19+$0x10];
	v5 =	vadd.f32 v5, v5;
	v3 =	vmul.f32 $1.442695020e+00, v3  }
0x48d: {  	v9 =	vld [tilespmem:s19+$0x0];
	v6 =	vadd.f32 v6, v6;
	v4 =	vmul.f32 $1.442695020e+00, v4  }
0x48e: {  	v7 =	vadd.f32 v7, v7;
	(erf) = vpow2.f32 v3;
	v3 =	vmul.f32 $1.442695020e+00, v5;
	v5 =	vld [tilespmem:s19+$0xFFFFFFF0]  }
0x48f: {  	v6 =	vmul.f32 $1.442695020e+00, v6;
	(erf) = vpow2.f32 v4  }
0x490: {  	v4 =	vmul.f32 $1.442695020e+00, v7;
	(erf) = vpow2.f32 v3  }
0x491: {  	(erf) = vpow2.f32 v6  }
0x492: {  	(erf) = vpow2.f32 v4;
	v4 =	vadd.f32 v9, v9  }
0x493: {  	v3 =	vadd.f32 v8, v8;
	v5 =	vadd.f32 v5, v5  }
0x494: {  	v4 =	vmul.f32 $1.442695020e+00, v4  }
0x495: {  	s19 =	sadd.s32 $0x400, s19;
	v3 =	vmul.f32 $1.442695020e+00, v3;
	v5 =	vmul.f32 $1.442695020e+00, v5  }
0x496: {  	v6 =	vld [tilespmem:s19+$0xFFFFFFC0]  }
0x497: {  	v8 =	vld [tilespmem:s19+$0xFFFFFFD0];
	(erf) = vpow2.f32 v3;
	v7 =	vpop (erf)  }
0x498: {  	v3 =	vld [tilespmem:s19+$0x30];
	(erf) = vpow2.f32 v4;
	v4 =	vpop (erf)  }
0x499: {  	(erf) = vpow2.f32 v5;
	v7 =	vadd.f32 $1.000000000e+00, v7;
	v5 =	vpop (erf)  }
0x49a: {  	v9 =	vld [tilespmem:s19+$0xFFFFFFE0];
	v4 =	vadd.f32 $1.000000000e+00, v4;
	v11 =	vpop (erf)  }
0x49b: {  	v10 =	vld [tilespmem:s19+$0x20];
	v6 =	vadd.f32 v6, v6;
	v12 =	vpop (erf);
	(erf) = vrcp.f32 v7  }
0x49c: {  	v7 =	vadd.f32 $1.000000000e+00, v12;
	(erf) = vrcp.f32 v4;
	v4 =	vadd.f32 v8, v8;
	v8 =	vld [tilespmem:s19+$0x10]  }
0x49d: {  	v6 =	vmul.f32 $1.442695020e+00, v6;
	v3 =	vadd.f32 v3, v3  }
0x49e: {  	(erf) = vrcp.f32 v7;
	v4 =	vmul.f32 $1.442695020e+00, v4  }
0x49f: {  	v9 =	vadd.f32 v9, v9;
	v3 =	vmul.f32 $1.442695020e+00, v3;
	v7 =	vld [tilespmem:s19+$0x0];
	(erf) = vpow2.f32 v6  }
0x4a0: {  	v10 =	vadd.f32 v10, v10;
	v12 =	vpop (erf);
	v6 =	vld [tilespmem:s19+$0xFFFFFFF0]  }
0x4a1: {  	v9 =	vmul.f32 $1.442695020e+00, v9;
	v13 =	vpop (erf);
	(erf) = vpow2.f32 v3;
	v8 =	vadd.f32 v8, v8  }
0x4a2: {  	v10 =	vmul.f32 $1.442695020e+00, v10;
	(erf) = vpow2.f32 v4;
	v4 =	vpop (erf)  }
0x4a3: {  	v5 =	vadd.f32 $1.000000000e+00, v5;
	(erf) = vpow2.f32 v9;
	v4 =	vadd.f32 $1.000000000e+00, v4  }
0x4a4: {  	v9 =	vadd.f32 $1.000000000e+00, v13;
	(erf) = vpow2.f32 v10;
	v7 =	vadd.f32 v7, v7  }
0x4a5: {  	(erf) = vrcp.f32 v4;
	v4 =	vadd.f32 v6, v6;
	v6 =	vmul.f32 $1.442695020e+00, v8;
	v8 =	vpop (erf)  }
0x4a6: {  	s24 =	sadd.s32 $0x400, s19;
	v11 =	vadd.f32 $1.000000000e+00, v11;
	v7 =	vmul.f32 $1.442695020e+00, v7;
	(erf) = vrcp.f32 v5;
	v10 =	vpop (erf)  }
0x4a7: {  	v12 =	vadd.f32 $1.000000000e+00, v12;
	v5 =	vld [tilespmem:s24+$0xFFFFFFC0];
	v8 =	vadd.f32 v8, v8;
	(erf) = vrcp.f32 v9;
	v13 =	vpop (erf)  }
0x4a8: {  	v9 =	vld [tilespmem:s24+$0x30];
	v10 =	vadd.f32 v10, v10;
	(erf) = vpow2.f32 v6;
	v14 =	vpop (erf);
	v13 =	vadd.f32 v13, v13  }
0x4a9: {  	v6 =	vld [tilespmem:s24+$0x0];
	v16 =	vsub.f32 $1.000000000e+00, v8;
	(erf) = vrcp.f32 v11;
	v8 =	vadd.f32 $1.000000000e+00, v14  }
0x4aa: {  	v4 =	vmul.f32 $1.442695020e+00, v4;
	v11 =	vld [tilespmem:s24+$0x20];
	(erf) = vpow2.f32 v7;
	v7 =	vpop (erf)  }
0x4ab: {  	v14 =	vsub.f32 $1.000000000e+00, v10;
	v10 =	vld [tilespmem:s24+$0xFFFFFFD0];
	v15 =	vpop (erf);
	(erf) = vrcp.f32 v12  }
0x4ac: {  	s31 =	sshll.u32 s18, $0x4;
	v17 =	vsub.f32 $1.000000000e+00, v13;
	v7 =	vadd.f32 $1.000000000e+00, v7;
	v13 =	vpop (erf);
	(erf) = vpow2.f32 v4  }
0x4ad: {  	s20 =	sand.u32 $0x70, s31;
	v5 =	vadd.f32 v5, v5;
	v12 =	vld [tilespmem:s24+$0xFFFFFFE0];
	(erf) = vrcp.f32 v8;
	v8 =	vpop (erf)  }
0x4ae: {  	v3 =	vmov s20;
	v9 =	vadd.f32 v9, v9;
	v8 =	vadd.f32 $1.000000000e+00, v8  }
0x4af: {  	v19 =	vld [tilespmem:s24+$0xFFFFFFF0];
	v4 =	vadd.f32 $1.000000000e+00, v13;
	v18 =	vmul.f32 $1.442695020e+00, v5;
	v5 =	vadd.f32 v6, v6;
	v6 =	vpop (erf)  }
0x4b0: {  	v13 =	vld [tilespmem:s24+$0x10];
	v11 =	vadd.f32 v11, v11;
	(erf) = vrcp.f32 v7;
	v10 =	vadd.f32 v10, v10;
	v7 =	vpop (erf)  }
0x4b1: {  	v9 =	vmul.f32 $1.442695020e+00, v9;
	v20 =	vadd.f32 v6, v6;
	v6 =	vmul.f32 $1.442695020e+00, v5;
	v21 =	vpop (erf)  }
0x4b2: {  	s21 =	simm.s32 $0x0;
	v11 =	vmul.f32 $1.442695020e+00, v11;
	v12 =	vadd.f32 v12, v12;
	(erf) = vrcp.f32 v8;
	v8 =	vpop (erf)  }
0x4b3: {  	s21 =	smul.u32 $0x6000, s21;
	v5 =	vadd.f32 v7, v7;
	v10 =	vmul.f32 $1.442695020e+00, v10;
	(erf) = vpow2.f32 v18;
	v7 =	vpop (erf)  }
0x4b4: {  	s22 =	sshll.u32 s18, $0x7;
	s23 =	simm.s32 $0x0;
	s25 =	simm.s32 $0x1;
	v19 =	vadd.f32 v19, v19;
	(erf) = vpow2.f32 v9;
	v22 =	vmul.f32 $1.442695020e+00, v12;
	v18 =	vpop (erf)  }
0x4b5: {  	s25 =	smul.u32 $0x6000, s25;
	s21 =	sshra.s32 s21, $0x2;
	s20 =	sand.u32 $0xC00, s23;
	v63 =	vadd.f32 $1.000000000e+00, v15;
	v13 =	vadd.f32 v13, v13;
	(erf) = vpow2.f32 v10;
	v62 =	vpop (erf)  }
0x4b6: {  	s19 =	sand.u32 $0xC00, s22;
	s22 =	simm.s32 $0x0;
	s20 =	sadd.s32 s20, s21;
	(erf) = vpow2.f32 v22;
	v10 =	vadd.f32 v7, v7;
	v12 =	vadd.f32 $1.000000000e+00, v18;
	v18 =	vpop (erf)  }
0x4b7: {  	s29 =	simm.s32 $0x0;
	s22 =	smul.u32 $0x6000, s22;
	s21 =	sadd.s32 s19, s20;
	(erf) = vpow2.f32 v11;
	v7 =	vadd.f32 $1.000000000e+00, v18;
	v11 =	vpop (erf);
	v18 =	vadd.f32 v62, v62  }
0x4b8: {  	s30 =	sshra.s32 s25, $0x2;
	s31 =	sand.u32 $0xC00, s29;
	s23 =	simm.s32 $0xFFFFFFFF;
	[tilespmem:v3+s21+$0xF700 ss:$0x1] =	vst.idx.msk $0xffff, v14;
	v9 =	vadd.f32 v21, v21;
	v13 =	vmul.f32 $1.442695020e+00, v13;
	v14 =	vadd.f32 v11, v11  }
0x4b9: {  	s28 =	sand.u32 $0xC00, s23;
	s23 =	simm.s32 $0x10;
	s26 =	sshra.s32 s22, $0x2;
	[tilespmem:v3+s21+$0xF380 ss:$0x1] =	vst.idx.msk $0xffff, v16;
	v11 =	vmul.f32 $1.442695020e+00, v19;
	(erf) = vrcp.f32 v7;
	v15 =	vsub.f32 $1.000000000e+00, v18  }
0x4ba: {  	s20 =	sadd.s32 s31, s30;
	s22 =	sadd.s32 s28, s26;
	[tilespmem:v3+s21+$0xF680 ss:$0x1] =	vst.idx.msk $0xffff, v17;
	s24 =	sadd.s32 $0x400, s24;
	v16 =	vpop (erf);
	v7 =	vsub.f32 $1.000000000e+00, v14;
	(erf) = vrcp.f32 v63;
	v14 =	vsub.f32 $1.000000000e+00, v20  }
.LBB2_32:
0x4bb: {  	s23 =	sadd.s32 $0x8, s23;
	v17 =	vld [tilespmem:s24+$0xFFFFFFC0];
	v16 =	vadd.f32 v16, v16;
	(erf) = vrcp.f32 v12;
	v12 =	vpop (erf);
	v9 =	vsub.f32 $1.000000000e+00, v9;
	[tilespmem:v3+s21+$0xF600 ss:$0x1] =	vst.idx.msk $0xffff, v15  }
0x4bc: {  	v5 =	vsub.f32 $1.000000000e+00, v5;
	v10 =	vsub.f32 $1.000000000e+00, v10;
	s25 =	sshrl.u32 s23, $0x4;
	s26 =	sshll.u32 s23, $0x1C;
	v15 =	vld [tilespmem:s24+$0x30];
	p0 =	slt.u32 s23, $0x28;
	v18 =	vpop (erf);
	(erf) = vpow2.f32 v13;
	[tilespmem:v3+s21+$0xF500 ss:$0x1] =	vst.idx.msk $0xffff, v14  }
0x4bd: {  	v8 =	vadd.f32 $1.000000000e+00, v8;
	v12 =	vadd.f32 v12, v12;
	s25 =	smul.u32 $0x6000, s25;
	s26 =	sshra.s32 s26, $0x1F;
	v13 =	vld [tilespmem:s24+$0x0];
	(erf) = vrcp.f32 v4;
	[tilespmem:v3+s21+$0xF580 ss:$0x1] =	vst.idx.msk $0xffff, v9  }
0x4be: {  	v14 =	vadd.f32 $1.000000000e+00, v18;
	v18 =	vsub.f32 $1.000000000e+00, v16;
	v9 =	vld [tilespmem:s24+$0x20];
	(erf) = vpow2.f32 v6;
	v4 =	vpop (erf);
	[tilespmem:v3+s21+$0xF400 ss:$0x1] =	vst.idx.msk $0xffff, v5  }
0x4bf: {  	s26 =	sand.u32 $0xC00, s26;
	v12 =	vsub.f32 $1.000000000e+00, v12;
	s25 =	sshra.s32 s25, $0x2;
	v5 =	vld [tilespmem:s24+$0xFFFFFFD0];
	v16 =	vpop (erf);
	(erf) = vrcp.f32 v8;
	[tilespmem:v3+s21+$0xF480 ss:$0x1] =	vst.idx.msk $0xffff, v10;
	s21 =	sadd.s32 s19, s22  }
0x4c0: {  	s22 =	smov.u32 s20;
	v8 =	vadd.f32 v17, v17;
	v10 =	vld [tilespmem:s24+$0xFFFFFFE0];
	v17 =	vadd.f32 $1.000000000e+00, v4;
	v4 =	vpop (erf);
	(erf) = vpow2.f32 v11;
	[tilespmem:v3+s21+$0xF700 ss:$0x1] =	vst.idx.msk $0xffff, v18;
	s20 =	sadd.s32 s26, s25  }
0x4c1: {  	v11 =	vld [tilespmem:s24+$0x10];
	v15 =	vadd.f32 v15, v15;
	v4 =	vadd.f32 $1.000000000e+00, v4;
	(erf) = vrcp.f32 v14;
	v6 =	vpop (erf);
	[tilespmem:v3+s21+$0xF680 ss:$0x1] =	vst.idx.msk $0xffff, v12  }
0x4c2: {  	v12 =	vmul.f32 $1.442695020e+00, v8;
	v14 =	vld [tilespmem:s24+$0xFFFFFFF0];
	v19 =	vadd.f32 v13, v13;
	v13 =	vadd.f32 $1.000000000e+00, v6;
	[tilespmem:v3+s21+$0xF380 ss:$0x1] =	vst.idx.msk $0xffff, v7;
	v6 =	vpop (erf)  }
0x4c3: {  	v7 =	vadd.f32 v9, v9;
	(erf) = vrcp.f32 v17;
	v17 =	vadd.f32 v6, v6;
	v9 =	vpop (erf)  }
0x4c4: {  	v18 =	vadd.f32 v5, v5;
	v6 =	vmul.f32 $1.442695020e+00, v19;
	v5 =	vadd.f32 v9, v9;
	v9 =	vpop (erf)  }
0x4c5: {  	v10 =	vadd.f32 v10, v10;
	v7 =	vmul.f32 $1.442695020e+00, v7;
	v8 =	vpop (erf);
	(erf) = vrcp.f32 v13  }
0x4c6: {  	v13 =	vmul.f32 $1.442695020e+00, v15;
	v21 =	vadd.f32 v11, v11;
	(erf) = vpow2.f32 v12;
	v15 =	vpop (erf)  }
0x4c7: {  	v9 =	vadd.f32 v9, v9;
	v18 =	vmul.f32 $1.442695020e+00, v18;
	v14 =	vadd.f32 v14, v14;
	v12 =	vpop (erf)  }
0x4c8: {  	v19 =	vmul.f32 $1.442695020e+00, v10;
	(erf) = vpow2.f32 v13;
	v12 =	vadd.f32 $1.000000000e+00, v12;
	v20 =	vpop (erf)  }
.Ltmp14:
0x4c9: {  	v10 =	vadd.f32 v15, v15;
	v13 =	vmul.f32 $1.442695020e+00, v21;
	(erf) = vpow2.f32 v18;
	v11 =	vpop (erf);
	(pc) =	sbr.rel @p0 .LBB2_32-.Ltmp14, $4  }
0x4ca: {  	v18 =	vadd.f32 v20, v20;
	(erf) = vpow2.f32 v19;
	v15 =	vadd.f32 $1.000000000e+00, v11;
	v11 =	vpop (erf)  }
0x4cb: {  	v19 =	vadd.f32 $1.000000000e+00, v16;
	(erf) = vpow2.f32 v7;
	v7 =	vadd.f32 v11, v11  }
0x4cc: {  	v11 =	vmul.f32 $1.442695020e+00, v14;
	(erf) = vrcp.f32 v15;
	v16 =	vpop (erf);
	v15 =	vsub.f32 $1.000000000e+00, v18  }
0x4cd: {  	s24 =	sadd.s32 $0x400, s24;
	v14 =	vsub.f32 $1.000000000e+00, v17;
	v7 =	vsub.f32 $1.000000000e+00, v7;
	(erf) = vrcp.f32 v19  }
0x4ce: {  	(erf) = vrcp.f32 v12  }
0x4cf: {  	v31 =	vpop (erf);
	(erf) = vpow2.f32 v13  }
0x4d0: {  	v8 =	vadd.f32 $1.000000000e+00, v8;
	v32 =	vpop (erf);
	(erf) = vrcp.f32 v4  }
0x4d1: {  	(erf) = vpow2.f32 v6;
	v33 =	vpop (erf)  }
0x4d2: {  	v34 =	vpop (erf);
	(erf) = vrcp.f32 v8  }
0x4d3: {  	v35 =	vpop (erf);
	(erf) = vpow2.f32 v11  }
0x4d4: {  	v36 =	vpop (erf)  }
0x4d5: {  	v17 =	vpop (erf)  }
0x4d6: {  	v18 =	vpop (erf)  }
0x4d7: {  	v19 =	vpop (erf)  }
0x4d8: {  	v20 =	vpop (erf)  }
0x4d9: {  	v21 =	vpop (erf)  }
0x4da: {  	v13 =	vadd.f32 $1.000000000e+00, v32;
	v22 =	vpop (erf)  }
0x4db: {  	v41 =	vsub.f32 $1.000000000e+00, v9;
	v4 =	vadd.f32 $1.000000000e+00, v33;
	v23 =	vpop (erf)  }
0x4dc: {  	v43 =	vadd.f32 v16, v16;
	v11 =	vadd.f32 $1.000000000e+00, v36;
	(erf) = vrcp.f32 v13;
	v37 =	vpop (erf)  }
0x4dd: {  	[tilespmem:v3+s21+$0xF600 ss:$0x1] =	vst.idx.msk $0xffff, v15;
	v5 =	vsub.f32 $1.000000000e+00, v5;
	(erf) = vrcp.f32 v4;
	v38 =	vadd.f32 $1.000000000e+00, v37  }
0x4de: {  	v44 =	vsub.f32 $1.000000000e+00, v10;
	s22 =	sadd.s32 s19, s22;
	[tilespmem:v3+s21+$0xF500 ss:$0x1] =	vst.idx.msk $0xffff, v14;
	v6 =	vadd.f32 $1.000000000e+00, v34;
	(erf) = vrcp.f32 v11  }
0x4df: {  	v45 =	vadd.f32 v31, v31;
	[tilespmem:v3+s22+$0xF380 ss:$0x1] =	vst.idx.msk $0xffff, v7;
	v39 =	vadd.f32 $1.000000000e+00, v22;
	(erf) = vrcp.f32 v38  }
0x4e0: {  	[tilespmem:v3+s21+$0xF580 ss:$0x1] =	vst.idx.msk $0xffff, v41;
	v46 =	vsub.f32 $1.000000000e+00, v43;
	v40 =	vadd.f32 $1.000000000e+00, v35;
	(erf) = vrcp.f32 v6  }
0x4e1: {  	[tilespmem:v3+s21+$0xF400 ss:$0x1] =	vst.idx.msk $0xffff, v5;
	v54 =	vadd.f32 v18, v18;
	v42 =	vadd.f32 $1.000000000e+00, v20;
	(erf) = vrcp.f32 v39  }
0x4e2: {  	[tilespmem:v3+s21+$0xF480 ss:$0x1] =	vst.idx.msk $0xffff, v44;
	v47 =	vsub.f32 $1.000000000e+00, v45;
	v52 =	vadd.f32 v19, v19;
	(erf) = vrcp.f32 v40  }
0x4e3: {  	[tilespmem:v3+s22+$0xF700 ss:$0x1] =	vst.idx.msk $0xffff, v46;
	v50 =	vadd.f32 v17, v17;
	v7 =	vsub.f32 $1.000000000e+00, v54;
	(erf) = vrcp.f32 v42  }
0x4e4: {  	[tilespmem:v3+s22+$0xF680 ss:$0x1] =	vst.idx.msk $0xffff, v47;
	v56 =	vadd.f32 v21, v21;
	v5 =	vsub.f32 $1.000000000e+00, v52  }
0x4e5: {  	[tilespmem:v3+s22+$0xF400 ss:$0x1] =	vst.idx.msk $0xffff, v7;
	v49 =	vadd.f32 v23, v23;
	v4 =	vsub.f32 $1.000000000e+00, v50;
	v48 =	vpop (erf)  }
0x4e6: {  	v12 =	vsub.f32 $1.000000000e+00, v56;
	[tilespmem:v3+s22+$0xF580 ss:$0x1] =	vst.idx.msk $0xffff, v5;
	v51 =	vpop (erf);
	v6 =	vadd.f32 v48, v48  }
0x4e7: {  	v8 =	vsub.f32 $1.000000000e+00, v49;
	[tilespmem:v3+s22+$0xF500 ss:$0x1] =	vst.idx.msk $0xffff, v4;
	v53 =	vpop (erf);
	v9 =	vadd.f32 v51, v51  }
0x4e8: {  	[tilespmem:v3+s22+$0xF480 ss:$0x1] =	vst.idx.msk $0xffff, v12;
	v10 =	vadd.f32 v53, v53;
	v6 =	vsub.f32 $1.000000000e+00, v6;
	v55 =	vpop (erf)  }
0x4e9: {  	s31 =	sadd.s32 s19, s20;
	[tilespmem:v3+s22+$0xF600 ss:$0x1] =	vst.idx.msk $0xffff, v8;
	v9 =	vsub.f32 $1.000000000e+00, v9;
	v57 =	vpop (erf);
	v61 =	vadd.f32 v55, v55  }
0x4ea: {  	v10 =	vsub.f32 $1.000000000e+00, v10;
	[tilespmem:v3+s31+$0xF380 ss:$0x1] =	vst.idx.msk $0xffff, v6;
	v58 =	vpop (erf);
	v62 =	vadd.f32 v57, v57  }
0x4eb: {  	s18 =	sadd.s32 $0x1, s18;
	[tilespmem:v3+s31+$0xF700 ss:$0x1] =	vst.idx.msk $0xffff, v9;
	v59 =	vpop (erf);
	v4 =	vadd.f32 v58, v58;
	v63 =	vsub.f32 $1.000000000e+00, v61  }
0x4ec: {  	p0 =	sne.s32 s18, $0x18;
	[tilespmem:v3+s31+$0xF680 ss:$0x1] =	vst.idx.msk $0xffff, v10;
	v60 =	vpop (erf);
	v5 =	vadd.f32 v59, v59;
	v6 =	vsub.f32 $1.000000000e+00, v62  }
.Ltmp15:
0x4ed: {  	v7 =	vadd.f32 v60, v60;
	v4 =	vsub.f32 $1.000000000e+00, v4;
	[tilespmem:v3+s31+$0xF500 ss:$0x1] =	vst.idx.msk $0xffff, v63;
	(pc) =	sbr.rel @p0 .LBB2_31-.Ltmp15, $4  }
0x4ee: {  	v5 =	vsub.f32 $1.000000000e+00, v5;
	[tilespmem:v3+s31+$0xF400 ss:$0x1] =	vst.idx.msk $0xffff, v6  }
0x4ef: {  	v7 =	vsub.f32 $1.000000000e+00, v7;
	[tilespmem:v3+s31+$0xF580 ss:$0x1] =	vst.idx.msk $0xffff, v4  }
0x4f0: {  	[tilespmem:v3+s31+$0xF480 ss:$0x1] =	vst.idx.msk $0xffff, v5  }
0x4f1: {  	s16 =	sadd.s32 $0x1, s16;
	[tilespmem:v3+s31+$0xF600 ss:$0x1] =	vst.idx.msk $0xffff, v7  }
0x4f2: {  	s16 =	sadd.s32 $0x1, s15;
	p0 =	seq.s32 s15, $0x3  }
0x4f3: {  	s18 =	smul.u32 @!p0 $0x320, s16  }
0x4f4: {  	[hbm4b:s17+s0] =	stream.strided.scatter [tilespmem:s3], [sflag:$0x4], $0x4800, s5, s0, $0x38;
	[tilespmem:$0x18380] =	vst v63  }
0x4f5: {  	s17 =	sshra.s32 @!p0 s18, $0x2  }
0x4f6: {  	v3 =	vld @!p0 [tilespmem:s17+$0x0];
	_ =	sdelay $0x4  }
0x4f7: {  	v4 =	vshrl.u32 @!p0 v3, $0x3  }
0x4f8: {  	v4 =	vmul.u32 @!p0 $0x30, v4  }
0x4f9: {  	v5 =	vlaneseq.u32 @!p0;
	v3 =	vand.u32 @!p0 $0x7, v3  }
0x4fa: {  	v6 =	vshrl.u32 @!p0 v5, $0x3;
	v3 =	vor.u32 @!p0 v3, v4;
	v4 =	vand.u32 @!p0 $0x7, v5  }
0x4fb: {  	v6 =	vmul.u32 @!p0 $0x8, v6;
	v7 =	vperm.xlane @!p0 v3, v4;
	_ =	sdelay $0x1  }
0x4fc: {  	v7 =	vadd.s32 @!p0 v6, v7;
	_ =	sdelay $0x2  }
0x4fd: {  	v5 =	vor.u32 @!p0 $0x8, v5  }
0x4fe: {  	vm1 =	vmmov @!p0 $0xffff;
	s19 =	simm.s32 @!p0 $0x380;
	s18 =	simm.s32 @!p0 $0x0;
	v3 =	vperm.xlane @!p0 v3, v5  }
0x4ff: {  	[tilespmem:s19], [sflag:$0x1] =	stream.indirect_vreg.gather @!p0 [hbm4b:s2+s18], $0x80, v7, vm1, $0xb8;
	[tilespmem:$0x18380] =	vst v63  }
0x500: {  	v3 =	vadd.s32 @!p0 v6, v3;
	s19 =	simm.s32 @!p0 $0xB80  }
0x501: {  	[tilespmem:s19], [sflag:$0x1] =	stream.indirect_vreg.gather @!p0 [hbm4b:s6+s18], $0x80, v7, vm1, $0xb8;
	[tilespmem:$0x18380] =	vst v63  }
0x502: {  	s19 =	simm.s32 @!p0 $0x1380  }
0x503: {  	[tilespmem:s19], [sflag:$0x1] =	stream.indirect_vreg.gather @!p0 [hbm4b:s7+s18], $0x80, v7, vm1, $0xb8;
	[tilespmem:$0x18380] =	vst v63  }
0x504: {  	s19 =	simm.s32 @!p0 $0x1B80  }
0x505: {  	[tilespmem:s19], [sflag:$0x1] =	stream.indirect_vreg.gather @!p0 [hbm4b:s2+s18], $0x80, v3, vm1, $0xb8;
	[tilespmem:$0x18380] =	vst v63  }
0x506: {  	s19 =	simm.s32 @!p0 $0x2380  }
0x507: {  	[tilespmem:s19], [sflag:$0x1] =	stream.indirect_vreg.gather @!p0 [hbm4b:s6+s18], $0x80, v3, vm1, $0xb8;
	[tilespmem:$0x18380] =	vst v63  }
0x508: {  	s19 =	simm.s32 @!p0 $0x2B80  }
0x509: {  	[tilespmem:s19], [sflag:$0x1] =	stream.indirect_vreg.gather @!p0 [hbm4b:s7+s18], $0x80, v3, vm1, $0xb8;
	[tilespmem:$0x18380] =	vst v63  }
0x50a: {  	v3 =	vld.msk @!p0 [tilespmem:s17+$0x10], $0xff;
	_ =	sdelay $0x4  }
0x50b: {  	v5 =	vshrl.u32 @!p0 v3, $0x3  }
0x50c: {  	v5 =	vmul.u32 @!p0 $0x30, v5  }
0x50d: {  	v3 =	vand.u32 @!p0 $0x7, v3  }
0x50e: {  	v3 =	vor.u32 @!p0 v3, v5  }
0x50f: {  	v3 =	vperm.xlane @!p0 v3, v4;
	_ =	sdelay $0x1  }
0x510: {  	v3 =	vadd.s32 @!p0 v6, v3;
	_ =	sdelay $0x3  }
0x511: {  	s17 =	simm.s32 @!p0 $0x3380  }
0x512: {  	[tilespmem:s17], [sflag:$0x1] =	stream.indirect_vreg.gather @!p0 [hbm4b:s2+s18], $0x80, v3, vm1, $0xb8;
	[tilespmem:$0x18380] =	vst v63  }
0x513: {  	s17 =	simm.s32 @!p0 $0x3B80  }
0x514: {  	[tilespmem:s17], [sflag:$0x1] =	stream.indirect_vreg.gather @!p0 [hbm4b:s6+s18], $0x80, v3, vm1, $0xb8;
	[tilespmem:$0x18380] =	vst v63  }
0x515: {  	p1 =	seq.s32 @!p0 s15, $0x0;
	s15 =	simm.s32 @!p0 $0x4380  }
0x516: {  	[tilespmem:s15], [sflag:$0x1] =	stream.indirect_vreg.gather @!p0 [hbm4b:s7+s18], $0x80, v3, vm1, $0xb8;
	[tilespmem:$0x18380] =	vst v63  }
0x517: {  	p0 =	por p0, !p1  }
0x518: {  	_ =	swait.ge @p0 [sflag:s13], $0x4800  }
0x519: {  	[sflag:s13] =	ssyncset.done @p0 $0x0  }
0x51a: {  	[sflag:s13] =	ssyncadd.s32 @p0 $0xFFFFB800  }
0x51b: {  	_ =	swait.ge @p0 [sflag:s13], $0x4800  }
0x51c: {  	[sflag:s13] =	ssyncset.done @p0 $0x0  }
0x51d: {  	[sflag:s13] =	ssyncadd.s32 @p0 $0xFFFFB800  }
0x51e: {  	_ =	swait.ge @p0 [sflag:s13], $0x4800  }
0x51f: {  	[sflag:s13] =	ssyncset.done @p0 $0x0  }
0x520: {  	[sflag:s13] =	ssyncadd.s32 @p0 $0xFFFFB800  }
0x521: {  	_ =	swait.ge @p0 [sflag:s13], $0x4800  }
0x522: {  	[sflag:s13] =	ssyncset.done @p0 $0x0  }
0x523: {  	[sflag:s13] =	ssyncadd.s32 @p0 $0xFFFFB800  }
0x524: {  	_ =	swait.ge @p0 [sflag:s13], $0x4800  }
0x525: {  	[sflag:s13] =	ssyncset.done @p0 $0x0  }
0x526: {  	[sflag:s13] =	ssyncadd.s32 @p0 $0xFFFFB800  }
0x527: {  	_ =	swait.ge @p0 [sflag:s13], $0x4800  }
0x528: {  	[sflag:s13] =	ssyncset.done @p0 $0x0  }
0x529: {  	[sflag:s13] =	ssyncadd.s32 @p0 $0xFFFFB800  }
0x52a: {  	_ =	swait.ge @p0 [sflag:s13], $0x4800  }
0x52b: {  	[sflag:s13] =	ssyncset.done @p0 $0x0  }
0x52c: {  	[sflag:s13] =	ssyncadd.s32 @p0 $0xFFFFB800  }
0x52d: {  	_ =	swait.ge @p0 [sflag:s13], $0x4800  }
0x52e: {  	[sflag:s13] =	ssyncset.done @p0 $0x0  }
0x52f: {  	[sflag:s13] =	ssyncadd.s32 @p0 $0xFFFFB800  }
0x530: {  	_ =	swait.ge @p0 [sflag:s13], $0x4800  }
0x531: {  	[sflag:s13] =	ssyncset.done @p0 $0x0  }
0x532: {  	[sflag:s13] =	ssyncadd.s32 @p0 $0xFFFFB800  }
0x533: {  	_ =	swait.ge @p0 [sflag:s13], $0x4800  }
0x534: {  	[sflag:s13] =	ssyncset.done @p0 $0x0  }
0x535: {  	[sflag:s13] =	ssyncadd.s32 @p0 $0xFFFFB800  }
0x536: {  	_ =	swait.ge @p0 [sflag:s13], $0x4800  }
0x537: {  	[sflag:s13] =	ssyncset.done @p0 $0x0  }
0x538: {  	[sflag:s13] =	ssyncadd.s32 @p0 $0xFFFFB800  }
0x539: {  	_ =	swait.ge @p0 [sflag:s13], $0x4800  }
0x53a: {  	[sflag:s13] =	ssyncset.done @p0 $0x0  }
0x53b: {  	[sflag:s13] =	ssyncadd.s32 @p0 $0xFFFFB800  }
0x53c: {  	_ =	swait.ge @p0 [sflag:s13], $0x4800  }
0x53d: {  	[sflag:s13] =	ssyncset.done @p0 $0x0  }
0x53e: {  	[sflag:s13] =	ssyncadd.s32 @p0 $0xFFFFB800  }
0x53f: {  	_ =	swait.ge @p0 [sflag:s13], $0x4800  }
0x540: {  	[sflag:s13] =	ssyncset.done @p0 $0x0  }
0x541: {  	[sflag:s13] =	ssyncadd.s32 @p0 $0xFFFFB800  }
0x542: {  	_ =	swait.ge @p0 [sflag:s13], $0x4800  }
0x543: {  	[sflag:s13] =	ssyncset.done @p0 $0x0  }
0x544: {  	s26 =	simm.s32 $0x9770;
	[sflag:s13] =	ssyncadd.s32 @p0 $0xFFFFB800  }
0x545: {  	v3 =	vld [tilespmem:s26+$0xFFFFFFF0]  }
0x546: {  	v4 =	vld [tilespmem:s26+$0xFFFFFFA0];
	_ =	sdelay $0x1  }
0x547: {  	v5 =	vld [tilespmem:s26+$0xFFFFFF90]  }
0x548: {  	v6 =	vld [tilespmem:s26+$0x0]  }
0x549: {  	v7 =	vld [tilespmem:s26+$0xFFFFFFC0];
	v3 =	vadd.f32 v3, v3  }
0x54a: {  	v8 =	vld [tilespmem:s26+$0xFFFFFFD0];
	v4 =	vadd.f32 v4, v4  }
0x54b: {  	v3 =	vmul.f32 $1.442695020e+00, v3  }
0x54c: {  	v5 =	vadd.f32 v5, v5;
	v4 =	vmul.f32 $1.442695020e+00, v4  }
0x54d: {  	v6 =	vadd.f32 v6, v6;
	(erf) = vpow2.f32 v3  }
0x54e: {  	v7 =	vadd.f32 v7, v7;
	v5 =	vmul.f32 $1.442695020e+00, v5;
	(erf) = vpow2.f32 v4  }
0x54f: {  	v3 =	vmul.f32 $1.442695020e+00, v6;
	v6 =	vadd.f32 v8, v8;
	v4 =	vld [tilespmem:s26+$0xFFFFFFB0]  }
0x550: {  	v7 =	vmul.f32 $1.442695020e+00, v7;
	(erf) = vpow2.f32 v5;
	v5 =	vld [tilespmem:s26+$0xFFFFFFE0]  }
0x551: {  	v6 =	vmul.f32 $1.442695020e+00, v6;
	(erf) = vpow2.f32 v3  }
0x552: {  	(erf) = vpow2.f32 v7  }
0x553: {  	s29 =	simm.s32 $0x9B70;
	(erf) = vpow2.f32 v6  }
0x554: {  	v10 =	vld [tilespmem:s29+$0x0];
	v3 =	vadd.f32 v4, v4  }
0x555: {  	v4 =	vld [tilespmem:s29+$0xFFFFFFF0];
	v5 =	vadd.f32 v5, v5  }
0x556: {  	v6 =	vld [tilespmem:s29+$0xFFFFFFA0];
	v3 =	vmul.f32 $1.442695020e+00, v3;
	v7 =	vpop (erf)  }
0x557: {  	v8 =	vld [tilespmem:s29+$0xFFFFFF90];
	v5 =	vmul.f32 $1.442695020e+00, v5;
	v9 =	vpop (erf)  }
0x558: {  	(erf) = vpow2.f32 v3;
	v9 =	vadd.f32 $1.000000000e+00, v9  }
0x559: {  	v3 =	vadd.f32 $1.000000000e+00, v7;
	v7 =	vpop (erf);
	(erf) = vpow2.f32 v5;
	v5 =	vld [tilespmem:s29+$0xFFFFFFC0]  }
0x55a: {  	v10 =	vadd.f32 v10, v10;
	v4 =	vadd.f32 v4, v4;
	v11 =	vpop (erf)  }
0x55b: {  	v6 =	vadd.f32 v6, v6;
	(erf) = vrcp.f32 v3;
	v3 =	vadd.f32 $1.000000000e+00, v7;
	v7 =	vpop (erf)  }
0x55c: {  	v8 =	vadd.f32 v8, v8;
	(erf) = vrcp.f32 v9;
	v4 =	vmul.f32 $1.442695020e+00, v4;
	v9 =	vpop (erf)  }
0x55d: {  	v6 =	vmul.f32 $1.442695020e+00, v6;
	(erf) = vrcp.f32 v3;
	v3 =	vadd.f32 $1.000000000e+00, v9;
	v9 =	vld [tilespmem:s29+$0xFFFFFFB0]  }
0x55e: {  	v12 =	vld [tilespmem:s29+$0xFFFFFFD0];
	(erf) = vpow2.f32 v4;
	v4 =	vmul.f32 $1.442695020e+00, v8;
	v5 =	vadd.f32 v5, v5  }
0x55f: {  	v8 =	vmul.f32 $1.442695020e+00, v10;
	(erf) = vrcp.f32 v3  }
0x560: {  	v5 =	vmul.f32 $1.442695020e+00, v5;
	(erf) = vpow2.f32 v6  }
0x561: {  	(erf) = vpow2.f32 v4  }
0x562: {  	s31 =	simm.s32 $0x9F70;
	v3 =	vld [tilespmem:s29+$0xFFFFFFE0];
	v6 =	vpop (erf);
	v4 =	vadd.f32 $1.000000000e+00, v11;
	(erf) = vpow2.f32 v8;
	v8 =	vadd.f32 v9, v9  }
0x563: {  	v13 =	vld [tilespmem:s31+$0xFFFFFF90];
	v10 =	vadd.f32 v12, v12;
	v6 =	vadd.f32 $1.000000000e+00, v6;
	v9 =	vpop (erf);
	(erf) = vpow2.f32 v5  }
0x564: {  	v5 =	vpop (erf);
	(erf) = vrcp.f32 v4;
	v4 =	vmul.f32 $1.442695020e+00, v8  }
0x565: {  	v10 =	vmul.f32 $1.442695020e+00, v10;
	v11 =	vld [tilespmem:s31+$0xFFFFFFA0]  }
0x566: {  	s30 =	simm.s32 $0x0;
	(erf) = vrcp.f32 v6;
	v8 =	vpop (erf)  }
0x567: {  	s20 =	simm.s32 $0x0;
	s24 =	simm.s32 $0x0;
	s17 =	smul.u32 $0x6000, s30;
	v16 =	vld [tilespmem:s31+$0xFFFFFFC0];
	v9 =	vadd.f32 $1.000000000e+00, v9;
	v3 =	vadd.f32 v3, v3;
	(erf) = vpow2.f32 v10;
	v6 =	vpop (erf)  }
0x568: {  	s21 =	simm.s32 $0x8;
	s22 =	simm.s32 $0x0;
	s28 =	simm.s32 $0x200;
	v13 =	vadd.f32 v13, v13;
	v10 =	vld [tilespmem:s31+$0xFFFFFFF0];
	(erf) = vpow2.f32 v4;
	v4 =	vpop (erf)  }
0x569: {  	s24 =	sand.u32 $0xC00, s24;
	s19 =	simm.s32 $0x300;
	s17 =	sshra.s32 s17, $0x2;
	v7 =	vadd.f32 $1.000000000e+00, v7;
	v3 =	vmul.f32 $1.442695020e+00, v3;
	(erf) = vrcp.f32 v9;
	v9 =	vld [tilespmem:s31+$0xFFFFFFE0];
	v14 =	vpop (erf)  }
0x56a: {  	s18 =	sand.u32 $0x8, s20;
	s20 =	sadd.s32 $0x13B80, s17;
	s17 =	sand.u32 $0x8, s21;
	v12 =	vld [tilespmem:s31+$0x0];
	v11 =	vadd.f32 v11, v11;
	v4 =	vadd.f32 $1.000000000e+00, v4;
	v15 =	vpop (erf)  }
0x56b: {  	s21 =	simm.s32 $0xFFFFFFFF;
	p0 =	seq.s32 s18, $0x0;
	s18 =	simm.s32 $0x300;
	v19 =	vld [tilespmem:s31+$0xFFFFFFD0];
	v5 =	vadd.f32 v5, v5;
	(erf) = vpow2.f32 v3;
	v3 =	vadd.f32 $1.000000000e+00, v15  }
0x56c: {  	s24 =	sadd.s32 s24, s20;
	s18 =	simm.s32 @!p0 $0xF00;
	p6 =	por p0, p0;
	v15 =	vpop (erf);
	(erf) = vrcp.f32 v4;
	v4 =	vadd.f32 v6, v6;
	v6 =	vmul.f32 $1.442695020e+00, v11  }
0x56d: {  	p0 =	seq.s32 s17, $0x0;
	s25 =	sadd.s32 s18, s20;
	s18 =	smul.u32 $0x6000, s22;
	v10 =	vadd.f32 v10, v10;
	v11 =	vadd.f32 $1.000000000e+00, v15;
	v15 =	vpop (erf);
	(erf) = vrcp.f32 v7  }
0x56e: {  	s19 =	simm.s32 @!p0 $0xF00;
	p1 =	por p6, p6;
	p0 =	por p0, p0;
	(erf) = vrcp.f32 v3;
	v17 =	vpop (erf);
	v18 =	vsub.f32 $1.000000000e+00, v4;
	v4 =	vadd.f32 v9, v9  }
0x56f: {  	p2 =	por p1, p1;
	p1 =	por p0, p0;
	s23 =	sshra.s32 s18, $0x2;
	v9 =	vadd.f32 v12, v12;
	v12 =	vadd.f32 v14, v14;
	(erf) = vrcp.f32 v11;
	v3 =	vpop (erf)  }
0x570: {  	s28 =	simm.s32 @!p2 $0xE00;
	s17 =	sadd.s32 $0x13B80, s23;
	v16 =	vadd.f32 v16, v16;
	v19 =	vadd.f32 v19, v19;
	s26 =	simm.s32 $0x1;
	v7 =	vld [tilespmem:s31+$0xFFFFFFB0];
	v10 =	vmul.f32 $1.442695020e+00, v10;
	v20 =	vpop (erf)  }
0x571: {  	s23 =	simm.s32 $0x10;
	s28 =	sadd.s32 s28, s20;
	v13 =	vmul.f32 $1.442695020e+00, v13;
	s18 =	smul.u32 $0x6000, s26;
	v5 =	vsub.f32 $1.000000000e+00, v5;
	v8 =	vadd.f32 v8, v8;
	v11 =	vpop (erf)  }
0x572: {  	s22 =	sadd.s32 s19, s17;
	s19 =	simm.s32 $0x0;
	s26 =	simm.s32 $0x80;
	v21 =	vmul.f32 $1.442695020e+00, v9;
	v9 =	vadd.f32 $1.000000000e+00, v15;
	v11 =	vadd.f32 $1.000000000e+00, v11;
	v15 =	vpop (erf)  }
0x573: {  	s26 =	simm.s32 @!p2 $0xC80;
	s30 =	sshra.s32 s18, $0x2;
	s29 =	sand.u32 $0x8, s23;
	[tilespmem:s25+$0x0] =	vst v5;
	v5 =	vmul.f32 $1.442695020e+00, v16;
	v22 =	vsub.f32 $1.000000000e+00, v12;
	(erf) = vpow2.f32 v10;
	v12 =	vpop (erf)  }
0x574: {  	s18 =	simm.s32 $0x300;
	s15 =	sadd.s32 $0x13B80, s30;
	p3 =	seq.s32 s29, $0x0;
	v16 =	vmul.f32 $1.442695020e+00, v19;
	v8 =	vsub.f32 $1.000000000e+00, v8;
	(erf) = vrcp.f32 v11;
	v10 =	vpop (erf)  }
0x575: {  	s29 =	simm.s32 $0x280;
	s18 =	simm.s32 @!p3 $0xF00;
	s31 =	sadd.s32 s26, s20;
	v7 =	vadd.f32 v7, v7;
	v23 =	vadd.f32 v12, v12;
	(erf) = vpow2.f32 v6;
	v12 =	vpop (erf)  }
0x576: {  	p0 =	por p3, p3;
	s29 =	simm.s32 @!p2 $0xE80;
	s25 =	simm.s32 $0x380;
	[tilespmem:s31+$0x0] =	vst v8;
	v14 =	vadd.f32 v20, v20;
	v15 =	vadd.f32 $1.000000000e+00, v15;
	(erf) = vpow2.f32 v13;
	v13 =	vpop (erf)  }
0x577: {  	s18 =	sadd.s32 s18, s15;
	s25 =	simm.s32 @!p2 $0xF80;
	s26 =	simm.s32 $0x100;
	[tilespmem:s24+$0x0] =	vst v18;
	v11 =	vmul.f32 $1.442695020e+00, v7;
	v7 =	vadd.f32 $1.000000000e+00, v17;
	(erf) = vpow2.f32 v21;
	v6 =	vpop (erf)  }
0x578: {  	s26 =	simm.s32 @!p2 $0xD00;
	s24 =	simm.s32 $0xA370;
	[tilespmem:s28+$0x0] =	vst v22;
	s28 =	sadd.s32 s29, s20;
	v8 =	vsub.f32 $1.000000000e+00, v23;
	v13 =	vadd.f32 v13, v13;
	(erf) = vpow2.f32 v5;
	v5 =	vpop (erf)  }
.LBB2_35:
0x579: {  	s23 =	sadd.s32 $0x8, s23  }
0x57a: {  	v17 =	vld [tilespmem:s24+$0xFFFFFFA0];
	(erf) = vrcp.f32 v9;
	v9 =	vsub.f32 $1.000000000e+00, v14;
	s29 =	sadd.s32 s26, s20;
	v3 =	vadd.f32 v3, v3;
	s25 =	sadd.s32 s25, s20;
	s26 =	sshrl.u32 s23, $0x4  }
0x57b: {  	v4 =	vmul.f32 $1.442695020e+00, v4;
	v12 =	vadd.f32 v12, v12;
	s30 =	sshll.u32 s23, $0x1C;
	v14 =	vld [tilespmem:s24+$0x0];
	p3 =	slt.u32 s23, $0x28;
	(erf) = vrcp.f32 v15;
	s31 =	smul.u32 $0x6000, s26  }
0x57c: {  	v10 =	vadd.f32 $1.000000000e+00, v10;
	s26 =	sshra.s32 s30, $0x1F;
	s30 =	sand.u32 $0x8, s23;
	v15 =	vld [tilespmem:s24+$0xFFFFFFF0];
	(erf) = vpow2.f32 v16;
	[tilespmem:s29+$0x0] =	vst v9;
	v3 =	vsub.f32 $1.000000000e+00, v3;
	s29 =	simm.s32 $0x180  }
0x57d: {  	v13 =	vsub.f32 $1.000000000e+00, v13;
	v12 =	vsub.f32 $1.000000000e+00, v12;
	p4 =	seq.s32 s30, $0x0;
	v9 =	vld [tilespmem:s24+$0xFFFFFFE0];
	(erf) = vpow2.f32 v11;
	v11 =	vpop (erf);
	s29 =	simm.s32 @!p2 $0xD80;
	[tilespmem:s28+$0x0] =	vst v8;
	s30 =	simm.s32 $0x300  }
0x57e: {  	v6 =	vadd.f32 v6, v6;
	v8 =	vld [tilespmem:s24+$0xFFFFFF90];
	s28 =	sshra.s32 s31, $0x2;
	s30 =	simm.s32 @!p4 $0xF00;
	v18 =	vadd.f32 $1.000000000e+00, v11;
	v16 =	vpop (erf);
	(erf) = vrcp.f32 v10;
	s20 =	sadd.s32 s29, s20;
	[tilespmem:s25+$0x0] =	vst v3  }
0x57f: {  	v3 =	vadd.f32 v17, v17;
	v10 =	vld [tilespmem:s24+$0xFFFFFFB0];
	v17 =	vpop (erf);
	(erf) = vpow2.f32 v4;
	[tilespmem:s20+$0x0] =	vst v13;
	s20 =	smov.u32 s17;
	s17 =	smov.u32 s15;
	s15 =	sadd.s32 $0x13B80, s28  }
0x580: {  	v5 =	vadd.f32 v5, v5;
	p2 =	por p1, p1;
	v13 =	vld [tilespmem:s24+$0xFFFFFFC0];
	v4 =	vadd.f32 $1.000000000e+00, v17;
	v17 =	vpop (erf);
	(erf) = vrcp.f32 v18;
	[tilespmem:s22+$0x0] =	vst v12;
	s22 =	smov.u32 s18;
	s18 =	sadd.s32 s30, s15  }
0x581: {  	p1 =	por p0, p0;
	p0 =	por p4, p4;
	v12 =	vmul.f32 $1.442695020e+00, v3;
	v18 =	vadd.f32 $1.000000000e+00, v17;
	v11 =	vpop (erf);
	(erf) = vrcp.f32 v7  }
0x582: {  	v5 =	vsub.f32 $1.000000000e+00, v5;
	s25 =	simm.s32 $0x80;
	v7 =	vadd.f32 v15, v15;
	(erf) = vrcp.f32 v4;
	v17 =	vpop (erf)  }
0x583: {  	v6 =	vsub.f32 $1.000000000e+00, v6;
	s25 =	simm.s32 @!p2 $0xC80;
	v8 =	vadd.f32 v8, v8;
	v15 =	vld [tilespmem:s24+$0xFFFFFFD0];
	(erf) = vrcp.f32 v18;
	v3 =	vpop (erf)  }
0x584: {  	s28 =	sand.u32 $0xC00, s21;
	s21 =	smov.u32 s19;
	s25 =	sadd.s32 s25, s20;
	v4 =	vadd.f32 v9, v9;
	v9 =	vadd.f32 v14, v14;
	v20 =	vmul.f32 $1.442695020e+00, v7;
	v14 =	vpop (erf)  }
0x585: {  	s19 =	smov.u32 s26;
	s28 =	sadd.s32 s28, s20;
	v8 =	vmul.f32 $1.442695020e+00, v8;
	v13 =	vadd.f32 v13, v13;
	v18 =	vpop (erf);
	[tilespmem:s25+$0x0] =	vst v6;
	v6 =	vadd.f32 v16, v16  }
0x586: {  	v19 =	vmul.f32 $1.442695020e+00, v9;
	v9 =	vadd.f32 $1.000000000e+00, v11;
	s25 =	simm.s32 $0x200;
	v16 =	vadd.f32 $1.000000000e+00, v18;
	v18 =	vpop (erf);
	[tilespmem:s28+$0x0] =	vst v5  }
0x587: {  	v5 =	vadd.f32 v10, v10;
	s25 =	simm.s32 @!p2 $0xE00;
	(erf) = vpow2.f32 v20;
	v6 =	vsub.f32 $1.000000000e+00, v6;
	v7 =	vpop (erf)  }
.Ltmp16:
0x588: {  	s25 =	sadd.s32 s25, s20;
	v20 =	vadd.f32 v15, v15;
	(erf) = vrcp.f32 v16;
	v10 =	vpop (erf);
	v7 =	vadd.f32 v7, v7;
	(pc) =	sbr.rel @p3 .LBB2_35-.Ltmp16, $4  }
0x589: {  	v14 =	vadd.f32 v14, v14;
	v11 =	vmul.f32 $1.442695020e+00, v5;
	(erf) = vpow2.f32 v12;
	v12 =	vpop (erf);
	[tilespmem:s25+$0x0] =	vst v6  }
0x58a: {  	s28 =	simm.s32 $0x280;
	v21 =	vmul.f32 $1.442695020e+00, v13;
	v15 =	vadd.f32 $1.000000000e+00, v18;
	s25 =	simm.s32 $0x380;
	(erf) = vpow2.f32 v8;
	v13 =	vpop (erf)  }
0x58b: {  	s26 =	simm.s32 $0x100;
	s28 =	simm.s32 @!p2 $0xE80;
	v16 =	vmul.f32 $1.442695020e+00, v20;
	v8 =	vsub.f32 $1.000000000e+00, v7;
	s25 =	simm.s32 @!p2 $0xF80;
	(erf) = vpow2.f32 v19;
	v6 =	vpop (erf)  }
0x58c: {  	s26 =	simm.s32 @!p2 $0xD00;
	s24 =	sadd.s32 $0x400, s24;
	s28 =	sadd.s32 s28, s20;
	v7 =	vadd.f32 $1.000000000e+00, v17;
	v13 =	vadd.f32 v13, v13;
	(erf) = vpow2.f32 v21;
	v5 =	vpop (erf)  }
0x58d: {  	(erf) = vrcp.f32 v9  }
0x58e: {  	(erf) = vrcp.f32 v15  }
0x58f: {  	(erf) = vpow2.f32 v16  }
0x590: {  	v29 =	vadd.f32 $1.000000000e+00, v10;
	v30 =	vpop (erf)  }
0x591: {  	v4 =	vmul.f32 $1.442695020e+00, v4;
	(erf) = vpow2.f32 v11;
	v31 =	vpop (erf)  }
0x592: {  	(erf) = vrcp.f32 v29;
	v32 =	vpop (erf)  }
0x593: {  	(erf) = vpow2.f32 v4;
	v33 =	vpop (erf)  }
0x594: {  	v34 =	vpop (erf)  }
0x595: {  	v10 =	vadd.f32 $1.000000000e+00, v30;
	v35 =	vpop (erf)  }
0x596: {  	v14 =	vsub.f32 $1.000000000e+00, v14;
	v3 =	vadd.f32 v3, v3;
	v17 =	vpop (erf)  }
0x597: {  	v12 =	vadd.f32 v12, v12;
	v9 =	vadd.f32 $1.000000000e+00, v32;
	(erf) = vrcp.f32 v10;
	v36 =	vpop (erf)  }
0x598: {  	v6 =	vadd.f32 v6, v6;
	v4 =	vadd.f32 $1.000000000e+00, v33;
	(erf) = vrcp.f32 v7;
	v37 =	vpop (erf)  }
0x599: {  	s23 =	sadd.s32 s26, s20;
	v3 =	vsub.f32 $1.000000000e+00, v3;
	(erf) = vrcp.f32 v9;
	v7 =	vadd.f32 $1.000000000e+00, v37  }
0x59a: {  	s24 =	sadd.s32 s25, s20;
	v13 =	vsub.f32 $1.000000000e+00, v13;
	[tilespmem:s23+$0x0] =	vst v14;
	v39 =	vadd.f32 $1.000000000e+00, v34;
	v38 =	vpop (erf);
	(erf) = vrcp.f32 v4  }
0x59b: {  	s23 =	simm.s32 $0x180;
	[tilespmem:s24+$0x0] =	vst v3;
	v3 =	vadd.f32 v5, v5;
	v40 =	vpop (erf);
	v9 =	vadd.f32 $1.000000000e+00, v38;
	(erf) = vrcp.f32 v7  }
0x59c: {  	v12 =	vsub.f32 $1.000000000e+00, v12;
	v43 =	vsub.f32 $1.000000000e+00, v6;
	s23 =	simm.s32 @!p2 $0xD80;
	v41 =	vpop (erf);
	(erf) = vrcp.f32 v39  }
0x59d: {  	[tilespmem:s28+$0x0] =	vst v8;
	p1 =	por p1, p1;
	s25 =	sadd.s32 s23, s20;
	s23 =	simm.s32 $0x80;
	v3 =	vsub.f32 $1.000000000e+00, v3;
	v42 =	vadd.f32 $1.000000000e+00, v41;
	(erf) = vrcp.f32 v9  }
0x59e: {  	[tilespmem:s22+$0x0] =	vst v12;
	s23 =	simm.s32 @!p1 $0xC80;
	v44 =	vadd.f32 v31, v31;
	v45 =	vadd.f32 $1.000000000e+00, v35  }
0x59f: {  	s26 =	sand.u32 $0xC00, s21;
	s22 =	simm.s32 $0x200;
	[tilespmem:s25+$0x0] =	vst v13;
	s28 =	sadd.s32 s23, s17;
	v46 =	vadd.f32 v36, v36;
	(erf) = vrcp.f32 v42  }
0x5a0: {  	s21 =	simm.s32 $0x100;
	s20 =	sadd.s32 s26, s17;
	s22 =	simm.s32 @!p1 $0xE00;
	[tilespmem:s28+$0x0] =	vst v43;
	v47 =	vsub.f32 $1.000000000e+00, v44;
	v50 =	vadd.f32 v17, v17;
	v49 =	vpop (erf);
	(erf) = vrcp.f32 v45  }
0x5a1: {  	s21 =	simm.s32 @!p1 $0xD00;
	s23 =	sadd.s32 s22, s17;
	[tilespmem:s20+$0x0] =	vst v3;
	s20 =	simm.s32 $0x380;
	v4 =	vsub.f32 $1.000000000e+00, v46;
	v48 =	vadd.f32 v40, v40;
	v3 =	vpop (erf)  }
0x5a2: {  	s21 =	sadd.s32 s21, s17;
	s22 =	simm.s32 $0x280;
	[tilespmem:s23+$0x0] =	vst v47;
	s20 =	simm.s32 @!p1 $0xF80;
	v53 =	vsub.f32 $1.000000000e+00, v50;
	v51 =	vpop (erf);
	v3 =	vadd.f32 v3, v3  }
0x5a3: {  	s22 =	simm.s32 @!p1 $0xE80;
	s20 =	sadd.s32 s20, s17;
	[tilespmem:s21+$0x0] =	vst v4;
	s21 =	simm.s32 $0x180;
	v6 =	vsub.f32 $1.000000000e+00, v48;
	v8 =	vadd.f32 v49, v49;
	v52 =	vpop (erf)  }
0x5a4: {  	p0 =	por p0, p0;
	s22 =	sadd.s32 s22, s17;
	[tilespmem:s20+$0x0] =	vst v53;
	s21 =	simm.s32 @!p1 $0xD80;
	v5 =	vadd.f32 v51, v51;
	v3 =	vsub.f32 $1.000000000e+00, v3;
	v54 =	vpop (erf)  }
0x5a5: {  	p0 =	por p0, p0;
	s20 =	simm.s32 $0x80;
	s24 =	sadd.s32 s21, s17;
	[tilespmem:s22+$0x0] =	vst v6;
	v55 =	vsub.f32 $1.000000000e+00, v8;
	v56 =	vadd.f32 v52, v52;
	v57 =	vpop (erf)  }
0x5a6: {  	s20 =	simm.s32 @!p0 $0xC80;
	[tilespmem:s24+$0x0] =	vst v3;
	v3 =	vsub.f32 $1.000000000e+00, v5;
	v6 =	vadd.f32 v54, v54;
	v58 =	vpop (erf)  }
0x5a7: {  	s25 =	sand.u32 $0xC00, s19;
	s19 =	simm.s32 $0x200;
	s26 =	sadd.s32 s20, s15;
	[tilespmem:s18+$0x0] =	vst v55;
	v4 =	vsub.f32 $1.000000000e+00, v56;
	v5 =	vadd.f32 v58, v58  }
0x5a8: {  	s19 =	simm.s32 @!p0 $0xE00;
	s17 =	sadd.s32 s25, s15;
	s18 =	simm.s32 $0x100;
	v62 =	vadd.f32 v57, v57;
	v59 =	vpop (erf);
	[tilespmem:s26+$0x0] =	vst v3;
	v3 =	vsub.f32 $1.000000000e+00, v6  }
0x5a9: {  	s28 =	sadd.s32 s19, s15;
	s18 =	simm.s32 @!p0 $0xD00;
	[tilespmem:s17+$0x0] =	vst v4;
	s17 =	simm.s32 $0x380;
	v60 =	vadd.f32 v59, v59;
	v61 =	vpop (erf);
	v5 =	vsub.f32 $1.000000000e+00, v5  }
0x5aa: {  	s19 =	simm.s32 $0x280;
	s18 =	sadd.s32 s18, s15;
	s17 =	simm.s32 @!p0 $0xF80;
	v63 =	vsub.f32 $1.000000000e+00, v62;
	[tilespmem:s28+$0x0] =	vst v3;
	v4 =	vadd.f32 v61, v61  }
0x5ab: {  	s19 =	simm.s32 @!p0 $0xE80;
	s17 =	sadd.s32 s17, s15;
	v3 =	vsub.f32 $1.000000000e+00, v60;
	[tilespmem:s18+$0x0] =	vst v5;
	s18 =	simm.s32 $0x180  }
0x5ac: {  	s19 =	sadd.s32 s19, s15;
	[tilespmem:s17+$0x0] =	vst v63;
	v4 =	vsub.f32 $1.000000000e+00, v4;
	s18 =	simm.s32 @!p0 $0xD80  }
0x5ad: {  	s29 =	simm.s32 $0x380;
	[tilespmem:s19+$0x0] =	vst v3;
	s18 =	sadd.s32 s18, s15  }
0x5ae: {  	s30 =	simm.s32 $0xB80;
	s31 =	simm.s32 $0x1380;
	s15 =	simm.s32 $0x1;
	[tilespmem:s18+$0x0] =	vst v4  }
.LBB2_37:
0x5af: {  	s17 =	simm.s32 $0x0  }
0x5b0: {  	s17 =	smul.u32 $0x6000, s17  }
0x5b1: {  	s18 =	simm.s32 $0x0  }
0x5b2: {  	s18 =	sand.u32 $0xC00, s18;
	s17 =	sshra.s32 s17, $0x2  }
0x5b3: {  	s19 =	sshll.u32 s15, $0x4;
	s17 =	sadd.s32 s18, s17  }
0x5b4: {  	s24 =	sand.u32 $0x70, s19;
	s25 =	sadd.s32 $0x13B80, s17;
	v4 =	vld [tilespmem:s17+$0x13B80]  }
0x5b5: {  	v3 =	vmov s24;
	v5 =	vld [tilespmem:s25+$0x380]  }
0x5b6: {  	v7 =	vld [tilespmem:s25+$0x80]  }
0x5b7: {  	s26 =	sshll.u32 s15, $0x7;
	s28 =	simm.s32 $0x0;
	v10 =	vld [tilespmem:s25+$0x100]  }
0x5b8: {  	s20 =	smul.u32 $0x6000, s28;
	s17 =	sand.u32 $0xC00, s26;
	v11 =	vld [tilespmem:s25+$0x180]  }
0x5b9: {  	s21 =	simm.s32 $0xFFFFFFFF;
	s18 =	sadd.s32 s17, s25;
	v6 =	vld [tilespmem:s25+$0x200]  }
0x5ba: {  	s21 =	sand.u32 $0xC00, s21;
	s20 =	sshra.s32 s20, $0x2;
	v8 =	vld [tilespmem:s25+$0x280];
	[tilespmem:v3+s18+$0x380 ss:$0x1] =	vst.idx.msk $0xffff, v5  }
0x5bb: {  	s20 =	sadd.s32 s21, s20;
	v9 =	vld [tilespmem:s25+$0x300];
	[tilespmem:v3+s18+$0x80 ss:$0x1] =	vst.idx.msk $0xffff, v7  }
0x5bc: {  	s19 =	sadd.s32 $0x13B80, s20;
	v5 =	vld [tilespmem:s20+$0x13B80];
	[tilespmem:v3+s18+$0x100 ss:$0x1] =	vst.idx.msk $0xffff, v10  }
0x5bd: {  	s20 =	simm.s32 $0x8;
	v7 =	vld [tilespmem:s19+$0x380];
	[tilespmem:v3+s18+$0x180 ss:$0x1] =	vst.idx.msk $0xffff, v11  }
.LBB2_38:
0x5be: {  	s20 =	sadd.s32 $0x8, s20;
	v10 =	vld [tilespmem:s19+$0x80];
	[tilespmem:v3+s18+$0x200 ss:$0x1] =	vst.idx.msk $0xffff, v6  }
0x5bf: {  	s21 =	sshrl.u32 s20, $0x4;
	p0 =	slt.u32 s20, $0x28;
	v11 =	vld [tilespmem:s19+$0x100];
	[tilespmem:v3+s18+$0x280 ss:$0x1] =	vst.idx.msk $0xffff, v8  }
0x5c0: {  	s22 =	sshll.u32 s20, $0x1C;
	s21 =	smul.u32 $0x6000, s21;
	v12 =	vld [tilespmem:s19+$0x180];
	[tilespmem:v3+s18+$0x300 ss:$0x1] =	vst.idx.msk $0xffff, v9  }
.Ltmp17:
0x5c1: {  	s22 =	sshra.s32 s22, $0x1F;
	v6 =	vld [tilespmem:s19+$0x200];
	[tilespmem:v3+s18+$0x0 ss:$0x1] =	vst.idx.msk $0xffff, v4;
	s18 =	sadd.s32 s17, s19;
	v4 =	vmov v5;
	(pc) =	sbr.rel @p0 .LBB2_38-.Ltmp17, $4  }
0x5c2: {  	s22 =	sand.u32 $0xC00, s22;
	s21 =	sshra.s32 s21, $0x2;
	v8 =	vld [tilespmem:s19+$0x280];
	[tilespmem:v3+s18+$0x380 ss:$0x1] =	vst.idx.msk $0xffff, v7  }
0x5c3: {  	s21 =	sadd.s32 s22, s21;
	[tilespmem:v3+s18+$0x80 ss:$0x1] =	vst.idx.msk $0xffff, v10;
	v9 =	vld [tilespmem:s19+$0x300]  }
0x5c4: {  	s19 =	sadd.s32 $0x13B80, s21;
	v5 =	vld [tilespmem:s21+$0x13B80];
	[tilespmem:v3+s18+$0x100 ss:$0x1] =	vst.idx.msk $0xffff, v11  }
0x5c5: {  	v7 =	vld [tilespmem:s19+$0x380];
	[tilespmem:v3+s18+$0x180 ss:$0x1] =	vst.idx.msk $0xffff, v12  }
0x5c6: {  	_ =	sdelay $0x3  }
0x5c7: {  	[tilespmem:v3+s18+$0x200 ss:$0x1] =	vst.idx.msk $0xffff, v6  }
0x5c8: {  	v10 =	vld [tilespmem:s19+$0x80];
	[tilespmem:v3+s18+$0x0 ss:$0x1] =	vst.idx.msk $0xffff, v4  }
0x5c9: {  	v59 =	vld [tilespmem:s19+$0x100];
	[tilespmem:v3+s18+$0x280 ss:$0x1] =	vst.idx.msk $0xffff, v8  }
0x5ca: {  	v60 =	vld [tilespmem:s19+$0x180];
	s17 =	sadd.s32 s17, s19;
	[tilespmem:v3+s18+$0x300 ss:$0x1] =	vst.idx.msk $0xffff, v9  }
0x5cb: {  	v61 =	vld [tilespmem:s19+$0x200];
	[tilespmem:v3+s17+$0x0 ss:$0x1] =	vst.idx.msk $0xffff, v5  }
0x5cc: {  	v62 =	vld [tilespmem:s19+$0x280];
	s15 =	sadd.s32 $0x1, s15;
	[tilespmem:v3+s17+$0x380 ss:$0x1] =	vst.idx.msk $0xffff, v7  }
0x5cd: {  	v63 =	vld [tilespmem:s19+$0x300];
	p0 =	sne.s32 s15, $0x18;
	[tilespmem:v3+s17+$0x80 ss:$0x1] =	vst.idx.msk $0xffff, v10  }
.Ltmp18:
0x5ce: {  	[tilespmem:v3+s17+$0x100 ss:$0x1] =	vst.idx.msk $0xffff, v59;
	(pc) =	sbr.rel @p0 .LBB2_37-.Ltmp18, $4  }
0x5cf: {  	[tilespmem:v3+s17+$0x180 ss:$0x1] =	vst.idx.msk $0xffff, v60  }
0x5d0: {  	[tilespmem:v3+s17+$0x200 ss:$0x1] =	vst.idx.msk $0xffff, v61  }
0x5d1: {  	[tilespmem:v3+s17+$0x280 ss:$0x1] =	vst.idx.msk $0xffff, v62  }
0x5d2: {  	[tilespmem:v3+s17+$0x300 ss:$0x1] =	vst.idx.msk $0xffff, v63  }
0x5d3: {  	s15 =	sadd.s32 $0x1B00, s14  }
0x5d4: {  	[hbm4b:s15+s0] =	stream.strided.scatter [tilespmem:s10], [sflag:$0x5], $0x4800, s5, s0, $0x38;
	[tilespmem:$0x18380] =	vst v63  }
0x5d5: {  	s25 =	sadd.s32 $0x1E00, s14  }
0x5d6: {  	[hbm4b:s25+s0] =	stream.strided.scatter [tilespmem:s10], [sflag:$0x5], $0x4800, s5, s0, $0x38;
	[tilespmem:$0x18380] =	vst v63  }
0x5d7: {  	s26 =	sadd.s32 $0x2100, s14  }
0x5d8: {  	[hbm4b:s26+s0] =	stream.strided.scatter [tilespmem:s10], [sflag:$0x5], $0x4800, s5, s0, $0x38;
	[tilespmem:$0x18380] =	vst v63  }
0x5d9: {  	s28 =	sadd.s32 $0x2400, s14  }
0x5da: {  	[hbm4b:s28+s0] =	stream.strided.scatter [tilespmem:s10], [sflag:$0x5], $0x4800, s5, s0, $0x38;
	[tilespmem:$0x18380] =	vst v63  }
0x5db: {  	s17 =	sadd.s32 $0x2700, s14  }
0x5dc: {  	[hbm4b:s17+s0] =	stream.strided.scatter [tilespmem:s10], [sflag:$0x5], $0x4800, s5, s0, $0x38;
	[tilespmem:$0x18380] =	vst v63  }
0x5dd: {  	s18 =	sadd.s32 $0x2A00, s14  }
0x5de: {  	[hbm4b:s18+s0] =	stream.strided.scatter [tilespmem:s10], [sflag:$0x5], $0x4800, s5, s0, $0x38;
	[tilespmem:$0x18380] =	vst v63  }
0x5df: {  	s19 =	sadd.s32 $0x2D00, s14  }
0x5e0: {  	[hbm4b:s19+s0] =	stream.strided.scatter [tilespmem:s10], [sflag:$0x5], $0x4800, s5, s0, $0x38;
	[tilespmem:$0x18380] =	vst v63  }
0x5e1: {  	s20 =	sadd.s32 $0x3000, s14  }
0x5e2: {  	[hbm4b:s20+s0] =	stream.strided.scatter [tilespmem:s10], [sflag:$0x5], $0x4800, s5, s0, $0x38;
	[tilespmem:$0x18380] =	vst v63  }
0x5e3: {  	s21 =	sadd.s32 $0x3300, s14  }
0x5e4: {  	[hbm4b:s21+s0] =	stream.strided.scatter [tilespmem:s10], [sflag:$0x5], $0x4800, s5, s0, $0x38;
	[tilespmem:$0x18380] =	vst v63  }
0x5e5: {  	s22 =	sadd.s32 $0x3600, s14  }
0x5e6: {  	[hbm4b:s22+s0] =	stream.strided.scatter [tilespmem:s10], [sflag:$0x5], $0x4800, s5, s0, $0x38;
	[tilespmem:$0x18380] =	vst v63  }
0x5e7: {  	s23 =	sadd.s32 $0x3900, s14  }
0x5e8: {  	[hbm4b:s23+s0] =	stream.strided.scatter [tilespmem:s10], [sflag:$0x5], $0x4800, s5, s0, $0x38;
	[tilespmem:$0x18380] =	vst v63  }
0x5e9: {  	s24 =	sadd.s32 $0x3C00, s14  }
0x5ea: {  	[hbm4b:s24+s0] =	stream.strided.scatter [tilespmem:s10], [sflag:$0x5], $0x4800, s5, s0, $0x38;
	[tilespmem:$0x18380] =	vst v63  }
0x5eb: {  	s25 =	sadd.s32 $0x3F00, s14  }
0x5ec: {  	[hbm4b:s25+s0] =	stream.strided.scatter [tilespmem:s10], [sflag:$0x5], $0x4800, s5, s0, $0x38;
	[tilespmem:$0x18380] =	vst v63  }
0x5ed: {  	s26 =	sadd.s32 $0x4200, s14  }
0x5ee: {  	[hbm4b:s26+s0] =	stream.strided.scatter [tilespmem:s10], [sflag:$0x5], $0x4800, s5, s0, $0x38;
	[tilespmem:$0x18380] =	vst v63  }
0x5ef: {  	s28 =	sadd.s32 $0x4500, s14  }
0x5f0: {  	[hbm4b:s28+s0] =	stream.strided.scatter [tilespmem:s10], [sflag:$0x5], $0x4800, s5, s0, $0x38;
	[tilespmem:$0x18380] =	vst v63  }
0x5f1: {  	_ =	swait.ge [sflag:s8], $0x4800  }
0x5f2: {  	s15 =	simm.s32 $0x0;
	[sflag:s8] =	ssyncset.done $0x0  }
0x5f3: {  	s14 =	sadd.s32 $0x1800, s14;
	s17 =	simm.s32 $0x93F0;
	[sflag:s8] =	ssyncadd.s32 $0xFFFFB800  }
.LBB2_41:
0x5f4: {  	v3 =	vld [tilespmem:s17+$0xFFFFFFF0]  }
0x5f5: {  	v4 =	vld [tilespmem:s17+$0xFFFFFFD0]  }
0x5f6: {  	v5 =	vld [tilespmem:s17+$0xFFFFFF90]  }
0x5f7: {  	v6 =	vld [tilespmem:s17+$0xFFFFFFC0];
	_ =	sdelay $0x1  }
0x5f8: {  	v3 =	vadd.f32 v3, v3  }
0x5f9: {  	v4 =	vadd.f32 v4, v4  }
0x5fa: {  	v7 =	vld [tilespmem:s17+$0xFFFFFFA0];
	v5 =	vadd.f32 v5, v5;
	v3 =	vmul.f32 $1.442695020e+00, v3  }
0x5fb: {  	v6 =	vadd.f32 v6, v6;
	v4 =	vmul.f32 $1.442695020e+00, v4  }
0x5fc: {  	v8 =	vld [tilespmem:s17+$0xFFFFFFE0];
	v5 =	vmul.f32 $1.442695020e+00, v5;
	(erf) = vpow2.f32 v3  }
0x5fd: {  	v3 =	vmul.f32 $1.442695020e+00, v6;
	(erf) = vpow2.f32 v4  }
0x5fe: {  	(erf) = vpow2.f32 v5  }
0x5ff: {  	v4 =	vadd.f32 v7, v7;
	(erf) = vpow2.f32 v3;
	v3 =	vld [tilespmem:s17+$0x0]  }
0x600: {  	v6 =	vld [tilespmem:s17+$0xFFFFFFB0]  }
0x601: {  	v5 =	vadd.f32 v8, v8;
	v4 =	vmul.f32 $1.442695020e+00, v4  }
0x602: {  	s18 =	sadd.s32 $0x400, s17  }
0x603: {  	v5 =	vmul.f32 $1.442695020e+00, v5;
	(erf) = vpow2.f32 v4;
	v4 =	vld [tilespmem:s18+$0xFFFFFFF0]  }
0x604: {  	v10 =	vld [tilespmem:s18+$0xFFFFFFC0];
	v3 =	vadd.f32 v3, v3  }
0x605: {  	v6 =	vadd.f32 v6, v6;
	(erf) = vpow2.f32 v5;
	v5 =	vld [tilespmem:s18+$0xFFFFFFD0];
	v7 =	vpop (erf)  }
0x606: {  	v8 =	vld [tilespmem:s18+$0xFFFFFF90];
	v9 =	vpop (erf);
	v3 =	vmul.f32 $1.442695020e+00, v3  }
0x607: {  	v6 =	vmul.f32 $1.442695020e+00, v6;
	v11 =	vpop (erf)  }
0x608: {  	v4 =	vadd.f32 v4, v4;
	v12 =	vpop (erf);
	(erf) = vpow2.f32 v3  }
0x609: {  	v12 =	vadd.f32 $1.000000000e+00, v12;
	(erf) = vpow2.f32 v6;
	v6 =	vadd.f32 $1.000000000e+00, v11  }
0x60a: {  	v10 =	vadd.f32 v10, v10;
	v5 =	vadd.f32 v5, v5;
	v3 =	vld [tilespmem:s18+$0xFFFFFFA0]  }
0x60b: {  	v13 =	vld [tilespmem:s18+$0xFFFFFFE0];
	v8 =	vadd.f32 v8, v8;
	v4 =	vmul.f32 $1.442695020e+00, v4;
	(erf) = vrcp.f32 v12  }
0x60c: {  	v11 =	vld [tilespmem:s18+$0x0];
	v5 =	vmul.f32 $1.442695020e+00, v5;
	(erf) = vrcp.f32 v6  }
0x60d: {  	v8 =	vmul.f32 $1.442695020e+00, v8;
	v12 =	vld [tilespmem:s18+$0xFFFFFFB0];
	v6 =	vpop (erf);
	(erf) = vpow2.f32 v4  }
0x60e: {  	v4 =	vmul.f32 $1.442695020e+00, v10;
	v10 =	vpop (erf);
	(erf) = vpow2.f32 v5  }
0x60f: {  	v3 =	vadd.f32 v3, v3;
	(erf) = vpow2.f32 v8;
	v8 =	vadd.f32 $1.000000000e+00, v10  }
0x610: {  	v5 =	vadd.f32 v13, v13  }
0x611: {  	v10 =	vadd.f32 v11, v11;
	v3 =	vmul.f32 $1.442695020e+00, v3;
	(erf) = vpow2.f32 v4  }
0x612: {  	s24 =	sadd.s32 $0x400, s18;
	v4 =	vmul.f32 $1.442695020e+00, v5;
	v5 =	vadd.f32 v12, v12;
	(erf) = vrcp.f32 v8  }
0x613: {  	v14 =	vld [tilespmem:s24+$0xFFFFFFE0];
	v10 =	vmul.f32 $1.442695020e+00, v10;
	v8 =	vpop (erf);
	(erf) = vpow2.f32 v3  }
0x614: {  	v12 =	vld [tilespmem:s24+$0xFFFFFFC0];
	v5 =	vmul.f32 $1.442695020e+00, v5;
	v11 =	vpop (erf);
	(erf) = vpow2.f32 v4  }
0x615: {  	v15 =	vld [tilespmem:s24+$0xFFFFFF90];
	v7 =	vadd.f32 $1.000000000e+00, v7;
	v13 =	vpop (erf);
	(erf) = vpow2.f32 v10  }
0x616: {  	v9 =	vadd.f32 $1.000000000e+00, v9;
	v10 =	vld [tilespmem:s24+$0xFFFFFFF0];
	v4 =	vpop (erf);
	(erf) = vpow2.f32 v5  }
0x617: {  	v6 =	vadd.f32 $1.000000000e+00, v6;
	v8 =	vadd.f32 $1.000000000e+00, v8;
	v16 =	vpop (erf);
	(erf) = vrcp.f32 v7  }
0x618: {  	v13 =	vadd.f32 v13, v13;
	v7 =	vadd.f32 $1.000000000e+00, v11;
	v11 =	vld [tilespmem:s24+$0xFFFFFFD0];
	(erf) = vrcp.f32 v9  }
0x619: {  	v5 =	vpop (erf);
	v9 =	vadd.f32 v12, v12;
	v12 =	vld [tilespmem:s24+$0xFFFFFFA0];
	(erf) = vrcp.f32 v8;
	v8 =	vadd.f32 v14, v14  }
0x61a: {  	v15 =	vadd.f32 v15, v15;
	v18 =	vsub.f32 $1.000000000e+00, v13;
	v13 =	vld [tilespmem:s24+$0x0];
	v17 =	vpop (erf)  }
0x61b: {  	v14 =	vadd.f32 $1.000000000e+00, v17;
	v17 =	vpop (erf);
	(erf) = vrcp.f32 v6;
	v6 =	vadd.f32 v10, v10  }
0x61c: {  	s26 =	sshll.u32 s15, $0x6;
	v19 =	vld [tilespmem:s24+$0xFFFFFFB0];
	v20 =	vmul.f32 $1.442695020e+00, v9;
	v9 =	vadd.f32 $1.000000000e+00, v17;
	v17 =	vpop (erf);
	v10 =	vmul.f32 $1.442695020e+00, v8  }
0x61d: {  	s18 =	sshrl.u32 s26, $0x2;
	(erf) = vrcp.f32 v7;
	v7 =	vadd.f32 v11, v11;
	v11 =	vmul.f32 $1.442695020e+00, v6;
	v8 =	vpop (erf)  }
0x61e: {  	v22 =	vmul.f32 $1.442695020e+00, v15;
	v3 =	vmov s18;
	v21 =	vpop (erf)  }
0x61f: {  	v12 =	vadd.f32 v12, v12;
	(erf) = vrcp.f32 v9;
	v9 =	vadd.f32 v13, v13;
	v23 =	vpop (erf)  }
0x620: {  	v6 =	vadd.f32 v17, v17;
	v7 =	vmul.f32 $1.442695020e+00, v7;
	(erf) = vrcp.f32 v14;
	v14 =	vpop (erf)  }
0x621: {  	s28 =	simm.s32 $0x0;
	v17 =	vmul.f32 $1.442695020e+00, v12;
	v12 =	vadd.f32 v19, v19;
	(erf) = vpow2.f32 v11;
	v11 =	vpop (erf)  }
0x622: {  	s19 =	simm.s32 $0x0;
	s20 =	simm.s32 $0x0;
	s18 =	smul.u32 $0x6000, s28;
	v16 =	vadd.f32 $1.000000000e+00, v16;
	(erf) = vpow2.f32 v7;
	v19 =	vadd.f32 v11, v11  }
0x623: {  	s22 =	simm.s32 $0x1;
	s23 =	simm.s32 $0x10;
	s21 =	smul.u32 $0x6000, s20;
	v13 =	vmul.f32 $1.442695020e+00, v9;
	v15 =	vmul.f32 $1.442695020e+00, v12;
	v7 =	vadd.f32 $1.000000000e+00, v14;
	v9 =	vpop (erf)  }
0x624: {  	s25 =	smul.u32 $0x6000, s22;
	s19 =	sand.u32 $0xC00, s19;
	s18 =	sshra.s32 s18, $0x2;
	(erf) = vpow2.f32 v22;
	v12 =	vadd.f32 $1.000000000e+00, v21;
	v14 =	vadd.f32 $1.000000000e+00, v23;
	v11 =	vpop (erf)  }
0x625: {  	s20 =	simm.s32 $0xFFFFFFFF;
	s21 =	sshra.s32 s21, $0x2;
	s22 =	sadd.s32 s19, s18;
	(erf) = vpow2.f32 v20;
	v9 =	vadd.f32 v9, v9;
	v20 =	vpop (erf);
	v11 =	vadd.f32 v11, v11  }
0x626: {  	s19 =	simm.s32 $0x0;
	s18 =	sshra.s32 s25, $0x2;
	s24 =	sadd.s32 $0x400, s24;
	[tilespmem:v3+s22+$0xAD00 ss:$0x1] =	vst.idx.msk $0xffff, v18;
	(erf) = vrcp.f32 v12;
	v18 =	vsub.f32 $1.000000000e+00, v19;
	v12 =	vadd.f32 v20, v20;
	v19 =	vpop (erf)  }
.LBB2_42:
0x627: {  	s23 =	sadd.s32 $0x8, s23;
	v20 =	vld [tilespmem:s24+$0xFFFFFFC0];
	(erf) = vpow2.f32 v17;
	v17 =	vadd.f32 $1.000000000e+00, v5;
	v5 =	vadd.f32 v4, v4  }
0x628: {  	v8 =	vadd.f32 $1.000000000e+00, v8;
	v19 =	vadd.f32 v19, v19;
	s25 =	sshrl.u32 s23, $0x4;
	s26 =	sshll.u32 s23, $0x1C;
	v21 =	vld [tilespmem:s24+$0xFFFFFFF0];
	p0 =	slt.u32 s23, $0x28;
	(erf) = vpow2.f32 v10;
	v10 =	vpop (erf);
	[tilespmem:v3+s22+$0xAE80 ss:$0x1] =	vst.idx.msk $0xffff, v18  }
0x629: {  	v12 =	vsub.f32 $1.000000000e+00, v12;
	s25 =	smul.u32 $0x6000, s25;
	s26 =	sshra.s32 s26, $0x1F;
	v18 =	vld [tilespmem:s24+$0xFFFFFFE0];
	(erf) = vpow2.f32 v13;
	v4 =	vpop (erf);
	v13 =	vsub.f32 $1.000000000e+00, v5  }
0x62a: {  	v6 =	vsub.f32 $1.000000000e+00, v6;
	v22 =	vld [tilespmem:s24+$0xFFFFFFD0];
	(erf) = vpow2.f32 v15;
	v23 =	vpop (erf);
	v15 =	vsub.f32 $1.000000000e+00, v19  }
0x62b: {  	v11 =	vsub.f32 $1.000000000e+00, v11;
	v24 =	vadd.f32 v10, v10;
	v19 =	vld [tilespmem:s24+$0xFFFFFF90];
	s25 =	sshra.s32 s25, $0x2;
	v5 =	vpop (erf);
	(erf) = vrcp.f32 v16;
	[tilespmem:v3+s22+$0xAB80 ss:$0x1] =	vst.idx.msk $0xffff, v13  }
0x62c: {  	v9 =	vsub.f32 $1.000000000e+00, v9;
	v13 =	vadd.f32 v20, v20;
	(erf) = vrcp.f32 v17;
	[tilespmem:v3+s22+$0xAC80 ss:$0x1] =	vst.idx.msk $0xffff, v15  }
0x62d: {  	v17 =	vsub.f32 $1.000000000e+00, v24;
	v15 =	vld [tilespmem:s24+$0xFFFFFFA0];
	v16 =	vpop (erf);
	(erf) = vrcp.f32 v14;
	[tilespmem:v3+s22+$0xAE00 ss:$0x1] =	vst.idx.msk $0xffff, v6  }
0x62e: {  	v6 =	vadd.f32 v18, v18;
	v14 =	vld [tilespmem:s24+$0x0];
	v16 =	vadd.f32 $1.000000000e+00, v16;
	v10 =	vpop (erf);
	(erf) = vrcp.f32 v8;
	[tilespmem:v3+s22+$0xAD80 ss:$0x1] =	vst.idx.msk $0xffff, v9  }
0x62f: {  	s28 =	sand.u32 $0xC00, s20;
	s20 =	smov.u32 s19;
	s19 =	smov.u32 s26;
	v18 =	vmul.f32 $1.442695020e+00, v13;
	v13 =	vadd.f32 v21, v21;
	v9 =	vld [tilespmem:s24+$0xFFFFFFB0];
	v24 =	vadd.f32 $1.000000000e+00, v10;
	v21 =	vpop (erf);
	[tilespmem:v3+s22+$0xAF00 ss:$0x1] =	vst.idx.msk $0xffff, v11  }
0x630: {  	v11 =	vadd.f32 v19, v19;
	v10 =	vmul.f32 $1.442695020e+00, v6;
	v8 =	vpop (erf);
	(erf) = vrcp.f32 v7;
	[tilespmem:v3+s22+$0xAC00 ss:$0x1] =	vst.idx.msk $0xffff, v12;
	s22 =	sadd.s32 s28, s21;
	s21 =	smov.u32 s18;
	s18 =	smov.u32 s25  }
0x631: {  	v7 =	vadd.f32 v22, v22;
	v22 =	vmul.f32 $1.442695020e+00, v13;
	v6 =	vadd.f32 v21, v21;
	v19 =	vpop (erf);
	[tilespmem:v3+s22+$0xAD00 ss:$0x1] =	vst.idx.msk $0xffff, v17  }
0x632: {  	v11 =	vmul.f32 $1.442695020e+00, v11;
	v13 =	vadd.f32 v15, v15;
	(erf) = vrcp.f32 v24;
	v20 =	vpop (erf)  }
0x633: {  	v7 =	vmul.f32 $1.442695020e+00, v7;
	v14 =	vadd.f32 v14, v14;
	(erf) = vrcp.f32 v16;
	v16 =	vpop (erf)  }
0x634: {  	v17 =	vmul.f32 $1.442695020e+00, v13;
	v9 =	vadd.f32 v9, v9;
	(erf) = vpow2.f32 v22;
	v12 =	vpop (erf)  }
.Ltmp19:
0x635: {  	v13 =	vmul.f32 $1.442695020e+00, v14;
	(erf) = vpow2.f32 v7;
	v21 =	vadd.f32 v12, v12;
	v12 =	vpop (erf);
	(pc) =	sbr.rel @p0 .LBB2_42-.Ltmp19, $4  }
0x636: {  	v7 =	vadd.f32 $1.000000000e+00, v16;
	v15 =	vmul.f32 $1.442695020e+00, v9;
	v9 =	vadd.f32 v12, v12;
	v12 =	vpop (erf)  }
0x637: {  	v24 =	vadd.f32 $1.000000000e+00, v19;
	v16 =	vadd.f32 $1.000000000e+00, v23;
	(erf) = vpow2.f32 v11;
	v22 =	vpop (erf)  }
0x638: {  	v14 =	vadd.f32 $1.000000000e+00, v20;
	v11 =	vadd.f32 v12, v12;
	(erf) = vpow2.f32 v18  }
0x639: {  	s24 =	sadd.s32 $0x400, s24;
	v12 =	vadd.f32 v22, v22;
	v18 =	vsub.f32 $1.000000000e+00, v21;
	(erf) = vrcp.f32 v24;
	v19 =	vpop (erf)  }
0x63a: {  	(erf) = vpow2.f32 v17  }
0x63b: {  	(erf) = vpow2.f32 v10  }
0x63c: {  	v20 =	vpop (erf)  }
0x63d: {  	v21 =	vpop (erf)  }
0x63e: {  	(erf) = vpow2.f32 v13;
	v22 =	vpop (erf)  }
0x63f: {  	v5 =	vadd.f32 $1.000000000e+00, v5;
	v8 =	vadd.f32 $1.000000000e+00, v8;
	(erf) = vpow2.f32 v15;
	v23 =	vpop (erf)  }
0x640: {  	v4 =	vadd.f32 v4, v4;
	v30 =	vadd.f32 v19, v19;
	(erf) = vrcp.f32 v16;
	v24 =	vpop (erf)  }
0x641: {  	v6 =	vsub.f32 $1.000000000e+00, v6;
	v35 =	vsub.f32 $1.000000000e+00, v9;
	(erf) = vrcp.f32 v5;
	v25 =	vpop (erf)  }
0x642: {  	v11 =	vsub.f32 $1.000000000e+00, v11;
	v39 =	vsub.f32 $1.000000000e+00, v12;
	(erf) = vrcp.f32 v14;
	v26 =	vpop (erf)  }
0x643: {  	v4 =	vsub.f32 $1.000000000e+00, v4;
	(erf) = vrcp.f32 v8;
	v5 =	vadd.f32 $1.000000000e+00, v25;
	v27 =	vpop (erf)  }
0x644: {  	[tilespmem:v3+s22+$0xAE80 ss:$0x1] =	vst.idx.msk $0xffff, v18;
	v10 =	vadd.f32 v20, v20;
	v16 =	vadd.f32 $1.000000000e+00, v24;
	(erf) = vrcp.f32 v7;
	v28 =	vpop (erf)  }
0x645: {  	[tilespmem:v3+s22+$0xAE00 ss:$0x1] =	vst.idx.msk $0xffff, v6;
	v43 =	vadd.f32 v21, v21;
	(erf) = vrcp.f32 v5;
	v29 =	vadd.f32 $1.000000000e+00, v28  }
0x646: {  	[tilespmem:v3+s22+$0xAD80 ss:$0x1] =	vst.idx.msk $0xffff, v35;
	v13 =	vadd.f32 $1.000000000e+00, v22;
	v41 =	vsub.f32 $1.000000000e+00, v10;
	(erf) = vrcp.f32 v16  }
0x647: {  	[tilespmem:v3+s22+$0xAF00 ss:$0x1] =	vst.idx.msk $0xffff, v11;
	v32 =	vadd.f32 $1.000000000e+00, v23;
	v11 =	vsub.f32 $1.000000000e+00, v43;
	v31 =	vpop (erf);
	(erf) = vrcp.f32 v29  }
0x648: {  	s20 =	sand.u32 $0xC00, s20;
	[tilespmem:v3+s22+$0xAC00 ss:$0x1] =	vst.idx.msk $0xffff, v39;
	v7 =	vsub.f32 $1.000000000e+00, v30;
	v33 =	vpop (erf);
	v16 =	vadd.f32 $1.000000000e+00, v31;
	(erf) = vrcp.f32 v13  }
0x649: {  	s20 =	sadd.s32 s20, s21;
	[tilespmem:v3+s22+$0xAB80 ss:$0x1] =	vst.idx.msk $0xffff, v4;
	v45 =	vadd.f32 v26, v26;
	v8 =	vadd.f32 $1.000000000e+00, v27;
	v34 =	vpop (erf);
	(erf) = vrcp.f32 v32  }
0x64a: {  	[tilespmem:v3+s20+$0xAD00 ss:$0x1] =	vst.idx.msk $0xffff, v41;
	v37 =	vadd.f32 $1.000000000e+00, v33;
	v36 =	vpop (erf);
	v4 =	vadd.f32 v34, v34;
	(erf) = vrcp.f32 v16  }
0x64b: {  	[tilespmem:v3+s22+$0xAC80 ss:$0x1] =	vst.idx.msk $0xffff, v7;
	v9 =	vsub.f32 $1.000000000e+00, v45;
	v38 =	vpop (erf);
	v7 =	vadd.f32 v36, v36;
	(erf) = vrcp.f32 v8  }
0x64c: {  	[tilespmem:v3+s20+$0xAB80 ss:$0x1] =	vst.idx.msk $0xffff, v11;
	v40 =	vpop (erf);
	v4 =	vsub.f32 $1.000000000e+00, v4;
	v6 =	vadd.f32 v38, v38;
	(erf) = vrcp.f32 v37  }
0x64d: {  	[tilespmem:v3+s20+$0xAE00 ss:$0x1] =	vst.idx.msk $0xffff, v9;
	v42 =	vpop (erf);
	v5 =	vadd.f32 v40, v40;
	v50 =	vsub.f32 $1.000000000e+00, v7  }
0x64e: {  	v10 =	vadd.f32 v42, v42;
	[tilespmem:v3+s20+$0xAE80 ss:$0x1] =	vst.idx.msk $0xffff, v4;
	v6 =	vsub.f32 $1.000000000e+00, v6;
	v44 =	vpop (erf)  }
0x64f: {  	v5 =	vsub.f32 $1.000000000e+00, v5;
	[tilespmem:v3+s20+$0xAD80 ss:$0x1] =	vst.idx.msk $0xffff, v50;
	v46 =	vpop (erf);
	v8 =	vadd.f32 v44, v44  }
0x650: {  	v47 =	vsub.f32 $1.000000000e+00, v10;
	[tilespmem:v3+s20+$0xAF00 ss:$0x1] =	vst.idx.msk $0xffff, v6;
	v12 =	vadd.f32 v46, v46;
	v48 =	vpop (erf)  }
0x651: {  	s19 =	sand.u32 $0xC00, s19;
	[tilespmem:v3+s20+$0xAC00 ss:$0x1] =	vst.idx.msk $0xffff, v5;
	v8 =	vsub.f32 $1.000000000e+00, v8;
	v49 =	vpop (erf);
	v57 =	vadd.f32 v48, v48  }
0x652: {  	s18 =	sadd.s32 s19, s18;
	[tilespmem:v3+s20+$0xAC80 ss:$0x1] =	vst.idx.msk $0xffff, v47;
	v58 =	vsub.f32 $1.000000000e+00, v12;
	v51 =	vpop (erf);
	v53 =	vadd.f32 v49, v49  }
0x653: {  	[tilespmem:v3+s18+$0xAD00 ss:$0x1] =	vst.idx.msk $0xffff, v8;
	v52 =	vpop (erf);
	v7 =	vadd.f32 v51, v51;
	v6 =	vsub.f32 $1.000000000e+00, v57  }
0x654: {  	s15 =	sadd.s32 $0x1, s15;
	[tilespmem:v3+s18+$0xAB80 ss:$0x1] =	vst.idx.msk $0xffff, v58;
	v54 =	vpop (erf);
	v4 =	vsub.f32 $1.000000000e+00, v53;
	v60 =	vadd.f32 v52, v52  }
0x655: {  	p0 =	sne.s32 s15, $0x7;
	v55 =	vpop (erf);
	v61 =	vadd.f32 v54, v54;
	v62 =	vsub.f32 $1.000000000e+00, v7;
	[tilespmem:v3+s18+$0xAE00 ss:$0x1] =	vst.idx.msk $0xffff, v6  }
.Ltmp20:
0x656: {  	v56 =	vadd.f32 v55, v55;
	[tilespmem:v3+s18+$0xAE80 ss:$0x1] =	vst.idx.msk $0xffff, v4;
	v5 =	vsub.f32 $1.000000000e+00, v60;
	(pc) =	sbr.rel @p0 .LBB2_41-.Ltmp20, $4  }
0x657: {  	v63 =	vsub.f32 $1.000000000e+00, v61;
	[tilespmem:v3+s18+$0xAD80 ss:$0x1] =	vst.idx.msk $0xffff, v62  }
0x658: {  	v59 =	vsub.f32 $1.000000000e+00, v56;
	[tilespmem:v3+s18+$0xAF00 ss:$0x1] =	vst.idx.msk $0xffff, v5  }
0x659: {  	[tilespmem:v3+s18+$0xAC00 ss:$0x1] =	vst.idx.msk $0xffff, v63  }
0x65a: {  	s17 =	sadd.s32 $0x80, s17;
	[tilespmem:v3+s18+$0xAC80 ss:$0x1] =	vst.idx.msk $0xffff, v59  }
0x65b: {  	s15 =	simm.s32 $0x7  }
.LBB2_45:
0x65c: {  	s17 =	sshll.u32 s15, $0x4  }
0x65d: {  	s18 =	sshll.u32 s15, $0x7;
	s19 =	simm.s32 $0x0;
	s20 =	simm.s32 $0x0  }
0x65e: {  	s17 =	sand.u32 $0x70, s17;
	s18 =	sand.u32 $0xC00, s18;
	s19 =	smul.u32 $0x1800, s19  }
0x65f: {  	s24 =	sand.u32 $0xC00, s20;
	s17 =	sor.u32 s17, s18  }
0x660: {  	s25 =	sadd.s32 $0xAB80, s17;
	s17 =	sadd.s32 s19, s24  }
0x661: {  	v3 =	vmov s25;
	v4 =	vld [tilespmem:s17+$0x13F00]  }
0x662: {  	v5 =	vld [tilespmem:s17+$0x13B80]  }
0x663: {  	v6 =	vld [tilespmem:s17+$0x13C00]  }
0x664: {  	v9 =	vld [tilespmem:s17+$0x13C80]  }
0x665: {  	s26 =	simm.s32 $0x0;
	v10 =	vld [tilespmem:s17+$0x13D00]  }
0x666: {  	s28 =	simm.s32 $0xFFFFFFFF;
	s18 =	smul.u32 $0x1800, s26;
	v11 =	vld [tilespmem:s17+$0x13D80];
	[tilespmem:v3+s17+$0x380 ss:$0x1] =	vst.idx.msk $0xffff, v4  }
0x667: {  	s19 =	sand.u32 $0xC00, s28;
	v8 =	vld [tilespmem:s17+$0x13E00];
	[tilespmem:v3+s17+$0x0 ss:$0x1] =	vst.idx.msk $0xffff, v5  }
0x668: {  	s18 =	sadd.s32 s18, s19;
	v7 =	vld [tilespmem:s17+$0x13E80];
	[tilespmem:v3+s17+$0x80 ss:$0x1] =	vst.idx.msk $0xffff, v6  }
0x669: {  	v4 =	vld [tilespmem:s18+$0x13F00];
	[tilespmem:v3+s17+$0x100 ss:$0x1] =	vst.idx.msk $0xffff, v9  }
0x66a: {  	v5 =	vld [tilespmem:s18+$0x13B80];
	[tilespmem:v3+s17+$0x180 ss:$0x1] =	vst.idx.msk $0xffff, v10  }
0x66b: {  	s19 =	simm.s32 $0x8;
	v6 =	vld [tilespmem:s18+$0x13C00];
	[tilespmem:v3+s17+$0x200 ss:$0x1] =	vst.idx.msk $0xffff, v11  }
.LBB2_46:
0x66c: {  	s19 =	sadd.s32 $0x8, s19;
	v9 =	vld [tilespmem:s18+$0x13C80];
	[tilespmem:v3+s17+$0x280 ss:$0x1] =	vst.idx.msk $0xffff, v8  }
0x66d: {  	s20 =	sshrl.u32 s19, $0x4;
	s21 =	sshll.u32 s19, $0x1C;
	p0 =	slt.u32 s19, $0x28;
	v10 =	vld [tilespmem:s18+$0x13D00];
	[tilespmem:v3+s17+$0x300 ss:$0x1] =	vst.idx.msk $0xffff, v7  }
0x66e: {  	s17 =	smov.u32 s18;
	s20 =	smul.u32 $0x1800, s20;
	s21 =	sshra.s32 s21, $0x1F;
	v11 =	vld [tilespmem:s18+$0x13D80];
	[tilespmem:v3+s18+$0x380 ss:$0x1] =	vst.idx.msk $0xffff, v4  }
.Ltmp21:
0x66f: {  	s18 =	sand.u32 $0xC00, s21;
	[tilespmem:v3+s17+$0x0 ss:$0x1] =	vst.idx.msk $0xffff, v5;
	v8 =	vld [tilespmem:s17+$0x13E00];
	(pc) =	sbr.rel @p0 .LBB2_46-.Ltmp21, $4  }
0x670: {  	s18 =	sadd.s32 s20, s18;
	[tilespmem:v3+s17+$0x80 ss:$0x1] =	vst.idx.msk $0xffff, v6;
	v7 =	vld [tilespmem:s17+$0x13E80]  }
0x671: {  	v4 =	vld [tilespmem:s18+$0x13F00];
	[tilespmem:v3+s17+$0x100 ss:$0x1] =	vst.idx.msk $0xffff, v9  }
0x672: {  	v5 =	vld [tilespmem:s18+$0x13B80];
	[tilespmem:v3+s17+$0x180 ss:$0x1] =	vst.idx.msk $0xffff, v10  }
0x673: {  	v6 =	vld [tilespmem:s18+$0x13C00];
	[tilespmem:v3+s17+$0x200 ss:$0x1] =	vst.idx.msk $0xffff, v11  }
0x674: {  	_ =	sdelay $0x3  }
0x675: {  	v9 =	vld [tilespmem:s18+$0x13C80];
	[tilespmem:v3+s17+$0x280 ss:$0x1] =	vst.idx.msk $0xffff, v8  }
0x676: {  	v60 =	vld [tilespmem:s18+$0x13D00];
	[tilespmem:v3+s17+$0x300 ss:$0x1] =	vst.idx.msk $0xffff, v7  }
0x677: {  	v61 =	vld [tilespmem:s18+$0x13D80];
	[tilespmem:v3+s18+$0x380 ss:$0x1] =	vst.idx.msk $0xffff, v4  }
0x678: {  	v62 =	vld [tilespmem:s18+$0x13E00];
	s15 =	sadd.s32 $0x1, s15;
	[tilespmem:v3+s18+$0x0 ss:$0x1] =	vst.idx.msk $0xffff, v5  }
0x679: {  	v63 =	vld [tilespmem:s18+$0x13E80];
	p0 =	sne.s32 s15, $0x18;
	[tilespmem:v3+s18+$0x80 ss:$0x1] =	vst.idx.msk $0xffff, v6  }
.Ltmp22:
0x67a: {  	[tilespmem:v3+s18+$0x100 ss:$0x1] =	vst.idx.msk $0xffff, v9;
	(pc) =	sbr.rel @p0 .LBB2_45-.Ltmp22, $4  }
0x67b: {  	[tilespmem:v3+s18+$0x180 ss:$0x1] =	vst.idx.msk $0xffff, v60  }
0x67c: {  	[tilespmem:v3+s18+$0x200 ss:$0x1] =	vst.idx.msk $0xffff, v61  }
0x67d: {  	[tilespmem:v3+s18+$0x280 ss:$0x1] =	vst.idx.msk $0xffff, v62  }
0x67e: {  	[tilespmem:v3+s18+$0x300 ss:$0x1] =	vst.idx.msk $0xffff, v63  }
0x67f: {  	p0 =	sne.s32 s16, $0x4  }
.Ltmp23:
0x680: {  	_ = 	snop;
	(pc) =	sbr.rel @p0 .LBB2_2-.Ltmp23, $3  }
0x681: {  	_ =	sdelay $0x1  }
0x682: {  	[hbm4b:s14+s0] =	stream.strided.scatter [tilespmem:s11], [sflag:$0x3], $0x4800, s5, s0, $0x38;
	[tilespmem:$0x18380] =	vst v63  }
0x683: {  	s15 =	smov.u32 s16  }
0x684: {  	_ =	swait.ge [sflag:s8], $0x4800  }
0x685: {  	[sflag:s8] =	ssyncset.done $0x0  }
0x686: {  	[sflag:s8] =	ssyncadd.s32 $0xFFFFB800  }
0x687: {  	_ =	swait.ge [sflag:s9], $0x4800  }
0x688: {  	[sflag:s9] =	ssyncset.done $0x0  }
0x689: {  	[sflag:s9] =	ssyncadd.s32 $0xFFFFB800  }
0x68a: {  	_ =	swait.ge [sflag:s13], $0x4800  }
0x68b: {  	[sflag:s13] =	ssyncset.done $0x0  }
0x68c: {  	[sflag:s13] =	ssyncadd.s32 $0xFFFFB800  }
0x68d: {  	_ =	swait.ge [sflag:s13], $0x4800  }
0x68e: {  	[sflag:s13] =	ssyncset.done $0x0  }
0x68f: {  	[sflag:s13] =	ssyncadd.s32 $0xFFFFB800  }
0x690: {  	_ =	swait.ge [sflag:s13], $0x4800  }
0x691: {  	[sflag:s13] =	ssyncset.done $0x0  }
0x692: {  	[sflag:s13] =	ssyncadd.s32 $0xFFFFB800  }
0x693: {  	_ =	swait.ge [sflag:s13], $0x4800  }
0x694: {  	[sflag:s13] =	ssyncset.done $0x0  }
0x695: {  	[sflag:s13] =	ssyncadd.s32 $0xFFFFB800  }
0x696: {  	_ =	swait.ge [sflag:s13], $0x4800  }
0x697: {  	[sflag:s13] =	ssyncset.done $0x0  }
0x698: {  	[sflag:s13] =	ssyncadd.s32 $0xFFFFB800  }
0x699: {  	_ =	swait.ge [sflag:s13], $0x4800  }
0x69a: {  	[sflag:s13] =	ssyncset.done $0x0  }
0x69b: {  	[sflag:s13] =	ssyncadd.s32 $0xFFFFB800  }
0x69c: {  	_ =	swait.ge [sflag:s13], $0x4800  }
0x69d: {  	[sflag:s13] =	ssyncset.done $0x0  }
0x69e: {  	[sflag:s13] =	ssyncadd.s32 $0xFFFFB800  }
0x69f: {  	_ =	swait.ge [sflag:s13], $0x4800  }
0x6a0: {  	[sflag:s13] =	ssyncset.done $0x0  }
0x6a1: {  	[sflag:s13] =	ssyncadd.s32 $0xFFFFB800  }
0x6a2: {  	_ =	swait.ge [sflag:s13], $0x4800  }
0x6a3: {  	[sflag:s13] =	ssyncset.done $0x0  }
0x6a4: {  	[sflag:s13] =	ssyncadd.s32 $0xFFFFB800  }
0x6a5: {  	_ =	swait.ge [sflag:s13], $0x4800  }
0x6a6: {  	[sflag:s13] =	ssyncset.done $0x0  }
0x6a7: {  	[sflag:s13] =	ssyncadd.s32 $0xFFFFB800  }
0x6a8: {  	_ =	swait.ge [sflag:s13], $0x4800  }
0x6a9: {  	[sflag:s13] =	ssyncset.done $0x0  }
0x6aa: {  	[sflag:s13] =	ssyncadd.s32 $0xFFFFB800  }
0x6ab: {  	_ =	swait.ge [sflag:s13], $0x4800  }
0x6ac: {  	[sflag:s13] =	ssyncset.done $0x0  }
0x6ad: {  	[sflag:s13] =	ssyncadd.s32 $0xFFFFB800  }
0x6ae: {  	_ =	swait.ge [sflag:s13], $0x4800  }
0x6af: {  	[sflag:s13] =	ssyncset.done $0x0  }
0x6b0: {  	[sflag:s13] =	ssyncadd.s32 $0xFFFFB800  }
0x6b1: {  	_ =	swait.ge [sflag:s13], $0x4800  }
0x6b2: {  	[sflag:s13] =	ssyncset.done $0x0  }
0x6b3: {  	[sflag:s13] =	ssyncadd.s32 $0xFFFFB800  }
0x6b4: {  	_ =	swait.ge [sflag:s13], $0x4800  }
0x6b5: {  	s15 =	rddreg [dreg:$0x9]  }
0x6b6: {  	s14 =	rddreg [dreg:$0x8];
	s15 =	sadd.s32 $0x1, s15  }
0x6b7: {  	p0 =	sne.s32 s15, s14  }
.Ltmp24:
0x6b8: {  	_ = 	snop;
	(pc) =	sbr.rel @p0 .LBB2_1-.Ltmp24, $3  }
0x6b9: {  	_ =	sdelay $0x1  }
0x6ba: {  	[sflag:s13] =	ssyncset.done $0x0  }
0x6bb: {  	[sflag:s13] =	ssyncadd.s32 $0xFFFFB800  }
0x6bc: {  	_ =	sfence.sel $0x180000  }
0x6bd: {  	[bflag:$0x0] =	sbarrier.arrive $0xFFFF  }
0x6be: {  	_ =	strace $0x90000047  }
0x6bf: {  	s0 =	stileid.u32;
	[bflag:$0x2] =	sbarrier.arrive $0xFFFF  }
0x6c0: {  	p0 =	sne.s32 s0, $0x0;
	s0 =	rddreg [dreg:$0x3]  }
0x6c1: {  	s0 =	sadd.s32 @!p0 $0x100000, s0  }
0x6c2: {  	[sflag:s0] =	ssyncadd.tile.s32 @!p0 $0x1;
	_ =	shalt  }
.Lfunc_end2:
_tile_overlayer_lowered:
.L_overlay_start_2:
0x6c3: {  	(tag) =	ssettag $0x2  }
0x6c4: {  	s0 =	rddreg [dreg:$0x0];
	s2 =	stileid.u32  }
0x6c5: {  	s1 =	rddreg [dreg:$0x1];
	p0 =	sne.s32 s2, $0x0  }
0x6c6: {  	s3 =	rddreg [dreg:$0x2];
	[bflag:$0x3] =	sbarrier.arrive $0xFFFF;
	s2 =	simm.s32 @!p0 $0x1C06  }
0x6c7: {  	[timem:s3], [sflag:s2] =	dma.local @!p0 [hbm:s0], s1  }
0x6c8: {  	s0 =	simm.s32 @!p0 $0x6  }
0x6c9: {  	_ =	swait.ge @!p0 [sflag:s0], s1  }
0x6ca: {  	s1 =	ssub.s32 @!p0 $0x0, s1;
	[sflag:s0] =	ssyncset.done @!p0 $0x0  }
0x6cb: {  	[sflag:s0] =	ssyncadd.s32 @!p0 s1  }
0x6cc: {  	[bflag:$0x3] =	sbarrier.arrive $0xFFFF  }
0x6cd: {  	_ =	shalt  }

</sc_bundles>
